<compile_context>
chip_gen: v7x
topology: tpu7x:2x2x1
jax: 0.10.2.dev20260603
libtpu: 0.0.44.dev20260713+nightly
codegen_flags: <defaults>
</compile_context>

<pallas_src>
import functools

import jax
import jax.numpy as jnp
from jax import lax
from jax.experimental import pallas as pl
from jax.experimental.pallas import tpu as pltpu
from jax.experimental.pallas import tpu_sc as plsc

_NC = 2
_NS = 16
_NW = _NC * _NS


@functools.lru_cache(maxsize=None)
def _make_deg_kernel(N, E):
    e_per_w = E // _NW
    CH = 80
    n_ch = e_per_w // CH
    ZCH = 2000
    n_z = N // ZCH
    mesh = plsc.VectorSubcoreMesh(core_axis_name="c", subcore_axis_name="s")

    @functools.partial(
        pl.kernel,
        mesh=mesh,
        out_type=jax.ShapeDtypeStruct((_NC * N,), jnp.float32),
        scratch_types=[
            pltpu.VMEM((n_ch, CH), jnp.int32),
            pltpu.VMEM((CH,), jnp.float32),
            pltpu.VMEM((ZCH,), jnp.float32),
            pltpu.VMEM_SHARED((N,), jnp.float32),
            pltpu.SemaphoreType.DMA((8,)),
        ],
    )
    def deg_k(eidx_hbm, out_hbm, didx_v, ones_v, zbuf_v, acc_sh, sem):
        cid = lax.axis_index("c")
        sid = lax.axis_index("s")
        wid = sid * _NC + cid
        pltpu.async_copy(eidx_hbm.at[1, wid], didx_v, sem.at[0])

        def fill_ones(i, _):
            ones_v[pl.ds(i * 16, 16)] = jnp.ones((16,), jnp.float32)
            return 0

        lax.fori_loop(0, CH // 16, fill_ones, 0)

        def fill_zeros(i, _):
            zbuf_v[pl.ds(i * 16, 16)] = jnp.zeros((16,), jnp.float32)
            return 0

        lax.fori_loop(0, ZCH // 16, fill_zeros, 0)

        @pl.when(sid < n_z)
        def _():
            pltpu.sync_copy(zbuf_v, acc_sh.at[pl.ds(sid * ZCH, ZCH)])

        pltpu.make_async_copy(eidx_hbm.at[1, wid], didx_v, sem.at[0]).wait()
        plsc.subcore_barrier()

        def body(i, _):
            r = lax.rem(i, 8)

            @pl.when(i >= 8)
            def _():
                pltpu.make_async_copy(ones_v, acc_sh.at[didx_v.at[i - 8]],
                                      sem.at[r]).wait()

            pltpu.async_copy(ones_v, acc_sh.at[didx_v.at[i]], sem.at[r],
                             add=True)
            return 0

        lax.fori_loop(0, n_ch, body, 0)

        def drain(i, _):
            r = lax.rem(i, 8)
            pltpu.make_async_copy(ones_v, acc_sh.at[didx_v.at[i]],
                                  sem.at[r]).wait()
            return 0

        lax.fori_loop(n_ch - 8, n_ch, drain, 0)
        plsc.subcore_barrier()

        @pl.when(sid < n_z)
        def _():
            pltpu.sync_copy(acc_sh.at[pl.ds(sid * ZCH, ZCH)], zbuf_v)
            pltpu.sync_copy(zbuf_v, out_hbm.at[pl.ds(cid * N + sid * ZCH, ZCH)])

    return deg_k


@functools.lru_cache(maxsize=None)
def _make_agg_kernel(N, E, F):
    e_per_w = E // _NW
    CH = 40
    NBUF = 5
    GRP = 10
    n_ch = e_per_w // CH
    n_grp = n_ch // GRP
    assert n_ch % NBUF == 0 and n_ch % GRP == 0 and GRP % NBUF == 0
    n_rz = N // CH
    n_rounds = (n_rz + _NS - 1) // _NS
    mesh = plsc.VectorSubcoreMesh(core_axis_name="c", subcore_axis_name="s")

    @functools.partial(
        pl.kernel,
        mesh=mesh,
        out_type=jax.ShapeDtypeStruct((_NC, N, F), jnp.float32),
        scratch_types=[
            pltpu.VMEM((e_per_w,), jnp.int32),
            pltpu.VMEM((2, GRP, CH), jnp.int32),
            pltpu.VMEM((NBUF, CH, F), jnp.float32),
            pltpu.VMEM_SHARED((N, F), jnp.float32),
            pltpu.SemaphoreType.DMA((NBUF,)),
            pltpu.SemaphoreType.DMA((2,)),
        ],
    )
    def agg_k(hs_hbm, eflat_hbm, eidx_hbm, out_hbm, sidx_v, dring_v, rows_v,
              acc_sh, sem, semd):
        cid = lax.axis_index("c")
        sid = lax.axis_index("s")
        wid = sid * _NC + cid

        pltpu.async_copy(eflat_hbm.at[pl.ds(wid * e_per_w, e_per_w)],
                         sidx_v, sem.at[0])

        def fill_zeros(i, _):
            for j in range(F // 16):
                rows_v[0, i, pl.ds(j * 16, 16)] = jnp.zeros((16,),
                                                            jnp.float32)
            return 0

        lax.fori_loop(0, CH, fill_zeros, 0)

        def zloop(k, _):
            c = sid + k * _NS

            @pl.when(c < n_rz)
            def _():
                pltpu.sync_copy(rows_v.at[0], acc_sh.at[pl.ds(c * CH, CH)])

            return 0

        lax.fori_loop(0, n_rounds, zloop, 0)
        pltpu.make_async_copy(eflat_hbm.at[pl.ds(wid * e_per_w, e_per_w)],
                              sidx_v, sem.at[0]).wait()
        plsc.subcore_barrier()

        pltpu.async_copy(eidx_hbm.at[1, wid, 0], dring_v.at[0], semd.at[0])
        for b in range(NBUF):
            pltpu.async_copy(hs_hbm.at[sidx_v.at[pl.ds(b * CH, CH)]],
                             rows_v.at[b], sem.at[b])
        pltpu.make_async_copy(eidx_hbm.at[1, wid, 0], dring_v.at[0],
                              semd.at[0]).wait()

        def gbody(g, _):
            r = lax.rem(g, 2)

            @pl.when(g > 0)
            def _():
                pltpu.make_async_copy(eidx_hbm.at[1, wid, g],
                                      dring_v.at[r], semd.at[r]).wait()

            @pl.when(g + 1 < n_grp)
            def _():
                pltpu.async_copy(eidx_hbm.at[1, wid, g + 1],
                                 dring_v.at[1 - r], semd.at[1 - r])

            for k in range(GRP):
                b = k % NBUF
                i = g * GRP + k
                pltpu.make_async_copy(
                    hs_hbm.at[sidx_v.at[pl.ds(i * CH, CH)]],
                    rows_v.at[b], sem.at[b]
                ).wait()
                pltpu.sync_copy(rows_v.at[b], acc_sh.at[dring_v.at[r, k]],
                                add=True)
                j = i + NBUF

                @pl.when(j < n_ch)
                def _():
                    pltpu.async_copy(
                        hs_hbm.at[sidx_v.at[pl.ds(j * CH, CH)]],
                        rows_v.at[b], sem.at[b])

            return 0

        lax.fori_loop(0, n_grp, gbody, 0)
        plsc.subcore_barrier()

        def cpout(k, _):
            c = sid + k * _NS
            r = lax.rem(k, 2)

            @pl.when(c < n_rz)
            def _():
                @pl.when(k >= 2)
                def _():
                    pltpu.make_async_copy(
                        rows_v.at[r],
                        out_hbm.at[cid, pl.ds((c - 2 * _NS) * CH, CH)],
                        sem.at[r]).wait()

                pltpu.sync_copy(acc_sh.at[pl.ds(c * CH, CH)], rows_v.at[r])
                pltpu.async_copy(rows_v.at[r],
                                 out_hbm.at[cid, pl.ds(c * CH, CH)],
                                 sem.at[r])

            return 0

        lax.fori_loop(0, n_rounds, cpout, 0)

        def cdrain(k, _):
            c = sid + k * _NS
            r = lax.rem(k, 2)

            @pl.when(c < n_rz)
            def _():
                pltpu.make_async_copy(rows_v.at[r],
                                      out_hbm.at[cid, pl.ds(c * CH, CH)],
                                      sem.at[r]).wait()

            return 0

        lax.fori_loop(n_rounds - 2, n_rounds, cdrain, 0)

    return agg_k


_BLK = 2000


def _tc_first(degT, x, W1):
    N, IN = x.shape
    H = W1.shape[1]

    def body(deg_ref, x_ref, w_ref, hs_ref, dinv_ref):
        d = deg_ref[:, 0] + deg_ref[:, 1] + 1.0
        dinv = lax.rsqrt(d)
        h = jnp.dot(x_ref[...], w_ref[...], preferred_element_type=jnp.float32)
        hs_ref[...] = h * dinv[:, None]
        dinv_ref[...] = dinv[:, None]

    return pl.pallas_call(
        body,
        grid=(N // _BLK,),
        in_specs=[
            pl.BlockSpec((_BLK, 2), lambda i: (i, 0)),
            pl.BlockSpec((_BLK, IN), lambda i: (i, 0)),
            pl.BlockSpec((IN, H), lambda i: (0, 0)),
        ],
        out_specs=[
            pl.BlockSpec((_BLK, H), lambda i: (i, 0)),
            pl.BlockSpec((_BLK, 1), lambda i: (i, 0)),
        ],
        out_shape=[
            jax.ShapeDtypeStruct((N, H), jnp.float32),
            jax.ShapeDtypeStruct((N, 1), jnp.float32),
        ],
    )(degT, x, W1)


def _tc_mid(dinv, hs1, agg1, W2, b1):
    N, H = hs1.shape

    def body(dinv_ref, hs_ref, agg_ref, w_ref, b_ref, out_ref):
        dinv = dinv_ref[...]
        a = agg_ref[0] + agg_ref[1] + hs_ref[...]
        t = jnp.maximum(a * dinv + b_ref[...], 0.0)
        out_ref[...] = (
            jnp.dot(t, w_ref[...], preferred_element_type=jnp.float32) * dinv
        )

    return pl.pallas_call(
        body,
        grid=(N // _BLK,),
        in_specs=[
            pl.BlockSpec((_BLK, 1), lambda i: (i, 0)),
            pl.BlockSpec((_BLK, H), lambda i: (i, 0)),
            pl.BlockSpec((2, _BLK, H), lambda i: (0, i, 0)),
            pl.BlockSpec((H, H), lambda i: (0, 0)),
            pl.BlockSpec((1, H), lambda i: (0, 0)),
        ],
        out_specs=pl.BlockSpec((_BLK, H), lambda i: (i, 0)),
        out_shape=jax.ShapeDtypeStruct((N, H), jnp.float32),
    )(dinv, hs1, agg1, W2, b1)


def _tc_last(dinv, hs2, agg2, b2, batchT, Wfc, bfc, G):
    N, H = hs2.shape
    OUT = Wfc.shape[1]
    nsteps = N // _BLK

    def body(dinv_ref, hs_ref, agg_ref, b_ref, batch_ref, wfc_ref, bfc_ref,
             y_ref, u_ref):
        i = pl.program_id(0)
        dinv = dinv_ref[...]
        z = (agg_ref[0] + agg_ref[1] + hs_ref[...]) * dinv + b_ref[...]
        cols = lax.broadcasted_iota(jnp.int32, (_BLK, G), 1)
        oh = (batch_ref[...] == cols).astype(jnp.float32)
        pu = lax.dot_general(
            oh, z, (((0,), (0,)), ((), ())),
            preferred_element_type=jnp.float32,
        )

        @pl.when(i == 0)
        def _():
            u_ref[...] = jnp.zeros_like(u_ref)

        u_ref[...] += pu

        @pl.when(i == nsteps - 1)
        def _():
            y_ref[...] = (
                jnp.dot(u_ref[...], wfc_ref[...],
                        preferred_element_type=jnp.float32)
                + bfc_ref[...]
            )

    return pl.pallas_call(
        body,
        grid=(nsteps,),
        in_specs=[
            pl.BlockSpec((_BLK, 1), lambda i: (i, 0)),
            pl.BlockSpec((_BLK, H), lambda i: (i, 0)),
            pl.BlockSpec((2, _BLK, H), lambda i: (0, i, 0)),
            pl.BlockSpec((1, H), lambda i: (0, 0)),
            pl.BlockSpec((_BLK, 1), lambda i: (i, 0)),
            pl.BlockSpec((H, OUT), lambda i: (0, 0)),
            pl.BlockSpec((1, OUT), lambda i: (0, 0)),
        ],
        out_specs=[
            pl.BlockSpec((G, OUT), lambda i: (0, 0)),
            pl.BlockSpec((G, H), lambda i: (0, 0)),
        ],
        out_shape=[
            jax.ShapeDtypeStruct((G, OUT), jnp.float32),
            jax.ShapeDtypeStruct((G, H), jnp.float32),
        ],
    )(dinv, hs2, agg2, b2, batchT, Wfc, bfc)


def kernel(x, edge_index, batch, W1, b1, W2, b2, Wfc, bfc):
    N, IN = x.shape
    H = W1.shape[1]
    OUT = Wfc.shape[1]
    E = edge_index.shape[1]
    G = 64

    eflat = edge_index.reshape(2 * E)
    eidx4 = edge_index.reshape(2, _NW, -1, 80)
    eidx5 = edge_index.reshape(2, _NW, -1, 10, 40)

    degp = _make_deg_kernel(N, E)(eidx4)
    degT = jnp.transpose(degp.reshape(_NC, N))

    hs1, dinv = _tc_first(degT, x, W1)
    agg1 = _make_agg_kernel(N, E, H)(hs1, eflat, eidx5)
    hs2 = _tc_mid(dinv, hs1, agg1, W2, b1.reshape(1, H))
    agg2 = _make_agg_kernel(N, E, H)(hs2, eflat, eidx5)
    y, u = _tc_last(dinv, hs2, agg2, b2.reshape(1, H),
                    batch.reshape(N, 1), Wfc, bfc.reshape(1, OUT), G)
    return (y, u)

# --- scband reference (transcript-rebuilt; emitter-appended) ---
"""Pipeline reference for scband-gcn-11836929868487 (READ-ONLY COPY).

The authoritative reference and input builder live on the scoring server;
editing this copy changes nothing except your own understanding.
"""

import jax, jax.numpy as jnp
import numpy as np

N = 10000
E = 320000
IN = 128
H = 128
OUT = 128
G = 64


def setup_inputs(seed: int = 0) -> dict:
    key = jax.random.key(seed)
    ks = jax.random.split(key, 10)
    x = jax.random.normal(ks[0], (N, IN), dtype=jnp.float32)
    edge_index = jax.random.randint(ks[1], (2, E), 0, N, dtype=jnp.int32)
    batch = jnp.sort(jax.random.randint(ks[2], (N,), 0, G, dtype=jnp.int32))
    W1 = jax.random.normal(ks[3], (IN, H), dtype=jnp.float32) / np.sqrt(IN)
    b1 = jnp.zeros((H,), dtype=jnp.float32)
    W2 = jax.random.normal(ks[4], (H, H), dtype=jnp.float32) / np.sqrt(H)
    b2 = jnp.zeros((H,), dtype=jnp.float32)
    Wfc = jax.random.normal(ks[5], (H, OUT), dtype=jnp.float32) / np.sqrt(H)
    bfc = jnp.zeros((OUT,), dtype=jnp.float32)
    return {"x": x, "edge_index": edge_index, "batch": batch,
            "W1": W1, "b1": b1, "W2": W2, "b2": b2, "Wfc": Wfc, "bfc": bfc}


def _gcn_conv(x, edge_index, W, b):
    # GCNConv with added self-loops and symmetric normalization:
    # out = D^{-1/2} (A + I) D^{-1/2} X W + b
    loop = jnp.arange(N, dtype=edge_index.dtype)
    src = jnp.concatenate([edge_index[0], loop])
    dst = jnp.concatenate([edge_index[1], loop])
    deg = jax.ops.segment_sum(jnp.ones(src.shape, dtype=x.dtype), dst, num_segments=N)
    dinv = 1.0 / jnp.sqrt(jnp.maximum(deg, 1.0))
    norm = dinv[src] * dinv[dst]
    h = x @ W
    msg = jnp.take(h, src, axis=0) * norm[:, None]
    out = jax.ops.segment_sum(msg, dst, num_segments=N)
    return out + b


def reference(x, edge_index, batch, W1, b1, W2, b2, Wfc, bfc):
    h = jax.nn.relu(_gcn_conv(x, edge_index, W1, b1))
    z = _gcn_conv(h, edge_index, W2, b2)
    u = jax.ops.segment_sum(z, batch, num_segments=G)  # global_add_pool
    y_hat = u @ Wfc + bfc
    return (y_hat, u)

if __name__ == "__main__":
    import jax
    _d = setup_inputs()
    print(jax.jit(kernel)(*tuple(_d.values())))

</pallas_src>

<mosaic_0001>
#map = affine_map<(d0, d1) -> (0, 0, 0, 0)>
#map1 = affine_map<(d0, d1) -> (0)>
module attributes {stable_mosaic.version = 14 : i64} {
  func.func @deg_k(%arg0: i32, %arg1: i32, %arg2: memref<2x32x125x80xi32, #tpu.memory_space<hbm>>, %arg3: memref<20000xf32, #tpu.memory_space<hbm>>, %arg4: memref<125x80xi32, #tpu.memory_space<vmem>>, %arg5: memref<80xf32, #tpu.memory_space<vmem>>, %arg6: memref<2000xf32, #tpu.memory_space<vmem>>, %arg7: memref<10000xf32, #tpu.memory_space<vmem_shared>>, %arg8: memref<8x!tpu.dma_semaphore, #tpu.memory_space<semaphore_mem>>) attributes {dimension_semantics = [#tpu.dimension_semantics<core_parallel>, #tpu.dimension_semantics<subcore_parallel>], iteration_bounds = array<i64: 2, 16>, scalar_prefetch = 0 : i64, scratch_operands = 5 : i64, tpu.core_type = #tpu.core_type<sc_vector_subcore>, window_params = [{transform_indices = #map}, {transform_indices = #map1}]} {
    %mul3A = arith.constant 2 : i32
    %mul3A_0 = arith.muli %arg1, %mul3A : i32
    %add3A = arith.addi %mul3A_0, %arg0 : i32
    %dma_start3A = arith.constant 1 : i32
    %dma_start3A_1 = arith.constant 0 : i32
    %dma_start3A_2 = arith.constant 0 : i32
    %dma_start3A_3 = arith.constant 0 : i32
    %dma_start3A_4 = tpu.memref_slice %arg2[%dma_start3A, %add3A, %dma_start3A_2, %dma_start3A_3] : memref<2x32x125x80xi32, #tpu.memory_space<hbm>> -> memref<1x1x125x80xi32, #tpu.memory_space<hbm>>
    %dma_start3A_5 = tpu.memref_squeeze %dma_start3A_4 : memref<1x1x125x80xi32, #tpu.memory_space<hbm>> -> memref<125x80xi32, #tpu.memory_space<hbm>>
    %dma_start3A_6 = tpu.memref_slice %arg8[%dma_start3A_1] : memref<8x!tpu.dma_semaphore, #tpu.memory_space<semaphore_mem>> -> memref<1x!tpu.dma_semaphore, #tpu.memory_space<semaphore_mem>>
    %dma_start3A_7 = tpu.memref_squeeze %dma_start3A_6 : memref<1x!tpu.dma_semaphore, #tpu.memory_space<semaphore_mem>> -> memref<!tpu.dma_semaphore, #tpu.memory_space<semaphore_mem>>
    %dma_start3A_8 = arith.constant 0 : i32
    %dma_start3A_9 = arith.constant 0 : i32
    %dma_start3A_10 = tpu.memref_slice %arg2[%dma_start3A, %add3A, %dma_start3A_8, %dma_start3A_9] : memref<2x32x125x80xi32, #tpu.memory_space<hbm>> -> memref<1x1x125x80xi32, #tpu.memory_space<hbm>>
    %dma_start3A_11 = tpu.memref_squeeze %dma_start3A_10 : memref<1x1x125x80xi32, #tpu.memory_space<hbm>> -> memref<125x80xi32, #tpu.memory_space<hbm>>
    tpu.enqueue_dma source(%dma_start3A_11 : memref<125x80xi32, #tpu.memory_space<hbm>>) target(%arg4 : memref<125x80xi32, #tpu.memory_space<vmem>>) target_semaphore(%dma_start3A_7 : memref<!tpu.dma_semaphore, #tpu.memory_space<semaphore_mem>>)
    %scan3A = arith.constant 0 : i32
    %scan3A_12 = arith.constant 0 : i32
    %scan3A_13 = arith.constant 5 : i32
    %scan3A_14 = arith.addi %scan3A_12, %scan3A_13 : i32
    %scan3A_15 = arith.constant 1 : i32
    %scan3A_16 = scf.for %scan3A_58 = %scan3A_12 to %scan3A_14 step %scan3A_15 iter_args(%scan3A_59 = %scan3A) -> (i32)  : i32 {
      %broadcast_in_dim3A = arith.constant 1.000000e+00 : f32
      %broadcast_in_dim3A_60 = vector.broadcast %broadcast_in_dim3A : f32 to vector<16xf32>
      %mul3A_61 = arith.constant 16 : i32
      %mul3A_62 = arith.muli %scan3A_58, %mul3A_61 : i32
      %swap3A = arith.index_cast %mul3A_62 : i32 to index
      %swap3A_63 = tpu.vector_load %arg5[%swap3A] {strides = array<i32>} : memref<80xf32, #tpu.memory_space<vmem>>, vector<16xf32>,
      %swap3A_64 = vector.shape_cast %swap3A_63 : vector<16xf32> to vector<16xf32>
      %swap3A_65 = vector.shape_cast %broadcast_in_dim3A_60 : vector<16xf32> to vector<16xf32>
      tpu.vector_store %arg5[%swap3A], %swap3A_65 {strides = array<i32>} : memref<80xf32, #tpu.memory_space<vmem>>, vector<16xf32>,
      %scan3A_66 = arith.constant 0 : i32
      scf.yield %scan3A_66 : i32
    }
    %scan3A_17 = arith.constant 5 : i32
    %scan3A_18 = arith.constant 0 : i32
    %scan3A_19 = arith.constant 0 : i32
    %scan3A_20 = arith.constant 125 : i32
    %scan3A_21 = arith.addi %scan3A_19, %scan3A_20 : i32
    %scan3A_22 = arith.constant 1 : i32
    %scan3A_23 = scf.for %scan3A_58 = %scan3A_19 to %scan3A_21 step %scan3A_22 iter_args(%scan3A_59 = %scan3A_18) -> (i32)  : i32 {
      %broadcast_in_dim3A = arith.constant 0.000000e+00 : f32
      %broadcast_in_dim3A_60 = vector.broadcast %broadcast_in_dim3A : f32 to vector<16xf32>
      %mul3A_61 = arith.constant 16 : i32
      %mul3A_62 = arith.muli %scan3A_58, %mul3A_61 : i32
      %swap3A = arith.index_cast %mul3A_62 : i32 to index
      %swap3A_63 = tpu.vector_load %arg6[%swap3A] {strides = array<i32>} : memref<2000xf32, #tpu.memory_space<vmem>>, vector<16xf32>,
      %swap3A_64 = vector.shape_cast %swap3A_63 : vector<16xf32> to vector<16xf32>
      %swap3A_65 = vector.shape_cast %broadcast_in_dim3A_60 : vector<16xf32> to vector<16xf32>
      tpu.vector_store %arg6[%swap3A], %swap3A_65 {strides = array<i32>} : memref<2000xf32, #tpu.memory_space<vmem>>, vector<16xf32>,
      %scan3A_66 = arith.constant 0 : i32
      scf.yield %scan3A_66 : i32
    }
    %scan3A_24 = arith.constant 125 : i32
    %lt3A = arith.constant 5 : i32
    %lt3A_25 = arith.cmpi slt, %arg1, %lt3A : i32
    %convert_element_type3A = arith.extui %lt3A_25 : i1 to i32
    %cond3A = arith.constant 0 : i32
    %cond3A_26 = arith.cmpi ne, %convert_element_type3A, %cond3A : i32
    scf.if %cond3A_26 {
      %mul3A_58 = arith.constant 2000 : i32
      %mul3A_59 = arith.muli %arg1, %mul3A_58 : i32
      "tpu.region"() ({
        %run_scoped3A = tpu.sem_alloc : memref<!tpu.dma_semaphore, #tpu.memory_space<semaphore_mem>>
        %dma_start3A_60 = tpu.memref_slice %arg7[%mul3A_59] : memref<10000xf32, #tpu.memory_space<vmem_shared>> -> memref<2000xf32, #tpu.memory_space<vmem_shared>>
        %dma_start3A_61 = tpu.memref_slice %arg7[%mul3A_59] : memref<10000xf32, #tpu.memory_space<vmem_shared>> -> memref<2000xf32, #tpu.memory_space<vmem_shared>>
        tpu.enqueue_dma source(%arg6 : memref<2000xf32, #tpu.memory_space<vmem>>) target(%dma_start3A_61 : memref<2000xf32, #tpu.memory_space<vmem_shared>>) target_semaphore(%run_scoped3A : memref<!tpu.dma_semaphore, #tpu.memory_space<semaphore_mem>>)
        %dma_wait3A_62 = tpu.memref_slice %arg7[%mul3A_59] : memref<10000xf32, #tpu.memory_space<vmem_shared>> -> memref<2000xf32, #tpu.memory_space<vmem_shared>>
        %dma_wait3A_63 = tpu.memref_slice %arg7[%mul3A_59] : memref<10000xf32, #tpu.memory_space<vmem_shared>> -> memref<2000xf32, #tpu.memory_space<vmem_shared>>
        tpu.wait_dma2 semaphore(%run_scoped3A : memref<!tpu.dma_semaphore, #tpu.memory_space<semaphore_mem>>) src(%arg6 : memref<2000xf32, #tpu.memory_space<vmem>>) dst(%dma_wait3A_63 : memref<2000xf32, #tpu.memory_space<vmem_shared>>)
        tpu.yield
      }) : () -> ()
    } else {
    }
    %dma_wait3A = arith.constant 1 : i32
    %dma_wait3A_27 = arith.constant 0 : i32
    %dma_wait3A_28 = arith.constant 0 : i32
    %dma_wait3A_29 = arith.constant 0 : i32
    %dma_wait3A_30 = tpu.memref_slice %arg2[%dma_wait3A, %add3A, %dma_wait3A_28, %dma_wait3A_29] : memref<2x32x125x80xi32, #tpu.memory_space<hbm>> -> memref<1x1x125x80xi32, #tpu.memory_space<hbm>>
    %dma_wait3A_31 = tpu.memref_squeeze %dma_wait3A_30 : memref<1x1x125x80xi32, #tpu.memory_space<hbm>> -> memref<125x80xi32, #tpu.memory_space<hbm>>
    %dma_wait3A_32 = tpu.memref_slice %arg8[%dma_wait3A_27] : memref<8x!tpu.dma_semaphore, #tpu.memory_space<semaphore_mem>> -> memref<1x!tpu.dma_semaphore, #tpu.memory_space<semaphore_mem>>
    %dma_wait3A_33 = tpu.memref_squeeze %dma_wait3A_32 : memref<1x!tpu.dma_semaphore, #tpu.memory_space<semaphore_mem>> -> memref<!tpu.dma_semaphore, #tpu.memory_space<semaphore_mem>>
    %dma_wait3A_34 = arith.constant 0 : i32
    %dma_wait3A_35 = arith.constant 0 : i32
    %dma_wait3A_36 = tpu.memref_slice %arg2[%dma_wait3A, %add3A, %dma_wait3A_34, %dma_wait3A_35] : memref<2x32x125x80xi32, #tpu.memory_space<hbm>> -> memref<1x1x125x80xi32, #tpu.memory_space<hbm>>
    %dma_wait3A_37 = tpu.memref_squeeze %dma_wait3A_36 : memref<1x1x125x80xi32, #tpu.memory_space<hbm>> -> memref<125x80xi32, #tpu.memory_space<hbm>>
    tpu.wait_dma2 semaphore(%dma_wait3A_33 : memref<!tpu.dma_semaphore, #tpu.memory_space<semaphore_mem>>) src(%dma_wait3A_37 : memref<125x80xi32, #tpu.memory_space<hbm>>) dst(%arg4 : memref<125x80xi32, #tpu.memory_space<vmem>>)
    %barrier3A = arith.constant 0 : index
    tpu.barrier barrier_id(%barrier3A)
    %scan3A_38 = arith.constant 0 : i32
    %scan3A_39 = arith.constant 0 : i32
    %scan3A_40 = arith.constant 125 : i32
    %scan3A_41 = arith.addi %scan3A_39, %scan3A_40 : i32
    %scan3A_42 = arith.constant 1 : i32
    %scan3A_43 = scf.for %scan3A_58 = %scan3A_39 to %scan3A_41 step %scan3A_42 iter_args(%scan3A_59 = %scan3A_38) -> (i32)  : i32 {
      %rem3A = arith.constant 8 : i32
      %rem3A_60 = arith.remsi %scan3A_58, %rem3A : i32
      %ge3A = arith.constant 8 : i32
      %ge3A_61 = arith.cmpi sge, %scan3A_58, %ge3A : i32
      %convert_element_type3A_62 = arith.extui %ge3A_61 : i1 to i32
      %cond3A_63 = arith.constant 0 : i32
      %cond3A_64 = arith.cmpi ne, %convert_element_type3A_62, %cond3A_63 : i32
      scf.if %cond3A_64 {
        %sub3A = arith.constant 8 : i32
        %sub3A_73 = arith.subi %scan3A_58, %sub3A : i32
        %dma_wait3A_74 = arith.constant 0 : i32
        %dma_wait3A_75 = tpu.memref_slice %arg4[%sub3A_73, %dma_wait3A_74] : memref<125x80xi32, #tpu.memory_space<vmem>> -> memref<1x80xi32, #tpu.memory_space<vmem>>
        %dma_wait3A_76 = tpu.memref_squeeze %dma_wait3A_75 : memref<1x80xi32, #tpu.memory_space<vmem>> -> memref<80xi32, #tpu.memory_space<vmem>>
        %dma_wait3A_77 = arith.constant 0 : i32
        %dma_wait3A_78 = tpu.memref_slice %arg7[%dma_wait3A_77] : memref<10000xf32, #tpu.memory_space<vmem_shared>> -> memref<10000xf32, #tpu.memory_space<vmem_shared>>
        %dma_wait3A_79 = tpu.memref_slice %arg8[%rem3A_60] : memref<8x!tpu.dma_semaphore, #tpu.memory_space<semaphore_mem>> -> memref<1x!tpu.dma_semaphore, #tpu.memory_space<semaphore_mem>>
        %dma_wait3A_80 = tpu.memref_squeeze %dma_wait3A_79 : memref<1x!tpu.dma_semaphore, #tpu.memory_space<semaphore_mem>> -> memref<!tpu.dma_semaphore, #tpu.memory_space<semaphore_mem>>
        tpu.wait_indirect_dma semaphore(%dma_wait3A_80 : memref<!tpu.dma_semaphore, #tpu.memory_space<semaphore_mem>>) src(%arg5 : memref<80xf32, #tpu.memory_space<vmem>>) dst(%dma_wait3A_78 : memref<10000xf32, #tpu.memory_space<vmem_shared>>)
      } else {
      }
      %dma_start3A_65 = arith.constant 0 : i32
      %dma_start3A_66 = tpu.memref_slice %arg4[%scan3A_58, %dma_start3A_65] : memref<125x80xi32, #tpu.memory_space<vmem>> -> memref<1x80xi32, #tpu.memory_space<vmem>>
      %dma_start3A_67 = tpu.memref_squeeze %dma_start3A_66 : memref<1x80xi32, #tpu.memory_space<vmem>> -> memref<80xi32, #tpu.memory_space<vmem>>
      %dma_start3A_68 = arith.constant 0 : i32
      %dma_start3A_69 = tpu.memref_slice %arg7[%dma_start3A_68] : memref<10000xf32, #tpu.memory_space<vmem_shared>> -> memref<10000xf32, #tpu.memory_space<vmem_shared>>
      %dma_start3A_70 = tpu.memref_slice %arg8[%rem3A_60] : memref<8x!tpu.dma_semaphore, #tpu.memory_space<semaphore_mem>> -> memref<1x!tpu.dma_semaphore, #tpu.memory_space<semaphore_mem>>
      %dma_start3A_71 = tpu.memref_squeeze %dma_start3A_70 : memref<1x!tpu.dma_semaphore, #tpu.memory_space<semaphore_mem>> -> memref<!tpu.dma_semaphore, #tpu.memory_space<semaphore_mem>>
      tpu.enqueue_indirect_dma source(%arg5 : memref<80xf32, #tpu.memory_space<vmem>>) target(%dma_start3A_69 : memref<10000xf32, #tpu.memory_space<vmem_shared>>) offsets(%dma_start3A_67 : memref<80xi32, #tpu.memory_space<vmem>>) semaphore(%dma_start3A_71 : memref<!tpu.dma_semaphore, #tpu.memory_space<semaphore_mem>>) {add = true}
      %scan3A_72 = arith.constant 0 : i32
      scf.yield %scan3A_72 : i32
    }
    %scan3A_44 = arith.constant 125 : i32
    %scan3A_45 = arith.constant 0 : i32
    %scan3A_46 = arith.constant 117 : i32
    %scan3A_47 = arith.constant 8 : i32
    %scan3A_48 = arith.addi %scan3A_46, %scan3A_47 : i32
    %scan3A_49 = arith.constant 1 : i32
    %scan3A_50 = scf.for %scan3A_58 = %scan3A_46 to %scan3A_48 step %scan3A_49 iter_args(%scan3A_59 = %scan3A_45) -> (i32)  : i32 {
      %rem3A = arith.constant 8 : i32
      %rem3A_60 = arith.remsi %scan3A_58, %rem3A : i32
      %dma_wait3A_61 = arith.constant 0 : i32
      %dma_wait3A_62 = tpu.memref_slice %arg4[%scan3A_58, %dma_wait3A_61] : memref<125x80xi32, #tpu.memory_space<vmem>> -> memref<1x80xi32, #tpu.memory_space<vmem>>
      %dma_wait3A_63 = tpu.memref_squeeze %dma_wait3A_62 : memref<1x80xi32, #tpu.memory_space<vmem>> -> memref<80xi32, #tpu.memory_space<vmem>>
      %dma_wait3A_64 = arith.constant 0 : i32
      %dma_wait3A_65 = tpu.memref_slice %arg7[%dma_wait3A_64] : memref<10000xf32, #tpu.memory_space<vmem_shared>> -> memref<10000xf32, #tpu.memory_space<vmem_shared>>
      %dma_wait3A_66 = tpu.memref_slice %arg8[%rem3A_60] : memref<8x!tpu.dma_semaphore, #tpu.memory_space<semaphore_mem>> -> memref<1x!tpu.dma_semaphore, #tpu.memory_space<semaphore_mem>>
      %dma_wait3A_67 = tpu.memref_squeeze %dma_wait3A_66 : memref<1x!tpu.dma_semaphore, #tpu.memory_space<semaphore_mem>> -> memref<!tpu.dma_semaphore, #tpu.memory_space<semaphore_mem>>
      tpu.wait_indirect_dma semaphore(%dma_wait3A_67 : memref<!tpu.dma_semaphore, #tpu.memory_space<semaphore_mem>>) src(%arg5 : memref<80xf32, #tpu.memory_space<vmem>>) dst(%dma_wait3A_65 : memref<10000xf32, #tpu.memory_space<vmem_shared>>)
      %scan3A_68 = arith.constant 0 : i32
      scf.yield %scan3A_68 : i32
    }
    %scan3A_51 = arith.constant 8 : i32
    %barrier3A_52 = arith.constant 0 : index
    tpu.barrier barrier_id(%barrier3A_52)
    %lt3A_53 = arith.constant 5 : i32
    %lt3A_54 = arith.cmpi slt, %arg1, %lt3A_53 : i32
    %convert_element_type3A_55 = arith.extui %lt3A_54 : i1 to i32
    %cond3A_56 = arith.constant 0 : i32
    %cond3A_57 = arith.cmpi ne, %convert_element_type3A_55, %cond3A_56 : i32
    scf.if %cond3A_57 {
      %mul3A_58 = arith.constant 2000 : i32
      %mul3A_59 = arith.muli %arg1, %mul3A_58 : i32
      "tpu.region"() ({
        %run_scoped3A = tpu.sem_alloc : memref<!tpu.dma_semaphore, #tpu.memory_space<semaphore_mem>>
        %dma_start3A_65 = tpu.memref_slice %arg7[%mul3A_59] : memref<10000xf32, #tpu.memory_space<vmem_shared>> -> memref<2000xf32, #tpu.memory_space<vmem_shared>>
        %dma_start3A_66 = tpu.memref_slice %arg7[%mul3A_59] : memref<10000xf32, #tpu.memory_space<vmem_shared>> -> memref<2000xf32, #tpu.memory_space<vmem_shared>>
        tpu.enqueue_dma source(%dma_start3A_66 : memref<2000xf32, #tpu.memory_space<vmem_shared>>) target(%arg6 : memref<2000xf32, #tpu.memory_space<vmem>>) target_semaphore(%run_scoped3A : memref<!tpu.dma_semaphore, #tpu.memory_space<semaphore_mem>>)
        %dma_wait3A_67 = tpu.memref_slice %arg7[%mul3A_59] : memref<10000xf32, #tpu.memory_space<vmem_shared>> -> memref<2000xf32, #tpu.memory_space<vmem_shared>>
        %dma_wait3A_68 = tpu.memref_slice %arg7[%mul3A_59] : memref<10000xf32, #tpu.memory_space<vmem_shared>> -> memref<2000xf32, #tpu.memory_space<vmem_shared>>
        tpu.wait_dma2 semaphore(%run_scoped3A : memref<!tpu.dma_semaphore, #tpu.memory_space<semaphore_mem>>) src(%dma_wait3A_68 : memref<2000xf32, #tpu.memory_space<vmem_shared>>) dst(%arg6 : memref<2000xf32, #tpu.memory_space<vmem>>)
        tpu.yield
      }) : () -> ()
      %mul3A_60 = arith.constant 10000 : i32
      %mul3A_61 = arith.muli %arg0, %mul3A_60 : i32
      %mul3A_62 = arith.constant 2000 : i32
      %mul3A_63 = arith.muli %arg1, %mul3A_62 : i32
      %add3A_64 = arith.addi %mul3A_61, %mul3A_63 : i32
      "tpu.region"() ({
        %run_scoped3A = tpu.sem_alloc : memref<!tpu.dma_semaphore, #tpu.memory_space<semaphore_mem>>
        %dma_start3A_65 = tpu.memref_slice %arg3[%add3A_64] : memref<20000xf32, #tpu.memory_space<hbm>> -> memref<2000xf32, #tpu.memory_space<hbm>>
        %dma_start3A_66 = tpu.memref_slice %arg3[%add3A_64] : memref<20000xf32, #tpu.memory_space<hbm>> -> memref<2000xf32, #tpu.memory_space<hbm>>
        tpu.enqueue_dma source(%arg6 : memref<2000xf32, #tpu.memory_space<vmem>>) target(%dma_start3A_66 : memref<2000xf32, #tpu.memory_space<hbm>>) target_semaphore(%run_scoped3A : memref<!tpu.dma_semaphore, #tpu.memory_space<semaphore_mem>>)
        %dma_wait3A_67 = tpu.memref_slice %arg3[%add3A_64] : memref<20000xf32, #tpu.memory_space<hbm>> -> memref<2000xf32, #tpu.memory_space<hbm>>
        %dma_wait3A_68 = tpu.memref_slice %arg3[%add3A_64] : memref<20000xf32, #tpu.memory_space<hbm>> -> memref<2000xf32, #tpu.memory_space<hbm>>
        tpu.wait_dma2 semaphore(%run_scoped3A : memref<!tpu.dma_semaphore, #tpu.memory_space<semaphore_mem>>) src(%arg6 : memref<2000xf32, #tpu.memory_space<vmem>>) dst(%dma_wait3A_68 : memref<2000xf32, #tpu.memory_space<hbm>>)
        tpu.yield
      }) : () -> ()
    } else {
    }
    return
  }
}

#map = affine_map<(d0, d1) -> (0, 0)>
#map1 = affine_map<(d0, d1) -> (0)>
#map2 = affine_map<(d0, d1) -> (0, 0, 0, 0, 0)>
#map3 = affine_map<(d0, d1) -> (0, 0, 0)>
module attributes {stable_mosaic.version = 14 : i64} {
  func.func @agg_k(%arg0: i32, %arg1: i32, %arg2: memref<10000x128xf32, #tpu.memory_space<hbm>>, %arg3: memref<640000xi32, #tpu.memory_space<hbm>>, %arg4: memref<2x32x25x10x40xi32, #tpu.memory_space<hbm>>, %arg5: memref<2x10000x128xf32, #tpu.memory_space<hbm>>, %arg6: memref<10000xi32, #tpu.memory_space<vmem>>, %arg7: memref<2x10x40xi32, #tpu.memory_space<vmem>>, %arg8: memref<5x40x128xf32, #tpu.memory_space<vmem>>, %arg9: memref<10000x128xf32, #tpu.memory_space<vmem_shared>>, %arg10: memref<5x!tpu.dma_semaphore, #tpu.memory_space<semaphore_mem>>, %arg11: memref<2x!tpu.dma_semaphore, #tpu.memory_space<semaphore_mem>>) attributes {dimension_semantics = [#tpu.dimension_semantics<core_parallel>, #tpu.dimension_semantics<subcore_parallel>], iteration_bounds = array<i64: 2, 16>, scalar_prefetch = 0 : i64, scratch_operands = 6 : i64, tpu.core_type = #tpu.core_type<sc_vector_subcore>, window_params = [{transform_indices = #map}, {transform_indices = #map1}, {transform_indices = #map2}, {transform_indices = #map3}]} {
    %mul3A = arith.constant 2 : i32
    %mul3A_0 = arith.muli %arg1, %mul3A : i32
    %add3A = arith.addi %mul3A_0, %arg0 : i32
    %mul3A_1 = arith.constant 10000 : i32
    %mul3A_2 = arith.muli %add3A, %mul3A_1 : i32
    %dma_start3A = arith.constant 0 : i32
    %dma_start3A_3 = tpu.memref_slice %arg3[%mul3A_2] : memref<640000xi32, #tpu.memory_space<hbm>> -> memref<10000xi32, #tpu.memory_space<hbm>>
    %dma_start3A_4 = tpu.memref_slice %arg10[%dma_start3A] : memref<5x!tpu.dma_semaphore, #tpu.memory_space<semaphore_mem>> -> memref<1x!tpu.dma_semaphore, #tpu.memory_space<semaphore_mem>>
    %dma_start3A_5 = tpu.memref_squeeze %dma_start3A_4 : memref<1x!tpu.dma_semaphore, #tpu.memory_space<semaphore_mem>> -> memref<!tpu.dma_semaphore, #tpu.memory_space<semaphore_mem>>
    %dma_start3A_6 = tpu.memref_slice %arg3[%mul3A_2] : memref<640000xi32, #tpu.memory_space<hbm>> -> memref<10000xi32, #tpu.memory_space<hbm>>
    tpu.enqueue_dma source(%dma_start3A_6 : memref<10000xi32, #tpu.memory_space<hbm>>) target(%arg6 : memref<10000xi32, #tpu.memory_space<vmem>>) target_semaphore(%dma_start3A_5 : memref<!tpu.dma_semaphore, #tpu.memory_space<semaphore_mem>>)
    %scan3A = arith.constant 0 : i32
    %scan3A_7 = arith.constant 0 : i32
    %scan3A_8 = arith.constant 40 : i32
    %scan3A_9 = arith.addi %scan3A_7, %scan3A_8 : i32
    %scan3A_10 = arith.constant 1 : i32
    %scan3A_11 = scf.for %scan3A_157 = %scan3A_7 to %scan3A_9 step %scan3A_10 iter_args(%scan3A_158 = %scan3A) -> (i32)  : i32 {
      %broadcast_in_dim3A = arith.constant 0.000000e+00 : f32
      %broadcast_in_dim3A_159 = vector.broadcast %broadcast_in_dim3A : f32 to vector<16xf32>
      %swap3A = arith.constant 0 : i32
      %swap3A_160 = arith.index_cast %swap3A : i32 to index
      %swap3A_161 = arith.index_cast %scan3A_157 : i32 to index
      %swap3A_162 = arith.constant 0 : index
      %swap3A_163 = tpu.vector_load %arg8[%swap3A_160, %swap3A_161, %swap3A_162] {strides = array<i32>} : memref<5x40x128xf32, #tpu.memory_space<vmem>>, vector<1x1x16xf32>,
      %swap3A_164 = vector.shape_cast %swap3A_163 : vector<1x1x16xf32> to vector<16xf32>
      %swap3A_165 = vector.shape_cast %broadcast_in_dim3A_159 : vector<16xf32> to vector<1x1x16xf32>
      tpu.vector_store %arg8[%swap3A_160, %swap3A_161, %swap3A_162], %swap3A_165 {strides = array<i32>} : memref<5x40x128xf32, #tpu.memory_space<vmem>>, vector<1x1x16xf32>,
      %broadcast_in_dim3A_166 = arith.constant 0.000000e+00 : f32
      %broadcast_in_dim3A_167 = vector.broadcast %broadcast_in_dim3A_166 : f32 to vector<16xf32>
      %swap3A_168 = arith.constant 0 : i32
      %swap3A_169 = arith.index_cast %swap3A_168 : i32 to index
      %swap3A_170 = arith.index_cast %scan3A_157 : i32 to index
      %swap3A_171 = arith.constant 16 : index
      %swap3A_172 = tpu.vector_load %arg8[%swap3A_169, %swap3A_170, %swap3A_171] {strides = array<i32>} : memref<5x40x128xf32, #tpu.memory_space<vmem>>, vector<1x1x16xf32>,
      %swap3A_173 = vector.shape_cast %swap3A_172 : vector<1x1x16xf32> to vector<16xf32>
      %swap3A_174 = vector.shape_cast %broadcast_in_dim3A_167 : vector<16xf32> to vector<1x1x16xf32>
      tpu.vector_store %arg8[%swap3A_169, %swap3A_170, %swap3A_171], %swap3A_174 {strides = array<i32>} : memref<5x40x128xf32, #tpu.memory_space<vmem>>, vector<1x1x16xf32>,
      %broadcast_in_dim3A_175 = arith.constant 0.000000e+00 : f32
      %broadcast_in_dim3A_176 = vector.broadcast %broadcast_in_dim3A_175 : f32 to vector<16xf32>
      %swap3A_177 = arith.constant 0 : i32
      %swap3A_178 = arith.index_cast %swap3A_177 : i32 to index
      %swap3A_179 = arith.index_cast %scan3A_157 : i32 to index
      %swap3A_180 = arith.constant 32 : index
      %swap3A_181 = tpu.vector_load %arg8[%swap3A_178, %swap3A_179, %swap3A_180] {strides = array<i32>} : memref<5x40x128xf32, #tpu.memory_space<vmem>>, vector<1x1x16xf32>,
      %swap3A_182 = vector.shape_cast %swap3A_181 : vector<1x1x16xf32> to vector<16xf32>
      %swap3A_183 = vector.shape_cast %broadcast_in_dim3A_176 : vector<16xf32> to vector<1x1x16xf32>
      tpu.vector_store %arg8[%swap3A_178, %swap3A_179, %swap3A_180], %swap3A_183 {strides = array<i32>} : memref<5x40x128xf32, #tpu.memory_space<vmem>>, vector<1x1x16xf32>,
      %broadcast_in_dim3A_184 = arith.constant 0.000000e+00 : f32
      %broadcast_in_dim3A_185 = vector.broadcast %broadcast_in_dim3A_184 : f32 to vector<16xf32>
      %swap3A_186 = arith.constant 0 : i32
      %swap3A_187 = arith.index_cast %swap3A_186 : i32 to index
      %swap3A_188 = arith.index_cast %scan3A_157 : i32 to index
      %swap3A_189 = arith.constant 48 : index
      %swap3A_190 = tpu.vector_load %arg8[%swap3A_187, %swap3A_188, %swap3A_189] {strides = array<i32>} : memref<5x40x128xf32, #tpu.memory_space<vmem>>, vector<1x1x16xf32>,
      %swap3A_191 = vector.shape_cast %swap3A_190 : vector<1x1x16xf32> to vector<16xf32>
      %swap3A_192 = vector.shape_cast %broadcast_in_dim3A_185 : vector<16xf32> to vector<1x1x16xf32>
      tpu.vector_store %arg8[%swap3A_187, %swap3A_188, %swap3A_189], %swap3A_192 {strides = array<i32>} : memref<5x40x128xf32, #tpu.memory_space<vmem>>, vector<1x1x16xf32>,
      %broadcast_in_dim3A_193 = arith.constant 0.000000e+00 : f32
      %broadcast_in_dim3A_194 = vector.broadcast %broadcast_in_dim3A_193 : f32 to vector<16xf32>
      %swap3A_195 = arith.constant 0 : i32
      %swap3A_196 = arith.index_cast %swap3A_195 : i32 to index
      %swap3A_197 = arith.index_cast %scan3A_157 : i32 to index
      %swap3A_198 = arith.constant 64 : index
      %swap3A_199 = tpu.vector_load %arg8[%swap3A_196, %swap3A_197, %swap3A_198] {strides = array<i32>} : memref<5x40x128xf32, #tpu.memory_space<vmem>>, vector<1x1x16xf32>,
      %swap3A_200 = vector.shape_cast %swap3A_199 : vector<1x1x16xf32> to vector<16xf32>
      %swap3A_201 = vector.shape_cast %broadcast_in_dim3A_194 : vector<16xf32> to vector<1x1x16xf32>
      tpu.vector_store %arg8[%swap3A_196, %swap3A_197, %swap3A_198], %swap3A_201 {strides = array<i32>} : memref<5x40x128xf32, #tpu.memory_space<vmem>>, vector<1x1x16xf32>,
      %broadcast_in_dim3A_202 = arith.constant 0.000000e+00 : f32
      %broadcast_in_dim3A_203 = vector.broadcast %broadcast_in_dim3A_202 : f32 to vector<16xf32>
      %swap3A_204 = arith.constant 0 : i32
      %swap3A_205 = arith.index_cast %swap3A_204 : i32 to index
      %swap3A_206 = arith.index_cast %scan3A_157 : i32 to index
      %swap3A_207 = arith.constant 80 : index
      %swap3A_208 = tpu.vector_load %arg8[%swap3A_205, %swap3A_206, %swap3A_207] {strides = array<i32>} : memref<5x40x128xf32, #tpu.memory_space<vmem>>, vector<1x1x16xf32>,
      %swap3A_209 = vector.shape_cast %swap3A_208 : vector<1x1x16xf32> to vector<16xf32>
      %swap3A_210 = vector.shape_cast %broadcast_in_dim3A_203 : vector<16xf32> to vector<1x1x16xf32>
      tpu.vector_store %arg8[%swap3A_205, %swap3A_206, %swap3A_207], %swap3A_210 {strides = array<i32>} : memref<5x40x128xf32, #tpu.memory_space<vmem>>, vector<1x1x16xf32>,
      %broadcast_in_dim3A_211 = arith.constant 0.000000e+00 : f32
      %broadcast_in_dim3A_212 = vector.broadcast %broadcast_in_dim3A_211 : f32 to vector<16xf32>
      %swap3A_213 = arith.constant 0 : i32
      %swap3A_214 = arith.index_cast %swap3A_213 : i32 to index
      %swap3A_215 = arith.index_cast %scan3A_157 : i32 to index
      %swap3A_216 = arith.constant 96 : index
      %swap3A_217 = tpu.vector_load %arg8[%swap3A_214, %swap3A_215, %swap3A_216] {strides = array<i32>} : memref<5x40x128xf32, #tpu.memory_space<vmem>>, vector<1x1x16xf32>,
      %swap3A_218 = vector.shape_cast %swap3A_217 : vector<1x1x16xf32> to vector<16xf32>
      %swap3A_219 = vector.shape_cast %broadcast_in_dim3A_212 : vector<16xf32> to vector<1x1x16xf32>
      tpu.vector_store %arg8[%swap3A_214, %swap3A_215, %swap3A_216], %swap3A_219 {strides = array<i32>} : memref<5x40x128xf32, #tpu.memory_space<vmem>>, vector<1x1x16xf32>,
      %broadcast_in_dim3A_220 = arith.constant 0.000000e+00 : f32
      %broadcast_in_dim3A_221 = vector.broadcast %broadcast_in_dim3A_220 : f32 to vector<16xf32>
      %swap3A_222 = arith.constant 0 : i32
      %swap3A_223 = arith.index_cast %swap3A_222 : i32 to index
      %swap3A_224 = arith.index_cast %scan3A_157 : i32 to index
      %swap3A_225 = arith.constant 112 : index
      %swap3A_226 = tpu.vector_load %arg8[%swap3A_223, %swap3A_224, %swap3A_225] {strides = array<i32>} : memref<5x40x128xf32, #tpu.memory_space<vmem>>, vector<1x1x16xf32>,
      %swap3A_227 = vector.shape_cast %swap3A_226 : vector<1x1x16xf32> to vector<16xf32>
      %swap3A_228 = vector.shape_cast %broadcast_in_dim3A_221 : vector<16xf32> to vector<1x1x16xf32>
      tpu.vector_store %arg8[%swap3A_223, %swap3A_224, %swap3A_225], %swap3A_228 {strides = array<i32>} : memref<5x40x128xf32, #tpu.memory_space<vmem>>, vector<1x1x16xf32>,
      %scan3A_229 = arith.constant 0 : i32
      scf.yield %scan3A_229 : i32
    }
    %scan3A_12 = arith.constant 40 : i32
    %scan3A_13 = arith.constant 0 : i32
    %scan3A_14 = arith.constant 0 : i32
    %scan3A_15 = arith.constant 16 : i32
    %scan3A_16 = arith.addi %scan3A_14, %scan3A_15 : i32
    %scan3A_17 = arith.constant 1 : i32
    %scan3A_18 = scf.for %scan3A_157 = %scan3A_14 to %scan3A_16 step %scan3A_17 iter_args(%scan3A_158 = %scan3A_13) -> (i32)  : i32 {
      %mul3A_159 = arith.constant 16 : i32
      %mul3A_160 = arith.muli %scan3A_157, %mul3A_159 : i32
      %add3A_161 = arith.addi %arg1, %mul3A_160 : i32
      %lt3A = arith.constant 250 : i32
      %lt3A_162 = arith.cmpi slt, %add3A_161, %lt3A : i32
      %convert_element_type3A = arith.extui %lt3A_162 : i1 to i32
      %cond3A = arith.constant 0 : i32
      %cond3A_163 = arith.cmpi ne, %convert_element_type3A, %cond3A : i32
      scf.if %cond3A_163 {
        %mul3A_165 = arith.constant 40 : i32
        %mul3A_166 = arith.muli %add3A_161, %mul3A_165 : i32
        %run_scoped3A = arith.constant 0 : i32
        "tpu.region"() ({
          %run_scoped3A_167 = tpu.sem_alloc : memref<!tpu.dma_semaphore, #tpu.memory_space<semaphore_mem>>
          %dma_start3A_168 = arith.constant 0 : i32
          %dma_start3A_169 = arith.constant 0 : i32
          %dma_start3A_170 = tpu.memref_slice %arg8[%run_scoped3A, %dma_start3A_168, %dma_start3A_169] : memref<5x40x128xf32, #tpu.memory_space<vmem>> -> memref<1x40x128xf32, #tpu.memory_space<vmem>>
          %dma_start3A_171 = tpu.memref_squeeze %dma_start3A_170 : memref<1x40x128xf32, #tpu.memory_space<vmem>> -> memref<40x128xf32, #tpu.memory_space<vmem>>
          %dma_start3A_172 = arith.constant 0 : i32
          %dma_start3A_173 = tpu.memref_slice %arg9[%mul3A_166, %dma_start3A_172] : memref<10000x128xf32, #tpu.memory_space<vmem_shared>> -> memref<40x128xf32, #tpu.memory_space<vmem_shared>>
          %dma_start3A_174 = arith.constant 0 : i32
          %dma_start3A_175 = tpu.memref_slice %arg9[%mul3A_166, %dma_start3A_174] : memref<10000x128xf32, #tpu.memory_space<vmem_shared>> -> memref<40x128xf32, #tpu.memory_space<vmem_shared>>
          %dma_start3A_176 = arith.constant 0 : i32
          %dma_start3A_177 = arith.constant 0 : i32
          %dma_start3A_178 = tpu.memref_slice %arg8[%run_scoped3A, %dma_start3A_176, %dma_start3A_177] : memref<5x40x128xf32, #tpu.memory_space<vmem>> -> memref<1x40x128xf32, #tpu.memory_space<vmem>>
          %dma_start3A_179 = tpu.memref_squeeze %dma_start3A_178 : memref<1x40x128xf32, #tpu.memory_space<vmem>> -> memref<40x128xf32, #tpu.memory_space<vmem>>
          tpu.enqueue_dma source(%dma_start3A_179 : memref<40x128xf32, #tpu.memory_space<vmem>>) target(%dma_start3A_175 : memref<40x128xf32, #tpu.memory_space<vmem_shared>>) target_semaphore(%run_scoped3A_167 : memref<!tpu.dma_semaphore, #tpu.memory_space<semaphore_mem>>)
          %dma_wait3A_180 = arith.constant 0 : i32
          %dma_wait3A_181 = arith.constant 0 : i32
          %dma_wait3A_182 = tpu.memref_slice %arg8[%run_scoped3A, %dma_wait3A_180, %dma_wait3A_181] : memref<5x40x128xf32, #tpu.memory_space<vmem>> -> memref<1x40x128xf32, #tpu.memory_space<vmem>>
          %dma_wait3A_183 = tpu.memref_squeeze %dma_wait3A_182 : memref<1x40x128xf32, #tpu.memory_space<vmem>> -> memref<40x128xf32, #tpu.memory_space<vmem>>
          %dma_wait3A_184 = arith.constant 0 : i32
          %dma_wait3A_185 = tpu.memref_slice %arg9[%mul3A_166, %dma_wait3A_184] : memref<10000x128xf32, #tpu.memory_space<vmem_shared>> -> memref<40x128xf32, #tpu.memory_space<vmem_shared>>
          %dma_wait3A_186 = arith.constant 0 : i32
          %dma_wait3A_187 = tpu.memref_slice %arg9[%mul3A_166, %dma_wait3A_186] : memref<10000x128xf32, #tpu.memory_space<vmem_shared>> -> memref<40x128xf32, #tpu.memory_space<vmem_shared>>
          %dma_wait3A_188 = arith.constant 0 : i32
          %dma_wait3A_189 = arith.constant 0 : i32
          %dma_wait3A_190 = tpu.memref_slice %arg8[%run_scoped3A, %dma_wait3A_188, %dma_wait3A_189] : memref<5x40x128xf32, #tpu.memory_space<vmem>> -> memref<1x40x128xf32, #tpu.memory_space<vmem>>
          %dma_wait3A_191 = tpu.memref_squeeze %dma_wait3A_190 : memref<1x40x128xf32, #tpu.memory_space<vmem>> -> memref<40x128xf32, #tpu.memory_space<vmem>>
          tpu.wait_dma2 semaphore(%run_scoped3A_167 : memref<!tpu.dma_semaphore, #tpu.memory_space<semaphore_mem>>) src(%dma_wait3A_191 : memref<40x128xf32, #tpu.memory_space<vmem>>) dst(%dma_wait3A_187 : memref<40x128xf32, #tpu.memory_space<vmem_shared>>)
          tpu.yield
        }) : () -> ()
      } else {
      }
      %scan3A_164 = arith.constant 0 : i32
      scf.yield %scan3A_164 : i32
    }
    %scan3A_19 = arith.constant 16 : i32
    %mul3A_20 = arith.constant 10000 : i32
    %mul3A_21 = arith.muli %add3A, %mul3A_20 : i32
    %dma_wait3A = arith.constant 0 : i32
    %dma_wait3A_22 = tpu.memref_slice %arg3[%mul3A_21] : memref<640000xi32, #tpu.memory_space<hbm>> -> memref<10000xi32, #tpu.memory_space<hbm>>
    %dma_wait3A_23 = tpu.memref_slice %arg10[%dma_wait3A] : memref<5x!tpu.dma_semaphore, #tpu.memory_space<semaphore_mem>> -> memref<1x!tpu.dma_semaphore, #tpu.memory_space<semaphore_mem>>
    %dma_wait3A_24 = tpu.memref_squeeze %dma_wait3A_23 : memref<1x!tpu.dma_semaphore, #tpu.memory_space<semaphore_mem>> -> memref<!tpu.dma_semaphore, #tpu.memory_space<semaphore_mem>>
    %dma_wait3A_25 = tpu.memref_slice %arg3[%mul3A_21] : memref<640000xi32, #tpu.memory_space<hbm>> -> memref<10000xi32, #tpu.memory_space<hbm>>
    tpu.wait_dma2 semaphore(%dma_wait3A_24 : memref<!tpu.dma_semaphore, #tpu.memory_space<semaphore_mem>>) src(%dma_wait3A_25 : memref<10000xi32, #tpu.memory_space<hbm>>) dst(%arg6 : memref<10000xi32, #tpu.memory_space<vmem>>)
    %barrier3A = arith.constant 0 : index
    tpu.barrier barrier_id(%barrier3A)
    %dma_start3A_26 = arith.constant 1 : i32
    %dma_start3A_27 = arith.constant 0 : i32
    %dma_start3A_28 = arith.constant 0 : i32
    %dma_start3A_29 = arith.constant 0 : i32
    %dma_start3A_30 = arith.constant 0 : i32
    %dma_start3A_31 = arith.constant 0 : i32
    %dma_start3A_32 = tpu.memref_slice %arg7[%dma_start3A_28, %dma_start3A_30, %dma_start3A_31] : memref<2x10x40xi32, #tpu.memory_space<vmem>> -> memref<1x10x40xi32, #tpu.memory_space<vmem>>
    %dma_start3A_33 = tpu.memref_squeeze %dma_start3A_32 : memref<1x10x40xi32, #tpu.memory_space<vmem>> -> memref<10x40xi32, #tpu.memory_space<vmem>>
    %dma_start3A_34 = arith.constant 0 : i32
    %dma_start3A_35 = arith.constant 0 : i32
    %dma_start3A_36 = tpu.memref_slice %arg4[%dma_start3A_26, %add3A, %dma_start3A_27, %dma_start3A_34, %dma_start3A_35] : memref<2x32x25x10x40xi32, #tpu.memory_space<hbm>> -> memref<1x1x1x10x40xi32, #tpu.memory_space<hbm>>
    %dma_start3A_37 = tpu.memref_squeeze %dma_start3A_36 : memref<1x1x1x10x40xi32, #tpu.memory_space<hbm>> -> memref<10x40xi32, #tpu.memory_space<hbm>>
    %dma_start3A_38 = tpu.memref_slice %arg11[%dma_start3A_29] : memref<2x!tpu.dma_semaphore, #tpu.memory_space<semaphore_mem>> -> memref<1x!tpu.dma_semaphore, #tpu.memory_space<semaphore_mem>>
    %dma_start3A_39 = tpu.memref_squeeze %dma_start3A_38 : memref<1x!tpu.dma_semaphore, #tpu.memory_space<semaphore_mem>> -> memref<!tpu.dma_semaphore, #tpu.memory_space<semaphore_mem>>
    %dma_start3A_40 = arith.constant 0 : i32
    %dma_start3A_41 = arith.constant 0 : i32
    %dma_start3A_42 = tpu.memref_slice %arg7[%dma_start3A_28, %dma_start3A_40, %dma_start3A_41] : memref<2x10x40xi32, #tpu.memory_space<vmem>> -> memref<1x10x40xi32, #tpu.memory_space<vmem>>
    %dma_start3A_43 = tpu.memref_squeeze %dma_start3A_42 : memref<1x10x40xi32, #tpu.memory_space<vmem>> -> memref<10x40xi32, #tpu.memory_space<vmem>>
    %dma_start3A_44 = arith.constant 0 : i32
    %dma_start3A_45 = arith.constant 0 : i32
    %dma_start3A_46 = tpu.memref_slice %arg4[%dma_start3A_26, %add3A, %dma_start3A_27, %dma_start3A_44, %dma_start3A_45] : memref<2x32x25x10x40xi32, #tpu.memory_space<hbm>> -> memref<1x1x1x10x40xi32, #tpu.memory_space<hbm>>
    %dma_start3A_47 = tpu.memref_squeeze %dma_start3A_46 : memref<1x1x1x10x40xi32, #tpu.memory_space<hbm>> -> memref<10x40xi32, #tpu.memory_space<hbm>>
    tpu.enqueue_dma source(%dma_start3A_47 : memref<10x40xi32, #tpu.memory_space<hbm>>) target(%dma_start3A_43 : memref<10x40xi32, #tpu.memory_space<vmem>>) target_semaphore(%dma_start3A_39 : memref<!tpu.dma_semaphore, #tpu.memory_space<semaphore_mem>>)
    %dma_start3A_48 = arith.constant 0 : i32
    %dma_start3A_49 = arith.constant 0 : i32
    %dma_start3A_50 = arith.constant 0 : i32
    %dma_start3A_51 = arith.constant 0 : i32
    %dma_start3A_52 = tpu.memref_slice %arg8[%dma_start3A_48, %dma_start3A_50, %dma_start3A_51] : memref<5x40x128xf32, #tpu.memory_space<vmem>> -> memref<1x40x128xf32, #tpu.memory_space<vmem>>
    %dma_start3A_53 = tpu.memref_squeeze %dma_start3A_52 : memref<1x40x128xf32, #tpu.memory_space<vmem>> -> memref<40x128xf32, #tpu.memory_space<vmem>>
    %dma_start3A_54 = arith.constant 0 : i32
    %dma_start3A_55 = tpu.memref_slice %arg6[%dma_start3A_54] : memref<10000xi32, #tpu.memory_space<vmem>> -> memref<40xi32, #tpu.memory_space<vmem>>
    %dma_start3A_56 = arith.constant 0 : i32
    %dma_start3A_57 = arith.constant 0 : i32
    %dma_start3A_58 = tpu.memref_slice %arg2[%dma_start3A_56, %dma_start3A_57] : memref<10000x128xf32, #tpu.memory_space<hbm>> -> memref<10000x128xf32, #tpu.memory_space<hbm>>
    %dma_start3A_59 = tpu.memref_slice %arg10[%dma_start3A_49] : memref<5x!tpu.dma_semaphore, #tpu.memory_space<semaphore_mem>> -> memref<1x!tpu.dma_semaphore, #tpu.memory_space<semaphore_mem>>
    %dma_start3A_60 = tpu.memref_squeeze %dma_start3A_59 : memref<1x!tpu.dma_semaphore, #tpu.memory_space<semaphore_mem>> -> memref<!tpu.dma_semaphore, #tpu.memory_space<semaphore_mem>>
    tpu.enqueue_indirect_dma source(%dma_start3A_58 : memref<10000x128xf32, #tpu.memory_space<hbm>>) target(%dma_start3A_53 : memref<40x128xf32, #tpu.memory_space<vmem>>) offsets(%dma_start3A_55 : memref<40xi32, #tpu.memory_space<vmem>>) semaphore(%dma_start3A_60 : memref<!tpu.dma_semaphore, #tpu.memory_space<semaphore_mem>>)
    %dma_start3A_61 = arith.constant 1 : i32
    %dma_start3A_62 = arith.constant 1 : i32
    %dma_start3A_63 = arith.constant 0 : i32
    %dma_start3A_64 = arith.constant 0 : i32
    %dma_start3A_65 = tpu.memref_slice %arg8[%dma_start3A_61, %dma_start3A_63, %dma_start3A_64] : memref<5x40x128xf32, #tpu.memory_space<vmem>> -> memref<1x40x128xf32, #tpu.memory_space<vmem>>
    %dma_start3A_66 = tpu.memref_squeeze %dma_start3A_65 : memref<1x40x128xf32, #tpu.memory_space<vmem>> -> memref<40x128xf32, #tpu.memory_space<vmem>>
    %dma_start3A_67 = arith.constant 40 : i32
    %dma_start3A_68 = tpu.memref_slice %arg6[%dma_start3A_67] : memref<10000xi32, #tpu.memory_space<vmem>> -> memref<40xi32, #tpu.memory_space<vmem>>
    %dma_start3A_69 = arith.constant 0 : i32
    %dma_start3A_70 = arith.constant 0 : i32
    %dma_start3A_71 = tpu.memref_slice %arg2[%dma_start3A_69, %dma_start3A_70] : memref<10000x128xf32, #tpu.memory_space<hbm>> -> memref<10000x128xf32, #tpu.memory_space<hbm>>
    %dma_start3A_72 = tpu.memref_slice %arg10[%dma_start3A_62] : memref<5x!tpu.dma_semaphore, #tpu.memory_space<semaphore_mem>> -> memref<1x!tpu.dma_semaphore, #tpu.memory_space<semaphore_mem>>
    %dma_start3A_73 = tpu.memref_squeeze %dma_start3A_72 : memref<1x!tpu.dma_semaphore, #tpu.memory_space<semaphore_mem>> -> memref<!tpu.dma_semaphore, #tpu.memory_space<semaphore_mem>>
    tpu.enqueue_indirect_dma source(%dma_start3A_71 : memref<10000x128xf32, #tpu.memory_space<hbm>>) target(%dma_start3A_66 : memref<40x128xf32, #tpu.memory_space<vmem>>) offsets(%dma_start3A_68 : memref<40xi32, #tpu.memory_space<vmem>>) semaphore(%dma_start3A_73 : memref<!tpu.dma_semaphore, #tpu.memory_space<semaphore_mem>>)
    %dma_start3A_74 = arith.constant 2 : i32
    %dma_start3A_75 = arith.constant 2 : i32
    %dma_start3A_76 = arith.constant 0 : i32
    %dma_start3A_77 = arith.constant 0 : i32
    %dma_start3A_78 = tpu.memref_slice %arg8[%dma_start3A_74, %dma_start3A_76, %dma_start3A_77] : memref<5x40x128xf32, #tpu.memory_space<vmem>> -> memref<1x40x128xf32, #tpu.memory_space<vmem>>
    %dma_start3A_79 = tpu.memref_squeeze %dma_start3A_78 : memref<1x40x128xf32, #tpu.memory_space<vmem>> -> memref<40x128xf32, #tpu.memory_space<vmem>>
    %dma_start3A_80 = arith.constant 80 : i32
    %dma_start3A_81 = tpu.memref_slice %arg6[%dma_start3A_80] : memref<10000xi32, #tpu.memory_space<vmem>> -> memref<40xi32, #tpu.memory_space<vmem>>
    %dma_start3A_82 = arith.constant 0 : i32
    %dma_start3A_83 = arith.constant 0 : i32
    %dma_start3A_84 = tpu.memref_slice %arg2[%dma_start3A_82, %dma_start3A_83] : memref<10000x128xf32, #tpu.memory_space<hbm>> -> memref<10000x128xf32, #tpu.memory_space<hbm>>
    %dma_start3A_85 = tpu.memref_slice %arg10[%dma_start3A_75] : memref<5x!tpu.dma_semaphore, #tpu.memory_space<semaphore_mem>> -> memref<1x!tpu.dma_semaphore, #tpu.memory_space<semaphore_mem>>
    %dma_start3A_86 = tpu.memref_squeeze %dma_start3A_85 : memref<1x!tpu.dma_semaphore, #tpu.memory_space<semaphore_mem>> -> memref<!tpu.dma_semaphore, #tpu.memory_space<semaphore_mem>>
    tpu.enqueue_indirect_dma source(%dma_start3A_84 : memref<10000x128xf32, #tpu.memory_space<hbm>>) target(%dma_start3A_79 : memref<40x128xf32, #tpu.memory_space<vmem>>) offsets(%dma_start3A_81 : memref<40xi32, #tpu.memory_space<vmem>>) semaphore(%dma_start3A_86 : memref<!tpu.dma_semaphore, #tpu.memory_space<semaphore_mem>>)
    %dma_start3A_87 = arith.constant 3 : i32
    %dma_start3A_88 = arith.constant 3 : i32
    %dma_start3A_89 = arith.constant 0 : i32
    %dma_start3A_90 = arith.constant 0 : i32
    %dma_start3A_91 = tpu.memref_slice %arg8[%dma_start3A_87, %dma_start3A_89, %dma_start3A_90] : memref<5x40x128xf32, #tpu.memory_space<vmem>> -> memref<1x40x128xf32, #tpu.memory_space<vmem>>
    %dma_start3A_92 = tpu.memref_squeeze %dma_start3A_91 : memref<1x40x128xf32, #tpu.memory_space<vmem>> -> memref<40x128xf32, #tpu.memory_space<vmem>>
    %dma_start3A_93 = arith.constant 120 : i32
    %dma_start3A_94 = tpu.memref_slice %arg6[%dma_start3A_93] : memref<10000xi32, #tpu.memory_space<vmem>> -> memref<40xi32, #tpu.memory_space<vmem>>
    %dma_start3A_95 = arith.constant 0 : i32
    %dma_start3A_96 = arith.constant 0 : i32
    %dma_start3A_97 = tpu.memref_slice %arg2[%dma_start3A_95, %dma_start3A_96] : memref<10000x128xf32, #tpu.memory_space<hbm>> -> memref<10000x128xf32, #tpu.memory_space<hbm>>
    %dma_start3A_98 = tpu.memref_slice %arg10[%dma_start3A_88] : memref<5x!tpu.dma_semaphore, #tpu.memory_space<semaphore_mem>> -> memref<1x!tpu.dma_semaphore, #tpu.memory_space<semaphore_mem>>
    %dma_start3A_99 = tpu.memref_squeeze %dma_start3A_98 : memref<1x!tpu.dma_semaphore, #tpu.memory_space<semaphore_mem>> -> memref<!tpu.dma_semaphore, #tpu.memory_space<semaphore_mem>>
    tpu.enqueue_indirect_dma source(%dma_start3A_97 : memref<10000x128xf32, #tpu.memory_space<hbm>>) target(%dma_start3A_92 : memref<40x128xf32, #tpu.memory_space<vmem>>) offsets(%dma_start3A_94 : memref<40xi32, #tpu.memory_space<vmem>>) semaphore(%dma_start3A_99 : memref<!tpu.dma_semaphore, #tpu.memory_space<semaphore_mem>>)
    %dma_start3A_100 = arith.constant 4 : i32
    %dma_start3A_101 = arith.constant 4 : i32
    %dma_start3A_102 = arith.constant 0 : i32
    %dma_start3A_103 = arith.constant 0 : i32
    %dma_start3A_104 = tpu.memref_slice %arg8[%dma_start3A_100, %dma_start3A_102, %dma_start3A_103] : memref<5x40x128xf32, #tpu.memory_space<vmem>> -> memref<1x40x128xf32, #tpu.memory_space<vmem>>
    %dma_start3A_105 = tpu.memref_squeeze %dma_start3A_104 : memref<1x40x128xf32, #tpu.memory_space<vmem>> -> memref<40x128xf32, #tpu.memory_space<vmem>>
    %dma_start3A_106 = arith.constant 160 : i32
    %dma_start3A_107 = tpu.memref_slice %arg6[%dma_start3A_106] : memref<10000xi32, #tpu.memory_space<vmem>> -> memref<40xi32, #tpu.memory_space<vmem>>
    %dma_start3A_108 = arith.constant 0 : i32
    %dma_start3A_109 = arith.constant 0 : i32
    %dma_start3A_110 = tpu.memref_slice %arg2[%dma_start3A_108, %dma_start3A_109] : memref<10000x128xf32, #tpu.memory_space<hbm>> -> memref<10000x128xf32, #tpu.memory_space<hbm>>
    %dma_start3A_111 = tpu.memref_slice %arg10[%dma_start3A_101] : memref<5x!tpu.dma_semaphore, #tpu.memory_space<semaphore_mem>> -> memref<1x!tpu.dma_semaphore, #tpu.memory_space<semaphore_mem>>
    %dma_start3A_112 = tpu.memref_squeeze %dma_start3A_111 : memref<1x!tpu.dma_semaphore, #tpu.memory_space<semaphore_mem>> -> memref<!tpu.dma_semaphore, #tpu.memory_space<semaphore_mem>>
    tpu.enqueue_indirect_dma source(%dma_start3A_110 : memref<10000x128xf32, #tpu.memory_space<hbm>>) target(%dma_start3A_105 : memref<40x128xf32, #tpu.memory_space<vmem>>) offsets(%dma_start3A_107 : memref<40xi32, #tpu.memory_space<vmem>>) semaphore(%dma_start3A_112 : memref<!tpu.dma_semaphore, #tpu.memory_space<semaphore_mem>>)
    %dma_wait3A_113 = arith.constant 1 : i32
    %dma_wait3A_114 = arith.constant 0 : i32
    %dma_wait3A_115 = arith.constant 0 : i32
    %dma_wait3A_116 = arith.constant 0 : i32
    %dma_wait3A_117 = arith.constant 0 : i32
    %dma_wait3A_118 = arith.constant 0 : i32
    %dma_wait3A_119 = tpu.memref_slice %arg7[%dma_wait3A_115, %dma_wait3A_117, %dma_wait3A_118] : memref<2x10x40xi32, #tpu.memory_space<vmem>> -> memref<1x10x40xi32, #tpu.memory_space<vmem>>
    %dma_wait3A_120 = tpu.memref_squeeze %dma_wait3A_119 : memref<1x10x40xi32, #tpu.memory_space<vmem>> -> memref<10x40xi32, #tpu.memory_space<vmem>>
    %dma_wait3A_121 = arith.constant 0 : i32
    %dma_wait3A_122 = arith.constant 0 : i32
    %dma_wait3A_123 = tpu.memref_slice %arg4[%dma_wait3A_113, %add3A, %dma_wait3A_114, %dma_wait3A_121, %dma_wait3A_122] : memref<2x32x25x10x40xi32, #tpu.memory_space<hbm>> -> memref<1x1x1x10x40xi32, #tpu.memory_space<hbm>>
    %dma_wait3A_124 = tpu.memref_squeeze %dma_wait3A_123 : memref<1x1x1x10x40xi32, #tpu.memory_space<hbm>> -> memref<10x40xi32, #tpu.memory_space<hbm>>
    %dma_wait3A_125 = tpu.memref_slice %arg11[%dma_wait3A_116] : memref<2x!tpu.dma_semaphore, #tpu.memory_space<semaphore_mem>> -> memref<1x!tpu.dma_semaphore, #tpu.memory_space<semaphore_mem>>
    %dma_wait3A_126 = tpu.memref_squeeze %dma_wait3A_125 : memref<1x!tpu.dma_semaphore, #tpu.memory_space<semaphore_mem>> -> memref<!tpu.dma_semaphore, #tpu.memory_space<semaphore_mem>>
    %dma_wait3A_127 = arith.constant 0 : i32
    %dma_wait3A_128 = arith.constant 0 : i32
    %dma_wait3A_129 = tpu.memref_slice %arg7[%dma_wait3A_115, %dma_wait3A_127, %dma_wait3A_128] : memref<2x10x40xi32, #tpu.memory_space<vmem>> -> memref<1x10x40xi32, #tpu.memory_space<vmem>>
    %dma_wait3A_130 = tpu.memref_squeeze %dma_wait3A_129 : memref<1x10x40xi32, #tpu.memory_space<vmem>> -> memref<10x40xi32, #tpu.memory_space<vmem>>
    %dma_wait3A_131 = arith.constant 0 : i32
    %dma_wait3A_132 = arith.constant 0 : i32
    %dma_wait3A_133 = tpu.memref_slice %arg4[%dma_wait3A_113, %add3A, %dma_wait3A_114, %dma_wait3A_131, %dma_wait3A_132] : memref<2x32x25x10x40xi32, #tpu.memory_space<hbm>> -> memref<1x1x1x10x40xi32, #tpu.memory_space<hbm>>
    %dma_wait3A_134 = tpu.memref_squeeze %dma_wait3A_133 : memref<1x1x1x10x40xi32, #tpu.memory_space<hbm>> -> memref<10x40xi32, #tpu.memory_space<hbm>>
    tpu.wait_dma2 semaphore(%dma_wait3A_126 : memref<!tpu.dma_semaphore, #tpu.memory_space<semaphore_mem>>) src(%dma_wait3A_134 : memref<10x40xi32, #tpu.memory_space<hbm>>) dst(%dma_wait3A_130 : memref<10x40xi32, #tpu.memory_space<vmem>>)
    %scan3A_135 = arith.constant 0 : i32
    %scan3A_136 = arith.constant 0 : i32
    %scan3A_137 = arith.constant 25 : i32
    %scan3A_138 = arith.addi %scan3A_136, %scan3A_137 : i32
    %scan3A_139 = arith.constant 1 : i32
    %scan3A_140 = scf.for %scan3A_157 = %scan3A_136 to %scan3A_138 step %scan3A_139 iter_args(%scan3A_158 = %scan3A_135) -> (i32)  : i32 {
      %rem3A = arith.constant 2 : i32
      %rem3A_159 = arith.remsi %scan3A_157, %rem3A : i32
      %gt3A = arith.constant 0 : i32
      %gt3A_160 = arith.cmpi sgt, %scan3A_157, %gt3A : i32
      %convert_element_type3A = arith.extui %gt3A_160 : i1 to i32
      %cond3A = arith.constant 0 : i32
      %cond3A_161 = arith.cmpi ne, %convert_element_type3A, %cond3A : i32
      scf.if %cond3A_161 {
        %dma_wait3A_438 = arith.constant 1 : i32
        %dma_wait3A_439 = arith.constant 0 : i32
        %dma_wait3A_440 = arith.constant 0 : i32
        %dma_wait3A_441 = tpu.memref_slice %arg7[%rem3A_159, %dma_wait3A_439, %dma_wait3A_440] : memref<2x10x40xi32, #tpu.memory_space<vmem>> -> memref<1x10x40xi32, #tpu.memory_space<vmem>>
        %dma_wait3A_442 = tpu.memref_squeeze %dma_wait3A_441 : memref<1x10x40xi32, #tpu.memory_space<vmem>> -> memref<10x40xi32, #tpu.memory_space<vmem>>
        %dma_wait3A_443 = arith.constant 0 : i32
        %dma_wait3A_444 = arith.constant 0 : i32
        %dma_wait3A_445 = tpu.memref_slice %arg4[%dma_wait3A_438, %add3A, %scan3A_157, %dma_wait3A_443, %dma_wait3A_444] : memref<2x32x25x10x40xi32, #tpu.memory_space<hbm>> -> memref<1x1x1x10x40xi32, #tpu.memory_space<hbm>>
        %dma_wait3A_446 = tpu.memref_squeeze %dma_wait3A_445 : memref<1x1x1x10x40xi32, #tpu.memory_space<hbm>> -> memref<10x40xi32, #tpu.memory_space<hbm>>
        %dma_wait3A_447 = tpu.memref_slice %arg11[%rem3A_159] : memref<2x!tpu.dma_semaphore, #tpu.memory_space<semaphore_mem>> -> memref<1x!tpu.dma_semaphore, #tpu.memory_space<semaphore_mem>>
        %dma_wait3A_448 = tpu.memref_squeeze %dma_wait3A_447 : memref<1x!tpu.dma_semaphore, #tpu.memory_space<semaphore_mem>> -> memref<!tpu.dma_semaphore, #tpu.memory_space<semaphore_mem>>
        %dma_wait3A_449 = arith.constant 0 : i32
        %dma_wait3A_450 = arith.constant 0 : i32
        %dma_wait3A_451 = tpu.memref_slice %arg7[%rem3A_159, %dma_wait3A_449, %dma_wait3A_450] : memref<2x10x40xi32, #tpu.memory_space<vmem>> -> memref<1x10x40xi32, #tpu.memory_space<vmem>>
        %dma_wait3A_452 = tpu.memref_squeeze %dma_wait3A_451 : memref<1x10x40xi32, #tpu.memory_space<vmem>> -> memref<10x40xi32, #tpu.memory_space<vmem>>
        %dma_wait3A_453 = arith.constant 0 : i32
        %dma_wait3A_454 = arith.constant 0 : i32
        %dma_wait3A_455 = tpu.memref_slice %arg4[%dma_wait3A_438, %add3A, %scan3A_157, %dma_wait3A_453, %dma_wait3A_454] : memref<2x32x25x10x40xi32, #tpu.memory_space<hbm>> -> memref<1x1x1x10x40xi32, #tpu.memory_space<hbm>>
        %dma_wait3A_456 = tpu.memref_squeeze %dma_wait3A_455 : memref<1x1x1x10x40xi32, #tpu.memory_space<hbm>> -> memref<10x40xi32, #tpu.memory_space<hbm>>
        tpu.wait_dma2 semaphore(%dma_wait3A_448 : memref<!tpu.dma_semaphore, #tpu.memory_space<semaphore_mem>>) src(%dma_wait3A_456 : memref<10x40xi32, #tpu.memory_space<hbm>>) dst(%dma_wait3A_452 : memref<10x40xi32, #tpu.memory_space<vmem>>)
      } else {
      }
      %add3A_162 = arith.constant 1 : i32
      %add3A_163 = arith.addi %scan3A_157, %add3A_162 : i32
      %lt3A = arith.constant 25 : i32
      %lt3A_164 = arith.cmpi slt, %add3A_163, %lt3A : i32
      %convert_element_type3A_165 = arith.extui %lt3A_164 : i1 to i32
      %cond3A_166 = arith.constant 0 : i32
      %cond3A_167 = arith.cmpi ne, %convert_element_type3A_165, %cond3A_166 : i32
      scf.if %cond3A_167 {
        %add3A_438 = arith.constant 1 : i32
        %add3A_439 = arith.addi %scan3A_157, %add3A_438 : i32
        %sub3A = arith.constant 1 : i32
        %sub3A_440 = arith.subi %sub3A, %rem3A_159 : i32
        %sub3A_441 = arith.constant 1 : i32
        %sub3A_442 = arith.subi %sub3A_441, %rem3A_159 : i32
        %dma_start3A_443 = arith.constant 1 : i32
        %dma_start3A_444 = arith.constant 0 : i32
        %dma_start3A_445 = arith.constant 0 : i32
        %dma_start3A_446 = tpu.memref_slice %arg7[%sub3A_440, %dma_start3A_444, %dma_start3A_445] : memref<2x10x40xi32, #tpu.memory_space<vmem>> -> memref<1x10x40xi32, #tpu.memory_space<vmem>>
        %dma_start3A_447 = tpu.memref_squeeze %dma_start3A_446 : memref<1x10x40xi32, #tpu.memory_space<vmem>> -> memref<10x40xi32, #tpu.memory_space<vmem>>
        %dma_start3A_448 = arith.constant 0 : i32
        %dma_start3A_449 = arith.constant 0 : i32
        %dma_start3A_450 = tpu.memref_slice %arg4[%dma_start3A_443, %add3A, %add3A_439, %dma_start3A_448, %dma_start3A_449] : memref<2x32x25x10x40xi32, #tpu.memory_space<hbm>> -> memref<1x1x1x10x40xi32, #tpu.memory_space<hbm>>
        %dma_start3A_451 = tpu.memref_squeeze %dma_start3A_450 : memref<1x1x1x10x40xi32, #tpu.memory_space<hbm>> -> memref<10x40xi32, #tpu.memory_space<hbm>>
        %dma_start3A_452 = tpu.memref_slice %arg11[%sub3A_442] : memref<2x!tpu.dma_semaphore, #tpu.memory_space<semaphore_mem>> -> memref<1x!tpu.dma_semaphore, #tpu.memory_space<semaphore_mem>>
        %dma_start3A_453 = tpu.memref_squeeze %dma_start3A_452 : memref<1x!tpu.dma_semaphore, #tpu.memory_space<semaphore_mem>> -> memref<!tpu.dma_semaphore, #tpu.memory_space<semaphore_mem>>
        %dma_start3A_454 = arith.constant 0 : i32
        %dma_start3A_455 = arith.constant 0 : i32
        %dma_start3A_456 = tpu.memref_slice %arg7[%sub3A_440, %dma_start3A_454, %dma_start3A_455] : memref<2x10x40xi32, #tpu.memory_space<vmem>> -> memref<1x10x40xi32, #tpu.memory_space<vmem>>
        %dma_start3A_457 = tpu.memref_squeeze %dma_start3A_456 : memref<1x10x40xi32, #tpu.memory_space<vmem>> -> memref<10x40xi32, #tpu.memory_space<vmem>>
        %dma_start3A_458 = arith.constant 0 : i32
        %dma_start3A_459 = arith.constant 0 : i32
        %dma_start3A_460 = tpu.memref_slice %arg4[%dma_start3A_443, %add3A, %add3A_439, %dma_start3A_458, %dma_start3A_459] : memref<2x32x25x10x40xi32, #tpu.memory_space<hbm>> -> memref<1x1x1x10x40xi32, #tpu.memory_space<hbm>>
        %dma_start3A_461 = tpu.memref_squeeze %dma_start3A_460 : memref<1x1x1x10x40xi32, #tpu.memory_space<hbm>> -> memref<10x40xi32, #tpu.memory_space<hbm>>
        tpu.enqueue_dma source(%dma_start3A_461 : memref<10x40xi32, #tpu.memory_space<hbm>>) target(%dma_start3A_457 : memref<10x40xi32, #tpu.memory_space<vmem>>) target_semaphore(%dma_start3A_453 : memref<!tpu.dma_semaphore, #tpu.memory_space<semaphore_mem>>)
      } else {
      }
      %mul3A_168 = arith.constant 10 : i32
      %mul3A_169 = arith.muli %scan3A_157, %mul3A_168 : i32
      %add3A_170 = arith.constant 0 : i32
      %add3A_171 = arith.addi %mul3A_169, %add3A_170 : i32
      %mul3A_172 = arith.constant 40 : i32
      %mul3A_173 = arith.muli %add3A_171, %mul3A_172 : i32
      %dma_wait3A_174 = arith.constant 0 : i32
      %dma_wait3A_175 = arith.constant 0 : i32
      %dma_wait3A_176 = arith.constant 0 : i32
      %dma_wait3A_177 = arith.constant 0 : i32
      %dma_wait3A_178 = tpu.memref_slice %arg8[%dma_wait3A_174, %dma_wait3A_176, %dma_wait3A_177] : memref<5x40x128xf32, #tpu.memory_space<vmem>> -> memref<1x40x128xf32, #tpu.memory_space<vmem>>
      %dma_wait3A_179 = tpu.memref_squeeze %dma_wait3A_178 : memref<1x40x128xf32, #tpu.memory_space<vmem>> -> memref<40x128xf32, #tpu.memory_space<vmem>>
      %dma_wait3A_180 = tpu.memref_slice %arg6[%mul3A_173] : memref<10000xi32, #tpu.memory_space<vmem>> -> memref<40xi32, #tpu.memory_space<vmem>>
      %dma_wait3A_181 = arith.constant 0 : i32
      %dma_wait3A_182 = arith.constant 0 : i32
      %dma_wait3A_183 = tpu.memref_slice %arg2[%dma_wait3A_181, %dma_wait3A_182] : memref<10000x128xf32, #tpu.memory_space<hbm>> -> memref<10000x128xf32, #tpu.memory_space<hbm>>
      %dma_wait3A_184 = tpu.memref_slice %arg10[%dma_wait3A_175] : memref<5x!tpu.dma_semaphore, #tpu.memory_space<semaphore_mem>> -> memref<1x!tpu.dma_semaphore, #tpu.memory_space<semaphore_mem>>
      %dma_wait3A_185 = tpu.memref_squeeze %dma_wait3A_184 : memref<1x!tpu.dma_semaphore, #tpu.memory_space<semaphore_mem>> -> memref<!tpu.dma_semaphore, #tpu.memory_space<semaphore_mem>>
      tpu.wait_indirect_dma semaphore(%dma_wait3A_185 : memref<!tpu.dma_semaphore, #tpu.memory_space<semaphore_mem>>) src(%dma_wait3A_183 : memref<10000x128xf32, #tpu.memory_space<hbm>>) dst(%dma_wait3A_179 : memref<40x128xf32, #tpu.memory_space<vmem>>)
      %run_scoped3A = arith.constant 0 : i32
      %run_scoped3A_186 = arith.constant 0 : i32
      "tpu.region"() ({
        %run_scoped3A_438 = tpu.sem_alloc : memref<!tpu.dma_semaphore, #tpu.memory_space<semaphore_mem>>
        %dma_start3A_439 = arith.constant 0 : i32
        %dma_start3A_440 = arith.constant 0 : i32
        %dma_start3A_441 = tpu.memref_slice %arg8[%run_scoped3A, %dma_start3A_439, %dma_start3A_440] : memref<5x40x128xf32, #tpu.memory_space<vmem>> -> memref<1x40x128xf32, #tpu.memory_space<vmem>>
        %dma_start3A_442 = tpu.memref_squeeze %dma_start3A_441 : memref<1x40x128xf32, #tpu.memory_space<vmem>> -> memref<40x128xf32, #tpu.memory_space<vmem>>
        %dma_start3A_443 = arith.constant 0 : i32
        %dma_start3A_444 = tpu.memref_slice %arg7[%rem3A_159, %run_scoped3A_186, %dma_start3A_443] : memref<2x10x40xi32, #tpu.memory_space<vmem>> -> memref<1x1x40xi32, #tpu.memory_space<vmem>>
        %dma_start3A_445 = tpu.memref_squeeze %dma_start3A_444 : memref<1x1x40xi32, #tpu.memory_space<vmem>> -> memref<40xi32, #tpu.memory_space<vmem>>
        %dma_start3A_446 = arith.constant 0 : i32
        %dma_start3A_447 = arith.constant 0 : i32
        %dma_start3A_448 = tpu.memref_slice %arg9[%dma_start3A_446, %dma_start3A_447] : memref<10000x128xf32, #tpu.memory_space<vmem_shared>> -> memref<10000x128xf32, #tpu.memory_space<vmem_shared>>
        tpu.enqueue_indirect_dma source(%dma_start3A_442 : memref<40x128xf32, #tpu.memory_space<vmem>>) target(%dma_start3A_448 : memref<10000x128xf32, #tpu.memory_space<vmem_shared>>) offsets(%dma_start3A_445 : memref<40xi32, #tpu.memory_space<vmem>>) semaphore(%run_scoped3A_438 : memref<!tpu.dma_semaphore, #tpu.memory_space<semaphore_mem>>) {add = true}
        %dma_wait3A_449 = arith.constant 0 : i32
        %dma_wait3A_450 = arith.constant 0 : i32
        %dma_wait3A_451 = tpu.memref_slice %arg8[%run_scoped3A, %dma_wait3A_449, %dma_wait3A_450] : memref<5x40x128xf32, #tpu.memory_space<vmem>> -> memref<1x40x128xf32, #tpu.memory_space<vmem>>
        %dma_wait3A_452 = tpu.memref_squeeze %dma_wait3A_451 : memref<1x40x128xf32, #tpu.memory_space<vmem>> -> memref<40x128xf32, #tpu.memory_space<vmem>>
        %dma_wait3A_453 = arith.constant 0 : i32
        %dma_wait3A_454 = tpu.memref_slice %arg7[%rem3A_159, %run_scoped3A_186, %dma_wait3A_453] : memref<2x10x40xi32, #tpu.memory_space<vmem>> -> memref<1x1x40xi32, #tpu.memory_space<vmem>>
        %dma_wait3A_455 = tpu.memref_squeeze %dma_wait3A_454 : memref<1x1x40xi32, #tpu.memory_space<vmem>> -> memref<40xi32, #tpu.memory_space<vmem>>
        %dma_wait3A_456 = arith.constant 0 : i32
        %dma_wait3A_457 = arith.constant 0 : i32
        %dma_wait3A_458 = tpu.memref_slice %arg9[%dma_wait3A_456, %dma_wait3A_457] : memref<10000x128xf32, #tpu.memory_space<vmem_shared>> -> memref<10000x128xf32, #tpu.memory_space<vmem_shared>>
        tpu.wait_indirect_dma semaphore(%run_scoped3A_438 : memref<!tpu.dma_semaphore, #tpu.memory_space<semaphore_mem>>) src(%dma_wait3A_452 : memref<40x128xf32, #tpu.memory_space<vmem>>) dst(%dma_wait3A_458 : memref<10000x128xf32, #tpu.memory_space<vmem_shared>>)
        tpu.yield
      }) : () -> ()
      %add3A_187 = arith.constant 5 : i32
      %add3A_188 = arith.addi %add3A_171, %add3A_187 : i32
      %lt3A_189 = arith.constant 250 : i32
      %lt3A_190 = arith.cmpi slt, %add3A_188, %lt3A_189 : i32
      %convert_element_type3A_191 = arith.extui %lt3A_190 : i1 to i32
      %cond3A_192 = arith.constant 0 : i32
      %cond3A_193 = arith.cmpi ne, %convert_element_type3A_191, %cond3A_192 : i32
      scf.if %cond3A_193 {
        %mul3A_438 = arith.constant 40 : i32
        %mul3A_439 = arith.muli %add3A_188, %mul3A_438 : i32
        %dma_start3A_440 = arith.constant 0 : i32
        %dma_start3A_441 = arith.constant 0 : i32
        %dma_start3A_442 = arith.constant 0 : i32
        %dma_start3A_443 = arith.constant 0 : i32
        %dma_start3A_444 = tpu.memref_slice %arg8[%dma_start3A_440, %dma_start3A_442, %dma_start3A_443] : memref<5x40x128xf32, #tpu.memory_space<vmem>> -> memref<1x40x128xf32, #tpu.memory_space<vmem>>
        %dma_start3A_445 = tpu.memref_squeeze %dma_start3A_444 : memref<1x40x128xf32, #tpu.memory_space<vmem>> -> memref<40x128xf32, #tpu.memory_space<vmem>>
        %dma_start3A_446 = tpu.memref_slice %arg6[%mul3A_439] : memref<10000xi32, #tpu.memory_space<vmem>> -> memref<40xi32, #tpu.memory_space<vmem>>
        %dma_start3A_447 = arith.constant 0 : i32
        %dma_start3A_448 = arith.constant 0 : i32
        %dma_start3A_449 = tpu.memref_slice %arg2[%dma_start3A_447, %dma_start3A_448] : memref<10000x128xf32, #tpu.memory_space<hbm>> -> memref<10000x128xf32, #tpu.memory_space<hbm>>
        %dma_start3A_450 = tpu.memref_slice %arg10[%dma_start3A_441] : memref<5x!tpu.dma_semaphore, #tpu.memory_space<semaphore_mem>> -> memref<1x!tpu.dma_semaphore, #tpu.memory_space<semaphore_mem>>
        %dma_start3A_451 = tpu.memref_squeeze %dma_start3A_450 : memref<1x!tpu.dma_semaphore, #tpu.memory_space<semaphore_mem>> -> memref<!tpu.dma_semaphore, #tpu.memory_space<semaphore_mem>>
        tpu.enqueue_indirect_dma source(%dma_start3A_449 : memref<10000x128xf32, #tpu.memory_space<hbm>>) target(%dma_start3A_445 : memref<40x128xf32, #tpu.memory_space<vmem>>) offsets(%dma_start3A_446 : memref<40xi32, #tpu.memory_space<vmem>>) semaphore(%dma_start3A_451 : memref<!tpu.dma_semaphore, #tpu.memory_space<semaphore_mem>>)
      } else {
      }
      %mul3A_194 = arith.constant 10 : i32
      %mul3A_195 = arith.muli %scan3A_157, %mul3A_194 : i32
      %add3A_196 = arith.constant 1 : i32
      %add3A_197 = arith.addi %mul3A_195, %add3A_196 : i32
      %mul3A_198 = arith.constant 40 : i32
      %mul3A_199 = arith.muli %add3A_197, %mul3A_198 : i32
      %dma_wait3A_200 = arith.constant 1 : i32
      %dma_wait3A_201 = arith.constant 1 : i32
      %dma_wait3A_202 = arith.constant 0 : i32
      %dma_wait3A_203 = arith.constant 0 : i32
      %dma_wait3A_204 = tpu.memref_slice %arg8[%dma_wait3A_200, %dma_wait3A_202, %dma_wait3A_203] : memref<5x40x128xf32, #tpu.memory_space<vmem>> -> memref<1x40x128xf32, #tpu.memory_space<vmem>>
      %dma_wait3A_205 = tpu.memref_squeeze %dma_wait3A_204 : memref<1x40x128xf32, #tpu.memory_space<vmem>> -> memref<40x128xf32, #tpu.memory_space<vmem>>
      %dma_wait3A_206 = tpu.memref_slice %arg6[%mul3A_199] : memref<10000xi32, #tpu.memory_space<vmem>> -> memref<40xi32, #tpu.memory_space<vmem>>
      %dma_wait3A_207 = arith.constant 0 : i32
      %dma_wait3A_208 = arith.constant 0 : i32
      %dma_wait3A_209 = tpu.memref_slice %arg2[%dma_wait3A_207, %dma_wait3A_208] : memref<10000x128xf32, #tpu.memory_space<hbm>> -> memref<10000x128xf32, #tpu.memory_space<hbm>>
      %dma_wait3A_210 = tpu.memref_slice %arg10[%dma_wait3A_201] : memref<5x!tpu.dma_semaphore, #tpu.memory_space<semaphore_mem>> -> memref<1x!tpu.dma_semaphore, #tpu.memory_space<semaphore_mem>>
      %dma_wait3A_211 = tpu.memref_squeeze %dma_wait3A_210 : memref<1x!tpu.dma_semaphore, #tpu.memory_space<semaphore_mem>> -> memref<!tpu.dma_semaphore, #tpu.memory_space<semaphore_mem>>
      tpu.wait_indirect_dma semaphore(%dma_wait3A_211 : memref<!tpu.dma_semaphore, #tpu.memory_space<semaphore_mem>>) src(%dma_wait3A_209 : memref<10000x128xf32, #tpu.memory_space<hbm>>) dst(%dma_wait3A_205 : memref<40x128xf32, #tpu.memory_space<vmem>>)
      %run_scoped3A_212 = arith.constant 1 : i32
      %run_scoped3A_213 = arith.constant 1 : i32
      "tpu.region"() ({
        %run_scoped3A_438 = tpu.sem_alloc : memref<!tpu.dma_semaphore, #tpu.memory_space<semaphore_mem>>
        %dma_start3A_439 = arith.constant 0 : i32
        %dma_start3A_440 = arith.constant 0 : i32
        %dma_start3A_441 = tpu.memref_slice %arg8[%run_scoped3A_212, %dma_start3A_439, %dma_start3A_440] : memref<5x40x128xf32, #tpu.memory_space<vmem>> -> memref<1x40x128xf32, #tpu.memory_space<vmem>>
        %dma_start3A_442 = tpu.memref_squeeze %dma_start3A_441 : memref<1x40x128xf32, #tpu.memory_space<vmem>> -> memref<40x128xf32, #tpu.memory_space<vmem>>
        %dma_start3A_443 = arith.constant 0 : i32
        %dma_start3A_444 = tpu.memref_slice %arg7[%rem3A_159, %run_scoped3A_213, %dma_start3A_443] : memref<2x10x40xi32, #tpu.memory_space<vmem>> -> memref<1x1x40xi32, #tpu.memory_space<vmem>>
        %dma_start3A_445 = tpu.memref_squeeze %dma_start3A_444 : memref<1x1x40xi32, #tpu.memory_space<vmem>> -> memref<40xi32, #tpu.memory_space<vmem>>
        %dma_start3A_446 = arith.constant 0 : i32
        %dma_start3A_447 = arith.constant 0 : i32
        %dma_start3A_448 = tpu.memref_slice %arg9[%dma_start3A_446, %dma_start3A_447] : memref<10000x128xf32, #tpu.memory_space<vmem_shared>> -> memref<10000x128xf32, #tpu.memory_space<vmem_shared>>
        tpu.enqueue_indirect_dma source(%dma_start3A_442 : memref<40x128xf32, #tpu.memory_space<vmem>>) target(%dma_start3A_448 : memref<10000x128xf32, #tpu.memory_space<vmem_shared>>) offsets(%dma_start3A_445 : memref<40xi32, #tpu.memory_space<vmem>>) semaphore(%run_scoped3A_438 : memref<!tpu.dma_semaphore, #tpu.memory_space<semaphore_mem>>) {add = true}
        %dma_wait3A_449 = arith.constant 0 : i32
        %dma_wait3A_450 = arith.constant 0 : i32
        %dma_wait3A_451 = tpu.memref_slice %arg8[%run_scoped3A_212, %dma_wait3A_449, %dma_wait3A_450] : memref<5x40x128xf32, #tpu.memory_space<vmem>> -> memref<1x40x128xf32, #tpu.memory_space<vmem>>
        %dma_wait3A_452 = tpu.memref_squeeze %dma_wait3A_451 : memref<1x40x128xf32, #tpu.memory_space<vmem>> -> memref<40x128xf32, #tpu.memory_space<vmem>>
        %dma_wait3A_453 = arith.constant 0 : i32
        %dma_wait3A_454 = tpu.memref_slice %arg7[%rem3A_159, %run_scoped3A_213, %dma_wait3A_453] : memref<2x10x40xi32, #tpu.memory_space<vmem>> -> memref<1x1x40xi32, #tpu.memory_space<vmem>>
        %dma_wait3A_455 = tpu.memref_squeeze %dma_wait3A_454 : memref<1x1x40xi32, #tpu.memory_space<vmem>> -> memref<40xi32, #tpu.memory_space<vmem>>
        %dma_wait3A_456 = arith.constant 0 : i32
        %dma_wait3A_457 = arith.constant 0 : i32
        %dma_wait3A_458 = tpu.memref_slice %arg9[%dma_wait3A_456, %dma_wait3A_457] : memref<10000x128xf32, #tpu.memory_space<vmem_shared>> -> memref<10000x128xf32, #tpu.memory_space<vmem_shared>>
        tpu.wait_indirect_dma semaphore(%run_scoped3A_438 : memref<!tpu.dma_semaphore, #tpu.memory_space<semaphore_mem>>) src(%dma_wait3A_452 : memref<40x128xf32, #tpu.memory_space<vmem>>) dst(%dma_wait3A_458 : memref<10000x128xf32, #tpu.memory_space<vmem_shared>>)
        tpu.yield
      }) : () -> ()
      %add3A_214 = arith.constant 5 : i32
      %add3A_215 = arith.addi %add3A_197, %add3A_214 : i32
      %lt3A_216 = arith.constant 250 : i32
      %lt3A_217 = arith.cmpi slt, %add3A_215, %lt3A_216 : i32
      %convert_element_type3A_218 = arith.extui %lt3A_217 : i1 to i32
      %cond3A_219 = arith.constant 0 : i32
      %cond3A_220 = arith.cmpi ne, %convert_element_type3A_218, %cond3A_219 : i32
      scf.if %cond3A_220 {
        %mul3A_438 = arith.constant 40 : i32
        %mul3A_439 = arith.muli %add3A_215, %mul3A_438 : i32
        %dma_start3A_440 = arith.constant 1 : i32
        %dma_start3A_441 = arith.constant 1 : i32
        %dma_start3A_442 = arith.constant 0 : i32
        %dma_start3A_443 = arith.constant 0 : i32
        %dma_start3A_444 = tpu.memref_slice %arg8[%dma_start3A_440, %dma_start3A_442, %dma_start3A_443] : memref<5x40x128xf32, #tpu.memory_space<vmem>> -> memref<1x40x128xf32, #tpu.memory_space<vmem>>
        %dma_start3A_445 = tpu.memref_squeeze %dma_start3A_444 : memref<1x40x128xf32, #tpu.memory_space<vmem>> -> memref<40x128xf32, #tpu.memory_space<vmem>>
        %dma_start3A_446 = tpu.memref_slice %arg6[%mul3A_439] : memref<10000xi32, #tpu.memory_space<vmem>> -> memref<40xi32, #tpu.memory_space<vmem>>
        %dma_start3A_447 = arith.constant 0 : i32
        %dma_start3A_448 = arith.constant 0 : i32
        %dma_start3A_449 = tpu.memref_slice %arg2[%dma_start3A_447, %dma_start3A_448] : memref<10000x128xf32, #tpu.memory_space<hbm>> -> memref<10000x128xf32, #tpu.memory_space<hbm>>
        %dma_start3A_450 = tpu.memref_slice %arg10[%dma_start3A_441] : memref<5x!tpu.dma_semaphore, #tpu.memory_space<semaphore_mem>> -> memref<1x!tpu.dma_semaphore, #tpu.memory_space<semaphore_mem>>
        %dma_start3A_451 = tpu.memref_squeeze %dma_start3A_450 : memref<1x!tpu.dma_semaphore, #tpu.memory_space<semaphore_mem>> -> memref<!tpu.dma_semaphore, #tpu.memory_space<semaphore_mem>>
        tpu.enqueue_indirect_dma source(%dma_start3A_449 : memref<10000x128xf32, #tpu.memory_space<hbm>>) target(%dma_start3A_445 : memref<40x128xf32, #tpu.memory_space<vmem>>) offsets(%dma_start3A_446 : memref<40xi32, #tpu.memory_space<vmem>>) semaphore(%dma_start3A_451 : memref<!tpu.dma_semaphore, #tpu.memory_space<semaphore_mem>>)
      } else {
      }
      %mul3A_221 = arith.constant 10 : i32
      %mul3A_222 = arith.muli %scan3A_157, %mul3A_221 : i32
      %add3A_223 = arith.constant 2 : i32
      %add3A_224 = arith.addi %mul3A_222, %add3A_223 : i32
      %mul3A_225 = arith.constant 40 : i32
      %mul3A_226 = arith.muli %add3A_224, %mul3A_225 : i32
      %dma_wait3A_227 = arith.constant 2 : i32
      %dma_wait3A_228 = arith.constant 2 : i32
      %dma_wait3A_229 = arith.constant 0 : i32
      %dma_wait3A_230 = arith.constant 0 : i32
      %dma_wait3A_231 = tpu.memref_slice %arg8[%dma_wait3A_227, %dma_wait3A_229, %dma_wait3A_230] : memref<5x40x128xf32, #tpu.memory_space<vmem>> -> memref<1x40x128xf32, #tpu.memory_space<vmem>>
      %dma_wait3A_232 = tpu.memref_squeeze %dma_wait3A_231 : memref<1x40x128xf32, #tpu.memory_space<vmem>> -> memref<40x128xf32, #tpu.memory_space<vmem>>
      %dma_wait3A_233 = tpu.memref_slice %arg6[%mul3A_226] : memref<10000xi32, #tpu.memory_space<vmem>> -> memref<40xi32, #tpu.memory_space<vmem>>
      %dma_wait3A_234 = arith.constant 0 : i32
      %dma_wait3A_235 = arith.constant 0 : i32
      %dma_wait3A_236 = tpu.memref_slice %arg2[%dma_wait3A_234, %dma_wait3A_235] : memref<10000x128xf32, #tpu.memory_space<hbm>> -> memref<10000x128xf32, #tpu.memory_space<hbm>>
      %dma_wait3A_237 = tpu.memref_slice %arg10[%dma_wait3A_228] : memref<5x!tpu.dma_semaphore, #tpu.memory_space<semaphore_mem>> -> memref<1x!tpu.dma_semaphore, #tpu.memory_space<semaphore_mem>>
      %dma_wait3A_238 = tpu.memref_squeeze %dma_wait3A_237 : memref<1x!tpu.dma_semaphore, #tpu.memory_space<semaphore_mem>> -> memref<!tpu.dma_semaphore, #tpu.memory_space<semaphore_mem>>
      tpu.wait_indirect_dma semaphore(%dma_wait3A_238 : memref<!tpu.dma_semaphore, #tpu.memory_space<semaphore_mem>>) src(%dma_wait3A_236 : memref<10000x128xf32, #tpu.memory_space<hbm>>) dst(%dma_wait3A_232 : memref<40x128xf32, #tpu.memory_space<vmem>>)
      %run_scoped3A_239 = arith.constant 2 : i32
      %run_scoped3A_240 = arith.constant 2 : i32
      "tpu.region"() ({
        %run_scoped3A_438 = tpu.sem_alloc : memref<!tpu.dma_semaphore, #tpu.memory_space<semaphore_mem>>
        %dma_start3A_439 = arith.constant 0 : i32
        %dma_start3A_440 = arith.constant 0 : i32
        %dma_start3A_441 = tpu.memref_slice %arg8[%run_scoped3A_239, %dma_start3A_439, %dma_start3A_440] : memref<5x40x128xf32, #tpu.memory_space<vmem>> -> memref<1x40x128xf32, #tpu.memory_space<vmem>>
        %dma_start3A_442 = tpu.memref_squeeze %dma_start3A_441 : memref<1x40x128xf32, #tpu.memory_space<vmem>> -> memref<40x128xf32, #tpu.memory_space<vmem>>
        %dma_start3A_443 = arith.constant 0 : i32
        %dma_start3A_444 = tpu.memref_slice %arg7[%rem3A_159, %run_scoped3A_240, %dma_start3A_443] : memref<2x10x40xi32, #tpu.memory_space<vmem>> -> memref<1x1x40xi32, #tpu.memory_space<vmem>>
        %dma_start3A_445 = tpu.memref_squeeze %dma_start3A_444 : memref<1x1x40xi32, #tpu.memory_space<vmem>> -> memref<40xi32, #tpu.memory_space<vmem>>
        %dma_start3A_446 = arith.constant 0 : i32
        %dma_start3A_447 = arith.constant 0 : i32
        %dma_start3A_448 = tpu.memref_slice %arg9[%dma_start3A_446, %dma_start3A_447] : memref<10000x128xf32, #tpu.memory_space<vmem_shared>> -> memref<10000x128xf32, #tpu.memory_space<vmem_shared>>
        tpu.enqueue_indirect_dma source(%dma_start3A_442 : memref<40x128xf32, #tpu.memory_space<vmem>>) target(%dma_start3A_448 : memref<10000x128xf32, #tpu.memory_space<vmem_shared>>) offsets(%dma_start3A_445 : memref<40xi32, #tpu.memory_space<vmem>>) semaphore(%run_scoped3A_438 : memref<!tpu.dma_semaphore, #tpu.memory_space<semaphore_mem>>) {add = true}
        %dma_wait3A_449 = arith.constant 0 : i32
        %dma_wait3A_450 = arith.constant 0 : i32
        %dma_wait3A_451 = tpu.memref_slice %arg8[%run_scoped3A_239, %dma_wait3A_449, %dma_wait3A_450] : memref<5x40x128xf32, #tpu.memory_space<vmem>> -> memref<1x40x128xf32, #tpu.memory_space<vmem>>
        %dma_wait3A_452 = tpu.memref_squeeze %dma_wait3A_451 : memref<1x40x128xf32, #tpu.memory_space<vmem>> -> memref<40x128xf32, #tpu.memory_space<vmem>>
        %dma_wait3A_453 = arith.constant 0 : i32
        %dma_wait3A_454 = tpu.memref_slice %arg7[%rem3A_159, %run_scoped3A_240, %dma_wait3A_453] : memref<2x10x40xi32, #tpu.memory_space<vmem>> -> memref<1x1x40xi32, #tpu.memory_space<vmem>>
        %dma_wait3A_455 = tpu.memref_squeeze %dma_wait3A_454 : memref<1x1x40xi32, #tpu.memory_space<vmem>> -> memref<40xi32, #tpu.memory_space<vmem>>
        %dma_wait3A_456 = arith.constant 0 : i32
        %dma_wait3A_457 = arith.constant 0 : i32
        %dma_wait3A_458 = tpu.memref_slice %arg9[%dma_wait3A_456, %dma_wait3A_457] : memref<10000x128xf32, #tpu.memory_space<vmem_shared>> -> memref<10000x128xf32, #tpu.memory_space<vmem_shared>>
        tpu.wait_indirect_dma semaphore(%run_scoped3A_438 : memref<!tpu.dma_semaphore, #tpu.memory_space<semaphore_mem>>) src(%dma_wait3A_452 : memref<40x128xf32, #tpu.memory_space<vmem>>) dst(%dma_wait3A_458 : memref<10000x128xf32, #tpu.memory_space<vmem_shared>>)
        tpu.yield
      }) : () -> ()
      %add3A_241 = arith.constant 5 : i32
      %add3A_242 = arith.addi %add3A_224, %add3A_241 : i32
      %lt3A_243 = arith.constant 250 : i32
      %lt3A_244 = arith.cmpi slt, %add3A_242, %lt3A_243 : i32
      %convert_element_type3A_245 = arith.extui %lt3A_244 : i1 to i32
      %cond3A_246 = arith.constant 0 : i32
      %cond3A_247 = arith.cmpi ne, %convert_element_type3A_245, %cond3A_246 : i32
      scf.if %cond3A_247 {
        %mul3A_438 = arith.constant 40 : i32
        %mul3A_439 = arith.muli %add3A_242, %mul3A_438 : i32
        %dma_start3A_440 = arith.constant 2 : i32
        %dma_start3A_441 = arith.constant 2 : i32
        %dma_start3A_442 = arith.constant 0 : i32
        %dma_start3A_443 = arith.constant 0 : i32
        %dma_start3A_444 = tpu.memref_slice %arg8[%dma_start3A_440, %dma_start3A_442, %dma_start3A_443] : memref<5x40x128xf32, #tpu.memory_space<vmem>> -> memref<1x40x128xf32, #tpu.memory_space<vmem>>
        %dma_start3A_445 = tpu.memref_squeeze %dma_start3A_444 : memref<1x40x128xf32, #tpu.memory_space<vmem>> -> memref<40x128xf32, #tpu.memory_space<vmem>>
        %dma_start3A_446 = tpu.memref_slice %arg6[%mul3A_439] : memref<10000xi32, #tpu.memory_space<vmem>> -> memref<40xi32, #tpu.memory_space<vmem>>
        %dma_start3A_447 = arith.constant 0 : i32
        %dma_start3A_448 = arith.constant 0 : i32
        %dma_start3A_449 = tpu.memref_slice %arg2[%dma_start3A_447, %dma_start3A_448] : memref<10000x128xf32, #tpu.memory_space<hbm>> -> memref<10000x128xf32, #tpu.memory_space<hbm>>
        %dma_start3A_450 = tpu.memref_slice %arg10[%dma_start3A_441] : memref<5x!tpu.dma_semaphore, #tpu.memory_space<semaphore_mem>> -> memref<1x!tpu.dma_semaphore, #tpu.memory_space<semaphore_mem>>
        %dma_start3A_451 = tpu.memref_squeeze %dma_start3A_450 : memref<1x!tpu.dma_semaphore, #tpu.memory_space<semaphore_mem>> -> memref<!tpu.dma_semaphore, #tpu.memory_space<semaphore_mem>>
        tpu.enqueue_indirect_dma source(%dma_start3A_449 : memref<10000x128xf32, #tpu.memory_space<hbm>>) target(%dma_start3A_445 : memref<40x128xf32, #tpu.memory_space<vmem>>) offsets(%dma_start3A_446 : memref<40xi32, #tpu.memory_space<vmem>>) semaphore(%dma_start3A_451 : memref<!tpu.dma_semaphore, #tpu.memory_space<semaphore_mem>>)
      } else {
      }
      %mul3A_248 = arith.constant 10 : i32
      %mul3A_249 = arith.muli %scan3A_157, %mul3A_248 : i32
      %add3A_250 = arith.constant 3 : i32
      %add3A_251 = arith.addi %mul3A_249, %add3A_250 : i32
      %mul3A_252 = arith.constant 40 : i32
      %mul3A_253 = arith.muli %add3A_251, %mul3A_252 : i32
      %dma_wait3A_254 = arith.constant 3 : i32
      %dma_wait3A_255 = arith.constant 3 : i32
      %dma_wait3A_256 = arith.constant 0 : i32
      %dma_wait3A_257 = arith.constant 0 : i32
      %dma_wait3A_258 = tpu.memref_slice %arg8[%dma_wait3A_254, %dma_wait3A_256, %dma_wait3A_257] : memref<5x40x128xf32, #tpu.memory_space<vmem>> -> memref<1x40x128xf32, #tpu.memory_space<vmem>>
      %dma_wait3A_259 = tpu.memref_squeeze %dma_wait3A_258 : memref<1x40x128xf32, #tpu.memory_space<vmem>> -> memref<40x128xf32, #tpu.memory_space<vmem>>
      %dma_wait3A_260 = tpu.memref_slice %arg6[%mul3A_253] : memref<10000xi32, #tpu.memory_space<vmem>> -> memref<40xi32, #tpu.memory_space<vmem>>
      %dma_wait3A_261 = arith.constant 0 : i32
      %dma_wait3A_262 = arith.constant 0 : i32
      %dma_wait3A_263 = tpu.memref_slice %arg2[%dma_wait3A_261, %dma_wait3A_262] : memref<10000x128xf32, #tpu.memory_space<hbm>> -> memref<10000x128xf32, #tpu.memory_space<hbm>>
      %dma_wait3A_264 = tpu.memref_slice %arg10[%dma_wait3A_255] : memref<5x!tpu.dma_semaphore, #tpu.memory_space<semaphore_mem>> -> memref<1x!tpu.dma_semaphore, #tpu.memory_space<semaphore_mem>>
      %dma_wait3A_265 = tpu.memref_squeeze %dma_wait3A_264 : memref<1x!tpu.dma_semaphore, #tpu.memory_space<semaphore_mem>> -> memref<!tpu.dma_semaphore, #tpu.memory_space<semaphore_mem>>
      tpu.wait_indirect_dma semaphore(%dma_wait3A_265 : memref<!tpu.dma_semaphore, #tpu.memory_space<semaphore_mem>>) src(%dma_wait3A_263 : memref<10000x128xf32, #tpu.memory_space<hbm>>) dst(%dma_wait3A_259 : memref<40x128xf32, #tpu.memory_space<vmem>>)
      %run_scoped3A_266 = arith.constant 3 : i32
      %run_scoped3A_267 = arith.constant 3 : i32
      "tpu.region"() ({
        %run_scoped3A_438 = tpu.sem_alloc : memref<!tpu.dma_semaphore, #tpu.memory_space<semaphore_mem>>
        %dma_start3A_439 = arith.constant 0 : i32
        %dma_start3A_440 = arith.constant 0 : i32
        %dma_start3A_441 = tpu.memref_slice %arg8[%run_scoped3A_266, %dma_start3A_439, %dma_start3A_440] : memref<5x40x128xf32, #tpu.memory_space<vmem>> -> memref<1x40x128xf32, #tpu.memory_space<vmem>>
        %dma_start3A_442 = tpu.memref_squeeze %dma_start3A_441 : memref<1x40x128xf32, #tpu.memory_space<vmem>> -> memref<40x128xf32, #tpu.memory_space<vmem>>
        %dma_start3A_443 = arith.constant 0 : i32
        %dma_start3A_444 = tpu.memref_slice %arg7[%rem3A_159, %run_scoped3A_267, %dma_start3A_443] : memref<2x10x40xi32, #tpu.memory_space<vmem>> -> memref<1x1x40xi32, #tpu.memory_space<vmem>>
        %dma_start3A_445 = tpu.memref_squeeze %dma_start3A_444 : memref<1x1x40xi32, #tpu.memory_space<vmem>> -> memref<40xi32, #tpu.memory_space<vmem>>
        %dma_start3A_446 = arith.constant 0 : i32
        %dma_start3A_447 = arith.constant 0 : i32
        %dma_start3A_448 = tpu.memref_slice %arg9[%dma_start3A_446, %dma_start3A_447] : memref<10000x128xf32, #tpu.memory_space<vmem_shared>> -> memref<10000x128xf32, #tpu.memory_space<vmem_shared>>
        tpu.enqueue_indirect_dma source(%dma_start3A_442 : memref<40x128xf32, #tpu.memory_space<vmem>>) target(%dma_start3A_448 : memref<10000x128xf32, #tpu.memory_space<vmem_shared>>) offsets(%dma_start3A_445 : memref<40xi32, #tpu.memory_space<vmem>>) semaphore(%run_scoped3A_438 : memref<!tpu.dma_semaphore, #tpu.memory_space<semaphore_mem>>) {add = true}
        %dma_wait3A_449 = arith.constant 0 : i32
        %dma_wait3A_450 = arith.constant 0 : i32
        %dma_wait3A_451 = tpu.memref_slice %arg8[%run_scoped3A_266, %dma_wait3A_449, %dma_wait3A_450] : memref<5x40x128xf32, #tpu.memory_space<vmem>> -> memref<1x40x128xf32, #tpu.memory_space<vmem>>
        %dma_wait3A_452 = tpu.memref_squeeze %dma_wait3A_451 : memref<1x40x128xf32, #tpu.memory_space<vmem>> -> memref<40x128xf32, #tpu.memory_space<vmem>>
        %dma_wait3A_453 = arith.constant 0 : i32
        %dma_wait3A_454 = tpu.memref_slice %arg7[%rem3A_159, %run_scoped3A_267, %dma_wait3A_453] : memref<2x10x40xi32, #tpu.memory_space<vmem>> -> memref<1x1x40xi32, #tpu.memory_space<vmem>>
        %dma_wait3A_455 = tpu.memref_squeeze %dma_wait3A_454 : memref<1x1x40xi32, #tpu.memory_space<vmem>> -> memref<40xi32, #tpu.memory_space<vmem>>
        %dma_wait3A_456 = arith.constant 0 : i32
        %dma_wait3A_457 = arith.constant 0 : i32
        %dma_wait3A_458 = tpu.memref_slice %arg9[%dma_wait3A_456, %dma_wait3A_457] : memref<10000x128xf32, #tpu.memory_space<vmem_shared>> -> memref<10000x128xf32, #tpu.memory_space<vmem_shared>>
        tpu.wait_indirect_dma semaphore(%run_scoped3A_438 : memref<!tpu.dma_semaphore, #tpu.memory_space<semaphore_mem>>) src(%dma_wait3A_452 : memref<40x128xf32, #tpu.memory_space<vmem>>) dst(%dma_wait3A_458 : memref<10000x128xf32, #tpu.memory_space<vmem_shared>>)
        tpu.yield
      }) : () -> ()
      %add3A_268 = arith.constant 5 : i32
      %add3A_269 = arith.addi %add3A_251, %add3A_268 : i32
      %lt3A_270 = arith.constant 250 : i32
      %lt3A_271 = arith.cmpi slt, %add3A_269, %lt3A_270 : i32
      %convert_element_type3A_272 = arith.extui %lt3A_271 : i1 to i32
      %cond3A_273 = arith.constant 0 : i32
      %cond3A_274 = arith.cmpi ne, %convert_element_type3A_272, %cond3A_273 : i32
      scf.if %cond3A_274 {
        %mul3A_438 = arith.constant 40 : i32
        %mul3A_439 = arith.muli %add3A_269, %mul3A_438 : i32
        %dma_start3A_440 = arith.constant 3 : i32
        %dma_start3A_441 = arith.constant 3 : i32
        %dma_start3A_442 = arith.constant 0 : i32
        %dma_start3A_443 = arith.constant 0 : i32
        %dma_start3A_444 = tpu.memref_slice %arg8[%dma_start3A_440, %dma_start3A_442, %dma_start3A_443] : memref<5x40x128xf32, #tpu.memory_space<vmem>> -> memref<1x40x128xf32, #tpu.memory_space<vmem>>
        %dma_start3A_445 = tpu.memref_squeeze %dma_start3A_444 : memref<1x40x128xf32, #tpu.memory_space<vmem>> -> memref<40x128xf32, #tpu.memory_space<vmem>>
        %dma_start3A_446 = tpu.memref_slice %arg6[%mul3A_439] : memref<10000xi32, #tpu.memory_space<vmem>> -> memref<40xi32, #tpu.memory_space<vmem>>
        %dma_start3A_447 = arith.constant 0 : i32
        %dma_start3A_448 = arith.constant 0 : i32
        %dma_start3A_449 = tpu.memref_slice %arg2[%dma_start3A_447, %dma_start3A_448] : memref<10000x128xf32, #tpu.memory_space<hbm>> -> memref<10000x128xf32, #tpu.memory_space<hbm>>
        %dma_start3A_450 = tpu.memref_slice %arg10[%dma_start3A_441] : memref<5x!tpu.dma_semaphore, #tpu.memory_space<semaphore_mem>> -> memref<1x!tpu.dma_semaphore, #tpu.memory_space<semaphore_mem>>
        %dma_start3A_451 = tpu.memref_squeeze %dma_start3A_450 : memref<1x!tpu.dma_semaphore, #tpu.memory_space<semaphore_mem>> -> memref<!tpu.dma_semaphore, #tpu.memory_space<semaphore_mem>>
        tpu.enqueue_indirect_dma source(%dma_start3A_449 : memref<10000x128xf32, #tpu.memory_space<hbm>>) target(%dma_start3A_445 : memref<40x128xf32, #tpu.memory_space<vmem>>) offsets(%dma_start3A_446 : memref<40xi32, #tpu.memory_space<vmem>>) semaphore(%dma_start3A_451 : memref<!tpu.dma_semaphore, #tpu.memory_space<semaphore_mem>>)
      } else {
      }
      %mul3A_275 = arith.constant 10 : i32
      %mul3A_276 = arith.muli %scan3A_157, %mul3A_275 : i32
      %add3A_277 = arith.constant 4 : i32
      %add3A_278 = arith.addi %mul3A_276, %add3A_277 : i32
      %mul3A_279 = arith.constant 40 : i32
      %mul3A_280 = arith.muli %add3A_278, %mul3A_279 : i32
      %dma_wait3A_281 = arith.constant 4 : i32
      %dma_wait3A_282 = arith.constant 4 : i32
      %dma_wait3A_283 = arith.constant 0 : i32
      %dma_wait3A_284 = arith.constant 0 : i32
      %dma_wait3A_285 = tpu.memref_slice %arg8[%dma_wait3A_281, %dma_wait3A_283, %dma_wait3A_284] : memref<5x40x128xf32, #tpu.memory_space<vmem>> -> memref<1x40x128xf32, #tpu.memory_space<vmem>>
      %dma_wait3A_286 = tpu.memref_squeeze %dma_wait3A_285 : memref<1x40x128xf32, #tpu.memory_space<vmem>> -> memref<40x128xf32, #tpu.memory_space<vmem>>
      %dma_wait3A_287 = tpu.memref_slice %arg6[%mul3A_280] : memref<10000xi32, #tpu.memory_space<vmem>> -> memref<40xi32, #tpu.memory_space<vmem>>
      %dma_wait3A_288 = arith.constant 0 : i32
      %dma_wait3A_289 = arith.constant 0 : i32
      %dma_wait3A_290 = tpu.memref_slice %arg2[%dma_wait3A_288, %dma_wait3A_289] : memref<10000x128xf32, #tpu.memory_space<hbm>> -> memref<10000x128xf32, #tpu.memory_space<hbm>>
      %dma_wait3A_291 = tpu.memref_slice %arg10[%dma_wait3A_282] : memref<5x!tpu.dma_semaphore, #tpu.memory_space<semaphore_mem>> -> memref<1x!tpu.dma_semaphore, #tpu.memory_space<semaphore_mem>>
      %dma_wait3A_292 = tpu.memref_squeeze %dma_wait3A_291 : memref<1x!tpu.dma_semaphore, #tpu.memory_space<semaphore_mem>> -> memref<!tpu.dma_semaphore, #tpu.memory_space<semaphore_mem>>
      tpu.wait_indirect_dma semaphore(%dma_wait3A_292 : memref<!tpu.dma_semaphore, #tpu.memory_space<semaphore_mem>>) src(%dma_wait3A_290 : memref<10000x128xf32, #tpu.memory_space<hbm>>) dst(%dma_wait3A_286 : memref<40x128xf32, #tpu.memory_space<vmem>>)
      %run_scoped3A_293 = arith.constant 4 : i32
      %run_scoped3A_294 = arith.constant 4 : i32
      "tpu.region"() ({
        %run_scoped3A_438 = tpu.sem_alloc : memref<!tpu.dma_semaphore, #tpu.memory_space<semaphore_mem>>
        %dma_start3A_439 = arith.constant 0 : i32
        %dma_start3A_440 = arith.constant 0 : i32
        %dma_start3A_441 = tpu.memref_slice %arg8[%run_scoped3A_293, %dma_start3A_439, %dma_start3A_440] : memref<5x40x128xf32, #tpu.memory_space<vmem>> -> memref<1x40x128xf32, #tpu.memory_space<vmem>>
        %dma_start3A_442 = tpu.memref_squeeze %dma_start3A_441 : memref<1x40x128xf32, #tpu.memory_space<vmem>> -> memref<40x128xf32, #tpu.memory_space<vmem>>
        %dma_start3A_443 = arith.constant 0 : i32
        %dma_start3A_444 = tpu.memref_slice %arg7[%rem3A_159, %run_scoped3A_294, %dma_start3A_443] : memref<2x10x40xi32, #tpu.memory_space<vmem>> -> memref<1x1x40xi32, #tpu.memory_space<vmem>>
        %dma_start3A_445 = tpu.memref_squeeze %dma_start3A_444 : memref<1x1x40xi32, #tpu.memory_space<vmem>> -> memref<40xi32, #tpu.memory_space<vmem>>
        %dma_start3A_446 = arith.constant 0 : i32
        %dma_start3A_447 = arith.constant 0 : i32
        %dma_start3A_448 = tpu.memref_slice %arg9[%dma_start3A_446, %dma_start3A_447] : memref<10000x128xf32, #tpu.memory_space<vmem_shared>> -> memref<10000x128xf32, #tpu.memory_space<vmem_shared>>
        tpu.enqueue_indirect_dma source(%dma_start3A_442 : memref<40x128xf32, #tpu.memory_space<vmem>>) target(%dma_start3A_448 : memref<10000x128xf32, #tpu.memory_space<vmem_shared>>) offsets(%dma_start3A_445 : memref<40xi32, #tpu.memory_space<vmem>>) semaphore(%run_scoped3A_438 : memref<!tpu.dma_semaphore, #tpu.memory_space<semaphore_mem>>) {add = true}
        %dma_wait3A_449 = arith.constant 0 : i32
        %dma_wait3A_450 = arith.constant 0 : i32
        %dma_wait3A_451 = tpu.memref_slice %arg8[%run_scoped3A_293, %dma_wait3A_449, %dma_wait3A_450] : memref<5x40x128xf32, #tpu.memory_space<vmem>> -> memref<1x40x128xf32, #tpu.memory_space<vmem>>
        %dma_wait3A_452 = tpu.memref_squeeze %dma_wait3A_451 : memref<1x40x128xf32, #tpu.memory_space<vmem>> -> memref<40x128xf32, #tpu.memory_space<vmem>>
        %dma_wait3A_453 = arith.constant 0 : i32
        %dma_wait3A_454 = tpu.memref_slice %arg7[%rem3A_159, %run_scoped3A_294, %dma_wait3A_453] : memref<2x10x40xi32, #tpu.memory_space<vmem>> -> memref<1x1x40xi32, #tpu.memory_space<vmem>>
        %dma_wait3A_455 = tpu.memref_squeeze %dma_wait3A_454 : memref<1x1x40xi32, #tpu.memory_space<vmem>> -> memref<40xi32, #tpu.memory_space<vmem>>
        %dma_wait3A_456 = arith.constant 0 : i32
        %dma_wait3A_457 = arith.constant 0 : i32
        %dma_wait3A_458 = tpu.memref_slice %arg9[%dma_wait3A_456, %dma_wait3A_457] : memref<10000x128xf32, #tpu.memory_space<vmem_shared>> -> memref<10000x128xf32, #tpu.memory_space<vmem_shared>>
        tpu.wait_indirect_dma semaphore(%run_scoped3A_438 : memref<!tpu.dma_semaphore, #tpu.memory_space<semaphore_mem>>) src(%dma_wait3A_452 : memref<40x128xf32, #tpu.memory_space<vmem>>) dst(%dma_wait3A_458 : memref<10000x128xf32, #tpu.memory_space<vmem_shared>>)
        tpu.yield
      }) : () -> ()
      %add3A_295 = arith.constant 5 : i32
      %add3A_296 = arith.addi %add3A_278, %add3A_295 : i32
      %lt3A_297 = arith.constant 250 : i32
      %lt3A_298 = arith.cmpi slt, %add3A_296, %lt3A_297 : i32
      %convert_element_type3A_299 = arith.extui %lt3A_298 : i1 to i32
      %cond3A_300 = arith.constant 0 : i32
      %cond3A_301 = arith.cmpi ne, %convert_element_type3A_299, %cond3A_300 : i32
      scf.if %cond3A_301 {
        %mul3A_438 = arith.constant 40 : i32
        %mul3A_439 = arith.muli %add3A_296, %mul3A_438 : i32
        %dma_start3A_440 = arith.constant 4 : i32
        %dma_start3A_441 = arith.constant 4 : i32
        %dma_start3A_442 = arith.constant 0 : i32
        %dma_start3A_443 = arith.constant 0 : i32
        %dma_start3A_444 = tpu.memref_slice %arg8[%dma_start3A_440, %dma_start3A_442, %dma_start3A_443] : memref<5x40x128xf32, #tpu.memory_space<vmem>> -> memref<1x40x128xf32, #tpu.memory_space<vmem>>
        %dma_start3A_445 = tpu.memref_squeeze %dma_start3A_444 : memref<1x40x128xf32, #tpu.memory_space<vmem>> -> memref<40x128xf32, #tpu.memory_space<vmem>>
        %dma_start3A_446 = tpu.memref_slice %arg6[%mul3A_439] : memref<10000xi32, #tpu.memory_space<vmem>> -> memref<40xi32, #tpu.memory_space<vmem>>
        %dma_start3A_447 = arith.constant 0 : i32
        %dma_start3A_448 = arith.constant 0 : i32
        %dma_start3A_449 = tpu.memref_slice %arg2[%dma_start3A_447, %dma_start3A_448] : memref<10000x128xf32, #tpu.memory_space<hbm>> -> memref<10000x128xf32, #tpu.memory_space<hbm>>
        %dma_start3A_450 = tpu.memref_slice %arg10[%dma_start3A_441] : memref<5x!tpu.dma_semaphore, #tpu.memory_space<semaphore_mem>> -> memref<1x!tpu.dma_semaphore, #tpu.memory_space<semaphore_mem>>
        %dma_start3A_451 = tpu.memref_squeeze %dma_start3A_450 : memref<1x!tpu.dma_semaphore, #tpu.memory_space<semaphore_mem>> -> memref<!tpu.dma_semaphore, #tpu.memory_space<semaphore_mem>>
        tpu.enqueue_indirect_dma source(%dma_start3A_449 : memref<10000x128xf32, #tpu.memory_space<hbm>>) target(%dma_start3A_445 : memref<40x128xf32, #tpu.memory_space<vmem>>) offsets(%dma_start3A_446 : memref<40xi32, #tpu.memory_space<vmem>>) semaphore(%dma_start3A_451 : memref<!tpu.dma_semaphore, #tpu.memory_space<semaphore_mem>>)
      } else {
      }
      %mul3A_302 = arith.constant 10 : i32
      %mul3A_303 = arith.muli %scan3A_157, %mul3A_302 : i32
      %add3A_304 = arith.constant 5 : i32
      %add3A_305 = arith.addi %mul3A_303, %add3A_304 : i32
      %mul3A_306 = arith.constant 40 : i32
      %mul3A_307 = arith.muli %add3A_305, %mul3A_306 : i32
      %dma_wait3A_308 = arith.constant 0 : i32
      %dma_wait3A_309 = arith.constant 0 : i32
      %dma_wait3A_310 = arith.constant 0 : i32
      %dma_wait3A_311 = arith.constant 0 : i32
      %dma_wait3A_312 = tpu.memref_slice %arg8[%dma_wait3A_308, %dma_wait3A_310, %dma_wait3A_311] : memref<5x40x128xf32, #tpu.memory_space<vmem>> -> memref<1x40x128xf32, #tpu.memory_space<vmem>>
      %dma_wait3A_313 = tpu.memref_squeeze %dma_wait3A_312 : memref<1x40x128xf32, #tpu.memory_space<vmem>> -> memref<40x128xf32, #tpu.memory_space<vmem>>
      %dma_wait3A_314 = tpu.memref_slice %arg6[%mul3A_307] : memref<10000xi32, #tpu.memory_space<vmem>> -> memref<40xi32, #tpu.memory_space<vmem>>
      %dma_wait3A_315 = arith.constant 0 : i32
      %dma_wait3A_316 = arith.constant 0 : i32
      %dma_wait3A_317 = tpu.memref_slice %arg2[%dma_wait3A_315, %dma_wait3A_316] : memref<10000x128xf32, #tpu.memory_space<hbm>> -> memref<10000x128xf32, #tpu.memory_space<hbm>>
      %dma_wait3A_318 = tpu.memref_slice %arg10[%dma_wait3A_309] : memref<5x!tpu.dma_semaphore, #tpu.memory_space<semaphore_mem>> -> memref<1x!tpu.dma_semaphore, #tpu.memory_space<semaphore_mem>>
      %dma_wait3A_319 = tpu.memref_squeeze %dma_wait3A_318 : memref<1x!tpu.dma_semaphore, #tpu.memory_space<semaphore_mem>> -> memref<!tpu.dma_semaphore, #tpu.memory_space<semaphore_mem>>
      tpu.wait_indirect_dma semaphore(%dma_wait3A_319 : memref<!tpu.dma_semaphore, #tpu.memory_space<semaphore_mem>>) src(%dma_wait3A_317 : memref<10000x128xf32, #tpu.memory_space<hbm>>) dst(%dma_wait3A_313 : memref<40x128xf32, #tpu.memory_space<vmem>>)
      %run_scoped3A_320 = arith.constant 0 : i32
      %run_scoped3A_321 = arith.constant 5 : i32
      "tpu.region"() ({
        %run_scoped3A_438 = tpu.sem_alloc : memref<!tpu.dma_semaphore, #tpu.memory_space<semaphore_mem>>
        %dma_start3A_439 = arith.constant 0 : i32
        %dma_start3A_440 = arith.constant 0 : i32
        %dma_start3A_441 = tpu.memref_slice %arg8[%run_scoped3A_320, %dma_start3A_439, %dma_start3A_440] : memref<5x40x128xf32, #tpu.memory_space<vmem>> -> memref<1x40x128xf32, #tpu.memory_space<vmem>>
        %dma_start3A_442 = tpu.memref_squeeze %dma_start3A_441 : memref<1x40x128xf32, #tpu.memory_space<vmem>> -> memref<40x128xf32, #tpu.memory_space<vmem>>
        %dma_start3A_443 = arith.constant 0 : i32
        %dma_start3A_444 = tpu.memref_slice %arg7[%rem3A_159, %run_scoped3A_321, %dma_start3A_443] : memref<2x10x40xi32, #tpu.memory_space<vmem>> -> memref<1x1x40xi32, #tpu.memory_space<vmem>>
        %dma_start3A_445 = tpu.memref_squeeze %dma_start3A_444 : memref<1x1x40xi32, #tpu.memory_space<vmem>> -> memref<40xi32, #tpu.memory_space<vmem>>
        %dma_start3A_446 = arith.constant 0 : i32
        %dma_start3A_447 = arith.constant 0 : i32
        %dma_start3A_448 = tpu.memref_slice %arg9[%dma_start3A_446, %dma_start3A_447] : memref<10000x128xf32, #tpu.memory_space<vmem_shared>> -> memref<10000x128xf32, #tpu.memory_space<vmem_shared>>
        tpu.enqueue_indirect_dma source(%dma_start3A_442 : memref<40x128xf32, #tpu.memory_space<vmem>>) target(%dma_start3A_448 : memref<10000x128xf32, #tpu.memory_space<vmem_shared>>) offsets(%dma_start3A_445 : memref<40xi32, #tpu.memory_space<vmem>>) semaphore(%run_scoped3A_438 : memref<!tpu.dma_semaphore, #tpu.memory_space<semaphore_mem>>) {add = true}
        %dma_wait3A_449 = arith.constant 0 : i32
        %dma_wait3A_450 = arith.constant 0 : i32
        %dma_wait3A_451 = tpu.memref_slice %arg8[%run_scoped3A_320, %dma_wait3A_449, %dma_wait3A_450] : memref<5x40x128xf32, #tpu.memory_space<vmem>> -> memref<1x40x128xf32, #tpu.memory_space<vmem>>
        %dma_wait3A_452 = tpu.memref_squeeze %dma_wait3A_451 : memref<1x40x128xf32, #tpu.memory_space<vmem>> -> memref<40x128xf32, #tpu.memory_space<vmem>>
        %dma_wait3A_453 = arith.constant 0 : i32
        %dma_wait3A_454 = tpu.memref_slice %arg7[%rem3A_159, %run_scoped3A_321, %dma_wait3A_453] : memref<2x10x40xi32, #tpu.memory_space<vmem>> -> memref<1x1x40xi32, #tpu.memory_space<vmem>>
        %dma_wait3A_455 = tpu.memref_squeeze %dma_wait3A_454 : memref<1x1x40xi32, #tpu.memory_space<vmem>> -> memref<40xi32, #tpu.memory_space<vmem>>
        %dma_wait3A_456 = arith.constant 0 : i32
        %dma_wait3A_457 = arith.constant 0 : i32
        %dma_wait3A_458 = tpu.memref_slice %arg9[%dma_wait3A_456, %dma_wait3A_457] : memref<10000x128xf32, #tpu.memory_space<vmem_shared>> -> memref<10000x128xf32, #tpu.memory_space<vmem_shared>>
        tpu.wait_indirect_dma semaphore(%run_scoped3A_438 : memref<!tpu.dma_semaphore, #tpu.memory_space<semaphore_mem>>) src(%dma_wait3A_452 : memref<40x128xf32, #tpu.memory_space<vmem>>) dst(%dma_wait3A_458 : memref<10000x128xf32, #tpu.memory_space<vmem_shared>>)
        tpu.yield
      }) : () -> ()
      %add3A_322 = arith.constant 5 : i32
      %add3A_323 = arith.addi %add3A_305, %add3A_322 : i32
      %lt3A_324 = arith.constant 250 : i32
      %lt3A_325 = arith.cmpi slt, %add3A_323, %lt3A_324 : i32
      %convert_element_type3A_326 = arith.extui %lt3A_325 : i1 to i32
      %cond3A_327 = arith.constant 0 : i32
      %cond3A_328 = arith.cmpi ne, %convert_element_type3A_326, %cond3A_327 : i32
      scf.if %cond3A_328 {
        %mul3A_438 = arith.constant 40 : i32
        %mul3A_439 = arith.muli %add3A_323, %mul3A_438 : i32
        %dma_start3A_440 = arith.constant 0 : i32
        %dma_start3A_441 = arith.constant 0 : i32
        %dma_start3A_442 = arith.constant 0 : i32
        %dma_start3A_443 = arith.constant 0 : i32
        %dma_start3A_444 = tpu.memref_slice %arg8[%dma_start3A_440, %dma_start3A_442, %dma_start3A_443] : memref<5x40x128xf32, #tpu.memory_space<vmem>> -> memref<1x40x128xf32, #tpu.memory_space<vmem>>
        %dma_start3A_445 = tpu.memref_squeeze %dma_start3A_444 : memref<1x40x128xf32, #tpu.memory_space<vmem>> -> memref<40x128xf32, #tpu.memory_space<vmem>>
        %dma_start3A_446 = tpu.memref_slice %arg6[%mul3A_439] : memref<10000xi32, #tpu.memory_space<vmem>> -> memref<40xi32, #tpu.memory_space<vmem>>
        %dma_start3A_447 = arith.constant 0 : i32
        %dma_start3A_448 = arith.constant 0 : i32
        %dma_start3A_449 = tpu.memref_slice %arg2[%dma_start3A_447, %dma_start3A_448] : memref<10000x128xf32, #tpu.memory_space<hbm>> -> memref<10000x128xf32, #tpu.memory_space<hbm>>
        %dma_start3A_450 = tpu.memref_slice %arg10[%dma_start3A_441] : memref<5x!tpu.dma_semaphore, #tpu.memory_space<semaphore_mem>> -> memref<1x!tpu.dma_semaphore, #tpu.memory_space<semaphore_mem>>
        %dma_start3A_451 = tpu.memref_squeeze %dma_start3A_450 : memref<1x!tpu.dma_semaphore, #tpu.memory_space<semaphore_mem>> -> memref<!tpu.dma_semaphore, #tpu.memory_space<semaphore_mem>>
        tpu.enqueue_indirect_dma source(%dma_start3A_449 : memref<10000x128xf32, #tpu.memory_space<hbm>>) target(%dma_start3A_445 : memref<40x128xf32, #tpu.memory_space<vmem>>) offsets(%dma_start3A_446 : memref<40xi32, #tpu.memory_space<vmem>>) semaphore(%dma_start3A_451 : memref<!tpu.dma_semaphore, #tpu.memory_space<semaphore_mem>>)
      } else {
      }
      %mul3A_329 = arith.constant 10 : i32
      %mul3A_330 = arith.muli %scan3A_157, %mul3A_329 : i32
      %add3A_331 = arith.constant 6 : i32
      %add3A_332 = arith.addi %mul3A_330, %add3A_331 : i32
      %mul3A_333 = arith.constant 40 : i32
      %mul3A_334 = arith.muli %add3A_332, %mul3A_333 : i32
      %dma_wait3A_335 = arith.constant 1 : i32
      %dma_wait3A_336 = arith.constant 1 : i32
      %dma_wait3A_337 = arith.constant 0 : i32
      %dma_wait3A_338 = arith.constant 0 : i32
      %dma_wait3A_339 = tpu.memref_slice %arg8[%dma_wait3A_335, %dma_wait3A_337, %dma_wait3A_338] : memref<5x40x128xf32, #tpu.memory_space<vmem>> -> memref<1x40x128xf32, #tpu.memory_space<vmem>>
      %dma_wait3A_340 = tpu.memref_squeeze %dma_wait3A_339 : memref<1x40x128xf32, #tpu.memory_space<vmem>> -> memref<40x128xf32, #tpu.memory_space<vmem>>
      %dma_wait3A_341 = tpu.memref_slice %arg6[%mul3A_334] : memref<10000xi32, #tpu.memory_space<vmem>> -> memref<40xi32, #tpu.memory_space<vmem>>
      %dma_wait3A_342 = arith.constant 0 : i32
      %dma_wait3A_343 = arith.constant 0 : i32
      %dma_wait3A_344 = tpu.memref_slice %arg2[%dma_wait3A_342, %dma_wait3A_343] : memref<10000x128xf32, #tpu.memory_space<hbm>> -> memref<10000x128xf32, #tpu.memory_space<hbm>>
      %dma_wait3A_345 = tpu.memref_slice %arg10[%dma_wait3A_336] : memref<5x!tpu.dma_semaphore, #tpu.memory_space<semaphore_mem>> -> memref<1x!tpu.dma_semaphore, #tpu.memory_space<semaphore_mem>>
      %dma_wait3A_346 = tpu.memref_squeeze %dma_wait3A_345 : memref<1x!tpu.dma_semaphore, #tpu.memory_space<semaphore_mem>> -> memref<!tpu.dma_semaphore, #tpu.memory_space<semaphore_mem>>
      tpu.wait_indirect_dma semaphore(%dma_wait3A_346 : memref<!tpu.dma_semaphore, #tpu.memory_space<semaphore_mem>>) src(%dma_wait3A_344 : memref<10000x128xf32, #tpu.memory_space<hbm>>) dst(%dma_wait3A_340 : memref<40x128xf32, #tpu.memory_space<vmem>>)
      %run_scoped3A_347 = arith.constant 1 : i32
      %run_scoped3A_348 = arith.constant 6 : i32
      "tpu.region"() ({
        %run_scoped3A_438 = tpu.sem_alloc : memref<!tpu.dma_semaphore, #tpu.memory_space<semaphore_mem>>
        %dma_start3A_439 = arith.constant 0 : i32
        %dma_start3A_440 = arith.constant 0 : i32
        %dma_start3A_441 = tpu.memref_slice %arg8[%run_scoped3A_347, %dma_start3A_439, %dma_start3A_440] : memref<5x40x128xf32, #tpu.memory_space<vmem>> -> memref<1x40x128xf32, #tpu.memory_space<vmem>>
        %dma_start3A_442 = tpu.memref_squeeze %dma_start3A_441 : memref<1x40x128xf32, #tpu.memory_space<vmem>> -> memref<40x128xf32, #tpu.memory_space<vmem>>
        %dma_start3A_443 = arith.constant 0 : i32
        %dma_start3A_444 = tpu.memref_slice %arg7[%rem3A_159, %run_scoped3A_348, %dma_start3A_443] : memref<2x10x40xi32, #tpu.memory_space<vmem>> -> memref<1x1x40xi32, #tpu.memory_space<vmem>>
        %dma_start3A_445 = tpu.memref_squeeze %dma_start3A_444 : memref<1x1x40xi32, #tpu.memory_space<vmem>> -> memref<40xi32, #tpu.memory_space<vmem>>
        %dma_start3A_446 = arith.constant 0 : i32
        %dma_start3A_447 = arith.constant 0 : i32
        %dma_start3A_448 = tpu.memref_slice %arg9[%dma_start3A_446, %dma_start3A_447] : memref<10000x128xf32, #tpu.memory_space<vmem_shared>> -> memref<10000x128xf32, #tpu.memory_space<vmem_shared>>
        tpu.enqueue_indirect_dma source(%dma_start3A_442 : memref<40x128xf32, #tpu.memory_space<vmem>>) target(%dma_start3A_448 : memref<10000x128xf32, #tpu.memory_space<vmem_shared>>) offsets(%dma_start3A_445 : memref<40xi32, #tpu.memory_space<vmem>>) semaphore(%run_scoped3A_438 : memref<!tpu.dma_semaphore, #tpu.memory_space<semaphore_mem>>) {add = true}
        %dma_wait3A_449 = arith.constant 0 : i32
        %dma_wait3A_450 = arith.constant 0 : i32
        %dma_wait3A_451 = tpu.memref_slice %arg8[%run_scoped3A_347, %dma_wait3A_449, %dma_wait3A_450] : memref<5x40x128xf32, #tpu.memory_space<vmem>> -> memref<1x40x128xf32, #tpu.memory_space<vmem>>
        %dma_wait3A_452 = tpu.memref_squeeze %dma_wait3A_451 : memref<1x40x128xf32, #tpu.memory_space<vmem>> -> memref<40x128xf32, #tpu.memory_space<vmem>>
        %dma_wait3A_453 = arith.constant 0 : i32
        %dma_wait3A_454 = tpu.memref_slice %arg7[%rem3A_159, %run_scoped3A_348, %dma_wait3A_453] : memref<2x10x40xi32, #tpu.memory_space<vmem>> -> memref<1x1x40xi32, #tpu.memory_space<vmem>>
        %dma_wait3A_455 = tpu.memref_squeeze %dma_wait3A_454 : memref<1x1x40xi32, #tpu.memory_space<vmem>> -> memref<40xi32, #tpu.memory_space<vmem>>
        %dma_wait3A_456 = arith.constant 0 : i32
        %dma_wait3A_457 = arith.constant 0 : i32
        %dma_wait3A_458 = tpu.memref_slice %arg9[%dma_wait3A_456, %dma_wait3A_457] : memref<10000x128xf32, #tpu.memory_space<vmem_shared>> -> memref<10000x128xf32, #tpu.memory_space<vmem_shared>>
        tpu.wait_indirect_dma semaphore(%run_scoped3A_438 : memref<!tpu.dma_semaphore, #tpu.memory_space<semaphore_mem>>) src(%dma_wait3A_452 : memref<40x128xf32, #tpu.memory_space<vmem>>) dst(%dma_wait3A_458 : memref<10000x128xf32, #tpu.memory_space<vmem_shared>>)
        tpu.yield
      }) : () -> ()
      %add3A_349 = arith.constant 5 : i32
      %add3A_350 = arith.addi %add3A_332, %add3A_349 : i32
      %lt3A_351 = arith.constant 250 : i32
      %lt3A_352 = arith.cmpi slt, %add3A_350, %lt3A_351 : i32
      %convert_element_type3A_353 = arith.extui %lt3A_352 : i1 to i32
      %cond3A_354 = arith.constant 0 : i32
      %cond3A_355 = arith.cmpi ne, %convert_element_type3A_353, %cond3A_354 : i32
      scf.if %cond3A_355 {
        %mul3A_438 = arith.constant 40 : i32
        %mul3A_439 = arith.muli %add3A_350, %mul3A_438 : i32
        %dma_start3A_440 = arith.constant 1 : i32
        %dma_start3A_441 = arith.constant 1 : i32
        %dma_start3A_442 = arith.constant 0 : i32
        %dma_start3A_443 = arith.constant 0 : i32
        %dma_start3A_444 = tpu.memref_slice %arg8[%dma_start3A_440, %dma_start3A_442, %dma_start3A_443] : memref<5x40x128xf32, #tpu.memory_space<vmem>> -> memref<1x40x128xf32, #tpu.memory_space<vmem>>
        %dma_start3A_445 = tpu.memref_squeeze %dma_start3A_444 : memref<1x40x128xf32, #tpu.memory_space<vmem>> -> memref<40x128xf32, #tpu.memory_space<vmem>>
        %dma_start3A_446 = tpu.memref_slice %arg6[%mul3A_439] : memref<10000xi32, #tpu.memory_space<vmem>> -> memref<40xi32, #tpu.memory_space<vmem>>
        %dma_start3A_447 = arith.constant 0 : i32
        %dma_start3A_448 = arith.constant 0 : i32
        %dma_start3A_449 = tpu.memref_slice %arg2[%dma_start3A_447, %dma_start3A_448] : memref<10000x128xf32, #tpu.memory_space<hbm>> -> memref<10000x128xf32, #tpu.memory_space<hbm>>
        %dma_start3A_450 = tpu.memref_slice %arg10[%dma_start3A_441] : memref<5x!tpu.dma_semaphore, #tpu.memory_space<semaphore_mem>> -> memref<1x!tpu.dma_semaphore, #tpu.memory_space<semaphore_mem>>
        %dma_start3A_451 = tpu.memref_squeeze %dma_start3A_450 : memref<1x!tpu.dma_semaphore, #tpu.memory_space<semaphore_mem>> -> memref<!tpu.dma_semaphore, #tpu.memory_space<semaphore_mem>>
        tpu.enqueue_indirect_dma source(%dma_start3A_449 : memref<10000x128xf32, #tpu.memory_space<hbm>>) target(%dma_start3A_445 : memref<40x128xf32, #tpu.memory_space<vmem>>) offsets(%dma_start3A_446 : memref<40xi32, #tpu.memory_space<vmem>>) semaphore(%dma_start3A_451 : memref<!tpu.dma_semaphore, #tpu.memory_space<semaphore_mem>>)
      } else {
      }
      %mul3A_356 = arith.constant 10 : i32
      %mul3A_357 = arith.muli %scan3A_157, %mul3A_356 : i32
      %add3A_358 = arith.constant 7 : i32
      %add3A_359 = arith.addi %mul3A_357, %add3A_358 : i32
      %mul3A_360 = arith.constant 40 : i32
      %mul3A_361 = arith.muli %add3A_359, %mul3A_360 : i32
      %dma_wait3A_362 = arith.constant 2 : i32
      %dma_wait3A_363 = arith.constant 2 : i32
      %dma_wait3A_364 = arith.constant 0 : i32
      %dma_wait3A_365 = arith.constant 0 : i32
      %dma_wait3A_366 = tpu.memref_slice %arg8[%dma_wait3A_362, %dma_wait3A_364, %dma_wait3A_365] : memref<5x40x128xf32, #tpu.memory_space<vmem>> -> memref<1x40x128xf32, #tpu.memory_space<vmem>>
      %dma_wait3A_367 = tpu.memref_squeeze %dma_wait3A_366 : memref<1x40x128xf32, #tpu.memory_space<vmem>> -> memref<40x128xf32, #tpu.memory_space<vmem>>
      %dma_wait3A_368 = tpu.memref_slice %arg6[%mul3A_361] : memref<10000xi32, #tpu.memory_space<vmem>> -> memref<40xi32, #tpu.memory_space<vmem>>
      %dma_wait3A_369 = arith.constant 0 : i32
      %dma_wait3A_370 = arith.constant 0 : i32
      %dma_wait3A_371 = tpu.memref_slice %arg2[%dma_wait3A_369, %dma_wait3A_370] : memref<10000x128xf32, #tpu.memory_space<hbm>> -> memref<10000x128xf32, #tpu.memory_space<hbm>>
      %dma_wait3A_372 = tpu.memref_slice %arg10[%dma_wait3A_363] : memref<5x!tpu.dma_semaphore, #tpu.memory_space<semaphore_mem>> -> memref<1x!tpu.dma_semaphore, #tpu.memory_space<semaphore_mem>>
      %dma_wait3A_373 = tpu.memref_squeeze %dma_wait3A_372 : memref<1x!tpu.dma_semaphore, #tpu.memory_space<semaphore_mem>> -> memref<!tpu.dma_semaphore, #tpu.memory_space<semaphore_mem>>
      tpu.wait_indirect_dma semaphore(%dma_wait3A_373 : memref<!tpu.dma_semaphore, #tpu.memory_space<semaphore_mem>>) src(%dma_wait3A_371 : memref<10000x128xf32, #tpu.memory_space<hbm>>) dst(%dma_wait3A_367 : memref<40x128xf32, #tpu.memory_space<vmem>>)
      %run_scoped3A_374 = arith.constant 2 : i32
      %run_scoped3A_375 = arith.constant 7 : i32
      "tpu.region"() ({
        %run_scoped3A_438 = tpu.sem_alloc : memref<!tpu.dma_semaphore, #tpu.memory_space<semaphore_mem>>
        %dma_start3A_439 = arith.constant 0 : i32
        %dma_start3A_440 = arith.constant 0 : i32
        %dma_start3A_441 = tpu.memref_slice %arg8[%run_scoped3A_374, %dma_start3A_439, %dma_start3A_440] : memref<5x40x128xf32, #tpu.memory_space<vmem>> -> memref<1x40x128xf32, #tpu.memory_space<vmem>>
        %dma_start3A_442 = tpu.memref_squeeze %dma_start3A_441 : memref<1x40x128xf32, #tpu.memory_space<vmem>> -> memref<40x128xf32, #tpu.memory_space<vmem>>
        %dma_start3A_443 = arith.constant 0 : i32
        %dma_start3A_444 = tpu.memref_slice %arg7[%rem3A_159, %run_scoped3A_375, %dma_start3A_443] : memref<2x10x40xi32, #tpu.memory_space<vmem>> -> memref<1x1x40xi32, #tpu.memory_space<vmem>>
        %dma_start3A_445 = tpu.memref_squeeze %dma_start3A_444 : memref<1x1x40xi32, #tpu.memory_space<vmem>> -> memref<40xi32, #tpu.memory_space<vmem>>
        %dma_start3A_446 = arith.constant 0 : i32
        %dma_start3A_447 = arith.constant 0 : i32
        %dma_start3A_448 = tpu.memref_slice %arg9[%dma_start3A_446, %dma_start3A_447] : memref<10000x128xf32, #tpu.memory_space<vmem_shared>> -> memref<10000x128xf32, #tpu.memory_space<vmem_shared>>
        tpu.enqueue_indirect_dma source(%dma_start3A_442 : memref<40x128xf32, #tpu.memory_space<vmem>>) target(%dma_start3A_448 : memref<10000x128xf32, #tpu.memory_space<vmem_shared>>) offsets(%dma_start3A_445 : memref<40xi32, #tpu.memory_space<vmem>>) semaphore(%run_scoped3A_438 : memref<!tpu.dma_semaphore, #tpu.memory_space<semaphore_mem>>) {add = true}
        %dma_wait3A_449 = arith.constant 0 : i32
        %dma_wait3A_450 = arith.constant 0 : i32
        %dma_wait3A_451 = tpu.memref_slice %arg8[%run_scoped3A_374, %dma_wait3A_449, %dma_wait3A_450] : memref<5x40x128xf32, #tpu.memory_space<vmem>> -> memref<1x40x128xf32, #tpu.memory_space<vmem>>
        %dma_wait3A_452 = tpu.memref_squeeze %dma_wait3A_451 : memref<1x40x128xf32, #tpu.memory_space<vmem>> -> memref<40x128xf32, #tpu.memory_space<vmem>>
        %dma_wait3A_453 = arith.constant 0 : i32
        %dma_wait3A_454 = tpu.memref_slice %arg7[%rem3A_159, %run_scoped3A_375, %dma_wait3A_453] : memref<2x10x40xi32, #tpu.memory_space<vmem>> -> memref<1x1x40xi32, #tpu.memory_space<vmem>>
        %dma_wait3A_455 = tpu.memref_squeeze %dma_wait3A_454 : memref<1x1x40xi32, #tpu.memory_space<vmem>> -> memref<40xi32, #tpu.memory_space<vmem>>
        %dma_wait3A_456 = arith.constant 0 : i32
        %dma_wait3A_457 = arith.constant 0 : i32
        %dma_wait3A_458 = tpu.memref_slice %arg9[%dma_wait3A_456, %dma_wait3A_457] : memref<10000x128xf32, #tpu.memory_space<vmem_shared>> -> memref<10000x128xf32, #tpu.memory_space<vmem_shared>>
        tpu.wait_indirect_dma semaphore(%run_scoped3A_438 : memref<!tpu.dma_semaphore, #tpu.memory_space<semaphore_mem>>) src(%dma_wait3A_452 : memref<40x128xf32, #tpu.memory_space<vmem>>) dst(%dma_wait3A_458 : memref<10000x128xf32, #tpu.memory_space<vmem_shared>>)
        tpu.yield
      }) : () -> ()
      %add3A_376 = arith.constant 5 : i32
      %add3A_377 = arith.addi %add3A_359, %add3A_376 : i32
      %lt3A_378 = arith.constant 250 : i32
      %lt3A_379 = arith.cmpi slt, %add3A_377, %lt3A_378 : i32
      %convert_element_type3A_380 = arith.extui %lt3A_379 : i1 to i32
      %cond3A_381 = arith.constant 0 : i32
      %cond3A_382 = arith.cmpi ne, %convert_element_type3A_380, %cond3A_381 : i32
      scf.if %cond3A_382 {
        %mul3A_438 = arith.constant 40 : i32
        %mul3A_439 = arith.muli %add3A_377, %mul3A_438 : i32
        %dma_start3A_440 = arith.constant 2 : i32
        %dma_start3A_441 = arith.constant 2 : i32
        %dma_start3A_442 = arith.constant 0 : i32
        %dma_start3A_443 = arith.constant 0 : i32
        %dma_start3A_444 = tpu.memref_slice %arg8[%dma_start3A_440, %dma_start3A_442, %dma_start3A_443] : memref<5x40x128xf32, #tpu.memory_space<vmem>> -> memref<1x40x128xf32, #tpu.memory_space<vmem>>
        %dma_start3A_445 = tpu.memref_squeeze %dma_start3A_444 : memref<1x40x128xf32, #tpu.memory_space<vmem>> -> memref<40x128xf32, #tpu.memory_space<vmem>>
        %dma_start3A_446 = tpu.memref_slice %arg6[%mul3A_439] : memref<10000xi32, #tpu.memory_space<vmem>> -> memref<40xi32, #tpu.memory_space<vmem>>
        %dma_start3A_447 = arith.constant 0 : i32
        %dma_start3A_448 = arith.constant 0 : i32
        %dma_start3A_449 = tpu.memref_slice %arg2[%dma_start3A_447, %dma_start3A_448] : memref<10000x128xf32, #tpu.memory_space<hbm>> -> memref<10000x128xf32, #tpu.memory_space<hbm>>
        %dma_start3A_450 = tpu.memref_slice %arg10[%dma_start3A_441] : memref<5x!tpu.dma_semaphore, #tpu.memory_space<semaphore_mem>> -> memref<1x!tpu.dma_semaphore, #tpu.memory_space<semaphore_mem>>
        %dma_start3A_451 = tpu.memref_squeeze %dma_start3A_450 : memref<1x!tpu.dma_semaphore, #tpu.memory_space<semaphore_mem>> -> memref<!tpu.dma_semaphore, #tpu.memory_space<semaphore_mem>>
        tpu.enqueue_indirect_dma source(%dma_start3A_449 : memref<10000x128xf32, #tpu.memory_space<hbm>>) target(%dma_start3A_445 : memref<40x128xf32, #tpu.memory_space<vmem>>) offsets(%dma_start3A_446 : memref<40xi32, #tpu.memory_space<vmem>>) semaphore(%dma_start3A_451 : memref<!tpu.dma_semaphore, #tpu.memory_space<semaphore_mem>>)
      } else {
      }
      %mul3A_383 = arith.constant 10 : i32
      %mul3A_384 = arith.muli %scan3A_157, %mul3A_383 : i32
      %add3A_385 = arith.constant 8 : i32
      %add3A_386 = arith.addi %mul3A_384, %add3A_385 : i32
      %mul3A_387 = arith.constant 40 : i32
      %mul3A_388 = arith.muli %add3A_386, %mul3A_387 : i32
      %dma_wait3A_389 = arith.constant 3 : i32
      %dma_wait3A_390 = arith.constant 3 : i32
      %dma_wait3A_391 = arith.constant 0 : i32
      %dma_wait3A_392 = arith.constant 0 : i32
      %dma_wait3A_393 = tpu.memref_slice %arg8[%dma_wait3A_389, %dma_wait3A_391, %dma_wait3A_392] : memref<5x40x128xf32, #tpu.memory_space<vmem>> -> memref<1x40x128xf32, #tpu.memory_space<vmem>>
      %dma_wait3A_394 = tpu.memref_squeeze %dma_wait3A_393 : memref<1x40x128xf32, #tpu.memory_space<vmem>> -> memref<40x128xf32, #tpu.memory_space<vmem>>
      %dma_wait3A_395 = tpu.memref_slice %arg6[%mul3A_388] : memref<10000xi32, #tpu.memory_space<vmem>> -> memref<40xi32, #tpu.memory_space<vmem>>
      %dma_wait3A_396 = arith.constant 0 : i32
      %dma_wait3A_397 = arith.constant 0 : i32
      %dma_wait3A_398 = tpu.memref_slice %arg2[%dma_wait3A_396, %dma_wait3A_397] : memref<10000x128xf32, #tpu.memory_space<hbm>> -> memref<10000x128xf32, #tpu.memory_space<hbm>>
      %dma_wait3A_399 = tpu.memref_slice %arg10[%dma_wait3A_390] : memref<5x!tpu.dma_semaphore, #tpu.memory_space<semaphore_mem>> -> memref<1x!tpu.dma_semaphore, #tpu.memory_space<semaphore_mem>>
      %dma_wait3A_400 = tpu.memref_squeeze %dma_wait3A_399 : memref<1x!tpu.dma_semaphore, #tpu.memory_space<semaphore_mem>> -> memref<!tpu.dma_semaphore, #tpu.memory_space<semaphore_mem>>
      tpu.wait_indirect_dma semaphore(%dma_wait3A_400 : memref<!tpu.dma_semaphore, #tpu.memory_space<semaphore_mem>>) src(%dma_wait3A_398 : memref<10000x128xf32, #tpu.memory_space<hbm>>) dst(%dma_wait3A_394 : memref<40x128xf32, #tpu.memory_space<vmem>>)
      %run_scoped3A_401 = arith.constant 3 : i32
      %run_scoped3A_402 = arith.constant 8 : i32
      "tpu.region"() ({
        %run_scoped3A_438 = tpu.sem_alloc : memref<!tpu.dma_semaphore, #tpu.memory_space<semaphore_mem>>
        %dma_start3A_439 = arith.constant 0 : i32
        %dma_start3A_440 = arith.constant 0 : i32
        %dma_start3A_441 = tpu.memref_slice %arg8[%run_scoped3A_401, %dma_start3A_439, %dma_start3A_440] : memref<5x40x128xf32, #tpu.memory_space<vmem>> -> memref<1x40x128xf32, #tpu.memory_space<vmem>>
        %dma_start3A_442 = tpu.memref_squeeze %dma_start3A_441 : memref<1x40x128xf32, #tpu.memory_space<vmem>> -> memref<40x128xf32, #tpu.memory_space<vmem>>
        %dma_start3A_443 = arith.constant 0 : i32
        %dma_start3A_444 = tpu.memref_slice %arg7[%rem3A_159, %run_scoped3A_402, %dma_start3A_443] : memref<2x10x40xi32, #tpu.memory_space<vmem>> -> memref<1x1x40xi32, #tpu.memory_space<vmem>>
        %dma_start3A_445 = tpu.memref_squeeze %dma_start3A_444 : memref<1x1x40xi32, #tpu.memory_space<vmem>> -> memref<40xi32, #tpu.memory_space<vmem>>
        %dma_start3A_446 = arith.constant 0 : i32
        %dma_start3A_447 = arith.constant 0 : i32
        %dma_start3A_448 = tpu.memref_slice %arg9[%dma_start3A_446, %dma_start3A_447] : memref<10000x128xf32, #tpu.memory_space<vmem_shared>> -> memref<10000x128xf32, #tpu.memory_space<vmem_shared>>
        tpu.enqueue_indirect_dma source(%dma_start3A_442 : memref<40x128xf32, #tpu.memory_space<vmem>>) target(%dma_start3A_448 : memref<10000x128xf32, #tpu.memory_space<vmem_shared>>) offsets(%dma_start3A_445 : memref<40xi32, #tpu.memory_space<vmem>>) semaphore(%run_scoped3A_438 : memref<!tpu.dma_semaphore, #tpu.memory_space<semaphore_mem>>) {add = true}
        %dma_wait3A_449 = arith.constant 0 : i32
        %dma_wait3A_450 = arith.constant 0 : i32
        %dma_wait3A_451 = tpu.memref_slice %arg8[%run_scoped3A_401, %dma_wait3A_449, %dma_wait3A_450] : memref<5x40x128xf32, #tpu.memory_space<vmem>> -> memref<1x40x128xf32, #tpu.memory_space<vmem>>
        %dma_wait3A_452 = tpu.memref_squeeze %dma_wait3A_451 : memref<1x40x128xf32, #tpu.memory_space<vmem>> -> memref<40x128xf32, #tpu.memory_space<vmem>>
        %dma_wait3A_453 = arith.constant 0 : i32
        %dma_wait3A_454 = tpu.memref_slice %arg7[%rem3A_159, %run_scoped3A_402, %dma_wait3A_453] : memref<2x10x40xi32, #tpu.memory_space<vmem>> -> memref<1x1x40xi32, #tpu.memory_space<vmem>>
        %dma_wait3A_455 = tpu.memref_squeeze %dma_wait3A_454 : memref<1x1x40xi32, #tpu.memory_space<vmem>> -> memref<40xi32, #tpu.memory_space<vmem>>
        %dma_wait3A_456 = arith.constant 0 : i32
        %dma_wait3A_457 = arith.constant 0 : i32
        %dma_wait3A_458 = tpu.memref_slice %arg9[%dma_wait3A_456, %dma_wait3A_457] : memref<10000x128xf32, #tpu.memory_space<vmem_shared>> -> memref<10000x128xf32, #tpu.memory_space<vmem_shared>>
        tpu.wait_indirect_dma semaphore(%run_scoped3A_438 : memref<!tpu.dma_semaphore, #tpu.memory_space<semaphore_mem>>) src(%dma_wait3A_452 : memref<40x128xf32, #tpu.memory_space<vmem>>) dst(%dma_wait3A_458 : memref<10000x128xf32, #tpu.memory_space<vmem_shared>>)
        tpu.yield
      }) : () -> ()
      %add3A_403 = arith.constant 5 : i32
      %add3A_404 = arith.addi %add3A_386, %add3A_403 : i32
      %lt3A_405 = arith.constant 250 : i32
      %lt3A_406 = arith.cmpi slt, %add3A_404, %lt3A_405 : i32
      %convert_element_type3A_407 = arith.extui %lt3A_406 : i1 to i32
      %cond3A_408 = arith.constant 0 : i32
      %cond3A_409 = arith.cmpi ne, %convert_element_type3A_407, %cond3A_408 : i32
      scf.if %cond3A_409 {
        %mul3A_438 = arith.constant 40 : i32
        %mul3A_439 = arith.muli %add3A_404, %mul3A_438 : i32
        %dma_start3A_440 = arith.constant 3 : i32
        %dma_start3A_441 = arith.constant 3 : i32
        %dma_start3A_442 = arith.constant 0 : i32
        %dma_start3A_443 = arith.constant 0 : i32
        %dma_start3A_444 = tpu.memref_slice %arg8[%dma_start3A_440, %dma_start3A_442, %dma_start3A_443] : memref<5x40x128xf32, #tpu.memory_space<vmem>> -> memref<1x40x128xf32, #tpu.memory_space<vmem>>
        %dma_start3A_445 = tpu.memref_squeeze %dma_start3A_444 : memref<1x40x128xf32, #tpu.memory_space<vmem>> -> memref<40x128xf32, #tpu.memory_space<vmem>>
        %dma_start3A_446 = tpu.memref_slice %arg6[%mul3A_439] : memref<10000xi32, #tpu.memory_space<vmem>> -> memref<40xi32, #tpu.memory_space<vmem>>
        %dma_start3A_447 = arith.constant 0 : i32
        %dma_start3A_448 = arith.constant 0 : i32
        %dma_start3A_449 = tpu.memref_slice %arg2[%dma_start3A_447, %dma_start3A_448] : memref<10000x128xf32, #tpu.memory_space<hbm>> -> memref<10000x128xf32, #tpu.memory_space<hbm>>
        %dma_start3A_450 = tpu.memref_slice %arg10[%dma_start3A_441] : memref<5x!tpu.dma_semaphore, #tpu.memory_space<semaphore_mem>> -> memref<1x!tpu.dma_semaphore, #tpu.memory_space<semaphore_mem>>
        %dma_start3A_451 = tpu.memref_squeeze %dma_start3A_450 : memref<1x!tpu.dma_semaphore, #tpu.memory_space<semaphore_mem>> -> memref<!tpu.dma_semaphore, #tpu.memory_space<semaphore_mem>>
        tpu.enqueue_indirect_dma source(%dma_start3A_449 : memref<10000x128xf32, #tpu.memory_space<hbm>>) target(%dma_start3A_445 : memref<40x128xf32, #tpu.memory_space<vmem>>) offsets(%dma_start3A_446 : memref<40xi32, #tpu.memory_space<vmem>>) semaphore(%dma_start3A_451 : memref<!tpu.dma_semaphore, #tpu.memory_space<semaphore_mem>>)
      } else {
      }
      %mul3A_410 = arith.constant 10 : i32
      %mul3A_411 = arith.muli %scan3A_157, %mul3A_410 : i32
      %add3A_412 = arith.constant 9 : i32
      %add3A_413 = arith.addi %mul3A_411, %add3A_412 : i32
      %mul3A_414 = arith.constant 40 : i32
      %mul3A_415 = arith.muli %add3A_413, %mul3A_414 : i32
      %dma_wait3A_416 = arith.constant 4 : i32
      %dma_wait3A_417 = arith.constant 4 : i32
      %dma_wait3A_418 = arith.constant 0 : i32
      %dma_wait3A_419 = arith.constant 0 : i32
      %dma_wait3A_420 = tpu.memref_slice %arg8[%dma_wait3A_416, %dma_wait3A_418, %dma_wait3A_419] : memref<5x40x128xf32, #tpu.memory_space<vmem>> -> memref<1x40x128xf32, #tpu.memory_space<vmem>>
      %dma_wait3A_421 = tpu.memref_squeeze %dma_wait3A_420 : memref<1x40x128xf32, #tpu.memory_space<vmem>> -> memref<40x128xf32, #tpu.memory_space<vmem>>
      %dma_wait3A_422 = tpu.memref_slice %arg6[%mul3A_415] : memref<10000xi32, #tpu.memory_space<vmem>> -> memref<40xi32, #tpu.memory_space<vmem>>
      %dma_wait3A_423 = arith.constant 0 : i32
      %dma_wait3A_424 = arith.constant 0 : i32
      %dma_wait3A_425 = tpu.memref_slice %arg2[%dma_wait3A_423, %dma_wait3A_424] : memref<10000x128xf32, #tpu.memory_space<hbm>> -> memref<10000x128xf32, #tpu.memory_space<hbm>>
      %dma_wait3A_426 = tpu.memref_slice %arg10[%dma_wait3A_417] : memref<5x!tpu.dma_semaphore, #tpu.memory_space<semaphore_mem>> -> memref<1x!tpu.dma_semaphore, #tpu.memory_space<semaphore_mem>>
      %dma_wait3A_427 = tpu.memref_squeeze %dma_wait3A_426 : memref<1x!tpu.dma_semaphore, #tpu.memory_space<semaphore_mem>> -> memref<!tpu.dma_semaphore, #tpu.memory_space<semaphore_mem>>
      tpu.wait_indirect_dma semaphore(%dma_wait3A_427 : memref<!tpu.dma_semaphore, #tpu.memory_space<semaphore_mem>>) src(%dma_wait3A_425 : memref<10000x128xf32, #tpu.memory_space<hbm>>) dst(%dma_wait3A_421 : memref<40x128xf32, #tpu.memory_space<vmem>>)
      %run_scoped3A_428 = arith.constant 4 : i32
      %run_scoped3A_429 = arith.constant 9 : i32
      "tpu.region"() ({
        %run_scoped3A_438 = tpu.sem_alloc : memref<!tpu.dma_semaphore, #tpu.memory_space<semaphore_mem>>
        %dma_start3A_439 = arith.constant 0 : i32
        %dma_start3A_440 = arith.constant 0 : i32
        %dma_start3A_441 = tpu.memref_slice %arg8[%run_scoped3A_428, %dma_start3A_439, %dma_start3A_440] : memref<5x40x128xf32, #tpu.memory_space<vmem>> -> memref<1x40x128xf32, #tpu.memory_space<vmem>>
        %dma_start3A_442 = tpu.memref_squeeze %dma_start3A_441 : memref<1x40x128xf32, #tpu.memory_space<vmem>> -> memref<40x128xf32, #tpu.memory_space<vmem>>
        %dma_start3A_443 = arith.constant 0 : i32
        %dma_start3A_444 = tpu.memref_slice %arg7[%rem3A_159, %run_scoped3A_429, %dma_start3A_443] : memref<2x10x40xi32, #tpu.memory_space<vmem>> -> memref<1x1x40xi32, #tpu.memory_space<vmem>>
        %dma_start3A_445 = tpu.memref_squeeze %dma_start3A_444 : memref<1x1x40xi32, #tpu.memory_space<vmem>> -> memref<40xi32, #tpu.memory_space<vmem>>
        %dma_start3A_446 = arith.constant 0 : i32
        %dma_start3A_447 = arith.constant 0 : i32
        %dma_start3A_448 = tpu.memref_slice %arg9[%dma_start3A_446, %dma_start3A_447] : memref<10000x128xf32, #tpu.memory_space<vmem_shared>> -> memref<10000x128xf32, #tpu.memory_space<vmem_shared>>
        tpu.enqueue_indirect_dma source(%dma_start3A_442 : memref<40x128xf32, #tpu.memory_space<vmem>>) target(%dma_start3A_448 : memref<10000x128xf32, #tpu.memory_space<vmem_shared>>) offsets(%dma_start3A_445 : memref<40xi32, #tpu.memory_space<vmem>>) semaphore(%run_scoped3A_438 : memref<!tpu.dma_semaphore, #tpu.memory_space<semaphore_mem>>) {add = true}
        %dma_wait3A_449 = arith.constant 0 : i32
        %dma_wait3A_450 = arith.constant 0 : i32
        %dma_wait3A_451 = tpu.memref_slice %arg8[%run_scoped3A_428, %dma_wait3A_449, %dma_wait3A_450] : memref<5x40x128xf32, #tpu.memory_space<vmem>> -> memref<1x40x128xf32, #tpu.memory_space<vmem>>
        %dma_wait3A_452 = tpu.memref_squeeze %dma_wait3A_451 : memref<1x40x128xf32, #tpu.memory_space<vmem>> -> memref<40x128xf32, #tpu.memory_space<vmem>>
        %dma_wait3A_453 = arith.constant 0 : i32
        %dma_wait3A_454 = tpu.memref_slice %arg7[%rem3A_159, %run_scoped3A_429, %dma_wait3A_453] : memref<2x10x40xi32, #tpu.memory_space<vmem>> -> memref<1x1x40xi32, #tpu.memory_space<vmem>>
        %dma_wait3A_455 = tpu.memref_squeeze %dma_wait3A_454 : memref<1x1x40xi32, #tpu.memory_space<vmem>> -> memref<40xi32, #tpu.memory_space<vmem>>
        %dma_wait3A_456 = arith.constant 0 : i32
        %dma_wait3A_457 = arith.constant 0 : i32
        %dma_wait3A_458 = tpu.memref_slice %arg9[%dma_wait3A_456, %dma_wait3A_457] : memref<10000x128xf32, #tpu.memory_space<vmem_shared>> -> memref<10000x128xf32, #tpu.memory_space<vmem_shared>>
        tpu.wait_indirect_dma semaphore(%run_scoped3A_438 : memref<!tpu.dma_semaphore, #tpu.memory_space<semaphore_mem>>) src(%dma_wait3A_452 : memref<40x128xf32, #tpu.memory_space<vmem>>) dst(%dma_wait3A_458 : memref<10000x128xf32, #tpu.memory_space<vmem_shared>>)
        tpu.yield
      }) : () -> ()
      %add3A_430 = arith.constant 5 : i32
      %add3A_431 = arith.addi %add3A_413, %add3A_430 : i32
      %lt3A_432 = arith.constant 250 : i32
      %lt3A_433 = arith.cmpi slt, %add3A_431, %lt3A_432 : i32
      %convert_element_type3A_434 = arith.extui %lt3A_433 : i1 to i32
      %cond3A_435 = arith.constant 0 : i32
      %cond3A_436 = arith.cmpi ne, %convert_element_type3A_434, %cond3A_435 : i32
      scf.if %cond3A_436 {
        %mul3A_438 = arith.constant 40 : i32
        %mul3A_439 = arith.muli %add3A_431, %mul3A_438 : i32
        %dma_start3A_440 = arith.constant 4 : i32
        %dma_start3A_441 = arith.constant 4 : i32
        %dma_start3A_442 = arith.constant 0 : i32
        %dma_start3A_443 = arith.constant 0 : i32
        %dma_start3A_444 = tpu.memref_slice %arg8[%dma_start3A_440, %dma_start3A_442, %dma_start3A_443] : memref<5x40x128xf32, #tpu.memory_space<vmem>> -> memref<1x40x128xf32, #tpu.memory_space<vmem>>
        %dma_start3A_445 = tpu.memref_squeeze %dma_start3A_444 : memref<1x40x128xf32, #tpu.memory_space<vmem>> -> memref<40x128xf32, #tpu.memory_space<vmem>>
        %dma_start3A_446 = tpu.memref_slice %arg6[%mul3A_439] : memref<10000xi32, #tpu.memory_space<vmem>> -> memref<40xi32, #tpu.memory_space<vmem>>
        %dma_start3A_447 = arith.constant 0 : i32
        %dma_start3A_448 = arith.constant 0 : i32
        %dma_start3A_449 = tpu.memref_slice %arg2[%dma_start3A_447, %dma_start3A_448] : memref<10000x128xf32, #tpu.memory_space<hbm>> -> memref<10000x128xf32, #tpu.memory_space<hbm>>
        %dma_start3A_450 = tpu.memref_slice %arg10[%dma_start3A_441] : memref<5x!tpu.dma_semaphore, #tpu.memory_space<semaphore_mem>> -> memref<1x!tpu.dma_semaphore, #tpu.memory_space<semaphore_mem>>
        %dma_start3A_451 = tpu.memref_squeeze %dma_start3A_450 : memref<1x!tpu.dma_semaphore, #tpu.memory_space<semaphore_mem>> -> memref<!tpu.dma_semaphore, #tpu.memory_space<semaphore_mem>>
        tpu.enqueue_indirect_dma source(%dma_start3A_449 : memref<10000x128xf32, #tpu.memory_space<hbm>>) target(%dma_start3A_445 : memref<40x128xf32, #tpu.memory_space<vmem>>) offsets(%dma_start3A_446 : memref<40xi32, #tpu.memory_space<vmem>>) semaphore(%dma_start3A_451 : memref<!tpu.dma_semaphore, #tpu.memory_space<semaphore_mem>>)
      } else {
      }
      %scan3A_437 = arith.constant 0 : i32
      scf.yield %scan3A_437 : i32
    }
    %scan3A_141 = arith.constant 25 : i32
    %barrier3A_142 = arith.constant 0 : index
    tpu.barrier barrier_id(%barrier3A_142)
    %scan3A_143 = arith.constant 0 : i32
    %scan3A_144 = arith.constant 0 : i32
    %scan3A_145 = arith.constant 16 : i32
    %scan3A_146 = arith.addi %scan3A_144, %scan3A_145 : i32
    %scan3A_147 = arith.constant 1 : i32
    %scan3A_148 = scf.for %scan3A_157 = %scan3A_144 to %scan3A_146 step %scan3A_147 iter_args(%scan3A_158 = %scan3A_143) -> (i32)  : i32 {
      %mul3A_159 = arith.constant 16 : i32
      %mul3A_160 = arith.muli %scan3A_157, %mul3A_159 : i32
      %add3A_161 = arith.addi %arg1, %mul3A_160 : i32
      %rem3A = arith.constant 2 : i32
      %rem3A_162 = arith.remsi %scan3A_157, %rem3A : i32
      %lt3A = arith.constant 250 : i32
      %lt3A_163 = arith.cmpi slt, %add3A_161, %lt3A : i32
      %convert_element_type3A = arith.extui %lt3A_163 : i1 to i32
      %cond3A = arith.constant 0 : i32
      %cond3A_164 = arith.cmpi ne, %convert_element_type3A, %cond3A : i32
      scf.if %cond3A_164 {
        %ge3A = arith.constant 2 : i32
        %ge3A_166 = arith.cmpi sge, %scan3A_157, %ge3A : i32
        %convert_element_type3A_167 = arith.extui %ge3A_166 : i1 to i32
        %cond3A_168 = arith.constant 0 : i32
        %cond3A_169 = arith.cmpi ne, %convert_element_type3A_167, %cond3A_168 : i32
        scf.if %cond3A_169 {
          %sub3A = arith.constant 32 : i32
          %sub3A_190 = arith.subi %add3A_161, %sub3A : i32
          %mul3A_191 = arith.constant 40 : i32
          %mul3A_192 = arith.muli %sub3A_190, %mul3A_191 : i32
          %dma_wait3A_193 = arith.constant 0 : i32
          %dma_wait3A_194 = arith.constant 0 : i32
          %dma_wait3A_195 = tpu.memref_slice %arg8[%rem3A_162, %dma_wait3A_193, %dma_wait3A_194] : memref<5x40x128xf32, #tpu.memory_space<vmem>> -> memref<1x40x128xf32, #tpu.memory_space<vmem>>
          %dma_wait3A_196 = tpu.memref_squeeze %dma_wait3A_195 : memref<1x40x128xf32, #tpu.memory_space<vmem>> -> memref<40x128xf32, #tpu.memory_space<vmem>>
          %dma_wait3A_197 = arith.constant 0 : i32
          %dma_wait3A_198 = tpu.memref_slice %arg5[%arg0, %mul3A_192, %dma_wait3A_197] : memref<2x10000x128xf32, #tpu.memory_space<hbm>> -> memref<1x40x128xf32, #tpu.memory_space<hbm>>
          %dma_wait3A_199 = tpu.memref_squeeze %dma_wait3A_198 : memref<1x40x128xf32, #tpu.memory_space<hbm>> -> memref<40x128xf32, #tpu.memory_space<hbm>>
          %dma_wait3A_200 = tpu.memref_slice %arg10[%rem3A_162] : memref<5x!tpu.dma_semaphore, #tpu.memory_space<semaphore_mem>> -> memref<1x!tpu.dma_semaphore, #tpu.memory_space<semaphore_mem>>
          %dma_wait3A_201 = tpu.memref_squeeze %dma_wait3A_200 : memref<1x!tpu.dma_semaphore, #tpu.memory_space<semaphore_mem>> -> memref<!tpu.dma_semaphore, #tpu.memory_space<semaphore_mem>>
          %dma_wait3A_202 = arith.constant 0 : i32
          %dma_wait3A_203 = tpu.memref_slice %arg5[%arg0, %mul3A_192, %dma_wait3A_202] : memref<2x10000x128xf32, #tpu.memory_space<hbm>> -> memref<1x40x128xf32, #tpu.memory_space<hbm>>
          %dma_wait3A_204 = tpu.memref_squeeze %dma_wait3A_203 : memref<1x40x128xf32, #tpu.memory_space<hbm>> -> memref<40x128xf32, #tpu.memory_space<hbm>>
          %dma_wait3A_205 = arith.constant 0 : i32
          %dma_wait3A_206 = arith.constant 0 : i32
          %dma_wait3A_207 = tpu.memref_slice %arg8[%rem3A_162, %dma_wait3A_205, %dma_wait3A_206] : memref<5x40x128xf32, #tpu.memory_space<vmem>> -> memref<1x40x128xf32, #tpu.memory_space<vmem>>
          %dma_wait3A_208 = tpu.memref_squeeze %dma_wait3A_207 : memref<1x40x128xf32, #tpu.memory_space<vmem>> -> memref<40x128xf32, #tpu.memory_space<vmem>>
          tpu.wait_dma2 semaphore(%dma_wait3A_201 : memref<!tpu.dma_semaphore, #tpu.memory_space<semaphore_mem>>) src(%dma_wait3A_208 : memref<40x128xf32, #tpu.memory_space<vmem>>) dst(%dma_wait3A_204 : memref<40x128xf32, #tpu.memory_space<hbm>>)
        } else {
        }
        %mul3A_170 = arith.constant 40 : i32
        %mul3A_171 = arith.muli %add3A_161, %mul3A_170 : i32
        "tpu.region"() ({
          %run_scoped3A = tpu.sem_alloc : memref<!tpu.dma_semaphore, #tpu.memory_space<semaphore_mem>>
          %dma_start3A_190 = arith.constant 0 : i32
          %dma_start3A_191 = arith.constant 0 : i32
          %dma_start3A_192 = tpu.memref_slice %arg8[%rem3A_162, %dma_start3A_190, %dma_start3A_191] : memref<5x40x128xf32, #tpu.memory_space<vmem>> -> memref<1x40x128xf32, #tpu.memory_space<vmem>>
          %dma_start3A_193 = tpu.memref_squeeze %dma_start3A_192 : memref<1x40x128xf32, #tpu.memory_space<vmem>> -> memref<40x128xf32, #tpu.memory_space<vmem>>
          %dma_start3A_194 = arith.constant 0 : i32
          %dma_start3A_195 = tpu.memref_slice %arg9[%mul3A_171, %dma_start3A_194] : memref<10000x128xf32, #tpu.memory_space<vmem_shared>> -> memref<40x128xf32, #tpu.memory_space<vmem_shared>>
          %dma_start3A_196 = arith.constant 0 : i32
          %dma_start3A_197 = arith.constant 0 : i32
          %dma_start3A_198 = tpu.memref_slice %arg8[%rem3A_162, %dma_start3A_196, %dma_start3A_197] : memref<5x40x128xf32, #tpu.memory_space<vmem>> -> memref<1x40x128xf32, #tpu.memory_space<vmem>>
          %dma_start3A_199 = tpu.memref_squeeze %dma_start3A_198 : memref<1x40x128xf32, #tpu.memory_space<vmem>> -> memref<40x128xf32, #tpu.memory_space<vmem>>
          %dma_start3A_200 = arith.constant 0 : i32
          %dma_start3A_201 = tpu.memref_slice %arg9[%mul3A_171, %dma_start3A_200] : memref<10000x128xf32, #tpu.memory_space<vmem_shared>> -> memref<40x128xf32, #tpu.memory_space<vmem_shared>>
          tpu.enqueue_dma source(%dma_start3A_201 : memref<40x128xf32, #tpu.memory_space<vmem_shared>>) target(%dma_start3A_199 : memref<40x128xf32, #tpu.memory_space<vmem>>) target_semaphore(%run_scoped3A : memref<!tpu.dma_semaphore, #tpu.memory_space<semaphore_mem>>)
          %dma_wait3A_202 = arith.constant 0 : i32
          %dma_wait3A_203 = arith.constant 0 : i32
          %dma_wait3A_204 = tpu.memref_slice %arg8[%rem3A_162, %dma_wait3A_202, %dma_wait3A_203] : memref<5x40x128xf32, #tpu.memory_space<vmem>> -> memref<1x40x128xf32, #tpu.memory_space<vmem>>
          %dma_wait3A_205 = tpu.memref_squeeze %dma_wait3A_204 : memref<1x40x128xf32, #tpu.memory_space<vmem>> -> memref<40x128xf32, #tpu.memory_space<vmem>>
          %dma_wait3A_206 = arith.constant 0 : i32
          %dma_wait3A_207 = tpu.memref_slice %arg9[%mul3A_171, %dma_wait3A_206] : memref<10000x128xf32, #tpu.memory_space<vmem_shared>> -> memref<40x128xf32, #tpu.memory_space<vmem_shared>>
          %dma_wait3A_208 = arith.constant 0 : i32
          %dma_wait3A_209 = arith.constant 0 : i32
          %dma_wait3A_210 = tpu.memref_slice %arg8[%rem3A_162, %dma_wait3A_208, %dma_wait3A_209] : memref<5x40x128xf32, #tpu.memory_space<vmem>> -> memref<1x40x128xf32, #tpu.memory_space<vmem>>
          %dma_wait3A_211 = tpu.memref_squeeze %dma_wait3A_210 : memref<1x40x128xf32, #tpu.memory_space<vmem>> -> memref<40x128xf32, #tpu.memory_space<vmem>>
          %dma_wait3A_212 = arith.constant 0 : i32
          %dma_wait3A_213 = tpu.memref_slice %arg9[%mul3A_171, %dma_wait3A_212] : memref<10000x128xf32, #tpu.memory_space<vmem_shared>> -> memref<40x128xf32, #tpu.memory_space<vmem_shared>>
          tpu.wait_dma2 semaphore(%run_scoped3A : memref<!tpu.dma_semaphore, #tpu.memory_space<semaphore_mem>>) src(%dma_wait3A_213 : memref<40x128xf32, #tpu.memory_space<vmem_shared>>) dst(%dma_wait3A_211 : memref<40x128xf32, #tpu.memory_space<vmem>>)
          tpu.yield
        }) : () -> ()
        %mul3A_172 = arith.constant 40 : i32
        %mul3A_173 = arith.muli %add3A_161, %mul3A_172 : i32
        %dma_start3A_174 = arith.constant 0 : i32
        %dma_start3A_175 = arith.constant 0 : i32
        %dma_start3A_176 = tpu.memref_slice %arg8[%rem3A_162, %dma_start3A_174, %dma_start3A_175] : memref<5x40x128xf32, #tpu.memory_space<vmem>> -> memref<1x40x128xf32, #tpu.memory_space<vmem>>
        %dma_start3A_177 = tpu.memref_squeeze %dma_start3A_176 : memref<1x40x128xf32, #tpu.memory_space<vmem>> -> memref<40x128xf32, #tpu.memory_space<vmem>>
        %dma_start3A_178 = arith.constant 0 : i32
        %dma_start3A_179 = tpu.memref_slice %arg5[%arg0, %mul3A_173, %dma_start3A_178] : memref<2x10000x128xf32, #tpu.memory_space<hbm>> -> memref<1x40x128xf32, #tpu.memory_space<hbm>>
        %dma_start3A_180 = tpu.memref_squeeze %dma_start3A_179 : memref<1x40x128xf32, #tpu.memory_space<hbm>> -> memref<40x128xf32, #tpu.memory_space<hbm>>
        %dma_start3A_181 = tpu.memref_slice %arg10[%rem3A_162] : memref<5x!tpu.dma_semaphore, #tpu.memory_space<semaphore_mem>> -> memref<1x!tpu.dma_semaphore, #tpu.memory_space<semaphore_mem>>
        %dma_start3A_182 = tpu.memref_squeeze %dma_start3A_181 : memref<1x!tpu.dma_semaphore, #tpu.memory_space<semaphore_mem>> -> memref<!tpu.dma_semaphore, #tpu.memory_space<semaphore_mem>>
        %dma_start3A_183 = arith.constant 0 : i32
        %dma_start3A_184 = tpu.memref_slice %arg5[%arg0, %mul3A_173, %dma_start3A_183] : memref<2x10000x128xf32, #tpu.memory_space<hbm>> -> memref<1x40x128xf32, #tpu.memory_space<hbm>>
        %dma_start3A_185 = tpu.memref_squeeze %dma_start3A_184 : memref<1x40x128xf32, #tpu.memory_space<hbm>> -> memref<40x128xf32, #tpu.memory_space<hbm>>
        %dma_start3A_186 = arith.constant 0 : i32
        %dma_start3A_187 = arith.constant 0 : i32
        %dma_start3A_188 = tpu.memref_slice %arg8[%rem3A_162, %dma_start3A_186, %dma_start3A_187] : memref<5x40x128xf32, #tpu.memory_space<vmem>> -> memref<1x40x128xf32, #tpu.memory_space<vmem>>
        %dma_start3A_189 = tpu.memref_squeeze %dma_start3A_188 : memref<1x40x128xf32, #tpu.memory_space<vmem>> -> memref<40x128xf32, #tpu.memory_space<vmem>>
        tpu.enqueue_dma source(%dma_start3A_189 : memref<40x128xf32, #tpu.memory_space<vmem>>) target(%dma_start3A_185 : memref<40x128xf32, #tpu.memory_space<hbm>>) target_semaphore(%dma_start3A_182 : memref<!tpu.dma_semaphore, #tpu.memory_space<semaphore_mem>>)
      } else {
      }
      %scan3A_165 = arith.constant 0 : i32
      scf.yield %scan3A_165 : i32
    }
    %scan3A_149 = arith.constant 16 : i32
    %scan3A_150 = arith.constant 0 : i32
    %scan3A_151 = arith.constant 14 : i32
    %scan3A_152 = arith.constant 2 : i32
    %scan3A_153 = arith.addi %scan3A_151, %scan3A_152 : i32
    %scan3A_154 = arith.constant 1 : i32
    %scan3A_155 = scf.for %scan3A_157 = %scan3A_151 to %scan3A_153 step %scan3A_154 iter_args(%scan3A_158 = %scan3A_150) -> (i32)  : i32 {
      %mul3A_159 = arith.constant 16 : i32
      %mul3A_160 = arith.muli %scan3A_157, %mul3A_159 : i32
      %add3A_161 = arith.addi %arg1, %mul3A_160 : i32
      %rem3A = arith.constant 2 : i32
      %rem3A_162 = arith.remsi %scan3A_157, %rem3A : i32
      %lt3A = arith.constant 250 : i32
      %lt3A_163 = arith.cmpi slt, %add3A_161, %lt3A : i32
      %convert_element_type3A = arith.extui %lt3A_163 : i1 to i32
      %cond3A = arith.constant 0 : i32
      %cond3A_164 = arith.cmpi ne, %convert_element_type3A, %cond3A : i32
      scf.if %cond3A_164 {
        %mul3A_166 = arith.constant 40 : i32
        %mul3A_167 = arith.muli %add3A_161, %mul3A_166 : i32
        %dma_wait3A_168 = arith.constant 0 : i32
        %dma_wait3A_169 = arith.constant 0 : i32
        %dma_wait3A_170 = tpu.memref_slice %arg8[%rem3A_162, %dma_wait3A_168, %dma_wait3A_169] : memref<5x40x128xf32, #tpu.memory_space<vmem>> -> memref<1x40x128xf32, #tpu.memory_space<vmem>>
        %dma_wait3A_171 = tpu.memref_squeeze %dma_wait3A_170 : memref<1x40x128xf32, #tpu.memory_space<vmem>> -> memref<40x128xf32, #tpu.memory_space<vmem>>
        %dma_wait3A_172 = arith.constant 0 : i32
        %dma_wait3A_173 = tpu.memref_slice %arg5[%arg0, %mul3A_167, %dma_wait3A_172] : memref<2x10000x128xf32, #tpu.memory_space<hbm>> -> memref<1x40x128xf32, #tpu.memory_space<hbm>>
        %dma_wait3A_174 = tpu.memref_squeeze %dma_wait3A_173 : memref<1x40x128xf32, #tpu.memory_space<hbm>> -> memref<40x128xf32, #tpu.memory_space<hbm>>
        %dma_wait3A_175 = tpu.memref_slice %arg10[%rem3A_162] : memref<5x!tpu.dma_semaphore, #tpu.memory_space<semaphore_mem>> -> memref<1x!tpu.dma_semaphore, #tpu.memory_space<semaphore_mem>>
        %dma_wait3A_176 = tpu.memref_squeeze %dma_wait3A_175 : memref<1x!tpu.dma_semaphore, #tpu.memory_space<semaphore_mem>> -> memref<!tpu.dma_semaphore, #tpu.memory_space<semaphore_mem>>
        %dma_wait3A_177 = arith.constant 0 : i32
        %dma_wait3A_178 = tpu.memref_slice %arg5[%arg0, %mul3A_167, %dma_wait3A_177] : memref<2x10000x128xf32, #tpu.memory_space<hbm>> -> memref<1x40x128xf32, #tpu.memory_space<hbm>>
        %dma_wait3A_179 = tpu.memref_squeeze %dma_wait3A_178 : memref<1x40x128xf32, #tpu.memory_space<hbm>> -> memref<40x128xf32, #tpu.memory_space<hbm>>
        %dma_wait3A_180 = arith.constant 0 : i32
        %dma_wait3A_181 = arith.constant 0 : i32
        %dma_wait3A_182 = tpu.memref_slice %arg8[%rem3A_162, %dma_wait3A_180, %dma_wait3A_181] : memref<5x40x128xf32, #tpu.memory_space<vmem>> -> memref<1x40x128xf32, #tpu.memory_space<vmem>>
        %dma_wait3A_183 = tpu.memref_squeeze %dma_wait3A_182 : memref<1x40x128xf32, #tpu.memory_space<vmem>> -> memref<40x128xf32, #tpu.memory_space<vmem>>
        tpu.wait_dma2 semaphore(%dma_wait3A_176 : memref<!tpu.dma_semaphore, #tpu.memory_space<semaphore_mem>>) src(%dma_wait3A_183 : memref<40x128xf32, #tpu.memory_space<vmem>>) dst(%dma_wait3A_179 : memref<40x128xf32, #tpu.memory_space<hbm>>)
      } else {
      }
      %scan3A_165 = arith.constant 0 : i32
      scf.yield %scan3A_165 : i32
    }
    %scan3A_156 = arith.constant 2 : i32
    return
  }
}

#map = affine_map<(d0, d1) -> (0, 0)>
#map1 = affine_map<(d0, d1) -> (0)>
#map2 = affine_map<(d0, d1) -> (0, 0, 0, 0, 0)>
#map3 = affine_map<(d0, d1) -> (0, 0, 0)>
module attributes {stable_mosaic.version = 14 : i64} {
  func.func @agg_k(%arg0: i32, %arg1: i32, %arg2: memref<10000x128xf32, #tpu.memory_space<hbm>>, %arg3: memref<640000xi32, #tpu.memory_space<hbm>>, %arg4: memref<2x32x25x10x40xi32, #tpu.memory_space<hbm>>, %arg5: memref<2x10000x128xf32, #tpu.memory_space<hbm>>, %arg6: memref<10000xi32, #tpu.memory_space<vmem>>, %arg7: memref<2x10x40xi32, #tpu.memory_space<vmem>>, %arg8: memref<5x40x128xf32, #tpu.memory_space<vmem>>, %arg9: memref<10000x128xf32, #tpu.memory_space<vmem_shared>>, %arg10: memref<5x!tpu.dma_semaphore, #tpu.memory_space<semaphore_mem>>, %arg11: memref<2x!tpu.dma_semaphore, #tpu.memory_space<semaphore_mem>>) attributes {dimension_semantics = [#tpu.dimension_semantics<core_parallel>, #tpu.dimension_semantics<subcore_parallel>], iteration_bounds = array<i64: 2, 16>, scalar_prefetch = 0 : i64, scratch_operands = 6 : i64, tpu.core_type = #tpu.core_type<sc_vector_subcore>, window_params = [{transform_indices = #map}, {transform_indices = #map1}, {transform_indices = #map2}, {transform_indices = #map3}]} {
    %mul3A = arith.constant 2 : i32
    %mul3A_0 = arith.muli %arg1, %mul3A : i32
    %add3A = arith.addi %mul3A_0, %arg0 : i32
    %mul3A_1 = arith.constant 10000 : i32
    %mul3A_2 = arith.muli %add3A, %mul3A_1 : i32
    %dma_start3A = arith.constant 0 : i32
    %dma_start3A_3 = tpu.memref_slice %arg3[%mul3A_2] : memref<640000xi32, #tpu.memory_space<hbm>> -> memref<10000xi32, #tpu.memory_space<hbm>>
    %dma_start3A_4 = tpu.memref_slice %arg10[%dma_start3A] : memref<5x!tpu.dma_semaphore, #tpu.memory_space<semaphore_mem>> -> memref<1x!tpu.dma_semaphore, #tpu.memory_space<semaphore_mem>>
    %dma_start3A_5 = tpu.memref_squeeze %dma_start3A_4 : memref<1x!tpu.dma_semaphore, #tpu.memory_space<semaphore_mem>> -> memref<!tpu.dma_semaphore, #tpu.memory_space<semaphore_mem>>
    %dma_start3A_6 = tpu.memref_slice %arg3[%mul3A_2] : memref<640000xi32, #tpu.memory_space<hbm>> -> memref<10000xi32, #tpu.memory_space<hbm>>
    tpu.enqueue_dma source(%dma_start3A_6 : memref<10000xi32, #tpu.memory_space<hbm>>) target(%arg6 : memref<10000xi32, #tpu.memory_space<vmem>>) target_semaphore(%dma_start3A_5 : memref<!tpu.dma_semaphore, #tpu.memory_space<semaphore_mem>>)
    %scan3A = arith.constant 0 : i32
    %scan3A_7 = arith.constant 0 : i32
    %scan3A_8 = arith.constant 40 : i32
    %scan3A_9 = arith.addi %scan3A_7, %scan3A_8 : i32
    %scan3A_10 = arith.constant 1 : i32
    %scan3A_11 = scf.for %scan3A_157 = %scan3A_7 to %scan3A_9 step %scan3A_10 iter_args(%scan3A_158 = %scan3A) -> (i32)  : i32 {
      %broadcast_in_dim3A = arith.constant 0.000000e+00 : f32
      %broadcast_in_dim3A_159 = vector.broadcast %broadcast_in_dim3A : f32 to vector<16xf32>
      %swap3A = arith.constant 0 : i32
      %swap3A_160 = arith.index_cast %swap3A : i32 to index
      %swap3A_161 = arith.index_cast %scan3A_157 : i32 to index
      %swap3A_162 = arith.constant 0 : index
      %swap3A_163 = tpu.vector_load %arg8[%swap3A_160, %swap3A_161, %swap3A_162] {strides = array<i32>} : memref<5x40x128xf32, #tpu.memory_space<vmem>>, vector<1x1x16xf32>,
      %swap3A_164 = vector.shape_cast %swap3A_163 : vector<1x1x16xf32> to vector<16xf32>
      %swap3A_165 = vector.shape_cast %broadcast_in_dim3A_159 : vector<16xf32> to vector<1x1x16xf32>
      tpu.vector_store %arg8[%swap3A_160, %swap3A_161, %swap3A_162], %swap3A_165 {strides = array<i32>} : memref<5x40x128xf32, #tpu.memory_space<vmem>>, vector<1x1x16xf32>,
      %broadcast_in_dim3A_166 = arith.constant 0.000000e+00 : f32
      %broadcast_in_dim3A_167 = vector.broadcast %broadcast_in_dim3A_166 : f32 to vector<16xf32>
      %swap3A_168 = arith.constant 0 : i32
      %swap3A_169 = arith.index_cast %swap3A_168 : i32 to index
      %swap3A_170 = arith.index_cast %scan3A_157 : i32 to index
      %swap3A_171 = arith.constant 16 : index
      %swap3A_172 = tpu.vector_load %arg8[%swap3A_169, %swap3A_170, %swap3A_171] {strides = array<i32>} : memref<5x40x128xf32, #tpu.memory_space<vmem>>, vector<1x1x16xf32>,
      %swap3A_173 = vector.shape_cast %swap3A_172 : vector<1x1x16xf32> to vector<16xf32>
      %swap3A_174 = vector.shape_cast %broadcast_in_dim3A_167 : vector<16xf32> to vector<1x1x16xf32>
      tpu.vector_store %arg8[%swap3A_169, %swap3A_170, %swap3A_171], %swap3A_174 {strides = array<i32>} : memref<5x40x128xf32, #tpu.memory_space<vmem>>, vector<1x1x16xf32>,
      %broadcast_in_dim3A_175 = arith.constant 0.000000e+00 : f32
      %broadcast_in_dim3A_176 = vector.broadcast %broadcast_in_dim3A_175 : f32 to vector<16xf32>
      %swap3A_177 = arith.constant 0 : i32
      %swap3A_178 = arith.index_cast %swap3A_177 : i32 to index
      %swap3A_179 = arith.index_cast %scan3A_157 : i32 to index
      %swap3A_180 = arith.constant 32 : index
      %swap3A_181 = tpu.vector_load %arg8[%swap3A_178, %swap3A_179, %swap3A_180] {strides = array<i32>} : memref<5x40x128xf32, #tpu.memory_space<vmem>>, vector<1x1x16xf32>,
      %swap3A_182 = vector.shape_cast %swap3A_181 : vector<1x1x16xf32> to vector<16xf32>
      %swap3A_183 = vector.shape_cast %broadcast_in_dim3A_176 : vector<16xf32> to vector<1x1x16xf32>
      tpu.vector_store %arg8[%swap3A_178, %swap3A_179, %swap3A_180], %swap3A_183 {strides = array<i32>} : memref<5x40x128xf32, #tpu.memory_space<vmem>>, vector<1x1x16xf32>,
      %broadcast_in_dim3A_184 = arith.constant 0.000000e+00 : f32
      %broadcast_in_dim3A_185 = vector.broadcast %broadcast_in_dim3A_184 : f32 to vector<16xf32>
      %swap3A_186 = arith.constant 0 : i32
      %swap3A_187 = arith.index_cast %swap3A_186 : i32 to index
      %swap3A_188 = arith.index_cast %scan3A_157 : i32 to index
      %swap3A_189 = arith.constant 48 : index
      %swap3A_190 = tpu.vector_load %arg8[%swap3A_187, %swap3A_188, %swap3A_189] {strides = array<i32>} : memref<5x40x128xf32, #tpu.memory_space<vmem>>, vector<1x1x16xf32>,
      %swap3A_191 = vector.shape_cast %swap3A_190 : vector<1x1x16xf32> to vector<16xf32>
      %swap3A_192 = vector.shape_cast %broadcast_in_dim3A_185 : vector<16xf32> to vector<1x1x16xf32>
      tpu.vector_store %arg8[%swap3A_187, %swap3A_188, %swap3A_189], %swap3A_192 {strides = array<i32>} : memref<5x40x128xf32, #tpu.memory_space<vmem>>, vector<1x1x16xf32>,
      %broadcast_in_dim3A_193 = arith.constant 0.000000e+00 : f32
      %broadcast_in_dim3A_194 = vector.broadcast %broadcast_in_dim3A_193 : f32 to vector<16xf32>
      %swap3A_195 = arith.constant 0 : i32
      %swap3A_196 = arith.index_cast %swap3A_195 : i32 to index
      %swap3A_197 = arith.index_cast %scan3A_157 : i32 to index
      %swap3A_198 = arith.constant 64 : index
      %swap3A_199 = tpu.vector_load %arg8[%swap3A_196, %swap3A_197, %swap3A_198] {strides = array<i32>} : memref<5x40x128xf32, #tpu.memory_space<vmem>>, vector<1x1x16xf32>,
      %swap3A_200 = vector.shape_cast %swap3A_199 : vector<1x1x16xf32> to vector<16xf32>
      %swap3A_201 = vector.shape_cast %broadcast_in_dim3A_194 : vector<16xf32> to vector<1x1x16xf32>
      tpu.vector_store %arg8[%swap3A_196, %swap3A_197, %swap3A_198], %swap3A_201 {strides = array<i32>} : memref<5x40x128xf32, #tpu.memory_space<vmem>>, vector<1x1x16xf32>,
      %broadcast_in_dim3A_202 = arith.constant 0.000000e+00 : f32
      %broadcast_in_dim3A_203 = vector.broadcast %broadcast_in_dim3A_202 : f32 to vector<16xf32>
      %swap3A_204 = arith.constant 0 : i32
      %swap3A_205 = arith.index_cast %swap3A_204 : i32 to index
      %swap3A_206 = arith.index_cast %scan3A_157 : i32 to index
      %swap3A_207 = arith.constant 80 : index
      %swap3A_208 = tpu.vector_load %arg8[%swap3A_205, %swap3A_206, %swap3A_207] {strides = array<i32>} : memref<5x40x128xf32, #tpu.memory_space<vmem>>, vector<1x1x16xf32>,
      %swap3A_209 = vector.shape_cast %swap3A_208 : vector<1x1x16xf32> to vector<16xf32>
      %swap3A_210 = vector.shape_cast %broadcast_in_dim3A_203 : vector<16xf32> to vector<1x1x16xf32>
      tpu.vector_store %arg8[%swap3A_205, %swap3A_206, %swap3A_207], %swap3A_210 {strides = array<i32>} : memref<5x40x128xf32, #tpu.memory_space<vmem>>, vector<1x1x16xf32>,
      %broadcast_in_dim3A_211 = arith.constant 0.000000e+00 : f32
      %broadcast_in_dim3A_212 = vector.broadcast %broadcast_in_dim3A_211 : f32 to vector<16xf32>
      %swap3A_213 = arith.constant 0 : i32
      %swap3A_214 = arith.index_cast %swap3A_213 : i32 to index
      %swap3A_215 = arith.index_cast %scan3A_157 : i32 to index
      %swap3A_216 = arith.constant 96 : index
      %swap3A_217 = tpu.vector_load %arg8[%swap3A_214, %swap3A_215, %swap3A_216] {strides = array<i32>} : memref<5x40x128xf32, #tpu.memory_space<vmem>>, vector<1x1x16xf32>,
      %swap3A_218 = vector.shape_cast %swap3A_217 : vector<1x1x16xf32> to vector<16xf32>
      %swap3A_219 = vector.shape_cast %broadcast_in_dim3A_212 : vector<16xf32> to vector<1x1x16xf32>
      tpu.vector_store %arg8[%swap3A_214, %swap3A_215, %swap3A_216], %swap3A_219 {strides = array<i32>} : memref<5x40x128xf32, #tpu.memory_space<vmem>>, vector<1x1x16xf32>,
      %broadcast_in_dim3A_220 = arith.constant 0.000000e+00 : f32
      %broadcast_in_dim3A_221 = vector.broadcast %broadcast_in_dim3A_220 : f32 to vector<16xf32>
      %swap3A_222 = arith.constant 0 : i32
      %swap3A_223 = arith.index_cast %swap3A_222 : i32 to index
      %swap3A_224 = arith.index_cast %scan3A_157 : i32 to index
      %swap3A_225 = arith.constant 112 : index
      %swap3A_226 = tpu.vector_load %arg8[%swap3A_223, %swap3A_224, %swap3A_225] {strides = array<i32>} : memref<5x40x128xf32, #tpu.memory_space<vmem>>, vector<1x1x16xf32>,
      %swap3A_227 = vector.shape_cast %swap3A_226 : vector<1x1x16xf32> to vector<16xf32>
      %swap3A_228 = vector.shape_cast %broadcast_in_dim3A_221 : vector<16xf32> to vector<1x1x16xf32>
      tpu.vector_store %arg8[%swap3A_223, %swap3A_224, %swap3A_225], %swap3A_228 {strides = array<i32>} : memref<5x40x128xf32, #tpu.memory_space<vmem>>, vector<1x1x16xf32>,
      %scan3A_229 = arith.constant 0 : i32
      scf.yield %scan3A_229 : i32
    }
    %scan3A_12 = arith.constant 40 : i32
    %scan3A_13 = arith.constant 0 : i32
    %scan3A_14 = arith.constant 0 : i32
    %scan3A_15 = arith.constant 16 : i32
    %scan3A_16 = arith.addi %scan3A_14, %scan3A_15 : i32
    %scan3A_17 = arith.constant 1 : i32
    %scan3A_18 = scf.for %scan3A_157 = %scan3A_14 to %scan3A_16 step %scan3A_17 iter_args(%scan3A_158 = %scan3A_13) -> (i32)  : i32 {
      %mul3A_159 = arith.constant 16 : i32
      %mul3A_160 = arith.muli %scan3A_157, %mul3A_159 : i32
      %add3A_161 = arith.addi %arg1, %mul3A_160 : i32
      %lt3A = arith.constant 250 : i32
      %lt3A_162 = arith.cmpi slt, %add3A_161, %lt3A : i32
      %convert_element_type3A = arith.extui %lt3A_162 : i1 to i32
      %cond3A = arith.constant 0 : i32
      %cond3A_163 = arith.cmpi ne, %convert_element_type3A, %cond3A : i32
      scf.if %cond3A_163 {
        %mul3A_165 = arith.constant 40 : i32
        %mul3A_166 = arith.muli %add3A_161, %mul3A_165 : i32
        %run_scoped3A = arith.constant 0 : i32
        "tpu.region"() ({
          %run_scoped3A_167 = tpu.sem_alloc : memref<!tpu.dma_semaphore, #tpu.memory_space<semaphore_mem>>
          %dma_start3A_168 = arith.constant 0 : i32
          %dma_start3A_169 = arith.constant 0 : i32
          %dma_start3A_170 = tpu.memref_slice %arg8[%run_scoped3A, %dma_start3A_168, %dma_start3A_169] : memref<5x40x128xf32, #tpu.memory_space<vmem>> -> memref<1x40x128xf32, #tpu.memory_space<vmem>>
          %dma_start3A_171 = tpu.memref_squeeze %dma_start3A_170 : memref<1x40x128xf32, #tpu.memory_space<vmem>> -> memref<40x128xf32, #tpu.memory_space<vmem>>
          %dma_start3A_172 = arith.constant 0 : i32
          %dma_start3A_173 = tpu.memref_slice %arg9[%mul3A_166, %dma_start3A_172] : memref<10000x128xf32, #tpu.memory_space<vmem_shared>> -> memref<40x128xf32, #tpu.memory_space<vmem_shared>>
          %dma_start3A_174 = arith.constant 0 : i32
          %dma_start3A_175 = tpu.memref_slice %arg9[%mul3A_166, %dma_start3A_174] : memref<10000x128xf32, #tpu.memory_space<vmem_shared>> -> memref<40x128xf32, #tpu.memory_space<vmem_shared>>
          %dma_start3A_176 = arith.constant 0 : i32
          %dma_start3A_177 = arith.constant 0 : i32
          %dma_start3A_178 = tpu.memref_slice %arg8[%run_scoped3A, %dma_start3A_176, %dma_start3A_177] : memref<5x40x128xf32, #tpu.memory_space<vmem>> -> memref<1x40x128xf32, #tpu.memory_space<vmem>>
          %dma_start3A_179 = tpu.memref_squeeze %dma_start3A_178 : memref<1x40x128xf32, #tpu.memory_space<vmem>> -> memref<40x128xf32, #tpu.memory_space<vmem>>
          tpu.enqueue_dma source(%dma_start3A_179 : memref<40x128xf32, #tpu.memory_space<vmem>>) target(%dma_start3A_175 : memref<40x128xf32, #tpu.memory_space<vmem_shared>>) target_semaphore(%run_scoped3A_167 : memref<!tpu.dma_semaphore, #tpu.memory_space<semaphore_mem>>)
          %dma_wait3A_180 = arith.constant 0 : i32
          %dma_wait3A_181 = arith.constant 0 : i32
          %dma_wait3A_182 = tpu.memref_slice %arg8[%run_scoped3A, %dma_wait3A_180, %dma_wait3A_181] : memref<5x40x128xf32, #tpu.memory_space<vmem>> -> memref<1x40x128xf32, #tpu.memory_space<vmem>>
          %dma_wait3A_183 = tpu.memref_squeeze %dma_wait3A_182 : memref<1x40x128xf32, #tpu.memory_space<vmem>> -> memref<40x128xf32, #tpu.memory_space<vmem>>
          %dma_wait3A_184 = arith.constant 0 : i32
          %dma_wait3A_185 = tpu.memref_slice %arg9[%mul3A_166, %dma_wait3A_184] : memref<10000x128xf32, #tpu.memory_space<vmem_shared>> -> memref<40x128xf32, #tpu.memory_space<vmem_shared>>
          %dma_wait3A_186 = arith.constant 0 : i32
          %dma_wait3A_187 = tpu.memref_slice %arg9[%mul3A_166, %dma_wait3A_186] : memref<10000x128xf32, #tpu.memory_space<vmem_shared>> -> memref<40x128xf32, #tpu.memory_space<vmem_shared>>
          %dma_wait3A_188 = arith.constant 0 : i32
          %dma_wait3A_189 = arith.constant 0 : i32
          %dma_wait3A_190 = tpu.memref_slice %arg8[%run_scoped3A, %dma_wait3A_188, %dma_wait3A_189] : memref<5x40x128xf32, #tpu.memory_space<vmem>> -> memref<1x40x128xf32, #tpu.memory_space<vmem>>
          %dma_wait3A_191 = tpu.memref_squeeze %dma_wait3A_190 : memref<1x40x128xf32, #tpu.memory_space<vmem>> -> memref<40x128xf32, #tpu.memory_space<vmem>>
          tpu.wait_dma2 semaphore(%run_scoped3A_167 : memref<!tpu.dma_semaphore, #tpu.memory_space<semaphore_mem>>) src(%dma_wait3A_191 : memref<40x128xf32, #tpu.memory_space<vmem>>) dst(%dma_wait3A_187 : memref<40x128xf32, #tpu.memory_space<vmem_shared>>)
          tpu.yield
        }) : () -> ()
      } else {
      }
      %scan3A_164 = arith.constant 0 : i32
      scf.yield %scan3A_164 : i32
    }
    %scan3A_19 = arith.constant 16 : i32
    %mul3A_20 = arith.constant 10000 : i32
    %mul3A_21 = arith.muli %add3A, %mul3A_20 : i32
    %dma_wait3A = arith.constant 0 : i32
    %dma_wait3A_22 = tpu.memref_slice %arg3[%mul3A_21] : memref<640000xi32, #tpu.memory_space<hbm>> -> memref<10000xi32, #tpu.memory_space<hbm>>
    %dma_wait3A_23 = tpu.memref_slice %arg10[%dma_wait3A] : memref<5x!tpu.dma_semaphore, #tpu.memory_space<semaphore_mem>> -> memref<1x!tpu.dma_semaphore, #tpu.memory_space<semaphore_mem>>
    %dma_wait3A_24 = tpu.memref_squeeze %dma_wait3A_23 : memref<1x!tpu.dma_semaphore, #tpu.memory_space<semaphore_mem>> -> memref<!tpu.dma_semaphore, #tpu.memory_space<semaphore_mem>>
    %dma_wait3A_25 = tpu.memref_slice %arg3[%mul3A_21] : memref<640000xi32, #tpu.memory_space<hbm>> -> memref<10000xi32, #tpu.memory_space<hbm>>
    tpu.wait_dma2 semaphore(%dma_wait3A_24 : memref<!tpu.dma_semaphore, #tpu.memory_space<semaphore_mem>>) src(%dma_wait3A_25 : memref<10000xi32, #tpu.memory_space<hbm>>) dst(%arg6 : memref<10000xi32, #tpu.memory_space<vmem>>)
    %barrier3A = arith.constant 0 : index
    tpu.barrier barrier_id(%barrier3A)
    %dma_start3A_26 = arith.constant 1 : i32
    %dma_start3A_27 = arith.constant 0 : i32
    %dma_start3A_28 = arith.constant 0 : i32
    %dma_start3A_29 = arith.constant 0 : i32
    %dma_start3A_30 = arith.constant 0 : i32
    %dma_start3A_31 = arith.constant 0 : i32
    %dma_start3A_32 = tpu.memref_slice %arg7[%dma_start3A_28, %dma_start3A_30, %dma_start3A_31] : memref<2x10x40xi32, #tpu.memory_space<vmem>> -> memref<1x10x40xi32, #tpu.memory_space<vmem>>
    %dma_start3A_33 = tpu.memref_squeeze %dma_start3A_32 : memref<1x10x40xi32, #tpu.memory_space<vmem>> -> memref<10x40xi32, #tpu.memory_space<vmem>>
    %dma_start3A_34 = arith.constant 0 : i32
    %dma_start3A_35 = arith.constant 0 : i32
    %dma_start3A_36 = tpu.memref_slice %arg4[%dma_start3A_26, %add3A, %dma_start3A_27, %dma_start3A_34, %dma_start3A_35] : memref<2x32x25x10x40xi32, #tpu.memory_space<hbm>> -> memref<1x1x1x10x40xi32, #tpu.memory_space<hbm>>
    %dma_start3A_37 = tpu.memref_squeeze %dma_start3A_36 : memref<1x1x1x10x40xi32, #tpu.memory_space<hbm>> -> memref<10x40xi32, #tpu.memory_space<hbm>>
    %dma_start3A_38 = tpu.memref_slice %arg11[%dma_start3A_29] : memref<2x!tpu.dma_semaphore, #tpu.memory_space<semaphore_mem>> -> memref<1x!tpu.dma_semaphore, #tpu.memory_space<semaphore_mem>>
    %dma_start3A_39 = tpu.memref_squeeze %dma_start3A_38 : memref<1x!tpu.dma_semaphore, #tpu.memory_space<semaphore_mem>> -> memref<!tpu.dma_semaphore, #tpu.memory_space<semaphore_mem>>
    %dma_start3A_40 = arith.constant 0 : i32
    %dma_start3A_41 = arith.constant 0 : i32
    %dma_start3A_42 = tpu.memref_slice %arg7[%dma_start3A_28, %dma_start3A_40, %dma_start3A_41] : memref<2x10x40xi32, #tpu.memory_space<vmem>> -> memref<1x10x40xi32, #tpu.memory_space<vmem>>
    %dma_start3A_43 = tpu.memref_squeeze %dma_start3A_42 : memref<1x10x40xi32, #tpu.memory_space<vmem>> -> memref<10x40xi32, #tpu.memory_space<vmem>>
    %dma_start3A_44 = arith.constant 0 : i32
    %dma_start3A_45 = arith.constant 0 : i32
    %dma_start3A_46 = tpu.memref_slice %arg4[%dma_start3A_26, %add3A, %dma_start3A_27, %dma_start3A_44, %dma_start3A_45] : memref<2x32x25x10x40xi32, #tpu.memory_space<hbm>> -> memref<1x1x1x10x40xi32, #tpu.memory_space<hbm>>
    %dma_start3A_47 = tpu.memref_squeeze %dma_start3A_46 : memref<1x1x1x10x40xi32, #tpu.memory_space<hbm>> -> memref<10x40xi32, #tpu.memory_space<hbm>>
    tpu.enqueue_dma source(%dma_start3A_47 : memref<10x40xi32, #tpu.memory_space<hbm>>) target(%dma_start3A_43 : memref<10x40xi32, #tpu.memory_space<vmem>>) target_semaphore(%dma_start3A_39 : memref<!tpu.dma_semaphore, #tpu.memory_space<semaphore_mem>>)
    %dma_start3A_48 = arith.constant 0 : i32
    %dma_start3A_49 = arith.constant 0 : i32
    %dma_start3A_50 = arith.constant 0 : i32
    %dma_start3A_51 = arith.constant 0 : i32
    %dma_start3A_52 = tpu.memref_slice %arg8[%dma_start3A_48, %dma_start3A_50, %dma_start3A_51] : memref<5x40x128xf32, #tpu.memory_space<vmem>> -> memref<1x40x128xf32, #tpu.memory_space<vmem>>
    %dma_start3A_53 = tpu.memref_squeeze %dma_start3A_52 : memref<1x40x128xf32, #tpu.memory_space<vmem>> -> memref<40x128xf32, #tpu.memory_space<vmem>>
    %dma_start3A_54 = arith.constant 0 : i32
    %dma_start3A_55 = tpu.memref_slice %arg6[%dma_start3A_54] : memref<10000xi32, #tpu.memory_space<vmem>> -> memref<40xi32, #tpu.memory_space<vmem>>
    %dma_start3A_56 = arith.constant 0 : i32
    %dma_start3A_57 = arith.constant 0 : i32
    %dma_start3A_58 = tpu.memref_slice %arg2[%dma_start3A_56, %dma_start3A_57] : memref<10000x128xf32, #tpu.memory_space<hbm>> -> memref<10000x128xf32, #tpu.memory_space<hbm>>
    %dma_start3A_59 = tpu.memref_slice %arg10[%dma_start3A_49] : memref<5x!tpu.dma_semaphore, #tpu.memory_space<semaphore_mem>> -> memref<1x!tpu.dma_semaphore, #tpu.memory_space<semaphore_mem>>
    %dma_start3A_60 = tpu.memref_squeeze %dma_start3A_59 : memref<1x!tpu.dma_semaphore, #tpu.memory_space<semaphore_mem>> -> memref<!tpu.dma_semaphore, #tpu.memory_space<semaphore_mem>>
    tpu.enqueue_indirect_dma source(%dma_start3A_58 : memref<10000x128xf32, #tpu.memory_space<hbm>>) target(%dma_start3A_53 : memref<40x128xf32, #tpu.memory_space<vmem>>) offsets(%dma_start3A_55 : memref<40xi32, #tpu.memory_space<vmem>>) semaphore(%dma_start3A_60 : memref<!tpu.dma_semaphore, #tpu.memory_space<semaphore_mem>>)
    %dma_start3A_61 = arith.constant 1 : i32
    %dma_start3A_62 = arith.constant 1 : i32
    %dma_start3A_63 = arith.constant 0 : i32
    %dma_start3A_64 = arith.constant 0 : i32
    %dma_start3A_65 = tpu.memref_slice %arg8[%dma_start3A_61, %dma_start3A_63, %dma_start3A_64] : memref<5x40x128xf32, #tpu.memory_space<vmem>> -> memref<1x40x128xf32, #tpu.memory_space<vmem>>
    %dma_start3A_66 = tpu.memref_squeeze %dma_start3A_65 : memref<1x40x128xf32, #tpu.memory_space<vmem>> -> memref<40x128xf32, #tpu.memory_space<vmem>>
    %dma_start3A_67 = arith.constant 40 : i32
    %dma_start3A_68 = tpu.memref_slice %arg6[%dma_start3A_67] : memref<10000xi32, #tpu.memory_space<vmem>> -> memref<40xi32, #tpu.memory_space<vmem>>
    %dma_start3A_69 = arith.constant 0 : i32
    %dma_start3A_70 = arith.constant 0 : i32
    %dma_start3A_71 = tpu.memref_slice %arg2[%dma_start3A_69, %dma_start3A_70] : memref<10000x128xf32, #tpu.memory_space<hbm>> -> memref<10000x128xf32, #tpu.memory_space<hbm>>
    %dma_start3A_72 = tpu.memref_slice %arg10[%dma_start3A_62] : memref<5x!tpu.dma_semaphore, #tpu.memory_space<semaphore_mem>> -> memref<1x!tpu.dma_semaphore, #tpu.memory_space<semaphore_mem>>
    %dma_start3A_73 = tpu.memref_squeeze %dma_start3A_72 : memref<1x!tpu.dma_semaphore, #tpu.memory_space<semaphore_mem>> -> memref<!tpu.dma_semaphore, #tpu.memory_space<semaphore_mem>>
    tpu.enqueue_indirect_dma source(%dma_start3A_71 : memref<10000x128xf32, #tpu.memory_space<hbm>>) target(%dma_start3A_66 : memref<40x128xf32, #tpu.memory_space<vmem>>) offsets(%dma_start3A_68 : memref<40xi32, #tpu.memory_space<vmem>>) semaphore(%dma_start3A_73 : memref<!tpu.dma_semaphore, #tpu.memory_space<semaphore_mem>>)
    %dma_start3A_74 = arith.constant 2 : i32
    %dma_start3A_75 = arith.constant 2 : i32
    %dma_start3A_76 = arith.constant 0 : i32
    %dma_start3A_77 = arith.constant 0 : i32
    %dma_start3A_78 = tpu.memref_slice %arg8[%dma_start3A_74, %dma_start3A_76, %dma_start3A_77] : memref<5x40x128xf32, #tpu.memory_space<vmem>> -> memref<1x40x128xf32, #tpu.memory_space<vmem>>
    %dma_start3A_79 = tpu.memref_squeeze %dma_start3A_78 : memref<1x40x128xf32, #tpu.memory_space<vmem>> -> memref<40x128xf32, #tpu.memory_space<vmem>>
    %dma_start3A_80 = arith.constant 80 : i32
    %dma_start3A_81 = tpu.memref_slice %arg6[%dma_start3A_80] : memref<10000xi32, #tpu.memory_space<vmem>> -> memref<40xi32, #tpu.memory_space<vmem>>
    %dma_start3A_82 = arith.constant 0 : i32
    %dma_start3A_83 = arith.constant 0 : i32
    %dma_start3A_84 = tpu.memref_slice %arg2[%dma_start3A_82, %dma_start3A_83] : memref<10000x128xf32, #tpu.memory_space<hbm>> -> memref<10000x128xf32, #tpu.memory_space<hbm>>
    %dma_start3A_85 = tpu.memref_slice %arg10[%dma_start3A_75] : memref<5x!tpu.dma_semaphore, #tpu.memory_space<semaphore_mem>> -> memref<1x!tpu.dma_semaphore, #tpu.memory_space<semaphore_mem>>
    %dma_start3A_86 = tpu.memref_squeeze %dma_start3A_85 : memref<1x!tpu.dma_semaphore, #tpu.memory_space<semaphore_mem>> -> memref<!tpu.dma_semaphore, #tpu.memory_space<semaphore_mem>>
    tpu.enqueue_indirect_dma source(%dma_start3A_84 : memref<10000x128xf32, #tpu.memory_space<hbm>>) target(%dma_start3A_79 : memref<40x128xf32, #tpu.memory_space<vmem>>) offsets(%dma_start3A_81 : memref<40xi32, #tpu.memory_space<vmem>>) semaphore(%dma_start3A_86 : memref<!tpu.dma_semaphore, #tpu.memory_space<semaphore_mem>>)
    %dma_start3A_87 = arith.constant 3 : i32
    %dma_start3A_88 = arith.constant 3 : i32
    %dma_start3A_89 = arith.constant 0 : i32
    %dma_start3A_90 = arith.constant 0 : i32
    %dma_start3A_91 = tpu.memref_slice %arg8[%dma_start3A_87, %dma_start3A_89, %dma_start3A_90] : memref<5x40x128xf32, #tpu.memory_space<vmem>> -> memref<1x40x128xf32, #tpu.memory_space<vmem>>
    %dma_start3A_92 = tpu.memref_squeeze %dma_start3A_91 : memref<1x40x128xf32, #tpu.memory_space<vmem>> -> memref<40x128xf32, #tpu.memory_space<vmem>>
    %dma_start3A_93 = arith.constant 120 : i32
    %dma_start3A_94 = tpu.memref_slice %arg6[%dma_start3A_93] : memref<10000xi32, #tpu.memory_space<vmem>> -> memref<40xi32, #tpu.memory_space<vmem>>
    %dma_start3A_95 = arith.constant 0 : i32
    %dma_start3A_96 = arith.constant 0 : i32
    %dma_start3A_97 = tpu.memref_slice %arg2[%dma_start3A_95, %dma_start3A_96] : memref<10000x128xf32, #tpu.memory_space<hbm>> -> memref<10000x128xf32, #tpu.memory_space<hbm>>
    %dma_start3A_98 = tpu.memref_slice %arg10[%dma_start3A_88] : memref<5x!tpu.dma_semaphore, #tpu.memory_space<semaphore_mem>> -> memref<1x!tpu.dma_semaphore, #tpu.memory_space<semaphore_mem>>
    %dma_start3A_99 = tpu.memref_squeeze %dma_start3A_98 : memref<1x!tpu.dma_semaphore, #tpu.memory_space<semaphore_mem>> -> memref<!tpu.dma_semaphore, #tpu.memory_space<semaphore_mem>>
    tpu.enqueue_indirect_dma source(%dma_start3A_97 : memref<10000x128xf32, #tpu.memory_space<hbm>>) target(%dma_start3A_92 : memref<40x128xf32, #tpu.memory_space<vmem>>) offsets(%dma_start3A_94 : memref<40xi32, #tpu.memory_space<vmem>>) semaphore(%dma_start3A_99 : memref<!tpu.dma_semaphore, #tpu.memory_space<semaphore_mem>>)
    %dma_start3A_100 = arith.constant 4 : i32
    %dma_start3A_101 = arith.constant 4 : i32
    %dma_start3A_102 = arith.constant 0 : i32
    %dma_start3A_103 = arith.constant 0 : i32
    %dma_start3A_104 = tpu.memref_slice %arg8[%dma_start3A_100, %dma_start3A_102, %dma_start3A_103] : memref<5x40x128xf32, #tpu.memory_space<vmem>> -> memref<1x40x128xf32, #tpu.memory_space<vmem>>
    %dma_start3A_105 = tpu.memref_squeeze %dma_start3A_104 : memref<1x40x128xf32, #tpu.memory_space<vmem>> -> memref<40x128xf32, #tpu.memory_space<vmem>>
    %dma_start3A_106 = arith.constant 160 : i32
    %dma_start3A_107 = tpu.memref_slice %arg6[%dma_start3A_106] : memref<10000xi32, #tpu.memory_space<vmem>> -> memref<40xi32, #tpu.memory_space<vmem>>
    %dma_start3A_108 = arith.constant 0 : i32
    %dma_start3A_109 = arith.constant 0 : i32
    %dma_start3A_110 = tpu.memref_slice %arg2[%dma_start3A_108, %dma_start3A_109] : memref<10000x128xf32, #tpu.memory_space<hbm>> -> memref<10000x128xf32, #tpu.memory_space<hbm>>
    %dma_start3A_111 = tpu.memref_slice %arg10[%dma_start3A_101] : memref<5x!tpu.dma_semaphore, #tpu.memory_space<semaphore_mem>> -> memref<1x!tpu.dma_semaphore, #tpu.memory_space<semaphore_mem>>
    %dma_start3A_112 = tpu.memref_squeeze %dma_start3A_111 : memref<1x!tpu.dma_semaphore, #tpu.memory_space<semaphore_mem>> -> memref<!tpu.dma_semaphore, #tpu.memory_space<semaphore_mem>>
    tpu.enqueue_indirect_dma source(%dma_start3A_110 : memref<10000x128xf32, #tpu.memory_space<hbm>>) target(%dma_start3A_105 : memref<40x128xf32, #tpu.memory_space<vmem>>) offsets(%dma_start3A_107 : memref<40xi32, #tpu.memory_space<vmem>>) semaphore(%dma_start3A_112 : memref<!tpu.dma_semaphore, #tpu.memory_space<semaphore_mem>>)
    %dma_wait3A_113 = arith.constant 1 : i32
    %dma_wait3A_114 = arith.constant 0 : i32
    %dma_wait3A_115 = arith.constant 0 : i32
    %dma_wait3A_116 = arith.constant 0 : i32
    %dma_wait3A_117 = arith.constant 0 : i32
    %dma_wait3A_118 = arith.constant 0 : i32
    %dma_wait3A_119 = tpu.memref_slice %arg7[%dma_wait3A_115, %dma_wait3A_117, %dma_wait3A_118] : memref<2x10x40xi32, #tpu.memory_space<vmem>> -> memref<1x10x40xi32, #tpu.memory_space<vmem>>
    %dma_wait3A_120 = tpu.memref_squeeze %dma_wait3A_119 : memref<1x10x40xi32, #tpu.memory_space<vmem>> -> memref<10x40xi32, #tpu.memory_space<vmem>>
    %dma_wait3A_121 = arith.constant 0 : i32
    %dma_wait3A_122 = arith.constant 0 : i32
    %dma_wait3A_123 = tpu.memref_slice %arg4[%dma_wait3A_113, %add3A, %dma_wait3A_114, %dma_wait3A_121, %dma_wait3A_122] : memref<2x32x25x10x40xi32, #tpu.memory_space<hbm>> -> memref<1x1x1x10x40xi32, #tpu.memory_space<hbm>>
    %dma_wait3A_124 = tpu.memref_squeeze %dma_wait3A_123 : memref<1x1x1x10x40xi32, #tpu.memory_space<hbm>> -> memref<10x40xi32, #tpu.memory_space<hbm>>
    %dma_wait3A_125 = tpu.memref_slice %arg11[%dma_wait3A_116] : memref<2x!tpu.dma_semaphore, #tpu.memory_space<semaphore_mem>> -> memref<1x!tpu.dma_semaphore, #tpu.memory_space<semaphore_mem>>
    %dma_wait3A_126 = tpu.memref_squeeze %dma_wait3A_125 : memref<1x!tpu.dma_semaphore, #tpu.memory_space<semaphore_mem>> -> memref<!tpu.dma_semaphore, #tpu.memory_space<semaphore_mem>>
    %dma_wait3A_127 = arith.constant 0 : i32
    %dma_wait3A_128 = arith.constant 0 : i32
    %dma_wait3A_129 = tpu.memref_slice %arg7[%dma_wait3A_115, %dma_wait3A_127, %dma_wait3A_128] : memref<2x10x40xi32, #tpu.memory_space<vmem>> -> memref<1x10x40xi32, #tpu.memory_space<vmem>>
    %dma_wait3A_130 = tpu.memref_squeeze %dma_wait3A_129 : memref<1x10x40xi32, #tpu.memory_space<vmem>> -> memref<10x40xi32, #tpu.memory_space<vmem>>
    %dma_wait3A_131 = arith.constant 0 : i32
    %dma_wait3A_132 = arith.constant 0 : i32
    %dma_wait3A_133 = tpu.memref_slice %arg4[%dma_wait3A_113, %add3A, %dma_wait3A_114, %dma_wait3A_131, %dma_wait3A_132] : memref<2x32x25x10x40xi32, #tpu.memory_space<hbm>> -> memref<1x1x1x10x40xi32, #tpu.memory_space<hbm>>
    %dma_wait3A_134 = tpu.memref_squeeze %dma_wait3A_133 : memref<1x1x1x10x40xi32, #tpu.memory_space<hbm>> -> memref<10x40xi32, #tpu.memory_space<hbm>>
    tpu.wait_dma2 semaphore(%dma_wait3A_126 : memref<!tpu.dma_semaphore, #tpu.memory_space<semaphore_mem>>) src(%dma_wait3A_134 : memref<10x40xi32, #tpu.memory_space<hbm>>) dst(%dma_wait3A_130 : memref<10x40xi32, #tpu.memory_space<vmem>>)
    %scan3A_135 = arith.constant 0 : i32
    %scan3A_136 = arith.constant 0 : i32
    %scan3A_137 = arith.constant 25 : i32
    %scan3A_138 = arith.addi %scan3A_136, %scan3A_137 : i32
    %scan3A_139 = arith.constant 1 : i32
    %scan3A_140 = scf.for %scan3A_157 = %scan3A_136 to %scan3A_138 step %scan3A_139 iter_args(%scan3A_158 = %scan3A_135) -> (i32)  : i32 {
      %rem3A = arith.constant 2 : i32
      %rem3A_159 = arith.remsi %scan3A_157, %rem3A : i32
      %gt3A = arith.constant 0 : i32
      %gt3A_160 = arith.cmpi sgt, %scan3A_157, %gt3A : i32
      %convert_element_type3A = arith.extui %gt3A_160 : i1 to i32
      %cond3A = arith.constant 0 : i32
      %cond3A_161 = arith.cmpi ne, %convert_element_type3A, %cond3A : i32
      scf.if %cond3A_161 {
        %dma_wait3A_438 = arith.constant 1 : i32
        %dma_wait3A_439 = arith.constant 0 : i32
        %dma_wait3A_440 = arith.constant 0 : i32
        %dma_wait3A_441 = tpu.memref_slice %arg7[%rem3A_159, %dma_wait3A_439, %dma_wait3A_440] : memref<2x10x40xi32, #tpu.memory_space<vmem>> -> memref<1x10x40xi32, #tpu.memory_space<vmem>>
        %dma_wait3A_442 = tpu.memref_squeeze %dma_wait3A_441 : memref<1x10x40xi32, #tpu.memory_space<vmem>> -> memref<10x40xi32, #tpu.memory_space<vmem>>
        %dma_wait3A_443 = arith.constant 0 : i32
        %dma_wait3A_444 = arith.constant 0 : i32
        %dma_wait3A_445 = tpu.memref_slice %arg4[%dma_wait3A_438, %add3A, %scan3A_157, %dma_wait3A_443, %dma_wait3A_444] : memref<2x32x25x10x40xi32, #tpu.memory_space<hbm>> -> memref<1x1x1x10x40xi32, #tpu.memory_space<hbm>>
        %dma_wait3A_446 = tpu.memref_squeeze %dma_wait3A_445 : memref<1x1x1x10x40xi32, #tpu.memory_space<hbm>> -> memref<10x40xi32, #tpu.memory_space<hbm>>
        %dma_wait3A_447 = tpu.memref_slice %arg11[%rem3A_159] : memref<2x!tpu.dma_semaphore, #tpu.memory_space<semaphore_mem>> -> memref<1x!tpu.dma_semaphore, #tpu.memory_space<semaphore_mem>>
        %dma_wait3A_448 = tpu.memref_squeeze %dma_wait3A_447 : memref<1x!tpu.dma_semaphore, #tpu.memory_space<semaphore_mem>> -> memref<!tpu.dma_semaphore, #tpu.memory_space<semaphore_mem>>
        %dma_wait3A_449 = arith.constant 0 : i32
        %dma_wait3A_450 = arith.constant 0 : i32
        %dma_wait3A_451 = tpu.memref_slice %arg7[%rem3A_159, %dma_wait3A_449, %dma_wait3A_450] : memref<2x10x40xi32, #tpu.memory_space<vmem>> -> memref<1x10x40xi32, #tpu.memory_space<vmem>>
        %dma_wait3A_452 = tpu.memref_squeeze %dma_wait3A_451 : memref<1x10x40xi32, #tpu.memory_space<vmem>> -> memref<10x40xi32, #tpu.memory_space<vmem>>
        %dma_wait3A_453 = arith.constant 0 : i32
        %dma_wait3A_454 = arith.constant 0 : i32
        %dma_wait3A_455 = tpu.memref_slice %arg4[%dma_wait3A_438, %add3A, %scan3A_157, %dma_wait3A_453, %dma_wait3A_454] : memref<2x32x25x10x40xi32, #tpu.memory_space<hbm>> -> memref<1x1x1x10x40xi32, #tpu.memory_space<hbm>>
        %dma_wait3A_456 = tpu.memref_squeeze %dma_wait3A_455 : memref<1x1x1x10x40xi32, #tpu.memory_space<hbm>> -> memref<10x40xi32, #tpu.memory_space<hbm>>
        tpu.wait_dma2 semaphore(%dma_wait3A_448 : memref<!tpu.dma_semaphore, #tpu.memory_space<semaphore_mem>>) src(%dma_wait3A_456 : memref<10x40xi32, #tpu.memory_space<hbm>>) dst(%dma_wait3A_452 : memref<10x40xi32, #tpu.memory_space<vmem>>)
      } else {
      }
      %add3A_162 = arith.constant 1 : i32
      %add3A_163 = arith.addi %scan3A_157, %add3A_162 : i32
      %lt3A = arith.constant 25 : i32
      %lt3A_164 = arith.cmpi slt, %add3A_163, %lt3A : i32
      %convert_element_type3A_165 = arith.extui %lt3A_164 : i1 to i32
      %cond3A_166 = arith.constant 0 : i32
      %cond3A_167 = arith.cmpi ne, %convert_element_type3A_165, %cond3A_166 : i32
      scf.if %cond3A_167 {
        %add3A_438 = arith.constant 1 : i32
        %add3A_439 = arith.addi %scan3A_157, %add3A_438 : i32
        %sub3A = arith.constant 1 : i32
        %sub3A_440 = arith.subi %sub3A, %rem3A_159 : i32
        %sub3A_441 = arith.constant 1 : i32
        %sub3A_442 = arith.subi %sub3A_441, %rem3A_159 : i32
        %dma_start3A_443 = arith.constant 1 : i32
        %dma_start3A_444 = arith.constant 0 : i32
        %dma_start3A_445 = arith.constant 0 : i32
        %dma_start3A_446 = tpu.memref_slice %arg7[%sub3A_440, %dma_start3A_444, %dma_start3A_445] : memref<2x10x40xi32, #tpu.memory_space<vmem>> -> memref<1x10x40xi32, #tpu.memory_space<vmem>>
        %dma_start3A_447 = tpu.memref_squeeze %dma_start3A_446 : memref<1x10x40xi32, #tpu.memory_space<vmem>> -> memref<10x40xi32, #tpu.memory_space<vmem>>
        %dma_start3A_448 = arith.constant 0 : i32
        %dma_start3A_449 = arith.constant 0 : i32
        %dma_start3A_450 = tpu.memref_slice %arg4[%dma_start3A_443, %add3A, %add3A_439, %dma_start3A_448, %dma_start3A_449] : memref<2x32x25x10x40xi32, #tpu.memory_space<hbm>> -> memref<1x1x1x10x40xi32, #tpu.memory_space<hbm>>
        %dma_start3A_451 = tpu.memref_squeeze %dma_start3A_450 : memref<1x1x1x10x40xi32, #tpu.memory_space<hbm>> -> memref<10x40xi32, #tpu.memory_space<hbm>>
        %dma_start3A_452 = tpu.memref_slice %arg11[%sub3A_442] : memref<2x!tpu.dma_semaphore, #tpu.memory_space<semaphore_mem>> -> memref<1x!tpu.dma_semaphore, #tpu.memory_space<semaphore_mem>>
        %dma_start3A_453 = tpu.memref_squeeze %dma_start3A_452 : memref<1x!tpu.dma_semaphore, #tpu.memory_space<semaphore_mem>> -> memref<!tpu.dma_semaphore, #tpu.memory_space<semaphore_mem>>
        %dma_start3A_454 = arith.constant 0 : i32
        %dma_start3A_455 = arith.constant 0 : i32
        %dma_start3A_456 = tpu.memref_slice %arg7[%sub3A_440, %dma_start3A_454, %dma_start3A_455] : memref<2x10x40xi32, #tpu.memory_space<vmem>> -> memref<1x10x40xi32, #tpu.memory_space<vmem>>
        %dma_start3A_457 = tpu.memref_squeeze %dma_start3A_456 : memref<1x10x40xi32, #tpu.memory_space<vmem>> -> memref<10x40xi32, #tpu.memory_space<vmem>>
        %dma_start3A_458 = arith.constant 0 : i32
        %dma_start3A_459 = arith.constant 0 : i32
        %dma_start3A_460 = tpu.memref_slice %arg4[%dma_start3A_443, %add3A, %add3A_439, %dma_start3A_458, %dma_start3A_459] : memref<2x32x25x10x40xi32, #tpu.memory_space<hbm>> -> memref<1x1x1x10x40xi32, #tpu.memory_space<hbm>>
        %dma_start3A_461 = tpu.memref_squeeze %dma_start3A_460 : memref<1x1x1x10x40xi32, #tpu.memory_space<hbm>> -> memref<10x40xi32, #tpu.memory_space<hbm>>
        tpu.enqueue_dma source(%dma_start3A_461 : memref<10x40xi32, #tpu.memory_space<hbm>>) target(%dma_start3A_457 : memref<10x40xi32, #tpu.memory_space<vmem>>) target_semaphore(%dma_start3A_453 : memref<!tpu.dma_semaphore, #tpu.memory_space<semaphore_mem>>)
      } else {
      }
      %mul3A_168 = arith.constant 10 : i32
      %mul3A_169 = arith.muli %scan3A_157, %mul3A_168 : i32
      %add3A_170 = arith.constant 0 : i32
      %add3A_171 = arith.addi %mul3A_169, %add3A_170 : i32
      %mul3A_172 = arith.constant 40 : i32
      %mul3A_173 = arith.muli %add3A_171, %mul3A_172 : i32
      %dma_wait3A_174 = arith.constant 0 : i32
      %dma_wait3A_175 = arith.constant 0 : i32
      %dma_wait3A_176 = arith.constant 0 : i32
      %dma_wait3A_177 = arith.constant 0 : i32
      %dma_wait3A_178 = tpu.memref_slice %arg8[%dma_wait3A_174, %dma_wait3A_176, %dma_wait3A_177] : memref<5x40x128xf32, #tpu.memory_space<vmem>> -> memref<1x40x128xf32, #tpu.memory_space<vmem>>
      %dma_wait3A_179 = tpu.memref_squeeze %dma_wait3A_178 : memref<1x40x128xf32, #tpu.memory_space<vmem>> -> memref<40x128xf32, #tpu.memory_space<vmem>>
      %dma_wait3A_180 = tpu.memref_slice %arg6[%mul3A_173] : memref<10000xi32, #tpu.memory_space<vmem>> -> memref<40xi32, #tpu.memory_space<vmem>>
      %dma_wait3A_181 = arith.constant 0 : i32
      %dma_wait3A_182 = arith.constant 0 : i32
      %dma_wait3A_183 = tpu.memref_slice %arg2[%dma_wait3A_181, %dma_wait3A_182] : memref<10000x128xf32, #tpu.memory_space<hbm>> -> memref<10000x128xf32, #tpu.memory_space<hbm>>
      %dma_wait3A_184 = tpu.memref_slice %arg10[%dma_wait3A_175] : memref<5x!tpu.dma_semaphore, #tpu.memory_space<semaphore_mem>> -> memref<1x!tpu.dma_semaphore, #tpu.memory_space<semaphore_mem>>
      %dma_wait3A_185 = tpu.memref_squeeze %dma_wait3A_184 : memref<1x!tpu.dma_semaphore, #tpu.memory_space<semaphore_mem>> -> memref<!tpu.dma_semaphore, #tpu.memory_space<semaphore_mem>>
      tpu.wait_indirect_dma semaphore(%dma_wait3A_185 : memref<!tpu.dma_semaphore, #tpu.memory_space<semaphore_mem>>) src(%dma_wait3A_183 : memref<10000x128xf32, #tpu.memory_space<hbm>>) dst(%dma_wait3A_179 : memref<40x128xf32, #tpu.memory_space<vmem>>)
      %run_scoped3A = arith.constant 0 : i32
      %run_scoped3A_186 = arith.constant 0 : i32
      "tpu.region"() ({
        %run_scoped3A_438 = tpu.sem_alloc : memref<!tpu.dma_semaphore, #tpu.memory_space<semaphore_mem>>
        %dma_start3A_439 = arith.constant 0 : i32
        %dma_start3A_440 = arith.constant 0 : i32
        %dma_start3A_441 = tpu.memref_slice %arg8[%run_scoped3A, %dma_start3A_439, %dma_start3A_440] : memref<5x40x128xf32, #tpu.memory_space<vmem>> -> memref<1x40x128xf32, #tpu.memory_space<vmem>>
        %dma_start3A_442 = tpu.memref_squeeze %dma_start3A_441 : memref<1x40x128xf32, #tpu.memory_space<vmem>> -> memref<40x128xf32, #tpu.memory_space<vmem>>
        %dma_start3A_443 = arith.constant 0 : i32
        %dma_start3A_444 = tpu.memref_slice %arg7[%rem3A_159, %run_scoped3A_186, %dma_start3A_443] : memref<2x10x40xi32, #tpu.memory_space<vmem>> -> memref<1x1x40xi32, #tpu.memory_space<vmem>>
        %dma_start3A_445 = tpu.memref_squeeze %dma_start3A_444 : memref<1x1x40xi32, #tpu.memory_space<vmem>> -> memref<40xi32, #tpu.memory_space<vmem>>
        %dma_start3A_446 = arith.constant 0 : i32
        %dma_start3A_447 = arith.constant 0 : i32
        %dma_start3A_448 = tpu.memref_slice %arg9[%dma_start3A_446, %dma_start3A_447] : memref<10000x128xf32, #tpu.memory_space<vmem_shared>> -> memref<10000x128xf32, #tpu.memory_space<vmem_shared>>
        tpu.enqueue_indirect_dma source(%dma_start3A_442 : memref<40x128xf32, #tpu.memory_space<vmem>>) target(%dma_start3A_448 : memref<10000x128xf32, #tpu.memory_space<vmem_shared>>) offsets(%dma_start3A_445 : memref<40xi32, #tpu.memory_space<vmem>>) semaphore(%run_scoped3A_438 : memref<!tpu.dma_semaphore, #tpu.memory_space<semaphore_mem>>) {add = true}
        %dma_wait3A_449 = arith.constant 0 : i32
        %dma_wait3A_450 = arith.constant 0 : i32
        %dma_wait3A_451 = tpu.memref_slice %arg8[%run_scoped3A, %dma_wait3A_449, %dma_wait3A_450] : memref<5x40x128xf32, #tpu.memory_space<vmem>> -> memref<1x40x128xf32, #tpu.memory_space<vmem>>
        %dma_wait3A_452 = tpu.memref_squeeze %dma_wait3A_451 : memref<1x40x128xf32, #tpu.memory_space<vmem>> -> memref<40x128xf32, #tpu.memory_space<vmem>>
        %dma_wait3A_453 = arith.constant 0 : i32
        %dma_wait3A_454 = tpu.memref_slice %arg7[%rem3A_159, %run_scoped3A_186, %dma_wait3A_453] : memref<2x10x40xi32, #tpu.memory_space<vmem>> -> memref<1x1x40xi32, #tpu.memory_space<vmem>>
        %dma_wait3A_455 = tpu.memref_squeeze %dma_wait3A_454 : memref<1x1x40xi32, #tpu.memory_space<vmem>> -> memref<40xi32, #tpu.memory_space<vmem>>
        %dma_wait3A_456 = arith.constant 0 : i32
        %dma_wait3A_457 = arith.constant 0 : i32
        %dma_wait3A_458 = tpu.memref_slice %arg9[%dma_wait3A_456, %dma_wait3A_457] : memref<10000x128xf32, #tpu.memory_space<vmem_shared>> -> memref<10000x128xf32, #tpu.memory_space<vmem_shared>>
        tpu.wait_indirect_dma semaphore(%run_scoped3A_438 : memref<!tpu.dma_semaphore, #tpu.memory_space<semaphore_mem>>) src(%dma_wait3A_452 : memref<40x128xf32, #tpu.memory_space<vmem>>) dst(%dma_wait3A_458 : memref<10000x128xf32, #tpu.memory_space<vmem_shared>>)
        tpu.yield
      }) : () -> ()
      %add3A_187 = arith.constant 5 : i32
      %add3A_188 = arith.addi %add3A_171, %add3A_187 : i32
      %lt3A_189 = arith.constant 250 : i32
      %lt3A_190 = arith.cmpi slt, %add3A_188, %lt3A_189 : i32
      %convert_element_type3A_191 = arith.extui %lt3A_190 : i1 to i32
      %cond3A_192 = arith.constant 0 : i32
      %cond3A_193 = arith.cmpi ne, %convert_element_type3A_191, %cond3A_192 : i32
      scf.if %cond3A_193 {
        %mul3A_438 = arith.constant 40 : i32
        %mul3A_439 = arith.muli %add3A_188, %mul3A_438 : i32
        %dma_start3A_440 = arith.constant 0 : i32
        %dma_start3A_441 = arith.constant 0 : i32
        %dma_start3A_442 = arith.constant 0 : i32
        %dma_start3A_443 = arith.constant 0 : i32
        %dma_start3A_444 = tpu.memref_slice %arg8[%dma_start3A_440, %dma_start3A_442, %dma_start3A_443] : memref<5x40x128xf32, #tpu.memory_space<vmem>> -> memref<1x40x128xf32, #tpu.memory_space<vmem>>
        %dma_start3A_445 = tpu.memref_squeeze %dma_start3A_444 : memref<1x40x128xf32, #tpu.memory_space<vmem>> -> memref<40x128xf32, #tpu.memory_space<vmem>>
        %dma_start3A_446 = tpu.memref_slice %arg6[%mul3A_439] : memref<10000xi32, #tpu.memory_space<vmem>> -> memref<40xi32, #tpu.memory_space<vmem>>
        %dma_start3A_447 = arith.constant 0 : i32
        %dma_start3A_448 = arith.constant 0 : i32
        %dma_start3A_449 = tpu.memref_slice %arg2[%dma_start3A_447, %dma_start3A_448] : memref<10000x128xf32, #tpu.memory_space<hbm>> -> memref<10000x128xf32, #tpu.memory_space<hbm>>
        %dma_start3A_450 = tpu.memref_slice %arg10[%dma_start3A_441] : memref<5x!tpu.dma_semaphore, #tpu.memory_space<semaphore_mem>> -> memref<1x!tpu.dma_semaphore, #tpu.memory_space<semaphore_mem>>
        %dma_start3A_451 = tpu.memref_squeeze %dma_start3A_450 : memref<1x!tpu.dma_semaphore, #tpu.memory_space<semaphore_mem>> -> memref<!tpu.dma_semaphore, #tpu.memory_space<semaphore_mem>>
        tpu.enqueue_indirect_dma source(%dma_start3A_449 : memref<10000x128xf32, #tpu.memory_space<hbm>>) target(%dma_start3A_445 : memref<40x128xf32, #tpu.memory_space<vmem>>) offsets(%dma_start3A_446 : memref<40xi32, #tpu.memory_space<vmem>>) semaphore(%dma_start3A_451 : memref<!tpu.dma_semaphore, #tpu.memory_space<semaphore_mem>>)
      } else {
      }
      %mul3A_194 = arith.constant 10 : i32
      %mul3A_195 = arith.muli %scan3A_157, %mul3A_194 : i32
      %add3A_196 = arith.constant 1 : i32
      %add3A_197 = arith.addi %mul3A_195, %add3A_196 : i32
      %mul3A_198 = arith.constant 40 : i32
      %mul3A_199 = arith.muli %add3A_197, %mul3A_198 : i32
      %dma_wait3A_200 = arith.constant 1 : i32
      %dma_wait3A_201 = arith.constant 1 : i32
      %dma_wait3A_202 = arith.constant 0 : i32
      %dma_wait3A_203 = arith.constant 0 : i32
      %dma_wait3A_204 = tpu.memref_slice %arg8[%dma_wait3A_200, %dma_wait3A_202, %dma_wait3A_203] : memref<5x40x128xf32, #tpu.memory_space<vmem>> -> memref<1x40x128xf32, #tpu.memory_space<vmem>>
      %dma_wait3A_205 = tpu.memref_squeeze %dma_wait3A_204 : memref<1x40x128xf32, #tpu.memory_space<vmem>> -> memref<40x128xf32, #tpu.memory_space<vmem>>
      %dma_wait3A_206 = tpu.memref_slice %arg6[%mul3A_199] : memref<10000xi32, #tpu.memory_space<vmem>> -> memref<40xi32, #tpu.memory_space<vmem>>
      %dma_wait3A_207 = arith.constant 0 : i32
      %dma_wait3A_208 = arith.constant 0 : i32
      %dma_wait3A_209 = tpu.memref_slice %arg2[%dma_wait3A_207, %dma_wait3A_208] : memref<10000x128xf32, #tpu.memory_space<hbm>> -> memref<10000x128xf32, #tpu.memory_space<hbm>>
      %dma_wait3A_210 = tpu.memref_slice %arg10[%dma_wait3A_201] : memref<5x!tpu.dma_semaphore, #tpu.memory_space<semaphore_mem>> -> memref<1x!tpu.dma_semaphore, #tpu.memory_space<semaphore_mem>>
      %dma_wait3A_211 = tpu.memref_squeeze %dma_wait3A_210 : memref<1x!tpu.dma_semaphore, #tpu.memory_space<semaphore_mem>> -> memref<!tpu.dma_semaphore, #tpu.memory_space<semaphore_mem>>
      tpu.wait_indirect_dma semaphore(%dma_wait3A_211 : memref<!tpu.dma_semaphore, #tpu.memory_space<semaphore_mem>>) src(%dma_wait3A_209 : memref<10000x128xf32, #tpu.memory_space<hbm>>) dst(%dma_wait3A_205 : memref<40x128xf32, #tpu.memory_space<vmem>>)
      %run_scoped3A_212 = arith.constant 1 : i32
      %run_scoped3A_213 = arith.constant 1 : i32
      "tpu.region"() ({
        %run_scoped3A_438 = tpu.sem_alloc : memref<!tpu.dma_semaphore, #tpu.memory_space<semaphore_mem>>
        %dma_start3A_439 = arith.constant 0 : i32
        %dma_start3A_440 = arith.constant 0 : i32
        %dma_start3A_441 = tpu.memref_slice %arg8[%run_scoped3A_212, %dma_start3A_439, %dma_start3A_440] : memref<5x40x128xf32, #tpu.memory_space<vmem>> -> memref<1x40x128xf32, #tpu.memory_space<vmem>>
        %dma_start3A_442 = tpu.memref_squeeze %dma_start3A_441 : memref<1x40x128xf32, #tpu.memory_space<vmem>> -> memref<40x128xf32, #tpu.memory_space<vmem>>
        %dma_start3A_443 = arith.constant 0 : i32
        %dma_start3A_444 = tpu.memref_slice %arg7[%rem3A_159, %run_scoped3A_213, %dma_start3A_443] : memref<2x10x40xi32, #tpu.memory_space<vmem>> -> memref<1x1x40xi32, #tpu.memory_space<vmem>>
        %dma_start3A_445 = tpu.memref_squeeze %dma_start3A_444 : memref<1x1x40xi32, #tpu.memory_space<vmem>> -> memref<40xi32, #tpu.memory_space<vmem>>
        %dma_start3A_446 = arith.constant 0 : i32
        %dma_start3A_447 = arith.constant 0 : i32
        %dma_start3A_448 = tpu.memref_slice %arg9[%dma_start3A_446, %dma_start3A_447] : memref<10000x128xf32, #tpu.memory_space<vmem_shared>> -> memref<10000x128xf32, #tpu.memory_space<vmem_shared>>
        tpu.enqueue_indirect_dma source(%dma_start3A_442 : memref<40x128xf32, #tpu.memory_space<vmem>>) target(%dma_start3A_448 : memref<10000x128xf32, #tpu.memory_space<vmem_shared>>) offsets(%dma_start3A_445 : memref<40xi32, #tpu.memory_space<vmem>>) semaphore(%run_scoped3A_438 : memref<!tpu.dma_semaphore, #tpu.memory_space<semaphore_mem>>) {add = true}
        %dma_wait3A_449 = arith.constant 0 : i32
        %dma_wait3A_450 = arith.constant 0 : i32
        %dma_wait3A_451 = tpu.memref_slice %arg8[%run_scoped3A_212, %dma_wait3A_449, %dma_wait3A_450] : memref<5x40x128xf32, #tpu.memory_space<vmem>> -> memref<1x40x128xf32, #tpu.memory_space<vmem>>
        %dma_wait3A_452 = tpu.memref_squeeze %dma_wait3A_451 : memref<1x40x128xf32, #tpu.memory_space<vmem>> -> memref<40x128xf32, #tpu.memory_space<vmem>>
        %dma_wait3A_453 = arith.constant 0 : i32
        %dma_wait3A_454 = tpu.memref_slice %arg7[%rem3A_159, %run_scoped3A_213, %dma_wait3A_453] : memref<2x10x40xi32, #tpu.memory_space<vmem>> -> memref<1x1x40xi32, #tpu.memory_space<vmem>>
        %dma_wait3A_455 = tpu.memref_squeeze %dma_wait3A_454 : memref<1x1x40xi32, #tpu.memory_space<vmem>> -> memref<40xi32, #tpu.memory_space<vmem>>
        %dma_wait3A_456 = arith.constant 0 : i32
        %dma_wait3A_457 = arith.constant 0 : i32
        %dma_wait3A_458 = tpu.memref_slice %arg9[%dma_wait3A_456, %dma_wait3A_457] : memref<10000x128xf32, #tpu.memory_space<vmem_shared>> -> memref<10000x128xf32, #tpu.memory_space<vmem_shared>>
        tpu.wait_indirect_dma semaphore(%run_scoped3A_438 : memref<!tpu.dma_semaphore, #tpu.memory_space<semaphore_mem>>) src(%dma_wait3A_452 : memref<40x128xf32, #tpu.memory_space<vmem>>) dst(%dma_wait3A_458 : memref<10000x128xf32, #tpu.memory_space<vmem_shared>>)
        tpu.yield
      }) : () -> ()
      %add3A_214 = arith.constant 5 : i32
      %add3A_215 = arith.addi %add3A_197, %add3A_214 : i32
      %lt3A_216 = arith.constant 250 : i32
      %lt3A_217 = arith.cmpi slt, %add3A_215, %lt3A_216 : i32
      %convert_element_type3A_218 = arith.extui %lt3A_217 : i1 to i32
      %cond3A_219 = arith.constant 0 : i32
      %cond3A_220 = arith.cmpi ne, %convert_element_type3A_218, %cond3A_219 : i32
      scf.if %cond3A_220 {
        %mul3A_438 = arith.constant 40 : i32
        %mul3A_439 = arith.muli %add3A_215, %mul3A_438 : i32
        %dma_start3A_440 = arith.constant 1 : i32
        %dma_start3A_441 = arith.constant 1 : i32
        %dma_start3A_442 = arith.constant 0 : i32
        %dma_start3A_443 = arith.constant 0 : i32
        %dma_start3A_444 = tpu.memref_slice %arg8[%dma_start3A_440, %dma_start3A_442, %dma_start3A_443] : memref<5x40x128xf32, #tpu.memory_space<vmem>> -> memref<1x40x128xf32, #tpu.memory_space<vmem>>
        %dma_start3A_445 = tpu.memref_squeeze %dma_start3A_444 : memref<1x40x128xf32, #tpu.memory_space<vmem>> -> memref<40x128xf32, #tpu.memory_space<vmem>>
        %dma_start3A_446 = tpu.memref_slice %arg6[%mul3A_439] : memref<10000xi32, #tpu.memory_space<vmem>> -> memref<40xi32, #tpu.memory_space<vmem>>
        %dma_start3A_447 = arith.constant 0 : i32
        %dma_start3A_448 = arith.constant 0 : i32
        %dma_start3A_449 = tpu.memref_slice %arg2[%dma_start3A_447, %dma_start3A_448] : memref<10000x128xf32, #tpu.memory_space<hbm>> -> memref<10000x128xf32, #tpu.memory_space<hbm>>
        %dma_start3A_450 = tpu.memref_slice %arg10[%dma_start3A_441] : memref<5x!tpu.dma_semaphore, #tpu.memory_space<semaphore_mem>> -> memref<1x!tpu.dma_semaphore, #tpu.memory_space<semaphore_mem>>
        %dma_start3A_451 = tpu.memref_squeeze %dma_start3A_450 : memref<1x!tpu.dma_semaphore, #tpu.memory_space<semaphore_mem>> -> memref<!tpu.dma_semaphore, #tpu.memory_space<semaphore_mem>>
        tpu.enqueue_indirect_dma source(%dma_start3A_449 : memref<10000x128xf32, #tpu.memory_space<hbm>>) target(%dma_start3A_445 : memref<40x128xf32, #tpu.memory_space<vmem>>) offsets(%dma_start3A_446 : memref<40xi32, #tpu.memory_space<vmem>>) semaphore(%dma_start3A_451 : memref<!tpu.dma_semaphore, #tpu.memory_space<semaphore_mem>>)
      } else {
      }
      %mul3A_221 = arith.constant 10 : i32
      %mul3A_222 = arith.muli %scan3A_157, %mul3A_221 : i32
      %add3A_223 = arith.constant 2 : i32
      %add3A_224 = arith.addi %mul3A_222, %add3A_223 : i32
      %mul3A_225 = arith.constant 40 : i32
      %mul3A_226 = arith.muli %add3A_224, %mul3A_225 : i32
      %dma_wait3A_227 = arith.constant 2 : i32
      %dma_wait3A_228 = arith.constant 2 : i32
      %dma_wait3A_229 = arith.constant 0 : i32
      %dma_wait3A_230 = arith.constant 0 : i32
      %dma_wait3A_231 = tpu.memref_slice %arg8[%dma_wait3A_227, %dma_wait3A_229, %dma_wait3A_230] : memref<5x40x128xf32, #tpu.memory_space<vmem>> -> memref<1x40x128xf32, #tpu.memory_space<vmem>>
      %dma_wait3A_232 = tpu.memref_squeeze %dma_wait3A_231 : memref<1x40x128xf32, #tpu.memory_space<vmem>> -> memref<40x128xf32, #tpu.memory_space<vmem>>
      %dma_wait3A_233 = tpu.memref_slice %arg6[%mul3A_226] : memref<10000xi32, #tpu.memory_space<vmem>> -> memref<40xi32, #tpu.memory_space<vmem>>
      %dma_wait3A_234 = arith.constant 0 : i32
      %dma_wait3A_235 = arith.constant 0 : i32
      %dma_wait3A_236 = tpu.memref_slice %arg2[%dma_wait3A_234, %dma_wait3A_235] : memref<10000x128xf32, #tpu.memory_space<hbm>> -> memref<10000x128xf32, #tpu.memory_space<hbm>>
      %dma_wait3A_237 = tpu.memref_slice %arg10[%dma_wait3A_228] : memref<5x!tpu.dma_semaphore, #tpu.memory_space<semaphore_mem>> -> memref<1x!tpu.dma_semaphore, #tpu.memory_space<semaphore_mem>>
      %dma_wait3A_238 = tpu.memref_squeeze %dma_wait3A_237 : memref<1x!tpu.dma_semaphore, #tpu.memory_space<semaphore_mem>> -> memref<!tpu.dma_semaphore, #tpu.memory_space<semaphore_mem>>
      tpu.wait_indirect_dma semaphore(%dma_wait3A_238 : memref<!tpu.dma_semaphore, #tpu.memory_space<semaphore_mem>>) src(%dma_wait3A_236 : memref<10000x128xf32, #tpu.memory_space<hbm>>) dst(%dma_wait3A_232 : memref<40x128xf32, #tpu.memory_space<vmem>>)
      %run_scoped3A_239 = arith.constant 2 : i32
      %run_scoped3A_240 = arith.constant 2 : i32
      "tpu.region"() ({
        %run_scoped3A_438 = tpu.sem_alloc : memref<!tpu.dma_semaphore, #tpu.memory_space<semaphore_mem>>
        %dma_start3A_439 = arith.constant 0 : i32
        %dma_start3A_440 = arith.constant 0 : i32
        %dma_start3A_441 = tpu.memref_slice %arg8[%run_scoped3A_239, %dma_start3A_439, %dma_start3A_440] : memref<5x40x128xf32, #tpu.memory_space<vmem>> -> memref<1x40x128xf32, #tpu.memory_space<vmem>>
        %dma_start3A_442 = tpu.memref_squeeze %dma_start3A_441 : memref<1x40x128xf32, #tpu.memory_space<vmem>> -> memref<40x128xf32, #tpu.memory_space<vmem>>
        %dma_start3A_443 = arith.constant 0 : i32
        %dma_start3A_444 = tpu.memref_slice %arg7[%rem3A_159, %run_scoped3A_240, %dma_start3A_443] : memref<2x10x40xi32, #tpu.memory_space<vmem>> -> memref<1x1x40xi32, #tpu.memory_space<vmem>>
        %dma_start3A_445 = tpu.memref_squeeze %dma_start3A_444 : memref<1x1x40xi32, #tpu.memory_space<vmem>> -> memref<40xi32, #tpu.memory_space<vmem>>
        %dma_start3A_446 = arith.constant 0 : i32
        %dma_start3A_447 = arith.constant 0 : i32
        %dma_start3A_448 = tpu.memref_slice %arg9[%dma_start3A_446, %dma_start3A_447] : memref<10000x128xf32, #tpu.memory_space<vmem_shared>> -> memref<10000x128xf32, #tpu.memory_space<vmem_shared>>
        tpu.enqueue_indirect_dma source(%dma_start3A_442 : memref<40x128xf32, #tpu.memory_space<vmem>>) target(%dma_start3A_448 : memref<10000x128xf32, #tpu.memory_space<vmem_shared>>) offsets(%dma_start3A_445 : memref<40xi32, #tpu.memory_space<vmem>>) semaphore(%run_scoped3A_438 : memref<!tpu.dma_semaphore, #tpu.memory_space<semaphore_mem>>) {add = true}
        %dma_wait3A_449 = arith.constant 0 : i32
        %dma_wait3A_450 = arith.constant 0 : i32
        %dma_wait3A_451 = tpu.memref_slice %arg8[%run_scoped3A_239, %dma_wait3A_449, %dma_wait3A_450] : memref<5x40x128xf32, #tpu.memory_space<vmem>> -> memref<1x40x128xf32, #tpu.memory_space<vmem>>
        %dma_wait3A_452 = tpu.memref_squeeze %dma_wait3A_451 : memref<1x40x128xf32, #tpu.memory_space<vmem>> -> memref<40x128xf32, #tpu.memory_space<vmem>>
        %dma_wait3A_453 = arith.constant 0 : i32
        %dma_wait3A_454 = tpu.memref_slice %arg7[%rem3A_159, %run_scoped3A_240, %dma_wait3A_453] : memref<2x10x40xi32, #tpu.memory_space<vmem>> -> memref<1x1x40xi32, #tpu.memory_space<vmem>>
        %dma_wait3A_455 = tpu.memref_squeeze %dma_wait3A_454 : memref<1x1x40xi32, #tpu.memory_space<vmem>> -> memref<40xi32, #tpu.memory_space<vmem>>
        %dma_wait3A_456 = arith.constant 0 : i32
        %dma_wait3A_457 = arith.constant 0 : i32
        %dma_wait3A_458 = tpu.memref_slice %arg9[%dma_wait3A_456, %dma_wait3A_457] : memref<10000x128xf32, #tpu.memory_space<vmem_shared>> -> memref<10000x128xf32, #tpu.memory_space<vmem_shared>>
        tpu.wait_indirect_dma semaphore(%run_scoped3A_438 : memref<!tpu.dma_semaphore, #tpu.memory_space<semaphore_mem>>) src(%dma_wait3A_452 : memref<40x128xf32, #tpu.memory_space<vmem>>) dst(%dma_wait3A_458 : memref<10000x128xf32, #tpu.memory_space<vmem_shared>>)
        tpu.yield
      }) : () -> ()
      %add3A_241 = arith.constant 5 : i32
      %add3A_242 = arith.addi %add3A_224, %add3A_241 : i32
      %lt3A_243 = arith.constant 250 : i32
      %lt3A_244 = arith.cmpi slt, %add3A_242, %lt3A_243 : i32
      %convert_element_type3A_245 = arith.extui %lt3A_244 : i1 to i32
      %cond3A_246 = arith.constant 0 : i32
      %cond3A_247 = arith.cmpi ne, %convert_element_type3A_245, %cond3A_246 : i32
      scf.if %cond3A_247 {
        %mul3A_438 = arith.constant 40 : i32
        %mul3A_439 = arith.muli %add3A_242, %mul3A_438 : i32
        %dma_start3A_440 = arith.constant 2 : i32
        %dma_start3A_441 = arith.constant 2 : i32
        %dma_start3A_442 = arith.constant 0 : i32
        %dma_start3A_443 = arith.constant 0 : i32
        %dma_start3A_444 = tpu.memref_slice %arg8[%dma_start3A_440, %dma_start3A_442, %dma_start3A_443] : memref<5x40x128xf32, #tpu.memory_space<vmem>> -> memref<1x40x128xf32, #tpu.memory_space<vmem>>
        %dma_start3A_445 = tpu.memref_squeeze %dma_start3A_444 : memref<1x40x128xf32, #tpu.memory_space<vmem>> -> memref<40x128xf32, #tpu.memory_space<vmem>>
        %dma_start3A_446 = tpu.memref_slice %arg6[%mul3A_439] : memref<10000xi32, #tpu.memory_space<vmem>> -> memref<40xi32, #tpu.memory_space<vmem>>
        %dma_start3A_447 = arith.constant 0 : i32
        %dma_start3A_448 = arith.constant 0 : i32
        %dma_start3A_449 = tpu.memref_slice %arg2[%dma_start3A_447, %dma_start3A_448] : memref<10000x128xf32, #tpu.memory_space<hbm>> -> memref<10000x128xf32, #tpu.memory_space<hbm>>
        %dma_start3A_450 = tpu.memref_slice %arg10[%dma_start3A_441] : memref<5x!tpu.dma_semaphore, #tpu.memory_space<semaphore_mem>> -> memref<1x!tpu.dma_semaphore, #tpu.memory_space<semaphore_mem>>
        %dma_start3A_451 = tpu.memref_squeeze %dma_start3A_450 : memref<1x!tpu.dma_semaphore, #tpu.memory_space<semaphore_mem>> -> memref<!tpu.dma_semaphore, #tpu.memory_space<semaphore_mem>>
        tpu.enqueue_indirect_dma source(%dma_start3A_449 : memref<10000x128xf32, #tpu.memory_space<hbm>>) target(%dma_start3A_445 : memref<40x128xf32, #tpu.memory_space<vmem>>) offsets(%dma_start3A_446 : memref<40xi32, #tpu.memory_space<vmem>>) semaphore(%dma_start3A_451 : memref<!tpu.dma_semaphore, #tpu.memory_space<semaphore_mem>>)
      } else {
      }
      %mul3A_248 = arith.constant 10 : i32
      %mul3A_249 = arith.muli %scan3A_157, %mul3A_248 : i32
      %add3A_250 = arith.constant 3 : i32
      %add3A_251 = arith.addi %mul3A_249, %add3A_250 : i32
      %mul3A_252 = arith.constant 40 : i32
      %mul3A_253 = arith.muli %add3A_251, %mul3A_252 : i32
      %dma_wait3A_254 = arith.constant 3 : i32
      %dma_wait3A_255 = arith.constant 3 : i32
      %dma_wait3A_256 = arith.constant 0 : i32
      %dma_wait3A_257 = arith.constant 0 : i32
      %dma_wait3A_258 = tpu.memref_slice %arg8[%dma_wait3A_254, %dma_wait3A_256, %dma_wait3A_257] : memref<5x40x128xf32, #tpu.memory_space<vmem>> -> memref<1x40x128xf32, #tpu.memory_space<vmem>>
      %dma_wait3A_259 = tpu.memref_squeeze %dma_wait3A_258 : memref<1x40x128xf32, #tpu.memory_space<vmem>> -> memref<40x128xf32, #tpu.memory_space<vmem>>
      %dma_wait3A_260 = tpu.memref_slice %arg6[%mul3A_253] : memref<10000xi32, #tpu.memory_space<vmem>> -> memref<40xi32, #tpu.memory_space<vmem>>
      %dma_wait3A_261 = arith.constant 0 : i32
      %dma_wait3A_262 = arith.constant 0 : i32
      %dma_wait3A_263 = tpu.memref_slice %arg2[%dma_wait3A_261, %dma_wait3A_262] : memref<10000x128xf32, #tpu.memory_space<hbm>> -> memref<10000x128xf32, #tpu.memory_space<hbm>>
      %dma_wait3A_264 = tpu.memref_slice %arg10[%dma_wait3A_255] : memref<5x!tpu.dma_semaphore, #tpu.memory_space<semaphore_mem>> -> memref<1x!tpu.dma_semaphore, #tpu.memory_space<semaphore_mem>>
      %dma_wait3A_265 = tpu.memref_squeeze %dma_wait3A_264 : memref<1x!tpu.dma_semaphore, #tpu.memory_space<semaphore_mem>> -> memref<!tpu.dma_semaphore, #tpu.memory_space<semaphore_mem>>
      tpu.wait_indirect_dma semaphore(%dma_wait3A_265 : memref<!tpu.dma_semaphore, #tpu.memory_space<semaphore_mem>>) src(%dma_wait3A_263 : memref<10000x128xf32, #tpu.memory_space<hbm>>) dst(%dma_wait3A_259 : memref<40x128xf32, #tpu.memory_space<vmem>>)
      %run_scoped3A_266 = arith.constant 3 : i32
      %run_scoped3A_267 = arith.constant 3 : i32
      "tpu.region"() ({
        %run_scoped3A_438 = tpu.sem_alloc : memref<!tpu.dma_semaphore, #tpu.memory_space<semaphore_mem>>
        %dma_start3A_439 = arith.constant 0 : i32
        %dma_start3A_440 = arith.constant 0 : i32
        %dma_start3A_441 = tpu.memref_slice %arg8[%run_scoped3A_266, %dma_start3A_439, %dma_start3A_440] : memref<5x40x128xf32, #tpu.memory_space<vmem>> -> memref<1x40x128xf32, #tpu.memory_space<vmem>>
        %dma_start3A_442 = tpu.memref_squeeze %dma_start3A_441 : memref<1x40x128xf32, #tpu.memory_space<vmem>> -> memref<40x128xf32, #tpu.memory_space<vmem>>
        %dma_start3A_443 = arith.constant 0 : i32
        %dma_start3A_444 = tpu.memref_slice %arg7[%rem3A_159, %run_scoped3A_267, %dma_start3A_443] : memref<2x10x40xi32, #tpu.memory_space<vmem>> -> memref<1x1x40xi32, #tpu.memory_space<vmem>>
        %dma_start3A_445 = tpu.memref_squeeze %dma_start3A_444 : memref<1x1x40xi32, #tpu.memory_space<vmem>> -> memref<40xi32, #tpu.memory_space<vmem>>
        %dma_start3A_446 = arith.constant 0 : i32
        %dma_start3A_447 = arith.constant 0 : i32
        %dma_start3A_448 = tpu.memref_slice %arg9[%dma_start3A_446, %dma_start3A_447] : memref<10000x128xf32, #tpu.memory_space<vmem_shared>> -> memref<10000x128xf32, #tpu.memory_space<vmem_shared>>
        tpu.enqueue_indirect_dma source(%dma_start3A_442 : memref<40x128xf32, #tpu.memory_space<vmem>>) target(%dma_start3A_448 : memref<10000x128xf32, #tpu.memory_space<vmem_shared>>) offsets(%dma_start3A_445 : memref<40xi32, #tpu.memory_space<vmem>>) semaphore(%run_scoped3A_438 : memref<!tpu.dma_semaphore, #tpu.memory_space<semaphore_mem>>) {add = true}
        %dma_wait3A_449 = arith.constant 0 : i32
        %dma_wait3A_450 = arith.constant 0 : i32
        %dma_wait3A_451 = tpu.memref_slice %arg8[%run_scoped3A_266, %dma_wait3A_449, %dma_wait3A_450] : memref<5x40x128xf32, #tpu.memory_space<vmem>> -> memref<1x40x128xf32, #tpu.memory_space<vmem>>
        %dma_wait3A_452 = tpu.memref_squeeze %dma_wait3A_451 : memref<1x40x128xf32, #tpu.memory_space<vmem>> -> memref<40x128xf32, #tpu.memory_space<vmem>>
        %dma_wait3A_453 = arith.constant 0 : i32
        %dma_wait3A_454 = tpu.memref_slice %arg7[%rem3A_159, %run_scoped3A_267, %dma_wait3A_453] : memref<2x10x40xi32, #tpu.memory_space<vmem>> -> memref<1x1x40xi32, #tpu.memory_space<vmem>>
        %dma_wait3A_455 = tpu.memref_squeeze %dma_wait3A_454 : memref<1x1x40xi32, #tpu.memory_space<vmem>> -> memref<40xi32, #tpu.memory_space<vmem>>
        %dma_wait3A_456 = arith.constant 0 : i32
        %dma_wait3A_457 = arith.constant 0 : i32
        %dma_wait3A_458 = tpu.memref_slice %arg9[%dma_wait3A_456, %dma_wait3A_457] : memref<10000x128xf32, #tpu.memory_space<vmem_shared>> -> memref<10000x128xf32, #tpu.memory_space<vmem_shared>>
        tpu.wait_indirect_dma semaphore(%run_scoped3A_438 : memref<!tpu.dma_semaphore, #tpu.memory_space<semaphore_mem>>) src(%dma_wait3A_452 : memref<40x128xf32, #tpu.memory_space<vmem>>) dst(%dma_wait3A_458 : memref<10000x128xf32, #tpu.memory_space<vmem_shared>>)
        tpu.yield
      }) : () -> ()
      %add3A_268 = arith.constant 5 : i32
      %add3A_269 = arith.addi %add3A_251, %add3A_268 : i32
      %lt3A_270 = arith.constant 250 : i32
      %lt3A_271 = arith.cmpi slt, %add3A_269, %lt3A_270 : i32
      %convert_element_type3A_272 = arith.extui %lt3A_271 : i1 to i32
      %cond3A_273 = arith.constant 0 : i32
      %cond3A_274 = arith.cmpi ne, %convert_element_type3A_272, %cond3A_273 : i32
      scf.if %cond3A_274 {
        %mul3A_438 = arith.constant 40 : i32
        %mul3A_439 = arith.muli %add3A_269, %mul3A_438 : i32
        %dma_start3A_440 = arith.constant 3 : i32
        %dma_start3A_441 = arith.constant 3 : i32
        %dma_start3A_442 = arith.constant 0 : i32
        %dma_start3A_443 = arith.constant 0 : i32
        %dma_start3A_444 = tpu.memref_slice %arg8[%dma_start3A_440, %dma_start3A_442, %dma_start3A_443] : memref<5x40x128xf32, #tpu.memory_space<vmem>> -> memref<1x40x128xf32, #tpu.memory_space<vmem>>
        %dma_start3A_445 = tpu.memref_squeeze %dma_start3A_444 : memref<1x40x128xf32, #tpu.memory_space<vmem>> -> memref<40x128xf32, #tpu.memory_space<vmem>>
        %dma_start3A_446 = tpu.memref_slice %arg6[%mul3A_439] : memref<10000xi32, #tpu.memory_space<vmem>> -> memref<40xi32, #tpu.memory_space<vmem>>
        %dma_start3A_447 = arith.constant 0 : i32
        %dma_start3A_448 = arith.constant 0 : i32
        %dma_start3A_449 = tpu.memref_slice %arg2[%dma_start3A_447, %dma_start3A_448] : memref<10000x128xf32, #tpu.memory_space<hbm>> -> memref<10000x128xf32, #tpu.memory_space<hbm>>
        %dma_start3A_450 = tpu.memref_slice %arg10[%dma_start3A_441] : memref<5x!tpu.dma_semaphore, #tpu.memory_space<semaphore_mem>> -> memref<1x!tpu.dma_semaphore, #tpu.memory_space<semaphore_mem>>
        %dma_start3A_451 = tpu.memref_squeeze %dma_start3A_450 : memref<1x!tpu.dma_semaphore, #tpu.memory_space<semaphore_mem>> -> memref<!tpu.dma_semaphore, #tpu.memory_space<semaphore_mem>>
        tpu.enqueue_indirect_dma source(%dma_start3A_449 : memref<10000x128xf32, #tpu.memory_space<hbm>>) target(%dma_start3A_445 : memref<40x128xf32, #tpu.memory_space<vmem>>) offsets(%dma_start3A_446 : memref<40xi32, #tpu.memory_space<vmem>>) semaphore(%dma_start3A_451 : memref<!tpu.dma_semaphore, #tpu.memory_space<semaphore_mem>>)
      } else {
      }
      %mul3A_275 = arith.constant 10 : i32
      %mul3A_276 = arith.muli %scan3A_157, %mul3A_275 : i32
      %add3A_277 = arith.constant 4 : i32
      %add3A_278 = arith.addi %mul3A_276, %add3A_277 : i32
      %mul3A_279 = arith.constant 40 : i32
      %mul3A_280 = arith.muli %add3A_278, %mul3A_279 : i32
      %dma_wait3A_281 = arith.constant 4 : i32
      %dma_wait3A_282 = arith.constant 4 : i32
      %dma_wait3A_283 = arith.constant 0 : i32
      %dma_wait3A_284 = arith.constant 0 : i32
      %dma_wait3A_285 = tpu.memref_slice %arg8[%dma_wait3A_281, %dma_wait3A_283, %dma_wait3A_284] : memref<5x40x128xf32, #tpu.memory_space<vmem>> -> memref<1x40x128xf32, #tpu.memory_space<vmem>>
      %dma_wait3A_286 = tpu.memref_squeeze %dma_wait3A_285 : memref<1x40x128xf32, #tpu.memory_space<vmem>> -> memref<40x128xf32, #tpu.memory_space<vmem>>
      %dma_wait3A_287 = tpu.memref_slice %arg6[%mul3A_280] : memref<10000xi32, #tpu.memory_space<vmem>> -> memref<40xi32, #tpu.memory_space<vmem>>
      %dma_wait3A_288 = arith.constant 0 : i32
      %dma_wait3A_289 = arith.constant 0 : i32
      %dma_wait3A_290 = tpu.memref_slice %arg2[%dma_wait3A_288, %dma_wait3A_289] : memref<10000x128xf32, #tpu.memory_space<hbm>> -> memref<10000x128xf32, #tpu.memory_space<hbm>>
      %dma_wait3A_291 = tpu.memref_slice %arg10[%dma_wait3A_282] : memref<5x!tpu.dma_semaphore, #tpu.memory_space<semaphore_mem>> -> memref<1x!tpu.dma_semaphore, #tpu.memory_space<semaphore_mem>>
      %dma_wait3A_292 = tpu.memref_squeeze %dma_wait3A_291 : memref<1x!tpu.dma_semaphore, #tpu.memory_space<semaphore_mem>> -> memref<!tpu.dma_semaphore, #tpu.memory_space<semaphore_mem>>
      tpu.wait_indirect_dma semaphore(%dma_wait3A_292 : memref<!tpu.dma_semaphore, #tpu.memory_space<semaphore_mem>>) src(%dma_wait3A_290 : memref<10000x128xf32, #tpu.memory_space<hbm>>) dst(%dma_wait3A_286 : memref<40x128xf32, #tpu.memory_space<vmem>>)
      %run_scoped3A_293 = arith.constant 4 : i32
      %run_scoped3A_294 = arith.constant 4 : i32
      "tpu.region"() ({
        %run_scoped3A_438 = tpu.sem_alloc : memref<!tpu.dma_semaphore, #tpu.memory_space<semaphore_mem>>
        %dma_start3A_439 = arith.constant 0 : i32
        %dma_start3A_440 = arith.constant 0 : i32
        %dma_start3A_441 = tpu.memref_slice %arg8[%run_scoped3A_293, %dma_start3A_439, %dma_start3A_440] : memref<5x40x128xf32, #tpu.memory_space<vmem>> -> memref<1x40x128xf32, #tpu.memory_space<vmem>>
        %dma_start3A_442 = tpu.memref_squeeze %dma_start3A_441 : memref<1x40x128xf32, #tpu.memory_space<vmem>> -> memref<40x128xf32, #tpu.memory_space<vmem>>
        %dma_start3A_443 = arith.constant 0 : i32
        %dma_start3A_444 = tpu.memref_slice %arg7[%rem3A_159, %run_scoped3A_294, %dma_start3A_443] : memref<2x10x40xi32, #tpu.memory_space<vmem>> -> memref<1x1x40xi32, #tpu.memory_space<vmem>>
        %dma_start3A_445 = tpu.memref_squeeze %dma_start3A_444 : memref<1x1x40xi32, #tpu.memory_space<vmem>> -> memref<40xi32, #tpu.memory_space<vmem>>
        %dma_start3A_446 = arith.constant 0 : i32
        %dma_start3A_447 = arith.constant 0 : i32
        %dma_start3A_448 = tpu.memref_slice %arg9[%dma_start3A_446, %dma_start3A_447] : memref<10000x128xf32, #tpu.memory_space<vmem_shared>> -> memref<10000x128xf32, #tpu.memory_space<vmem_shared>>
        tpu.enqueue_indirect_dma source(%dma_start3A_442 : memref<40x128xf32, #tpu.memory_space<vmem>>) target(%dma_start3A_448 : memref<10000x128xf32, #tpu.memory_space<vmem_shared>>) offsets(%dma_start3A_445 : memref<40xi32, #tpu.memory_space<vmem>>) semaphore(%run_scoped3A_438 : memref<!tpu.dma_semaphore, #tpu.memory_space<semaphore_mem>>) {add = true}
        %dma_wait3A_449 = arith.constant 0 : i32
        %dma_wait3A_450 = arith.constant 0 : i32
        %dma_wait3A_451 = tpu.memref_slice %arg8[%run_scoped3A_293, %dma_wait3A_449, %dma_wait3A_450] : memref<5x40x128xf32, #tpu.memory_space<vmem>> -> memref<1x40x128xf32, #tpu.memory_space<vmem>>
        %dma_wait3A_452 = tpu.memref_squeeze %dma_wait3A_451 : memref<1x40x128xf32, #tpu.memory_space<vmem>> -> memref<40x128xf32, #tpu.memory_space<vmem>>
        %dma_wait3A_453 = arith.constant 0 : i32
        %dma_wait3A_454 = tpu.memref_slice %arg7[%rem3A_159, %run_scoped3A_294, %dma_wait3A_453] : memref<2x10x40xi32, #tpu.memory_space<vmem>> -> memref<1x1x40xi32, #tpu.memory_space<vmem>>
        %dma_wait3A_455 = tpu.memref_squeeze %dma_wait3A_454 : memref<1x1x40xi32, #tpu.memory_space<vmem>> -> memref<40xi32, #tpu.memory_space<vmem>>
        %dma_wait3A_456 = arith.constant 0 : i32
        %dma_wait3A_457 = arith.constant 0 : i32
        %dma_wait3A_458 = tpu.memref_slice %arg9[%dma_wait3A_456, %dma_wait3A_457] : memref<10000x128xf32, #tpu.memory_space<vmem_shared>> -> memref<10000x128xf32, #tpu.memory_space<vmem_shared>>
        tpu.wait_indirect_dma semaphore(%run_scoped3A_438 : memref<!tpu.dma_semaphore, #tpu.memory_space<semaphore_mem>>) src(%dma_wait3A_452 : memref<40x128xf32, #tpu.memory_space<vmem>>) dst(%dma_wait3A_458 : memref<10000x128xf32, #tpu.memory_space<vmem_shared>>)
        tpu.yield
      }) : () -> ()
      %add3A_295 = arith.constant 5 : i32
      %add3A_296 = arith.addi %add3A_278, %add3A_295 : i32
      %lt3A_297 = arith.constant 250 : i32
      %lt3A_298 = arith.cmpi slt, %add3A_296, %lt3A_297 : i32
      %convert_element_type3A_299 = arith.extui %lt3A_298 : i1 to i32
      %cond3A_300 = arith.constant 0 : i32
      %cond3A_301 = arith.cmpi ne, %convert_element_type3A_299, %cond3A_300 : i32
      scf.if %cond3A_301 {
        %mul3A_438 = arith.constant 40 : i32
        %mul3A_439 = arith.muli %add3A_296, %mul3A_438 : i32
        %dma_start3A_440 = arith.constant 4 : i32
        %dma_start3A_441 = arith.constant 4 : i32
        %dma_start3A_442 = arith.constant 0 : i32
        %dma_start3A_443 = arith.constant 0 : i32
        %dma_start3A_444 = tpu.memref_slice %arg8[%dma_start3A_440, %dma_start3A_442, %dma_start3A_443] : memref<5x40x128xf32, #tpu.memory_space<vmem>> -> memref<1x40x128xf32, #tpu.memory_space<vmem>>
        %dma_start3A_445 = tpu.memref_squeeze %dma_start3A_444 : memref<1x40x128xf32, #tpu.memory_space<vmem>> -> memref<40x128xf32, #tpu.memory_space<vmem>>
        %dma_start3A_446 = tpu.memref_slice %arg6[%mul3A_439] : memref<10000xi32, #tpu.memory_space<vmem>> -> memref<40xi32, #tpu.memory_space<vmem>>
        %dma_start3A_447 = arith.constant 0 : i32
        %dma_start3A_448 = arith.constant 0 : i32
        %dma_start3A_449 = tpu.memref_slice %arg2[%dma_start3A_447, %dma_start3A_448] : memref<10000x128xf32, #tpu.memory_space<hbm>> -> memref<10000x128xf32, #tpu.memory_space<hbm>>
        %dma_start3A_450 = tpu.memref_slice %arg10[%dma_start3A_441] : memref<5x!tpu.dma_semaphore, #tpu.memory_space<semaphore_mem>> -> memref<1x!tpu.dma_semaphore, #tpu.memory_space<semaphore_mem>>
        %dma_start3A_451 = tpu.memref_squeeze %dma_start3A_450 : memref<1x!tpu.dma_semaphore, #tpu.memory_space<semaphore_mem>> -> memref<!tpu.dma_semaphore, #tpu.memory_space<semaphore_mem>>
        tpu.enqueue_indirect_dma source(%dma_start3A_449 : memref<10000x128xf32, #tpu.memory_space<hbm>>) target(%dma_start3A_445 : memref<40x128xf32, #tpu.memory_space<vmem>>) offsets(%dma_start3A_446 : memref<40xi32, #tpu.memory_space<vmem>>) semaphore(%dma_start3A_451 : memref<!tpu.dma_semaphore, #tpu.memory_space<semaphore_mem>>)
      } else {
      }
      %mul3A_302 = arith.constant 10 : i32
      %mul3A_303 = arith.muli %scan3A_157, %mul3A_302 : i32
      %add3A_304 = arith.constant 5 : i32
      %add3A_305 = arith.addi %mul3A_303, %add3A_304 : i32
      %mul3A_306 = arith.constant 40 : i32
      %mul3A_307 = arith.muli %add3A_305, %mul3A_306 : i32
      %dma_wait3A_308 = arith.constant 0 : i32
      %dma_wait3A_309 = arith.constant 0 : i32
      %dma_wait3A_310 = arith.constant 0 : i32
      %dma_wait3A_311 = arith.constant 0 : i32
      %dma_wait3A_312 = tpu.memref_slice %arg8[%dma_wait3A_308, %dma_wait3A_310, %dma_wait3A_311] : memref<5x40x128xf32, #tpu.memory_space<vmem>> -> memref<1x40x128xf32, #tpu.memory_space<vmem>>
      %dma_wait3A_313 = tpu.memref_squeeze %dma_wait3A_312 : memref<1x40x128xf32, #tpu.memory_space<vmem>> -> memref<40x128xf32, #tpu.memory_space<vmem>>
      %dma_wait3A_314 = tpu.memref_slice %arg6[%mul3A_307] : memref<10000xi32, #tpu.memory_space<vmem>> -> memref<40xi32, #tpu.memory_space<vmem>>
      %dma_wait3A_315 = arith.constant 0 : i32
      %dma_wait3A_316 = arith.constant 0 : i32
      %dma_wait3A_317 = tpu.memref_slice %arg2[%dma_wait3A_315, %dma_wait3A_316] : memref<10000x128xf32, #tpu.memory_space<hbm>> -> memref<10000x128xf32, #tpu.memory_space<hbm>>
      %dma_wait3A_318 = tpu.memref_slice %arg10[%dma_wait3A_309] : memref<5x!tpu.dma_semaphore, #tpu.memory_space<semaphore_mem>> -> memref<1x!tpu.dma_semaphore, #tpu.memory_space<semaphore_mem>>
      %dma_wait3A_319 = tpu.memref_squeeze %dma_wait3A_318 : memref<1x!tpu.dma_semaphore, #tpu.memory_space<semaphore_mem>> -> memref<!tpu.dma_semaphore, #tpu.memory_space<semaphore_mem>>
      tpu.wait_indirect_dma semaphore(%dma_wait3A_319 : memref<!tpu.dma_semaphore, #tpu.memory_space<semaphore_mem>>) src(%dma_wait3A_317 : memref<10000x128xf32, #tpu.memory_space<hbm>>) dst(%dma_wait3A_313 : memref<40x128xf32, #tpu.memory_space<vmem>>)
      %run_scoped3A_320 = arith.constant 0 : i32
      %run_scoped3A_321 = arith.constant 5 : i32
      "tpu.region"() ({
        %run_scoped3A_438 = tpu.sem_alloc : memref<!tpu.dma_semaphore, #tpu.memory_space<semaphore_mem>>
        %dma_start3A_439 = arith.constant 0 : i32
        %dma_start3A_440 = arith.constant 0 : i32
        %dma_start3A_441 = tpu.memref_slice %arg8[%run_scoped3A_320, %dma_start3A_439, %dma_start3A_440] : memref<5x40x128xf32, #tpu.memory_space<vmem>> -> memref<1x40x128xf32, #tpu.memory_space<vmem>>
        %dma_start3A_442 = tpu.memref_squeeze %dma_start3A_441 : memref<1x40x128xf32, #tpu.memory_space<vmem>> -> memref<40x128xf32, #tpu.memory_space<vmem>>
        %dma_start3A_443 = arith.constant 0 : i32
        %dma_start3A_444 = tpu.memref_slice %arg7[%rem3A_159, %run_scoped3A_321, %dma_start3A_443] : memref<2x10x40xi32, #tpu.memory_space<vmem>> -> memref<1x1x40xi32, #tpu.memory_space<vmem>>
        %dma_start3A_445 = tpu.memref_squeeze %dma_start3A_444 : memref<1x1x40xi32, #tpu.memory_space<vmem>> -> memref<40xi32, #tpu.memory_space<vmem>>
        %dma_start3A_446 = arith.constant 0 : i32
        %dma_start3A_447 = arith.constant 0 : i32
        %dma_start3A_448 = tpu.memref_slice %arg9[%dma_start3A_446, %dma_start3A_447] : memref<10000x128xf32, #tpu.memory_space<vmem_shared>> -> memref<10000x128xf32, #tpu.memory_space<vmem_shared>>
        tpu.enqueue_indirect_dma source(%dma_start3A_442 : memref<40x128xf32, #tpu.memory_space<vmem>>) target(%dma_start3A_448 : memref<10000x128xf32, #tpu.memory_space<vmem_shared>>) offsets(%dma_start3A_445 : memref<40xi32, #tpu.memory_space<vmem>>) semaphore(%run_scoped3A_438 : memref<!tpu.dma_semaphore, #tpu.memory_space<semaphore_mem>>) {add = true}
        %dma_wait3A_449 = arith.constant 0 : i32
        %dma_wait3A_450 = arith.constant 0 : i32
        %dma_wait3A_451 = tpu.memref_slice %arg8[%run_scoped3A_320, %dma_wait3A_449, %dma_wait3A_450] : memref<5x40x128xf32, #tpu.memory_space<vmem>> -> memref<1x40x128xf32, #tpu.memory_space<vmem>>
        %dma_wait3A_452 = tpu.memref_squeeze %dma_wait3A_451 : memref<1x40x128xf32, #tpu.memory_space<vmem>> -> memref<40x128xf32, #tpu.memory_space<vmem>>
        %dma_wait3A_453 = arith.constant 0 : i32
        %dma_wait3A_454 = tpu.memref_slice %arg7[%rem3A_159, %run_scoped3A_321, %dma_wait3A_453] : memref<2x10x40xi32, #tpu.memory_space<vmem>> -> memref<1x1x40xi32, #tpu.memory_space<vmem>>
        %dma_wait3A_455 = tpu.memref_squeeze %dma_wait3A_454 : memref<1x1x40xi32, #tpu.memory_space<vmem>> -> memref<40xi32, #tpu.memory_space<vmem>>
        %dma_wait3A_456 = arith.constant 0 : i32
        %dma_wait3A_457 = arith.constant 0 : i32
        %dma_wait3A_458 = tpu.memref_slice %arg9[%dma_wait3A_456, %dma_wait3A_457] : memref<10000x128xf32, #tpu.memory_space<vmem_shared>> -> memref<10000x128xf32, #tpu.memory_space<vmem_shared>>
        tpu.wait_indirect_dma semaphore(%run_scoped3A_438 : memref<!tpu.dma_semaphore, #tpu.memory_space<semaphore_mem>>) src(%dma_wait3A_452 : memref<40x128xf32, #tpu.memory_space<vmem>>) dst(%dma_wait3A_458 : memref<10000x128xf32, #tpu.memory_space<vmem_shared>>)
        tpu.yield
      }) : () -> ()
      %add3A_322 = arith.constant 5 : i32
      %add3A_323 = arith.addi %add3A_305, %add3A_322 : i32
      %lt3A_324 = arith.constant 250 : i32
      %lt3A_325 = arith.cmpi slt, %add3A_323, %lt3A_324 : i32
      %convert_element_type3A_326 = arith.extui %lt3A_325 : i1 to i32
      %cond3A_327 = arith.constant 0 : i32
      %cond3A_328 = arith.cmpi ne, %convert_element_type3A_326, %cond3A_327 : i32
      scf.if %cond3A_328 {
        %mul3A_438 = arith.constant 40 : i32
        %mul3A_439 = arith.muli %add3A_323, %mul3A_438 : i32
        %dma_start3A_440 = arith.constant 0 : i32
        %dma_start3A_441 = arith.constant 0 : i32
        %dma_start3A_442 = arith.constant 0 : i32
        %dma_start3A_443 = arith.constant 0 : i32
        %dma_start3A_444 = tpu.memref_slice %arg8[%dma_start3A_440, %dma_start3A_442, %dma_start3A_443] : memref<5x40x128xf32, #tpu.memory_space<vmem>> -> memref<1x40x128xf32, #tpu.memory_space<vmem>>
        %dma_start3A_445 = tpu.memref_squeeze %dma_start3A_444 : memref<1x40x128xf32, #tpu.memory_space<vmem>> -> memref<40x128xf32, #tpu.memory_space<vmem>>
        %dma_start3A_446 = tpu.memref_slice %arg6[%mul3A_439] : memref<10000xi32, #tpu.memory_space<vmem>> -> memref<40xi32, #tpu.memory_space<vmem>>
        %dma_start3A_447 = arith.constant 0 : i32
        %dma_start3A_448 = arith.constant 0 : i32
        %dma_start3A_449 = tpu.memref_slice %arg2[%dma_start3A_447, %dma_start3A_448] : memref<10000x128xf32, #tpu.memory_space<hbm>> -> memref<10000x128xf32, #tpu.memory_space<hbm>>
        %dma_start3A_450 = tpu.memref_slice %arg10[%dma_start3A_441] : memref<5x!tpu.dma_semaphore, #tpu.memory_space<semaphore_mem>> -> memref<1x!tpu.dma_semaphore, #tpu.memory_space<semaphore_mem>>
        %dma_start3A_451 = tpu.memref_squeeze %dma_start3A_450 : memref<1x!tpu.dma_semaphore, #tpu.memory_space<semaphore_mem>> -> memref<!tpu.dma_semaphore, #tpu.memory_space<semaphore_mem>>
        tpu.enqueue_indirect_dma source(%dma_start3A_449 : memref<10000x128xf32, #tpu.memory_space<hbm>>) target(%dma_start3A_445 : memref<40x128xf32, #tpu.memory_space<vmem>>) offsets(%dma_start3A_446 : memref<40xi32, #tpu.memory_space<vmem>>) semaphore(%dma_start3A_451 : memref<!tpu.dma_semaphore, #tpu.memory_space<semaphore_mem>>)
      } else {
      }
      %mul3A_329 = arith.constant 10 : i32
      %mul3A_330 = arith.muli %scan3A_157, %mul3A_329 : i32
      %add3A_331 = arith.constant 6 : i32
      %add3A_332 = arith.addi %mul3A_330, %add3A_331 : i32
      %mul3A_333 = arith.constant 40 : i32
      %mul3A_334 = arith.muli %add3A_332, %mul3A_333 : i32
      %dma_wait3A_335 = arith.constant 1 : i32
      %dma_wait3A_336 = arith.constant 1 : i32
      %dma_wait3A_337 = arith.constant 0 : i32
      %dma_wait3A_338 = arith.constant 0 : i32
      %dma_wait3A_339 = tpu.memref_slice %arg8[%dma_wait3A_335, %dma_wait3A_337, %dma_wait3A_338] : memref<5x40x128xf32, #tpu.memory_space<vmem>> -> memref<1x40x128xf32, #tpu.memory_space<vmem>>
      %dma_wait3A_340 = tpu.memref_squeeze %dma_wait3A_339 : memref<1x40x128xf32, #tpu.memory_space<vmem>> -> memref<40x128xf32, #tpu.memory_space<vmem>>
      %dma_wait3A_341 = tpu.memref_slice %arg6[%mul3A_334] : memref<10000xi32, #tpu.memory_space<vmem>> -> memref<40xi32, #tpu.memory_space<vmem>>
      %dma_wait3A_342 = arith.constant 0 : i32
      %dma_wait3A_343 = arith.constant 0 : i32
      %dma_wait3A_344 = tpu.memref_slice %arg2[%dma_wait3A_342, %dma_wait3A_343] : memref<10000x128xf32, #tpu.memory_space<hbm>> -> memref<10000x128xf32, #tpu.memory_space<hbm>>
      %dma_wait3A_345 = tpu.memref_slice %arg10[%dma_wait3A_336] : memref<5x!tpu.dma_semaphore, #tpu.memory_space<semaphore_mem>> -> memref<1x!tpu.dma_semaphore, #tpu.memory_space<semaphore_mem>>
      %dma_wait3A_346 = tpu.memref_squeeze %dma_wait3A_345 : memref<1x!tpu.dma_semaphore, #tpu.memory_space<semaphore_mem>> -> memref<!tpu.dma_semaphore, #tpu.memory_space<semaphore_mem>>
      tpu.wait_indirect_dma semaphore(%dma_wait3A_346 : memref<!tpu.dma_semaphore, #tpu.memory_space<semaphore_mem>>) src(%dma_wait3A_344 : memref<10000x128xf32, #tpu.memory_space<hbm>>) dst(%dma_wait3A_340 : memref<40x128xf32, #tpu.memory_space<vmem>>)
      %run_scoped3A_347 = arith.constant 1 : i32
      %run_scoped3A_348 = arith.constant 6 : i32
      "tpu.region"() ({
        %run_scoped3A_438 = tpu.sem_alloc : memref<!tpu.dma_semaphore, #tpu.memory_space<semaphore_mem>>
        %dma_start3A_439 = arith.constant 0 : i32
        %dma_start3A_440 = arith.constant 0 : i32
        %dma_start3A_441 = tpu.memref_slice %arg8[%run_scoped3A_347, %dma_start3A_439, %dma_start3A_440] : memref<5x40x128xf32, #tpu.memory_space<vmem>> -> memref<1x40x128xf32, #tpu.memory_space<vmem>>
        %dma_start3A_442 = tpu.memref_squeeze %dma_start3A_441 : memref<1x40x128xf32, #tpu.memory_space<vmem>> -> memref<40x128xf32, #tpu.memory_space<vmem>>
        %dma_start3A_443 = arith.constant 0 : i32
        %dma_start3A_444 = tpu.memref_slice %arg7[%rem3A_159, %run_scoped3A_348, %dma_start3A_443] : memref<2x10x40xi32, #tpu.memory_space<vmem>> -> memref<1x1x40xi32, #tpu.memory_space<vmem>>
        %dma_start3A_445 = tpu.memref_squeeze %dma_start3A_444 : memref<1x1x40xi32, #tpu.memory_space<vmem>> -> memref<40xi32, #tpu.memory_space<vmem>>
        %dma_start3A_446 = arith.constant 0 : i32
        %dma_start3A_447 = arith.constant 0 : i32
        %dma_start3A_448 = tpu.memref_slice %arg9[%dma_start3A_446, %dma_start3A_447] : memref<10000x128xf32, #tpu.memory_space<vmem_shared>> -> memref<10000x128xf32, #tpu.memory_space<vmem_shared>>
        tpu.enqueue_indirect_dma source(%dma_start3A_442 : memref<40x128xf32, #tpu.memory_space<vmem>>) target(%dma_start3A_448 : memref<10000x128xf32, #tpu.memory_space<vmem_shared>>) offsets(%dma_start3A_445 : memref<40xi32, #tpu.memory_space<vmem>>) semaphore(%run_scoped3A_438 : memref<!tpu.dma_semaphore, #tpu.memory_space<semaphore_mem>>) {add = true}
        %dma_wait3A_449 = arith.constant 0 : i32
        %dma_wait3A_450 = arith.constant 0 : i32
        %dma_wait3A_451 = tpu.memref_slice %arg8[%run_scoped3A_347, %dma_wait3A_449, %dma_wait3A_450] : memref<5x40x128xf32, #tpu.memory_space<vmem>> -> memref<1x40x128xf32, #tpu.memory_space<vmem>>
        %dma_wait3A_452 = tpu.memref_squeeze %dma_wait3A_451 : memref<1x40x128xf32, #tpu.memory_space<vmem>> -> memref<40x128xf32, #tpu.memory_space<vmem>>
        %dma_wait3A_453 = arith.constant 0 : i32
        %dma_wait3A_454 = tpu.memref_slice %arg7[%rem3A_159, %run_scoped3A_348, %dma_wait3A_453] : memref<2x10x40xi32, #tpu.memory_space<vmem>> -> memref<1x1x40xi32, #tpu.memory_space<vmem>>
        %dma_wait3A_455 = tpu.memref_squeeze %dma_wait3A_454 : memref<1x1x40xi32, #tpu.memory_space<vmem>> -> memref<40xi32, #tpu.memory_space<vmem>>
        %dma_wait3A_456 = arith.constant 0 : i32
        %dma_wait3A_457 = arith.constant 0 : i32
        %dma_wait3A_458 = tpu.memref_slice %arg9[%dma_wait3A_456, %dma_wait3A_457] : memref<10000x128xf32, #tpu.memory_space<vmem_shared>> -> memref<10000x128xf32, #tpu.memory_space<vmem_shared>>
        tpu.wait_indirect_dma semaphore(%run_scoped3A_438 : memref<!tpu.dma_semaphore, #tpu.memory_space<semaphore_mem>>) src(%dma_wait3A_452 : memref<40x128xf32, #tpu.memory_space<vmem>>) dst(%dma_wait3A_458 : memref<10000x128xf32, #tpu.memory_space<vmem_shared>>)
        tpu.yield
      }) : () -> ()
      %add3A_349 = arith.constant 5 : i32
      %add3A_350 = arith.addi %add3A_332, %add3A_349 : i32
      %lt3A_351 = arith.constant 250 : i32
      %lt3A_352 = arith.cmpi slt, %add3A_350, %lt3A_351 : i32
      %convert_element_type3A_353 = arith.extui %lt3A_352 : i1 to i32
      %cond3A_354 = arith.constant 0 : i32
      %cond3A_355 = arith.cmpi ne, %convert_element_type3A_353, %cond3A_354 : i32
      scf.if %cond3A_355 {
        %mul3A_438 = arith.constant 40 : i32
        %mul3A_439 = arith.muli %add3A_350, %mul3A_438 : i32
        %dma_start3A_440 = arith.constant 1 : i32
        %dma_start3A_441 = arith.constant 1 : i32
        %dma_start3A_442 = arith.constant 0 : i32
        %dma_start3A_443 = arith.constant 0 : i32
        %dma_start3A_444 = tpu.memref_slice %arg8[%dma_start3A_440, %dma_start3A_442, %dma_start3A_443] : memref<5x40x128xf32, #tpu.memory_space<vmem>> -> memref<1x40x128xf32, #tpu.memory_space<vmem>>
        %dma_start3A_445 = tpu.memref_squeeze %dma_start3A_444 : memref<1x40x128xf32, #tpu.memory_space<vmem>> -> memref<40x128xf32, #tpu.memory_space<vmem>>
        %dma_start3A_446 = tpu.memref_slice %arg6[%mul3A_439] : memref<10000xi32, #tpu.memory_space<vmem>> -> memref<40xi32, #tpu.memory_space<vmem>>
        %dma_start3A_447 = arith.constant 0 : i32
        %dma_start3A_448 = arith.constant 0 : i32
        %dma_start3A_449 = tpu.memref_slice %arg2[%dma_start3A_447, %dma_start3A_448] : memref<10000x128xf32, #tpu.memory_space<hbm>> -> memref<10000x128xf32, #tpu.memory_space<hbm>>
        %dma_start3A_450 = tpu.memref_slice %arg10[%dma_start3A_441] : memref<5x!tpu.dma_semaphore, #tpu.memory_space<semaphore_mem>> -> memref<1x!tpu.dma_semaphore, #tpu.memory_space<semaphore_mem>>
        %dma_start3A_451 = tpu.memref_squeeze %dma_start3A_450 : memref<1x!tpu.dma_semaphore, #tpu.memory_space<semaphore_mem>> -> memref<!tpu.dma_semaphore, #tpu.memory_space<semaphore_mem>>
        tpu.enqueue_indirect_dma source(%dma_start3A_449 : memref<10000x128xf32, #tpu.memory_space<hbm>>) target(%dma_start3A_445 : memref<40x128xf32, #tpu.memory_space<vmem>>) offsets(%dma_start3A_446 : memref<40xi32, #tpu.memory_space<vmem>>) semaphore(%dma_start3A_451 : memref<!tpu.dma_semaphore, #tpu.memory_space<semaphore_mem>>)
      } else {
      }
      %mul3A_356 = arith.constant 10 : i32
      %mul3A_357 = arith.muli %scan3A_157, %mul3A_356 : i32
      %add3A_358 = arith.constant 7 : i32
      %add3A_359 = arith.addi %mul3A_357, %add3A_358 : i32
      %mul3A_360 = arith.constant 40 : i32
      %mul3A_361 = arith.muli %add3A_359, %mul3A_360 : i32
      %dma_wait3A_362 = arith.constant 2 : i32
      %dma_wait3A_363 = arith.constant 2 : i32
      %dma_wait3A_364 = arith.constant 0 : i32
      %dma_wait3A_365 = arith.constant 0 : i32
      %dma_wait3A_366 = tpu.memref_slice %arg8[%dma_wait3A_362, %dma_wait3A_364, %dma_wait3A_365] : memref<5x40x128xf32, #tpu.memory_space<vmem>> -> memref<1x40x128xf32, #tpu.memory_space<vmem>>
      %dma_wait3A_367 = tpu.memref_squeeze %dma_wait3A_366 : memref<1x40x128xf32, #tpu.memory_space<vmem>> -> memref<40x128xf32, #tpu.memory_space<vmem>>
      %dma_wait3A_368 = tpu.memref_slice %arg6[%mul3A_361] : memref<10000xi32, #tpu.memory_space<vmem>> -> memref<40xi32, #tpu.memory_space<vmem>>
      %dma_wait3A_369 = arith.constant 0 : i32
      %dma_wait3A_370 = arith.constant 0 : i32
      %dma_wait3A_371 = tpu.memref_slice %arg2[%dma_wait3A_369, %dma_wait3A_370] : memref<10000x128xf32, #tpu.memory_space<hbm>> -> memref<10000x128xf32, #tpu.memory_space<hbm>>
      %dma_wait3A_372 = tpu.memref_slice %arg10[%dma_wait3A_363] : memref<5x!tpu.dma_semaphore, #tpu.memory_space<semaphore_mem>> -> memref<1x!tpu.dma_semaphore, #tpu.memory_space<semaphore_mem>>
      %dma_wait3A_373 = tpu.memref_squeeze %dma_wait3A_372 : memref<1x!tpu.dma_semaphore, #tpu.memory_space<semaphore_mem>> -> memref<!tpu.dma_semaphore, #tpu.memory_space<semaphore_mem>>
      tpu.wait_indirect_dma semaphore(%dma_wait3A_373 : memref<!tpu.dma_semaphore, #tpu.memory_space<semaphore_mem>>) src(%dma_wait3A_371 : memref<10000x128xf32, #tpu.memory_space<hbm>>) dst(%dma_wait3A_367 : memref<40x128xf32, #tpu.memory_space<vmem>>)
      %run_scoped3A_374 = arith.constant 2 : i32
      %run_scoped3A_375 = arith.constant 7 : i32
      "tpu.region"() ({
        %run_scoped3A_438 = tpu.sem_alloc : memref<!tpu.dma_semaphore, #tpu.memory_space<semaphore_mem>>
        %dma_start3A_439 = arith.constant 0 : i32
        %dma_start3A_440 = arith.constant 0 : i32
        %dma_start3A_441 = tpu.memref_slice %arg8[%run_scoped3A_374, %dma_start3A_439, %dma_start3A_440] : memref<5x40x128xf32, #tpu.memory_space<vmem>> -> memref<1x40x128xf32, #tpu.memory_space<vmem>>
        %dma_start3A_442 = tpu.memref_squeeze %dma_start3A_441 : memref<1x40x128xf32, #tpu.memory_space<vmem>> -> memref<40x128xf32, #tpu.memory_space<vmem>>
        %dma_start3A_443 = arith.constant 0 : i32
        %dma_start3A_444 = tpu.memref_slice %arg7[%rem3A_159, %run_scoped3A_375, %dma_start3A_443] : memref<2x10x40xi32, #tpu.memory_space<vmem>> -> memref<1x1x40xi32, #tpu.memory_space<vmem>>
        %dma_start3A_445 = tpu.memref_squeeze %dma_start3A_444 : memref<1x1x40xi32, #tpu.memory_space<vmem>> -> memref<40xi32, #tpu.memory_space<vmem>>
        %dma_start3A_446 = arith.constant 0 : i32
        %dma_start3A_447 = arith.constant 0 : i32
        %dma_start3A_448 = tpu.memref_slice %arg9[%dma_start3A_446, %dma_start3A_447] : memref<10000x128xf32, #tpu.memory_space<vmem_shared>> -> memref<10000x128xf32, #tpu.memory_space<vmem_shared>>
        tpu.enqueue_indirect_dma source(%dma_start3A_442 : memref<40x128xf32, #tpu.memory_space<vmem>>) target(%dma_start3A_448 : memref<10000x128xf32, #tpu.memory_space<vmem_shared>>) offsets(%dma_start3A_445 : memref<40xi32, #tpu.memory_space<vmem>>) semaphore(%run_scoped3A_438 : memref<!tpu.dma_semaphore, #tpu.memory_space<semaphore_mem>>) {add = true}
        %dma_wait3A_449 = arith.constant 0 : i32
        %dma_wait3A_450 = arith.constant 0 : i32
        %dma_wait3A_451 = tpu.memref_slice %arg8[%run_scoped3A_374, %dma_wait3A_449, %dma_wait3A_450] : memref<5x40x128xf32, #tpu.memory_space<vmem>> -> memref<1x40x128xf32, #tpu.memory_space<vmem>>
        %dma_wait3A_452 = tpu.memref_squeeze %dma_wait3A_451 : memref<1x40x128xf32, #tpu.memory_space<vmem>> -> memref<40x128xf32, #tpu.memory_space<vmem>>
        %dma_wait3A_453 = arith.constant 0 : i32
        %dma_wait3A_454 = tpu.memref_slice %arg7[%rem3A_159, %run_scoped3A_375, %dma_wait3A_453] : memref<2x10x40xi32, #tpu.memory_space<vmem>> -> memref<1x1x40xi32, #tpu.memory_space<vmem>>
        %dma_wait3A_455 = tpu.memref_squeeze %dma_wait3A_454 : memref<1x1x40xi32, #tpu.memory_space<vmem>> -> memref<40xi32, #tpu.memory_space<vmem>>
        %dma_wait3A_456 = arith.constant 0 : i32
        %dma_wait3A_457 = arith.constant 0 : i32
        %dma_wait3A_458 = tpu.memref_slice %arg9[%dma_wait3A_456, %dma_wait3A_457] : memref<10000x128xf32, #tpu.memory_space<vmem_shared>> -> memref<10000x128xf32, #tpu.memory_space<vmem_shared>>
        tpu.wait_indirect_dma semaphore(%run_scoped3A_438 : memref<!tpu.dma_semaphore, #tpu.memory_space<semaphore_mem>>) src(%dma_wait3A_452 : memref<40x128xf32, #tpu.memory_space<vmem>>) dst(%dma_wait3A_458 : memref<10000x128xf32, #tpu.memory_space<vmem_shared>>)
        tpu.yield
      }) : () -> ()
      %add3A_376 = arith.constant 5 : i32
      %add3A_377 = arith.addi %add3A_359, %add3A_376 : i32
      %lt3A_378 = arith.constant 250 : i32
      %lt3A_379 = arith.cmpi slt, %add3A_377, %lt3A_378 : i32
      %convert_element_type3A_380 = arith.extui %lt3A_379 : i1 to i32
      %cond3A_381 = arith.constant 0 : i32
      %cond3A_382 = arith.cmpi ne, %convert_element_type3A_380, %cond3A_381 : i32
      scf.if %cond3A_382 {
        %mul3A_438 = arith.constant 40 : i32
        %mul3A_439 = arith.muli %add3A_377, %mul3A_438 : i32
        %dma_start3A_440 = arith.constant 2 : i32
        %dma_start3A_441 = arith.constant 2 : i32
        %dma_start3A_442 = arith.constant 0 : i32
        %dma_start3A_443 = arith.constant 0 : i32
        %dma_start3A_444 = tpu.memref_slice %arg8[%dma_start3A_440, %dma_start3A_442, %dma_start3A_443] : memref<5x40x128xf32, #tpu.memory_space<vmem>> -> memref<1x40x128xf32, #tpu.memory_space<vmem>>
        %dma_start3A_445 = tpu.memref_squeeze %dma_start3A_444 : memref<1x40x128xf32, #tpu.memory_space<vmem>> -> memref<40x128xf32, #tpu.memory_space<vmem>>
        %dma_start3A_446 = tpu.memref_slice %arg6[%mul3A_439] : memref<10000xi32, #tpu.memory_space<vmem>> -> memref<40xi32, #tpu.memory_space<vmem>>
        %dma_start3A_447 = arith.constant 0 : i32
        %dma_start3A_448 = arith.constant 0 : i32
        %dma_start3A_449 = tpu.memref_slice %arg2[%dma_start3A_447, %dma_start3A_448] : memref<10000x128xf32, #tpu.memory_space<hbm>> -> memref<10000x128xf32, #tpu.memory_space<hbm>>
        %dma_start3A_450 = tpu.memref_slice %arg10[%dma_start3A_441] : memref<5x!tpu.dma_semaphore, #tpu.memory_space<semaphore_mem>> -> memref<1x!tpu.dma_semaphore, #tpu.memory_space<semaphore_mem>>
        %dma_start3A_451 = tpu.memref_squeeze %dma_start3A_450 : memref<1x!tpu.dma_semaphore, #tpu.memory_space<semaphore_mem>> -> memref<!tpu.dma_semaphore, #tpu.memory_space<semaphore_mem>>
        tpu.enqueue_indirect_dma source(%dma_start3A_449 : memref<10000x128xf32, #tpu.memory_space<hbm>>) target(%dma_start3A_445 : memref<40x128xf32, #tpu.memory_space<vmem>>) offsets(%dma_start3A_446 : memref<40xi32, #tpu.memory_space<vmem>>) semaphore(%dma_start3A_451 : memref<!tpu.dma_semaphore, #tpu.memory_space<semaphore_mem>>)
      } else {
      }
      %mul3A_383 = arith.constant 10 : i32
      %mul3A_384 = arith.muli %scan3A_157, %mul3A_383 : i32
      %add3A_385 = arith.constant 8 : i32
      %add3A_386 = arith.addi %mul3A_384, %add3A_385 : i32
      %mul3A_387 = arith.constant 40 : i32
      %mul3A_388 = arith.muli %add3A_386, %mul3A_387 : i32
      %dma_wait3A_389 = arith.constant 3 : i32
      %dma_wait3A_390 = arith.constant 3 : i32
      %dma_wait3A_391 = arith.constant 0 : i32
      %dma_wait3A_392 = arith.constant 0 : i32
      %dma_wait3A_393 = tpu.memref_slice %arg8[%dma_wait3A_389, %dma_wait3A_391, %dma_wait3A_392] : memref<5x40x128xf32, #tpu.memory_space<vmem>> -> memref<1x40x128xf32, #tpu.memory_space<vmem>>
      %dma_wait3A_394 = tpu.memref_squeeze %dma_wait3A_393 : memref<1x40x128xf32, #tpu.memory_space<vmem>> -> memref<40x128xf32, #tpu.memory_space<vmem>>
      %dma_wait3A_395 = tpu.memref_slice %arg6[%mul3A_388] : memref<10000xi32, #tpu.memory_space<vmem>> -> memref<40xi32, #tpu.memory_space<vmem>>
      %dma_wait3A_396 = arith.constant 0 : i32
      %dma_wait3A_397 = arith.constant 0 : i32
      %dma_wait3A_398 = tpu.memref_slice %arg2[%dma_wait3A_396, %dma_wait3A_397] : memref<10000x128xf32, #tpu.memory_space<hbm>> -> memref<10000x128xf32, #tpu.memory_space<hbm>>
      %dma_wait3A_399 = tpu.memref_slice %arg10[%dma_wait3A_390] : memref<5x!tpu.dma_semaphore, #tpu.memory_space<semaphore_mem>> -> memref<1x!tpu.dma_semaphore, #tpu.memory_space<semaphore_mem>>
      %dma_wait3A_400 = tpu.memref_squeeze %dma_wait3A_399 : memref<1x!tpu.dma_semaphore, #tpu.memory_space<semaphore_mem>> -> memref<!tpu.dma_semaphore, #tpu.memory_space<semaphore_mem>>
      tpu.wait_indirect_dma semaphore(%dma_wait3A_400 : memref<!tpu.dma_semaphore, #tpu.memory_space<semaphore_mem>>) src(%dma_wait3A_398 : memref<10000x128xf32, #tpu.memory_space<hbm>>) dst(%dma_wait3A_394 : memref<40x128xf32, #tpu.memory_space<vmem>>)
      %run_scoped3A_401 = arith.constant 3 : i32
      %run_scoped3A_402 = arith.constant 8 : i32
      "tpu.region"() ({
        %run_scoped3A_438 = tpu.sem_alloc : memref<!tpu.dma_semaphore, #tpu.memory_space<semaphore_mem>>
        %dma_start3A_439 = arith.constant 0 : i32
        %dma_start3A_440 = arith.constant 0 : i32
        %dma_start3A_441 = tpu.memref_slice %arg8[%run_scoped3A_401, %dma_start3A_439, %dma_start3A_440] : memref<5x40x128xf32, #tpu.memory_space<vmem>> -> memref<1x40x128xf32, #tpu.memory_space<vmem>>
        %dma_start3A_442 = tpu.memref_squeeze %dma_start3A_441 : memref<1x40x128xf32, #tpu.memory_space<vmem>> -> memref<40x128xf32, #tpu.memory_space<vmem>>
        %dma_start3A_443 = arith.constant 0 : i32
        %dma_start3A_444 = tpu.memref_slice %arg7[%rem3A_159, %run_scoped3A_402, %dma_start3A_443] : memref<2x10x40xi32, #tpu.memory_space<vmem>> -> memref<1x1x40xi32, #tpu.memory_space<vmem>>
        %dma_start3A_445 = tpu.memref_squeeze %dma_start3A_444 : memref<1x1x40xi32, #tpu.memory_space<vmem>> -> memref<40xi32, #tpu.memory_space<vmem>>
        %dma_start3A_446 = arith.constant 0 : i32
        %dma_start3A_447 = arith.constant 0 : i32
        %dma_start3A_448 = tpu.memref_slice %arg9[%dma_start3A_446, %dma_start3A_447] : memref<10000x128xf32, #tpu.memory_space<vmem_shared>> -> memref<10000x128xf32, #tpu.memory_space<vmem_shared>>
        tpu.enqueue_indirect_dma source(%dma_start3A_442 : memref<40x128xf32, #tpu.memory_space<vmem>>) target(%dma_start3A_448 : memref<10000x128xf32, #tpu.memory_space<vmem_shared>>) offsets(%dma_start3A_445 : memref<40xi32, #tpu.memory_space<vmem>>) semaphore(%run_scoped3A_438 : memref<!tpu.dma_semaphore, #tpu.memory_space<semaphore_mem>>) {add = true}
        %dma_wait3A_449 = arith.constant 0 : i32
        %dma_wait3A_450 = arith.constant 0 : i32
        %dma_wait3A_451 = tpu.memref_slice %arg8[%run_scoped3A_401, %dma_wait3A_449, %dma_wait3A_450] : memref<5x40x128xf32, #tpu.memory_space<vmem>> -> memref<1x40x128xf32, #tpu.memory_space<vmem>>
        %dma_wait3A_452 = tpu.memref_squeeze %dma_wait3A_451 : memref<1x40x128xf32, #tpu.memory_space<vmem>> -> memref<40x128xf32, #tpu.memory_space<vmem>>
        %dma_wait3A_453 = arith.constant 0 : i32
        %dma_wait3A_454 = tpu.memref_slice %arg7[%rem3A_159, %run_scoped3A_402, %dma_wait3A_453] : memref<2x10x40xi32, #tpu.memory_space<vmem>> -> memref<1x1x40xi32, #tpu.memory_space<vmem>>
        %dma_wait3A_455 = tpu.memref_squeeze %dma_wait3A_454 : memref<1x1x40xi32, #tpu.memory_space<vmem>> -> memref<40xi32, #tpu.memory_space<vmem>>
        %dma_wait3A_456 = arith.constant 0 : i32
        %dma_wait3A_457 = arith.constant 0 : i32
        %dma_wait3A_458 = tpu.memref_slice %arg9[%dma_wait3A_456, %dma_wait3A_457] : memref<10000x128xf32, #tpu.memory_space<vmem_shared>> -> memref<10000x128xf32, #tpu.memory_space<vmem_shared>>
        tpu.wait_indirect_dma semaphore(%run_scoped3A_438 : memref<!tpu.dma_semaphore, #tpu.memory_space<semaphore_mem>>) src(%dma_wait3A_452 : memref<40x128xf32, #tpu.memory_space<vmem>>) dst(%dma_wait3A_458 : memref<10000x128xf32, #tpu.memory_space<vmem_shared>>)
        tpu.yield
      }) : () -> ()
      %add3A_403 = arith.constant 5 : i32
      %add3A_404 = arith.addi %add3A_386, %add3A_403 : i32
      %lt3A_405 = arith.constant 250 : i32
      %lt3A_406 = arith.cmpi slt, %add3A_404, %lt3A_405 : i32
      %convert_element_type3A_407 = arith.extui %lt3A_406 : i1 to i32
      %cond3A_408 = arith.constant 0 : i32
      %cond3A_409 = arith.cmpi ne, %convert_element_type3A_407, %cond3A_408 : i32
      scf.if %cond3A_409 {
        %mul3A_438 = arith.constant 40 : i32
        %mul3A_439 = arith.muli %add3A_404, %mul3A_438 : i32
        %dma_start3A_440 = arith.constant 3 : i32
        %dma_start3A_441 = arith.constant 3 : i32
        %dma_start3A_442 = arith.constant 0 : i32
        %dma_start3A_443 = arith.constant 0 : i32
        %dma_start3A_444 = tpu.memref_slice %arg8[%dma_start3A_440, %dma_start3A_442, %dma_start3A_443] : memref<5x40x128xf32, #tpu.memory_space<vmem>> -> memref<1x40x128xf32, #tpu.memory_space<vmem>>
        %dma_start3A_445 = tpu.memref_squeeze %dma_start3A_444 : memref<1x40x128xf32, #tpu.memory_space<vmem>> -> memref<40x128xf32, #tpu.memory_space<vmem>>
        %dma_start3A_446 = tpu.memref_slice %arg6[%mul3A_439] : memref<10000xi32, #tpu.memory_space<vmem>> -> memref<40xi32, #tpu.memory_space<vmem>>
        %dma_start3A_447 = arith.constant 0 : i32
        %dma_start3A_448 = arith.constant 0 : i32
        %dma_start3A_449 = tpu.memref_slice %arg2[%dma_start3A_447, %dma_start3A_448] : memref<10000x128xf32, #tpu.memory_space<hbm>> -> memref<10000x128xf32, #tpu.memory_space<hbm>>
        %dma_start3A_450 = tpu.memref_slice %arg10[%dma_start3A_441] : memref<5x!tpu.dma_semaphore, #tpu.memory_space<semaphore_mem>> -> memref<1x!tpu.dma_semaphore, #tpu.memory_space<semaphore_mem>>
        %dma_start3A_451 = tpu.memref_squeeze %dma_start3A_450 : memref<1x!tpu.dma_semaphore, #tpu.memory_space<semaphore_mem>> -> memref<!tpu.dma_semaphore, #tpu.memory_space<semaphore_mem>>
        tpu.enqueue_indirect_dma source(%dma_start3A_449 : memref<10000x128xf32, #tpu.memory_space<hbm>>) target(%dma_start3A_445 : memref<40x128xf32, #tpu.memory_space<vmem>>) offsets(%dma_start3A_446 : memref<40xi32, #tpu.memory_space<vmem>>) semaphore(%dma_start3A_451 : memref<!tpu.dma_semaphore, #tpu.memory_space<semaphore_mem>>)
      } else {
      }
      %mul3A_410 = arith.constant 10 : i32
      %mul3A_411 = arith.muli %scan3A_157, %mul3A_410 : i32
      %add3A_412 = arith.constant 9 : i32
      %add3A_413 = arith.addi %mul3A_411, %add3A_412 : i32
      %mul3A_414 = arith.constant 40 : i32
      %mul3A_415 = arith.muli %add3A_413, %mul3A_414 : i32
      %dma_wait3A_416 = arith.constant 4 : i32
      %dma_wait3A_417 = arith.constant 4 : i32
      %dma_wait3A_418 = arith.constant 0 : i32
      %dma_wait3A_419 = arith.constant 0 : i32
      %dma_wait3A_420 = tpu.memref_slice %arg8[%dma_wait3A_416, %dma_wait3A_418, %dma_wait3A_419] : memref<5x40x128xf32, #tpu.memory_space<vmem>> -> memref<1x40x128xf32, #tpu.memory_space<vmem>>
      %dma_wait3A_421 = tpu.memref_squeeze %dma_wait3A_420 : memref<1x40x128xf32, #tpu.memory_space<vmem>> -> memref<40x128xf32, #tpu.memory_space<vmem>>
      %dma_wait3A_422 = tpu.memref_slice %arg6[%mul3A_415] : memref<10000xi32, #tpu.memory_space<vmem>> -> memref<40xi32, #tpu.memory_space<vmem>>
      %dma_wait3A_423 = arith.constant 0 : i32
      %dma_wait3A_424 = arith.constant 0 : i32
      %dma_wait3A_425 = tpu.memref_slice %arg2[%dma_wait3A_423, %dma_wait3A_424] : memref<10000x128xf32, #tpu.memory_space<hbm>> -> memref<10000x128xf32, #tpu.memory_space<hbm>>
      %dma_wait3A_426 = tpu.memref_slice %arg10[%dma_wait3A_417] : memref<5x!tpu.dma_semaphore, #tpu.memory_space<semaphore_mem>> -> memref<1x!tpu.dma_semaphore, #tpu.memory_space<semaphore_mem>>
      %dma_wait3A_427 = tpu.memref_squeeze %dma_wait3A_426 : memref<1x!tpu.dma_semaphore, #tpu.memory_space<semaphore_mem>> -> memref<!tpu.dma_semaphore, #tpu.memory_space<semaphore_mem>>
      tpu.wait_indirect_dma semaphore(%dma_wait3A_427 : memref<!tpu.dma_semaphore, #tpu.memory_space<semaphore_mem>>) src(%dma_wait3A_425 : memref<10000x128xf32, #tpu.memory_space<hbm>>) dst(%dma_wait3A_421 : memref<40x128xf32, #tpu.memory_space<vmem>>)
      %run_scoped3A_428 = arith.constant 4 : i32
      %run_scoped3A_429 = arith.constant 9 : i32
      "tpu.region"() ({
        %run_scoped3A_438 = tpu.sem_alloc : memref<!tpu.dma_semaphore, #tpu.memory_space<semaphore_mem>>
        %dma_start3A_439 = arith.constant 0 : i32
        %dma_start3A_440 = arith.constant 0 : i32
        %dma_start3A_441 = tpu.memref_slice %arg8[%run_scoped3A_428, %dma_start3A_439, %dma_start3A_440] : memref<5x40x128xf32, #tpu.memory_space<vmem>> -> memref<1x40x128xf32, #tpu.memory_space<vmem>>
        %dma_start3A_442 = tpu.memref_squeeze %dma_start3A_441 : memref<1x40x128xf32, #tpu.memory_space<vmem>> -> memref<40x128xf32, #tpu.memory_space<vmem>>
        %dma_start3A_443 = arith.constant 0 : i32
        %dma_start3A_444 = tpu.memref_slice %arg7[%rem3A_159, %run_scoped3A_429, %dma_start3A_443] : memref<2x10x40xi32, #tpu.memory_space<vmem>> -> memref<1x1x40xi32, #tpu.memory_space<vmem>>
        %dma_start3A_445 = tpu.memref_squeeze %dma_start3A_444 : memref<1x1x40xi32, #tpu.memory_space<vmem>> -> memref<40xi32, #tpu.memory_space<vmem>>
        %dma_start3A_446 = arith.constant 0 : i32
        %dma_start3A_447 = arith.constant 0 : i32
        %dma_start3A_448 = tpu.memref_slice %arg9[%dma_start3A_446, %dma_start3A_447] : memref<10000x128xf32, #tpu.memory_space<vmem_shared>> -> memref<10000x128xf32, #tpu.memory_space<vmem_shared>>
        tpu.enqueue_indirect_dma source(%dma_start3A_442 : memref<40x128xf32, #tpu.memory_space<vmem>>) target(%dma_start3A_448 : memref<10000x128xf32, #tpu.memory_space<vmem_shared>>) offsets(%dma_start3A_445 : memref<40xi32, #tpu.memory_space<vmem>>) semaphore(%run_scoped3A_438 : memref<!tpu.dma_semaphore, #tpu.memory_space<semaphore_mem>>) {add = true}
        %dma_wait3A_449 = arith.constant 0 : i32
        %dma_wait3A_450 = arith.constant 0 : i32
        %dma_wait3A_451 = tpu.memref_slice %arg8[%run_scoped3A_428, %dma_wait3A_449, %dma_wait3A_450] : memref<5x40x128xf32, #tpu.memory_space<vmem>> -> memref<1x40x128xf32, #tpu.memory_space<vmem>>
        %dma_wait3A_452 = tpu.memref_squeeze %dma_wait3A_451 : memref<1x40x128xf32, #tpu.memory_space<vmem>> -> memref<40x128xf32, #tpu.memory_space<vmem>>
        %dma_wait3A_453 = arith.constant 0 : i32
        %dma_wait3A_454 = tpu.memref_slice %arg7[%rem3A_159, %run_scoped3A_429, %dma_wait3A_453] : memref<2x10x40xi32, #tpu.memory_space<vmem>> -> memref<1x1x40xi32, #tpu.memory_space<vmem>>
        %dma_wait3A_455 = tpu.memref_squeeze %dma_wait3A_454 : memref<1x1x40xi32, #tpu.memory_space<vmem>> -> memref<40xi32, #tpu.memory_space<vmem>>
        %dma_wait3A_456 = arith.constant 0 : i32
        %dma_wait3A_457 = arith.constant 0 : i32
        %dma_wait3A_458 = tpu.memref_slice %arg9[%dma_wait3A_456, %dma_wait3A_457] : memref<10000x128xf32, #tpu.memory_space<vmem_shared>> -> memref<10000x128xf32, #tpu.memory_space<vmem_shared>>
        tpu.wait_indirect_dma semaphore(%run_scoped3A_438 : memref<!tpu.dma_semaphore, #tpu.memory_space<semaphore_mem>>) src(%dma_wait3A_452 : memref<40x128xf32, #tpu.memory_space<vmem>>) dst(%dma_wait3A_458 : memref<10000x128xf32, #tpu.memory_space<vmem_shared>>)
        tpu.yield
      }) : () -> ()
      %add3A_430 = arith.constant 5 : i32
      %add3A_431 = arith.addi %add3A_413, %add3A_430 : i32
      %lt3A_432 = arith.constant 250 : i32
      %lt3A_433 = arith.cmpi slt, %add3A_431, %lt3A_432 : i32
      %convert_element_type3A_434 = arith.extui %lt3A_433 : i1 to i32
      %cond3A_435 = arith.constant 0 : i32
      %cond3A_436 = arith.cmpi ne, %convert_element_type3A_434, %cond3A_435 : i32
      scf.if %cond3A_436 {
        %mul3A_438 = arith.constant 40 : i32
        %mul3A_439 = arith.muli %add3A_431, %mul3A_438 : i32
        %dma_start3A_440 = arith.constant 4 : i32
        %dma_start3A_441 = arith.constant 4 : i32
        %dma_start3A_442 = arith.constant 0 : i32
        %dma_start3A_443 = arith.constant 0 : i32
        %dma_start3A_444 = tpu.memref_slice %arg8[%dma_start3A_440, %dma_start3A_442, %dma_start3A_443] : memref<5x40x128xf32, #tpu.memory_space<vmem>> -> memref<1x40x128xf32, #tpu.memory_space<vmem>>
        %dma_start3A_445 = tpu.memref_squeeze %dma_start3A_444 : memref<1x40x128xf32, #tpu.memory_space<vmem>> -> memref<40x128xf32, #tpu.memory_space<vmem>>
        %dma_start3A_446 = tpu.memref_slice %arg6[%mul3A_439] : memref<10000xi32, #tpu.memory_space<vmem>> -> memref<40xi32, #tpu.memory_space<vmem>>
        %dma_start3A_447 = arith.constant 0 : i32
        %dma_start3A_448 = arith.constant 0 : i32
        %dma_start3A_449 = tpu.memref_slice %arg2[%dma_start3A_447, %dma_start3A_448] : memref<10000x128xf32, #tpu.memory_space<hbm>> -> memref<10000x128xf32, #tpu.memory_space<hbm>>
        %dma_start3A_450 = tpu.memref_slice %arg10[%dma_start3A_441] : memref<5x!tpu.dma_semaphore, #tpu.memory_space<semaphore_mem>> -> memref<1x!tpu.dma_semaphore, #tpu.memory_space<semaphore_mem>>
        %dma_start3A_451 = tpu.memref_squeeze %dma_start3A_450 : memref<1x!tpu.dma_semaphore, #tpu.memory_space<semaphore_mem>> -> memref<!tpu.dma_semaphore, #tpu.memory_space<semaphore_mem>>
        tpu.enqueue_indirect_dma source(%dma_start3A_449 : memref<10000x128xf32, #tpu.memory_space<hbm>>) target(%dma_start3A_445 : memref<40x128xf32, #tpu.memory_space<vmem>>) offsets(%dma_start3A_446 : memref<40xi32, #tpu.memory_space<vmem>>) semaphore(%dma_start3A_451 : memref<!tpu.dma_semaphore, #tpu.memory_space<semaphore_mem>>)
      } else {
      }
      %scan3A_437 = arith.constant 0 : i32
      scf.yield %scan3A_437 : i32
    }
    %scan3A_141 = arith.constant 25 : i32
    %barrier3A_142 = arith.constant 0 : index
    tpu.barrier barrier_id(%barrier3A_142)
    %scan3A_143 = arith.constant 0 : i32
    %scan3A_144 = arith.constant 0 : i32
    %scan3A_145 = arith.constant 16 : i32
    %scan3A_146 = arith.addi %scan3A_144, %scan3A_145 : i32
    %scan3A_147 = arith.constant 1 : i32
    %scan3A_148 = scf.for %scan3A_157 = %scan3A_144 to %scan3A_146 step %scan3A_147 iter_args(%scan3A_158 = %scan3A_143) -> (i32)  : i32 {
      %mul3A_159 = arith.constant 16 : i32
      %mul3A_160 = arith.muli %scan3A_157, %mul3A_159 : i32
      %add3A_161 = arith.addi %arg1, %mul3A_160 : i32
      %rem3A = arith.constant 2 : i32
      %rem3A_162 = arith.remsi %scan3A_157, %rem3A : i32
      %lt3A = arith.constant 250 : i32
      %lt3A_163 = arith.cmpi slt, %add3A_161, %lt3A : i32
      %convert_element_type3A = arith.extui %lt3A_163 : i1 to i32
      %cond3A = arith.constant 0 : i32
      %cond3A_164 = arith.cmpi ne, %convert_element_type3A, %cond3A : i32
      scf.if %cond3A_164 {
        %ge3A = arith.constant 2 : i32
        %ge3A_166 = arith.cmpi sge, %scan3A_157, %ge3A : i32
        %convert_element_type3A_167 = arith.extui %ge3A_166 : i1 to i32
        %cond3A_168 = arith.constant 0 : i32
        %cond3A_169 = arith.cmpi ne, %convert_element_type3A_167, %cond3A_168 : i32
        scf.if %cond3A_169 {
          %sub3A = arith.constant 32 : i32
          %sub3A_190 = arith.subi %add3A_161, %sub3A : i32
          %mul3A_191 = arith.constant 40 : i32
          %mul3A_192 = arith.muli %sub3A_190, %mul3A_191 : i32
          %dma_wait3A_193 = arith.constant 0 : i32
          %dma_wait3A_194 = arith.constant 0 : i32
          %dma_wait3A_195 = tpu.memref_slice %arg8[%rem3A_162, %dma_wait3A_193, %dma_wait3A_194] : memref<5x40x128xf32, #tpu.memory_space<vmem>> -> memref<1x40x128xf32, #tpu.memory_space<vmem>>
          %dma_wait3A_196 = tpu.memref_squeeze %dma_wait3A_195 : memref<1x40x128xf32, #tpu.memory_space<vmem>> -> memref<40x128xf32, #tpu.memory_space<vmem>>
          %dma_wait3A_197 = arith.constant 0 : i32
          %dma_wait3A_198 = tpu.memref_slice %arg5[%arg0, %mul3A_192, %dma_wait3A_197] : memref<2x10000x128xf32, #tpu.memory_space<hbm>> -> memref<1x40x128xf32, #tpu.memory_space<hbm>>
          %dma_wait3A_199 = tpu.memref_squeeze %dma_wait3A_198 : memref<1x40x128xf32, #tpu.memory_space<hbm>> -> memref<40x128xf32, #tpu.memory_space<hbm>>
          %dma_wait3A_200 = tpu.memref_slice %arg10[%rem3A_162] : memref<5x!tpu.dma_semaphore, #tpu.memory_space<semaphore_mem>> -> memref<1x!tpu.dma_semaphore, #tpu.memory_space<semaphore_mem>>
          %dma_wait3A_201 = tpu.memref_squeeze %dma_wait3A_200 : memref<1x!tpu.dma_semaphore, #tpu.memory_space<semaphore_mem>> -> memref<!tpu.dma_semaphore, #tpu.memory_space<semaphore_mem>>
          %dma_wait3A_202 = arith.constant 0 : i32
          %dma_wait3A_203 = tpu.memref_slice %arg5[%arg0, %mul3A_192, %dma_wait3A_202] : memref<2x10000x128xf32, #tpu.memory_space<hbm>> -> memref<1x40x128xf32, #tpu.memory_space<hbm>>
          %dma_wait3A_204 = tpu.memref_squeeze %dma_wait3A_203 : memref<1x40x128xf32, #tpu.memory_space<hbm>> -> memref<40x128xf32, #tpu.memory_space<hbm>>
          %dma_wait3A_205 = arith.constant 0 : i32
          %dma_wait3A_206 = arith.constant 0 : i32
          %dma_wait3A_207 = tpu.memref_slice %arg8[%rem3A_162, %dma_wait3A_205, %dma_wait3A_206] : memref<5x40x128xf32, #tpu.memory_space<vmem>> -> memref<1x40x128xf32, #tpu.memory_space<vmem>>
          %dma_wait3A_208 = tpu.memref_squeeze %dma_wait3A_207 : memref<1x40x128xf32, #tpu.memory_space<vmem>> -> memref<40x128xf32, #tpu.memory_space<vmem>>
          tpu.wait_dma2 semaphore(%dma_wait3A_201 : memref<!tpu.dma_semaphore, #tpu.memory_space<semaphore_mem>>) src(%dma_wait3A_208 : memref<40x128xf32, #tpu.memory_space<vmem>>) dst(%dma_wait3A_204 : memref<40x128xf32, #tpu.memory_space<hbm>>)
        } else {
        }
        %mul3A_170 = arith.constant 40 : i32
        %mul3A_171 = arith.muli %add3A_161, %mul3A_170 : i32
        "tpu.region"() ({
          %run_scoped3A = tpu.sem_alloc : memref<!tpu.dma_semaphore, #tpu.memory_space<semaphore_mem>>
          %dma_start3A_190 = arith.constant 0 : i32
          %dma_start3A_191 = arith.constant 0 : i32
          %dma_start3A_192 = tpu.memref_slice %arg8[%rem3A_162, %dma_start3A_190, %dma_start3A_191] : memref<5x40x128xf32, #tpu.memory_space<vmem>> -> memref<1x40x128xf32, #tpu.memory_space<vmem>>
          %dma_start3A_193 = tpu.memref_squeeze %dma_start3A_192 : memref<1x40x128xf32, #tpu.memory_space<vmem>> -> memref<40x128xf32, #tpu.memory_space<vmem>>
          %dma_start3A_194 = arith.constant 0 : i32
          %dma_start3A_195 = tpu.memref_slice %arg9[%mul3A_171, %dma_start3A_194] : memref<10000x128xf32, #tpu.memory_space<vmem_shared>> -> memref<40x128xf32, #tpu.memory_space<vmem_shared>>
          %dma_start3A_196 = arith.constant 0 : i32
          %dma_start3A_197 = arith.constant 0 : i32
          %dma_start3A_198 = tpu.memref_slice %arg8[%rem3A_162, %dma_start3A_196, %dma_start3A_197] : memref<5x40x128xf32, #tpu.memory_space<vmem>> -> memref<1x40x128xf32, #tpu.memory_space<vmem>>
          %dma_start3A_199 = tpu.memref_squeeze %dma_start3A_198 : memref<1x40x128xf32, #tpu.memory_space<vmem>> -> memref<40x128xf32, #tpu.memory_space<vmem>>
          %dma_start3A_200 = arith.constant 0 : i32
          %dma_start3A_201 = tpu.memref_slice %arg9[%mul3A_171, %dma_start3A_200] : memref<10000x128xf32, #tpu.memory_space<vmem_shared>> -> memref<40x128xf32, #tpu.memory_space<vmem_shared>>
          tpu.enqueue_dma source(%dma_start3A_201 : memref<40x128xf32, #tpu.memory_space<vmem_shared>>) target(%dma_start3A_199 : memref<40x128xf32, #tpu.memory_space<vmem>>) target_semaphore(%run_scoped3A : memref<!tpu.dma_semaphore, #tpu.memory_space<semaphore_mem>>)
          %dma_wait3A_202 = arith.constant 0 : i32
          %dma_wait3A_203 = arith.constant 0 : i32
          %dma_wait3A_204 = tpu.memref_slice %arg8[%rem3A_162, %dma_wait3A_202, %dma_wait3A_203] : memref<5x40x128xf32, #tpu.memory_space<vmem>> -> memref<1x40x128xf32, #tpu.memory_space<vmem>>
          %dma_wait3A_205 = tpu.memref_squeeze %dma_wait3A_204 : memref<1x40x128xf32, #tpu.memory_space<vmem>> -> memref<40x128xf32, #tpu.memory_space<vmem>>
          %dma_wait3A_206 = arith.constant 0 : i32
          %dma_wait3A_207 = tpu.memref_slice %arg9[%mul3A_171, %dma_wait3A_206] : memref<10000x128xf32, #tpu.memory_space<vmem_shared>> -> memref<40x128xf32, #tpu.memory_space<vmem_shared>>
          %dma_wait3A_208 = arith.constant 0 : i32
          %dma_wait3A_209 = arith.constant 0 : i32
          %dma_wait3A_210 = tpu.memref_slice %arg8[%rem3A_162, %dma_wait3A_208, %dma_wait3A_209] : memref<5x40x128xf32, #tpu.memory_space<vmem>> -> memref<1x40x128xf32, #tpu.memory_space<vmem>>
          %dma_wait3A_211 = tpu.memref_squeeze %dma_wait3A_210 : memref<1x40x128xf32, #tpu.memory_space<vmem>> -> memref<40x128xf32, #tpu.memory_space<vmem>>
          %dma_wait3A_212 = arith.constant 0 : i32
          %dma_wait3A_213 = tpu.memref_slice %arg9[%mul3A_171, %dma_wait3A_212] : memref<10000x128xf32, #tpu.memory_space<vmem_shared>> -> memref<40x128xf32, #tpu.memory_space<vmem_shared>>
          tpu.wait_dma2 semaphore(%run_scoped3A : memref<!tpu.dma_semaphore, #tpu.memory_space<semaphore_mem>>) src(%dma_wait3A_213 : memref<40x128xf32, #tpu.memory_space<vmem_shared>>) dst(%dma_wait3A_211 : memref<40x128xf32, #tpu.memory_space<vmem>>)
          tpu.yield
        }) : () -> ()
        %mul3A_172 = arith.constant 40 : i32
        %mul3A_173 = arith.muli %add3A_161, %mul3A_172 : i32
        %dma_start3A_174 = arith.constant 0 : i32
        %dma_start3A_175 = arith.constant 0 : i32
        %dma_start3A_176 = tpu.memref_slice %arg8[%rem3A_162, %dma_start3A_174, %dma_start3A_175] : memref<5x40x128xf32, #tpu.memory_space<vmem>> -> memref<1x40x128xf32, #tpu.memory_space<vmem>>
        %dma_start3A_177 = tpu.memref_squeeze %dma_start3A_176 : memref<1x40x128xf32, #tpu.memory_space<vmem>> -> memref<40x128xf32, #tpu.memory_space<vmem>>
        %dma_start3A_178 = arith.constant 0 : i32
        %dma_start3A_179 = tpu.memref_slice %arg5[%arg0, %mul3A_173, %dma_start3A_178] : memref<2x10000x128xf32, #tpu.memory_space<hbm>> -> memref<1x40x128xf32, #tpu.memory_space<hbm>>
        %dma_start3A_180 = tpu.memref_squeeze %dma_start3A_179 : memref<1x40x128xf32, #tpu.memory_space<hbm>> -> memref<40x128xf32, #tpu.memory_space<hbm>>
        %dma_start3A_181 = tpu.memref_slice %arg10[%rem3A_162] : memref<5x!tpu.dma_semaphore, #tpu.memory_space<semaphore_mem>> -> memref<1x!tpu.dma_semaphore, #tpu.memory_space<semaphore_mem>>
        %dma_start3A_182 = tpu.memref_squeeze %dma_start3A_181 : memref<1x!tpu.dma_semaphore, #tpu.memory_space<semaphore_mem>> -> memref<!tpu.dma_semaphore, #tpu.memory_space<semaphore_mem>>
        %dma_start3A_183 = arith.constant 0 : i32
        %dma_start3A_184 = tpu.memref_slice %arg5[%arg0, %mul3A_173, %dma_start3A_183] : memref<2x10000x128xf32, #tpu.memory_space<hbm>> -> memref<1x40x128xf32, #tpu.memory_space<hbm>>
        %dma_start3A_185 = tpu.memref_squeeze %dma_start3A_184 : memref<1x40x128xf32, #tpu.memory_space<hbm>> -> memref<40x128xf32, #tpu.memory_space<hbm>>
        %dma_start3A_186 = arith.constant 0 : i32
        %dma_start3A_187 = arith.constant 0 : i32
        %dma_start3A_188 = tpu.memref_slice %arg8[%rem3A_162, %dma_start3A_186, %dma_start3A_187] : memref<5x40x128xf32, #tpu.memory_space<vmem>> -> memref<1x40x128xf32, #tpu.memory_space<vmem>>
        %dma_start3A_189 = tpu.memref_squeeze %dma_start3A_188 : memref<1x40x128xf32, #tpu.memory_space<vmem>> -> memref<40x128xf32, #tpu.memory_space<vmem>>
        tpu.enqueue_dma source(%dma_start3A_189 : memref<40x128xf32, #tpu.memory_space<vmem>>) target(%dma_start3A_185 : memref<40x128xf32, #tpu.memory_space<hbm>>) target_semaphore(%dma_start3A_182 : memref<!tpu.dma_semaphore, #tpu.memory_space<semaphore_mem>>)
      } else {
      }
      %scan3A_165 = arith.constant 0 : i32
      scf.yield %scan3A_165 : i32
    }
    %scan3A_149 = arith.constant 16 : i32
    %scan3A_150 = arith.constant 0 : i32
    %scan3A_151 = arith.constant 14 : i32
    %scan3A_152 = arith.constant 2 : i32
    %scan3A_153 = arith.addi %scan3A_151, %scan3A_152 : i32
    %scan3A_154 = arith.constant 1 : i32
    %scan3A_155 = scf.for %scan3A_157 = %scan3A_151 to %scan3A_153 step %scan3A_154 iter_args(%scan3A_158 = %scan3A_150) -> (i32)  : i32 {
      %mul3A_159 = arith.constant 16 : i32
      %mul3A_160 = arith.muli %scan3A_157, %mul3A_159 : i32
      %add3A_161 = arith.addi %arg1, %mul3A_160 : i32
      %rem3A = arith.constant 2 : i32
      %rem3A_162 = arith.remsi %scan3A_157, %rem3A : i32
      %lt3A = arith.constant 250 : i32
      %lt3A_163 = arith.cmpi slt, %add3A_161, %lt3A : i32
      %convert_element_type3A = arith.extui %lt3A_163 : i1 to i32
      %cond3A = arith.constant 0 : i32
      %cond3A_164 = arith.cmpi ne, %convert_element_type3A, %cond3A : i32
      scf.if %cond3A_164 {
        %mul3A_166 = arith.constant 40 : i32
        %mul3A_167 = arith.muli %add3A_161, %mul3A_166 : i32
        %dma_wait3A_168 = arith.constant 0 : i32
        %dma_wait3A_169 = arith.constant 0 : i32
        %dma_wait3A_170 = tpu.memref_slice %arg8[%rem3A_162, %dma_wait3A_168, %dma_wait3A_169] : memref<5x40x128xf32, #tpu.memory_space<vmem>> -> memref<1x40x128xf32, #tpu.memory_space<vmem>>
        %dma_wait3A_171 = tpu.memref_squeeze %dma_wait3A_170 : memref<1x40x128xf32, #tpu.memory_space<vmem>> -> memref<40x128xf32, #tpu.memory_space<vmem>>
        %dma_wait3A_172 = arith.constant 0 : i32
        %dma_wait3A_173 = tpu.memref_slice %arg5[%arg0, %mul3A_167, %dma_wait3A_172] : memref<2x10000x128xf32, #tpu.memory_space<hbm>> -> memref<1x40x128xf32, #tpu.memory_space<hbm>>
        %dma_wait3A_174 = tpu.memref_squeeze %dma_wait3A_173 : memref<1x40x128xf32, #tpu.memory_space<hbm>> -> memref<40x128xf32, #tpu.memory_space<hbm>>
        %dma_wait3A_175 = tpu.memref_slice %arg10[%rem3A_162] : memref<5x!tpu.dma_semaphore, #tpu.memory_space<semaphore_mem>> -> memref<1x!tpu.dma_semaphore, #tpu.memory_space<semaphore_mem>>
        %dma_wait3A_176 = tpu.memref_squeeze %dma_wait3A_175 : memref<1x!tpu.dma_semaphore, #tpu.memory_space<semaphore_mem>> -> memref<!tpu.dma_semaphore, #tpu.memory_space<semaphore_mem>>
        %dma_wait3A_177 = arith.constant 0 : i32
        %dma_wait3A_178 = tpu.memref_slice %arg5[%arg0, %mul3A_167, %dma_wait3A_177] : memref<2x10000x128xf32, #tpu.memory_space<hbm>> -> memref<1x40x128xf32, #tpu.memory_space<hbm>>
        %dma_wait3A_179 = tpu.memref_squeeze %dma_wait3A_178 : memref<1x40x128xf32, #tpu.memory_space<hbm>> -> memref<40x128xf32, #tpu.memory_space<hbm>>
        %dma_wait3A_180 = arith.constant 0 : i32
        %dma_wait3A_181 = arith.constant 0 : i32
        %dma_wait3A_182 = tpu.memref_slice %arg8[%rem3A_162, %dma_wait3A_180, %dma_wait3A_181] : memref<5x40x128xf32, #tpu.memory_space<vmem>> -> memref<1x40x128xf32, #tpu.memory_space<vmem>>
        %dma_wait3A_183 = tpu.memref_squeeze %dma_wait3A_182 : memref<1x40x128xf32, #tpu.memory_space<vmem>> -> memref<40x128xf32, #tpu.memory_space<vmem>>
        tpu.wait_dma2 semaphore(%dma_wait3A_176 : memref<!tpu.dma_semaphore, #tpu.memory_space<semaphore_mem>>) src(%dma_wait3A_183 : memref<40x128xf32, #tpu.memory_space<vmem>>) dst(%dma_wait3A_179 : memref<40x128xf32, #tpu.memory_space<hbm>>)
      } else {
      }
      %scan3A_165 = arith.constant 0 : i32
      scf.yield %scan3A_165 : i32
    }
    %scan3A_156 = arith.constant 2 : i32
    return
  }
}

module attributes {stable_mosaic.version = 14 : i64} {
  func.func @body(%arg0: i32, %arg1: memref<2000x2xf32, #tpu.memory_space<vmem>>, %arg2: memref<2000x128xf32, #tpu.memory_space<vmem>>, %arg3: memref<128x128xf32, #tpu.memory_space<vmem>>, %arg4: memref<2000x128xf32, #tpu.memory_space<vmem>>, %arg5: memref<2000x1xf32, #tpu.memory_space<vmem>>) attributes {dimension_semantics = [#tpu.dimension_semantics<arbitrary>], iteration_bounds = array<i64: 5>, scalar_prefetch = 0 : i64, scratch_operands = 0 : i64, tpu.core_type = #tpu.core_type<tc>, window_params = [{transform_indices = @transform_0, window_bounds = array<i64: 2000, 2>}, {transform_indices = @transform_1, window_bounds = array<i64: 2000, 128>}, {pipeline_mode = #tpu.pipeline_mode<synchronous>, transform_indices = @transform_2, window_bounds = array<i64: 128, 128>}, {transform_indices = @transform_3, window_bounds = array<i64: 2000, 128>}, {transform_indices = @transform_4, window_bounds = array<i64: 2000, 1>}]} {
    %get3A = arith.constant 0 : index
    %get3A_0 = arith.constant 0 : index
    %get3A_1 = vector.load %arg1[%get3A, %get3A_0] : memref<2000x2xf32, #tpu.memory_space<vmem>>, vector<2000x1xf32>
    %get3A_2 = vector.shape_cast %get3A_1 : vector<2000x1xf32> to vector<2000xf32>
    %get3A_3 = arith.constant 0 : index
    %get3A_4 = arith.constant 1 : index
    %get3A_5 = vector.load %arg1[%get3A_3, %get3A_4] : memref<2000x2xf32, #tpu.memory_space<vmem>>, vector<2000x1xf32>
    %get3A_6 = vector.shape_cast %get3A_5 : vector<2000x1xf32> to vector<2000xf32>
    %add3A = arith.addf %get3A_2, %get3A_6 : vector<2000xf32>
    %add3A_7 = arith.constant 1.000000e+00 : f32
    %add3A_8 = vector.broadcast %add3A_7 : f32 to vector<2000xf32>
    %add3A_9 = arith.addf %add3A, %add3A_8 : vector<2000xf32>
    %rsqrt3A = math.rsqrt %add3A_9 : vector<2000xf32>
    %get3A_10 = arith.constant 0 : index
    %get3A_11 = arith.constant 0 : index
    %get3A_12 = vector.load %arg2[%get3A_10, %get3A_11] : memref<2000x128xf32, #tpu.memory_space<vmem>>, vector<2000x128xf32>
    %get3A_13 = arith.constant 0 : index
    %get3A_14 = arith.constant 0 : index
    %get3A_15 = vector.load %arg3[%get3A_13, %get3A_14] : memref<128x128xf32, #tpu.memory_space<vmem>>, vector<128x128xf32>
    %dot_general3A = arith.constant dense<0.000000e+00> : vector<2000x128xf32>
    %dot_general3A_16 = tpu.matmul %get3A_12, %get3A_15, %dot_general3A {dimension_numbers = #tpu.dot_dimension_numbers<[1], [0], [0], [1], [0, 0, 1, 1], [], []>, transpose_lhs_hint = false} : vector<2000x128xf32>, vector<128x128xf32>, vector<2000x128xf32> -> vector<2000x128xf32>
    %broadcast_in_dim3A = vector.shape_cast %rsqrt3A : vector<2000xf32> to vector<2000x1xf32>
    %mul3A = vector.broadcast %broadcast_in_dim3A : vector<2000x1xf32> to vector<2000x128xf32>
    %mul3A_17 = arith.mulf %dot_general3A_16, %mul3A : vector<2000x128xf32>
    %swap3A = arith.constant 0 : index
    %swap3A_18 = arith.constant 0 : index
    %swap3A_19 = vector.load %arg4[%swap3A, %swap3A_18] : memref<2000x128xf32, #tpu.memory_space<vmem>>, vector<2000x128xf32>
    tpu.vector_store %arg4[%swap3A, %swap3A_18], %mul3A_17 {strides = array<i32>} : memref<2000x128xf32, #tpu.memory_space<vmem>>, vector<2000x128xf32>,
    %broadcast_in_dim3A_20 = vector.shape_cast %rsqrt3A : vector<2000xf32> to vector<2000x1xf32>
    %swap3A_21 = arith.constant 0 : index
    %swap3A_22 = arith.constant 0 : index
    %swap3A_23 = vector.load %arg5[%swap3A_21, %swap3A_22] : memref<2000x1xf32, #tpu.memory_space<vmem>>, vector<2000x1xf32>
    tpu.vector_store %arg5[%swap3A_21, %swap3A_22], %broadcast_in_dim3A_20 {strides = array<i32>} : memref<2000x1xf32, #tpu.memory_space<vmem>>, vector<2000x1xf32>,
    return
  }
  func.func @transform_0(%arg0: i32) -> (i32, i32) {
    %c0_i32 = arith.constant 0 : i32
    %c0_i32_0 = arith.constant 0 : i32
    return %arg0, %c0_i32 : i32, i32
  }
  func.func @transform_1(%arg0: i32) -> (i32, i32) {
    %c0_i32 = arith.constant 0 : i32
    %c0_i32_0 = arith.constant 0 : i32
    return %arg0, %c0_i32 : i32, i32
  }
  func.func @transform_2(%arg0: i32) -> (i32, i32) {
    %c0_i32 = arith.constant 0 : i32
    %c0_i32_0 = arith.constant 0 : i32
    %c0_i32_1 = arith.constant 0 : i32
    return %c0_i32, %c0_i32_0 : i32, i32
  }
  func.func @transform_3(%arg0: i32) -> (i32, i32) {
    %c0_i32 = arith.constant 0 : i32
    %c0_i32_0 = arith.constant 0 : i32
    return %arg0, %c0_i32 : i32, i32
  }
  func.func @transform_4(%arg0: i32) -> (i32, i32) {
    %c0_i32 = arith.constant 0 : i32
    %c0_i32_0 = arith.constant 0 : i32
    return %arg0, %c0_i32 : i32, i32
  }
}

module attributes {stable_mosaic.version = 14 : i64} {
  func.func @body(%arg0: i32, %arg1: memref<2000x1xf32, #tpu.memory_space<vmem>>, %arg2: memref<2000x128xf32, #tpu.memory_space<vmem>>, %arg3: memref<2x2000x128xf32, #tpu.memory_space<vmem>>, %arg4: memref<128x128xf32, #tpu.memory_space<vmem>>, %arg5: memref<1x128xf32, #tpu.memory_space<vmem>>, %arg6: memref<2000x128xf32, #tpu.memory_space<vmem>>) attributes {dimension_semantics = [#tpu.dimension_semantics<arbitrary>], iteration_bounds = array<i64: 5>, scalar_prefetch = 0 : i64, scratch_operands = 0 : i64, tpu.core_type = #tpu.core_type<tc>, window_params = [{transform_indices = @transform_0, window_bounds = array<i64: 2000, 1>}, {transform_indices = @transform_1, window_bounds = array<i64: 2000, 128>}, {transform_indices = @transform_2, window_bounds = array<i64: 2, 2000, 128>}, {pipeline_mode = #tpu.pipeline_mode<synchronous>, transform_indices = @transform_3, window_bounds = array<i64: 128, 128>}, {pipeline_mode = #tpu.pipeline_mode<synchronous>, transform_indices = @transform_4, window_bounds = array<i64: 1, 128>}, {transform_indices = @transform_5, window_bounds = array<i64: 2000, 128>}]} {
    %get3A = arith.constant 0 : index
    %get3A_0 = arith.constant 0 : index
    %get3A_1 = vector.load %arg1[%get3A, %get3A_0] : memref<2000x1xf32, #tpu.memory_space<vmem>>, vector<2000x1xf32>
    %get3A_2 = arith.constant 0 : index
    %get3A_3 = arith.constant 0 : index
    %get3A_4 = arith.constant 0 : index
    %get3A_5 = vector.load %arg3[%get3A_2, %get3A_3, %get3A_4] : memref<2x2000x128xf32, #tpu.memory_space<vmem>>, vector<1x2000x128xf32>
    %get3A_6 = vector.shape_cast %get3A_5 : vector<1x2000x128xf32> to vector<2000x128xf32>
    %get3A_7 = arith.constant 1 : index
    %get3A_8 = arith.constant 0 : index
    %get3A_9 = arith.constant 0 : index
    %get3A_10 = vector.load %arg3[%get3A_7, %get3A_8, %get3A_9] : memref<2x2000x128xf32, #tpu.memory_space<vmem>>, vector<1x2000x128xf32>
    %get3A_11 = vector.shape_cast %get3A_10 : vector<1x2000x128xf32> to vector<2000x128xf32>
    %add3A = arith.addf %get3A_6, %get3A_11 : vector<2000x128xf32>
    %get3A_12 = arith.constant 0 : index
    %get3A_13 = arith.constant 0 : index
    %get3A_14 = vector.load %arg2[%get3A_12, %get3A_13] : memref<2000x128xf32, #tpu.memory_space<vmem>>, vector<2000x128xf32>
    %add3A_15 = arith.addf %add3A, %get3A_14 : vector<2000x128xf32>
    %mul3A = vector.broadcast %get3A_1 : vector<2000x1xf32> to vector<2000x128xf32>
    %mul3A_16 = arith.mulf %add3A_15, %mul3A : vector<2000x128xf32>
    %get3A_17 = arith.constant 0 : index
    %get3A_18 = arith.constant 0 : index
    %get3A_19 = vector.load %arg5[%get3A_17, %get3A_18] : memref<1x128xf32, #tpu.memory_space<vmem>>, vector<1x128xf32>
    %add3A_20 = vector.broadcast %get3A_19 : vector<1x128xf32> to vector<2000x128xf32>
    %add3A_21 = arith.addf %mul3A_16, %add3A_20 : vector<2000x128xf32>
    %max3A = arith.constant 0.000000e+00 : f32
    %max3A_22 = vector.broadcast %max3A : f32 to vector<2000x128xf32>
    %max3A_23 = arith.maximumf %add3A_21, %max3A_22 : vector<2000x128xf32>
    %get3A_24 = arith.constant 0 : index
    %get3A_25 = arith.constant 0 : index
    %get3A_26 = vector.load %arg4[%get3A_24, %get3A_25] : memref<128x128xf32, #tpu.memory_space<vmem>>, vector<128x128xf32>
    %dot_general3A = arith.constant dense<0.000000e+00> : vector<2000x128xf32>
    %dot_general3A_27 = tpu.matmul %max3A_23, %get3A_26, %dot_general3A {dimension_numbers = #tpu.dot_dimension_numbers<[1], [0], [0], [1], [0, 0, 1, 1], [], []>, transpose_lhs_hint = false} : vector<2000x128xf32>, vector<128x128xf32>, vector<2000x128xf32> -> vector<2000x128xf32>
    %mul3A_28 = vector.broadcast %get3A_1 : vector<2000x1xf32> to vector<2000x128xf32>
    %mul3A_29 = arith.mulf %dot_general3A_27, %mul3A_28 : vector<2000x128xf32>
    %swap3A = arith.constant 0 : index
    %swap3A_30 = arith.constant 0 : index
    %swap3A_31 = vector.load %arg6[%swap3A, %swap3A_30] : memref<2000x128xf32, #tpu.memory_space<vmem>>, vector<2000x128xf32>
    tpu.vector_store %arg6[%swap3A, %swap3A_30], %mul3A_29 {strides = array<i32>} : memref<2000x128xf32, #tpu.memory_space<vmem>>, vector<2000x128xf32>,
    return
  }
  func.func @transform_0(%arg0: i32) -> (i32, i32) {
    %c0_i32 = arith.constant 0 : i32
    %c0_i32_0 = arith.constant 0 : i32
    return %arg0, %c0_i32 : i32, i32
  }
  func.func @transform_1(%arg0: i32) -> (i32, i32) {
    %c0_i32 = arith.constant 0 : i32
    %c0_i32_0 = arith.constant 0 : i32
    return %arg0, %c0_i32 : i32, i32
  }
  func.func @transform_2(%arg0: i32) -> (i32, i32, i32) {
    %c0_i32 = arith.constant 0 : i32
    %c0_i32_0 = arith.constant 0 : i32
    %c0_i32_1 = arith.constant 0 : i32
    return %c0_i32, %arg0, %c0_i32_0 : i32, i32, i32
  }
  func.func @transform_3(%arg0: i32) -> (i32, i32) {
    %c0_i32 = arith.constant 0 : i32
    %c0_i32_0 = arith.constant 0 : i32
    %c0_i32_1 = arith.constant 0 : i32
    return %c0_i32, %c0_i32_0 : i32, i32
  }
  func.func @transform_4(%arg0: i32) -> (i32, i32) {
    %c0_i32 = arith.constant 0 : i32
    %c0_i32_0 = arith.constant 0 : i32
    %c0_i32_1 = arith.constant 0 : i32
    return %c0_i32, %c0_i32_0 : i32, i32
  }
  func.func @transform_5(%arg0: i32) -> (i32, i32) {
    %c0_i32 = arith.constant 0 : i32
    %c0_i32_0 = arith.constant 0 : i32
    return %arg0, %c0_i32 : i32, i32
  }
}

module attributes {stable_mosaic.version = 14 : i64} {
  func.func @body(%arg0: i32, %arg1: memref<2000x1xf32, #tpu.memory_space<vmem>>, %arg2: memref<2000x128xf32, #tpu.memory_space<vmem>>, %arg3: memref<2x2000x128xf32, #tpu.memory_space<vmem>>, %arg4: memref<1x128xf32, #tpu.memory_space<vmem>>, %arg5: memref<2000x1xi32, #tpu.memory_space<vmem>>, %arg6: memref<128x128xf32, #tpu.memory_space<vmem>>, %arg7: memref<1x128xf32, #tpu.memory_space<vmem>>, %arg8: memref<64x128xf32, #tpu.memory_space<vmem>>, %arg9: memref<64x128xf32, #tpu.memory_space<vmem>>) attributes {dimension_semantics = [#tpu.dimension_semantics<arbitrary>], iteration_bounds = array<i64: 5>, scalar_prefetch = 0 : i64, scratch_operands = 0 : i64, tpu.core_type = #tpu.core_type<tc>, window_params = [{transform_indices = @transform_0, window_bounds = array<i64: 2000, 1>}, {transform_indices = @transform_1, window_bounds = array<i64: 2000, 128>}, {transform_indices = @transform_2, window_bounds = array<i64: 2, 2000, 128>}, {pipeline_mode = #tpu.pipeline_mode<synchronous>, transform_indices = @transform_3, window_bounds = array<i64: 1, 128>}, {transform_indices = @transform_4, window_bounds = array<i64: 2000, 1>}, {pipeline_mode = #tpu.pipeline_mode<synchronous>, transform_indices = @transform_5, window_bounds = array<i64: 128, 128>}, {pipeline_mode = #tpu.pipeline_mode<synchronous>, transform_indices = @transform_6, window_bounds = array<i64: 1, 128>}, {pipeline_mode = #tpu.pipeline_mode<synchronous>, transform_indices = @transform_7, window_bounds = array<i64: 64, 128>}, {pipeline_mode = #tpu.pipeline_mode<synchronous>, transform_indices = @transform_8, window_bounds = array<i64: 64, 128>}]} {
    %get3A = arith.constant 0 : index
    %get3A_0 = arith.constant 0 : index
    %get3A_1 = vector.load %arg1[%get3A, %get3A_0] : memref<2000x1xf32, #tpu.memory_space<vmem>>, vector<2000x1xf32>
    %get3A_2 = arith.constant 0 : index
    %get3A_3 = arith.constant 0 : index
    %get3A_4 = arith.constant 0 : index
    %get3A_5 = vector.load %arg3[%get3A_2, %get3A_3, %get3A_4] : memref<2x2000x128xf32, #tpu.memory_space<vmem>>, vector<1x2000x128xf32>
    %get3A_6 = vector.shape_cast %get3A_5 : vector<1x2000x128xf32> to vector<2000x128xf32>
    %get3A_7 = arith.constant 1 : index
    %get3A_8 = arith.constant 0 : index
    %get3A_9 = arith.constant 0 : index
    %get3A_10 = vector.load %arg3[%get3A_7, %get3A_8, %get3A_9] : memref<2x2000x128xf32, #tpu.memory_space<vmem>>, vector<1x2000x128xf32>
    %get3A_11 = vector.shape_cast %get3A_10 : vector<1x2000x128xf32> to vector<2000x128xf32>
    %add3A = arith.addf %get3A_6, %get3A_11 : vector<2000x128xf32>
    %get3A_12 = arith.constant 0 : index
    %get3A_13 = arith.constant 0 : index
    %get3A_14 = vector.load %arg2[%get3A_12, %get3A_13] : memref<2000x128xf32, #tpu.memory_space<vmem>>, vector<2000x128xf32>
    %add3A_15 = arith.addf %add3A, %get3A_14 : vector<2000x128xf32>
    %mul3A = vector.broadcast %get3A_1 : vector<2000x1xf32> to vector<2000x128xf32>
    %mul3A_16 = arith.mulf %add3A_15, %mul3A : vector<2000x128xf32>
    %get3A_17 = arith.constant 0 : index
    %get3A_18 = arith.constant 0 : index
    %get3A_19 = vector.load %arg4[%get3A_17, %get3A_18] : memref<1x128xf32, #tpu.memory_space<vmem>>, vector<1x128xf32>
    %add3A_20 = vector.broadcast %get3A_19 : vector<1x128xf32> to vector<2000x128xf32>
    %add3A_21 = arith.addf %mul3A_16, %add3A_20 : vector<2000x128xf32>
    %iota3A = tpu.iota {dimensions = array<i32: 1>} : vector<2000x64xi32>
    %get3A_22 = arith.constant 0 : index
    %get3A_23 = arith.constant 0 : index
    %get3A_24 = vector.load %arg5[%get3A_22, %get3A_23] : memref<2000x1xi32, #tpu.memory_space<vmem>>, vector<2000x1xi32>
    %eq3A = vector.broadcast %get3A_24 : vector<2000x1xi32> to vector<2000x64xi32>
    %eq3A_25 = arith.cmpi eq, %eq3A, %iota3A : vector<2000x64xi32>
    %convert_element_type3A = arith.extui %eq3A_25 : vector<2000x64xi1> to vector<2000x64xi32>
    %convert_element_type3A_26 = arith.sitofp %convert_element_type3A : vector<2000x64xi32> to vector<2000x64xf32>
    %dot_general3A = arith.constant dense<0.000000e+00> : vector<64x128xf32>
    %dot_general3A_27 = tpu.matmul %convert_element_type3A_26, %add3A_21, %dot_general3A {dimension_numbers = #tpu.dot_dimension_numbers<[0], [0], [1], [1], [0, 1, 1, 1], [], []>, transpose_lhs_hint = false} : vector<2000x64xf32>, vector<2000x128xf32>, vector<64x128xf32> -> vector<64x128xf32>
    %eq3A_28 = arith.constant 0 : i32
    %eq3A_29 = arith.cmpi eq, %arg0, %eq3A_28 : i32
    %convert_element_type3A_30 = arith.extui %eq3A_29 : i1 to i32
    %cond3A = arith.constant 0 : i32
    %cond3A_31 = arith.cmpi ne, %convert_element_type3A_30, %cond3A : i32
    scf.if %cond3A_31 {
      %broadcast_in_dim3A = arith.constant 0.000000e+00 : f32
      %broadcast_in_dim3A_43 = vector.broadcast %broadcast_in_dim3A : f32 to vector<64x128xf32>
      %swap3A_44 = arith.constant 0 : index
      %swap3A_45 = arith.constant 0 : index
      %swap3A_46 = vector.load %arg9[%swap3A_44, %swap3A_45] : memref<64x128xf32, #tpu.memory_space<vmem>>, vector<64x128xf32>
      tpu.vector_store %arg9[%swap3A_44, %swap3A_45], %broadcast_in_dim3A_43 {strides = array<i32>} : memref<64x128xf32, #tpu.memory_space<vmem>>, vector<64x128xf32>,
    } else {
    }
    %get3A_32 = arith.constant 0 : index
    %get3A_33 = arith.constant 0 : index
    %get3A_34 = vector.load %arg9[%get3A_32, %get3A_33] : memref<64x128xf32, #tpu.memory_space<vmem>>, vector<64x128xf32>
    %add3A_35 = arith.addf %get3A_34, %dot_general3A_27 : vector<64x128xf32>
    %swap3A = arith.constant 0 : index
    %swap3A_36 = arith.constant 0 : index
    %swap3A_37 = vector.load %arg9[%swap3A, %swap3A_36] : memref<64x128xf32, #tpu.memory_space<vmem>>, vector<64x128xf32>
    tpu.vector_store %arg9[%swap3A, %swap3A_36], %add3A_35 {strides = array<i32>} : memref<64x128xf32, #tpu.memory_space<vmem>>, vector<64x128xf32>,
    %eq3A_38 = arith.constant 4 : i32
    %eq3A_39 = arith.cmpi eq, %arg0, %eq3A_38 : i32
    %convert_element_type3A_40 = arith.extui %eq3A_39 : i1 to i32
    %cond3A_41 = arith.constant 0 : i32
    %cond3A_42 = arith.cmpi ne, %convert_element_type3A_40, %cond3A_41 : i32
    scf.if %cond3A_42 {
      %get3A_43 = arith.constant 0 : index
      %get3A_44 = arith.constant 0 : index
      %get3A_45 = vector.load %arg9[%get3A_43, %get3A_44] : memref<64x128xf32, #tpu.memory_space<vmem>>, vector<64x128xf32>
      %get3A_46 = arith.constant 0 : index
      %get3A_47 = arith.constant 0 : index
      %get3A_48 = vector.load %arg6[%get3A_46, %get3A_47] : memref<128x128xf32, #tpu.memory_space<vmem>>, vector<128x128xf32>
      %dot_general3A_49 = arith.constant dense<0.000000e+00> : vector<64x128xf32>
      %dot_general3A_50 = tpu.matmul %get3A_45, %get3A_48, %dot_general3A_49 {dimension_numbers = #tpu.dot_dimension_numbers<[1], [0], [0], [1], [0, 0, 1, 1], [], []>, transpose_lhs_hint = false} : vector<64x128xf32>, vector<128x128xf32>, vector<64x128xf32> -> vector<64x128xf32>
      %get3A_51 = arith.constant 0 : index
      %get3A_52 = arith.constant 0 : index
      %get3A_53 = vector.load %arg7[%get3A_51, %get3A_52] : memref<1x128xf32, #tpu.memory_space<vmem>>, vector<1x128xf32>
      %add3A_54 = vector.broadcast %get3A_53 : vector<1x128xf32> to vector<64x128xf32>
      %add3A_55 = arith.addf %dot_general3A_50, %add3A_54 : vector<64x128xf32>
      %swap3A_56 = arith.constant 0 : index
      %swap3A_57 = arith.constant 0 : index
      %swap3A_58 = vector.load %arg8[%swap3A_56, %swap3A_57] : memref<64x128xf32, #tpu.memory_space<vmem>>, vector<64x128xf32>
      tpu.vector_store %arg8[%swap3A_56, %swap3A_57], %add3A_55 {strides = array<i32>} : memref<64x128xf32, #tpu.memory_space<vmem>>, vector<64x128xf32>,
    } else {
    }
    return
  }
  func.func @transform_0(%arg0: i32) -> (i32, i32) {
    %c0_i32 = arith.constant 0 : i32
    %c0_i32_0 = arith.constant 0 : i32
    return %arg0, %c0_i32 : i32, i32
  }
  func.func @transform_1(%arg0: i32) -> (i32, i32) {
    %c0_i32 = arith.constant 0 : i32
    %c0_i32_0 = arith.constant 0 : i32
    return %arg0, %c0_i32 : i32, i32
  }
  func.func @transform_2(%arg0: i32) -> (i32, i32, i32) {
    %c0_i32 = arith.constant 0 : i32
    %c0_i32_0 = arith.constant 0 : i32
    %c0_i32_1 = arith.constant 0 : i32
    return %c0_i32, %arg0, %c0_i32_0 : i32, i32, i32
  }
  func.func @transform_3(%arg0: i32) -> (i32, i32) {
    %c0_i32 = arith.constant 0 : i32
    %c0_i32_0 = arith.constant 0 : i32
    %c0_i32_1 = arith.constant 0 : i32
    return %c0_i32, %c0_i32_0 : i32, i32
  }
  func.func @transform_4(%arg0: i32) -> (i32, i32) {
    %c0_i32 = arith.constant 0 : i32
    %c0_i32_0 = arith.constant 0 : i32
    return %arg0, %c0_i32 : i32, i32
  }
  func.func @transform_5(%arg0: i32) -> (i32, i32) {
    %c0_i32 = arith.constant 0 : i32
    %c0_i32_0 = arith.constant 0 : i32
    %c0_i32_1 = arith.constant 0 : i32
    return %c0_i32, %c0_i32_0 : i32, i32
  }
  func.func @transform_6(%arg0: i32) -> (i32, i32) {
    %c0_i32 = arith.constant 0 : i32
    %c0_i32_0 = arith.constant 0 : i32
    %c0_i32_1 = arith.constant 0 : i32
    return %c0_i32, %c0_i32_0 : i32, i32
  }
  func.func @transform_7(%arg0: i32) -> (i32, i32) {
    %c0_i32 = arith.constant 0 : i32
    %c0_i32_0 = arith.constant 0 : i32
    %c0_i32_1 = arith.constant 0 : i32
    return %c0_i32, %c0_i32_0 : i32, i32
  }
  func.func @transform_8(%arg0: i32) -> (i32, i32) {
    %c0_i32 = arith.constant 0 : i32
    %c0_i32_0 = arith.constant 0 : i32
    %c0_i32_1 = arith.constant 0 : i32
    return %c0_i32, %c0_i32_0 : i32, i32
  }
}

</mosaic_0001>

<sc_bundles>
// kernel: kernel.11.cloned.1.call-start
scs
__scs_entry_jumppad:
0x0: {  	(pc) =	sbr.rel $0x88, $3  }
0x1: {  	(tag) =	ssettag $0x0;
	lr =	simm.s32 $0x1  }
0x2: {  	[smem:$0x3F98] =	sst lr;
	_ =	strace $0xD0000000  }
0x3: {  	_ = 	snop  }
0x4: {  	_ = 	snop  }
0x5: {  	_ = 	snop  }
0x6: {  	_ = 	snop  }
0x7: {  	_ = 	snop  }
__scs_overlays_trampoline_lowered:
0x8: {  	[smem:$0x3FA7] =	sst s0  }
0x9: {  	[smem:$0x3FA8] =	sst s1  }
0xa: {  	[smem:$0x3FA9] =	sst s2  }
0xb: {  	[smem:$0x3FAA] =	sst s3  }
0xc: {  	[smem:$0x3FAB] =	sst s4  }
0xd: {  	[smem:$0x3FAC] =	sst s5  }
0xe: {  	[smem:$0x3FAD] =	sst s6  }
0xf: {  	[smem:$0x3FAE] =	sst s7  }
0x10: {  	[smem:$0x3FAF] =	sst s8  }
0x11: {  	[smem:$0x3FB0] =	sst s9;
	s0 =	simm.s32 @!p0 $0x0  }
0x12: {  	s1 =	sld [smem:$0x3F96];
	s0 =	simm.s32 @p0 $0x1  }
0x13: {  	[smem:$0x3FB1] =	sst s0;
	s0 =	simm.s32 @!p1 $0x0  }
0x14: {  	s2 =	sld [smem:$0x3F95];
	s0 =	simm.s32 @p1 $0x1  }
0x15: {  	[smem:$0x3FB2] =	sst s0;
	s0 =	simm.s32 @!p2 $0x0  }
0x16: {  	s3 =	sld [smem:$0x3FDB];
	s0 =	simm.s32 @p2 $0x1  }
0x17: {  	s4 =	simm.s32 $0x1BF5;
	[smem:$0x3FB4] =	sst s0  }
0x18: {  	s0 =	sld [smem:$0x3F97];
	_ =	swait.ge [sflag:s4], $0x0  }
0x19: {  	s7 =	sld [smem:$0x3F98]  }
0x1a: {  	s8 =	sadd.s32 $0xFFFFE003, lr  }
0x1b: {  	s9 =	sadd.s32 $0xFFFFFEF7, lr;
	s5 =	simm.s32 $0xFFFFFFFF;
	p2 =	slt.u32 s8, $0xFFFFF086  }
0x1c: {  	p1 =	slt.u32 s9, $0xF7A;
	s5 =	simm.s32 @!p2 $0x0  }
0x1d: {  	s5 =	simm.s32 @p1 $0x1;
	p0 =	seq.s32 s7, s2  }
0x1e: {  	s7 =	smul.u32 @!p0 $0xF7A, s2;
	p2 =	seq.s32 @!p0 s5, $0x0  }
0x1f: {  	s9 =	smul.u32 $0xF7A, s1;
	s8 =	simm.s32 @!p0 $0x1BF5;
	p2 =	por !p2, p0  }
0x20: {  	[sflag:s8] =	ssyncset.s32 @!p0 $0xFFFFF086;
	s6 =	sadd.s32 @!p0 s3, s7;
	s7 =	simm.s32 @!p0 $0x108  }
0x21: {  	s3 =	sadd.s32 s3, s9;
	s6 =	sadd.s32 @!p0 $0x88, s6;
	s7 =	simm.s32 @p2 $0x1082  }
0x22: {  	[simem:s7], [sflag:s8] =	dma.local @!p0 [hbm:s6], $0xF7A  }
0x23: {  	s9 =	sor.u32 $0xD0000000, s2;
	s6 =	simm.s32 $0x108;
	_ =	swait.ge @!p0 [sflag:s8], $0x0  }
0x24: {  	s3 =	sadd.s32 $0x88, s3;
	s6 =	simm.s32 @!p1 $0x1082;
	[sflag:s4] =	ssyncset.s32 $0xFFFFF086  }
0x25: {  	[simem:s6], [sflag:s4] =	dma.local [hbm:s3], $0xF7A  }
0x26: {  	[smem:$0x3F98] =	sst s1;
	(tag) =	ssettag s2;
	_ =	strace s9  }
0x27: {  	s1 =	sld [smem:$0x3FA8]  }
0x28: {  	s2 =	sld [smem:$0x3FA9]  }
0x29: {  	s4 =	sld [smem:$0x3FAB]  }
0x2a: {  	p0 =	seq.s32 s5, $0x0;
	s5 =	sld [smem:$0x3FAC]  }
0x2b: {  	s6 =	sld [smem:$0x3FAD]  }
0x2c: {  	s7 =	sld [smem:$0x3FAE]  }
0x2d: {  	s3 =	simm.s32 $0x108;
	s8 =	sld [smem:$0x3FAF]  }
0x2e: {  	s3 =	simm.s32 @!p0 $0x1082;
	s9 =	sld [smem:$0x3FB0]  }
0x2f: {  	lr =	sadd.s32 s0, s3;
	s0 =	sld [smem:$0x3FA7]  }
0x30: {  	s3 =	sld [smem:$0x3FAA]  }
0x31: {  	[smem:$0x3FB3] =	sst s10  }
0x32: {  	s10 =	sld [smem:$0x3FB1];
	_ =	sdelay $0x3  }
0x33: {  	p0 =	seq.s32 s10, $0x1;
	s10 =	sld [smem:$0x3FB3];
	_ =	sdelay $0x3  }
0x34: {  	[smem:$0x3FB3] =	sst s10  }
0x35: {  	s10 =	sld [smem:$0x3FB2];
	_ =	sdelay $0x3  }
0x36: {  	p1 =	seq.s32 s10, $0x1;
	s10 =	sld [smem:$0x3FB3];
	_ =	sdelay $0x3  }
0x37: {  	[smem:$0x3FB3] =	sst s10  }
0x38: {  	s10 =	sld [smem:$0x3FB4]  }
0x39: {  	_ = 	snop;
	(pc) =	sbr.ind lr, $3  }
0x3a: {  	_ = 	snop  }
0x3b: {  	_ = 	snop  }
0x3c: {  	p2 =	seq.s32 s10, $0x1;
	s10 =	sld [smem:$0x3FB3]  }
0x3d: {  	_ =	shalt  }
0x3e: {  	_ =	shalt  }
0x3f: {  	_ =	shalt  }
0x40: {  	_ =	shalt  }
0x41: {  	_ =	shalt  }
0x42: {  	_ =	shalt  }
0x43: {  	_ =	shalt  }
0x44: {  	_ =	shalt  }
0x45: {  	_ =	shalt  }
0x46: {  	_ =	shalt  }
0x47: {  	_ =	shalt  }
0x48: {  	_ =	shalt  }
0x49: {  	_ =	shalt  }
0x4a: {  	_ =	shalt  }
0x4b: {  	_ =	shalt  }
0x4c: {  	_ =	shalt  }
0x4d: {  	_ =	shalt  }
0x4e: {  	_ =	shalt  }
0x4f: {  	_ =	shalt  }
0x50: {  	_ =	shalt  }
0x51: {  	_ =	shalt  }
0x52: {  	_ =	shalt  }
0x53: {  	_ =	shalt  }
0x54: {  	_ =	shalt  }
0x55: {  	_ =	shalt  }
0x56: {  	_ =	shalt  }
0x57: {  	_ =	shalt  }
0x58: {  	_ =	shalt  }
0x59: {  	_ =	shalt  }
0x5a: {  	_ =	shalt  }
0x5b: {  	_ =	shalt  }
0x5c: {  	_ =	shalt  }
0x5d: {  	_ =	shalt  }
0x5e: {  	_ =	shalt  }
0x5f: {  	_ =	shalt  }
0x60: {  	_ =	shalt  }
0x61: {  	_ =	shalt  }
0x62: {  	_ =	shalt  }
0x63: {  	_ =	shalt  }
0x64: {  	_ =	shalt  }
0x65: {  	_ =	shalt  }
0x66: {  	_ =	shalt  }
0x67: {  	_ =	shalt  }
0x68: {  	_ =	shalt  }
0x69: {  	_ =	shalt  }
0x6a: {  	_ =	shalt  }
0x6b: {  	_ =	shalt  }
0x6c: {  	_ =	shalt  }
0x6d: {  	_ =	shalt  }
0x6e: {  	_ =	shalt  }
0x6f: {  	_ =	shalt  }
0x70: {  	_ =	shalt  }
0x71: {  	_ =	shalt  }
0x72: {  	_ =	shalt  }
0x73: {  	_ =	shalt  }
0x74: {  	_ =	shalt  }
0x75: {  	_ =	shalt  }
0x76: {  	_ =	shalt  }
0x77: {  	_ =	shalt  }
0x78: {  	_ =	shalt  }
0x79: {  	_ =	shalt  }
0x7a: {  	_ =	shalt  }
0x7b: {  	_ =	shalt  }
0x7c: {  	_ =	shalt  }
0x7d: {  	_ =	shalt  }
0x7e: {  	_ =	shalt  }
0x7f: {  	_ =	shalt  }
0x80: {  	_ =	shalt  }
0x81: {  	_ =	shalt  }
0x82: {  	_ =	shalt  }
0x83: {  	_ =	shalt  }
0x84: {  	_ =	shalt  }
0x85: {  	_ =	shalt  }
0x86: {  	_ =	shalt  }
0x87: {  	_ =	shalt  }
.Lfunc_end0:
.L_simem_size_0:
called_computation.1_lowered:
.L_overlay_start_0:
0x88: {  	s2 =	sld [smem:$0x3FD9]  }
0x89: {  	s3 =	sld [smem:$0x3FFE];
	_ =	sdelay $0x1  }
0x8a: {  	s1 =	srdreg.scid  }
0x8b: {  	s0 =	sand.u32 $0x1, s1  }
0x8c: {  	s16 =	sshll.u32 s0, $0xA;
	s2 =	sadd.s32 s3, s2  }
0x8d: {  	s2 =	sadd.s32 s2, s16  }
0x8e: {  	[smem:$0x3FBF] =	sst s2  }
0x8f: {  	_ = 	snop  }
0x90: {  	(tm) =	ssettm $0x1  }
0x91: {  	s17 =	sld [smem:$0x3FFB];
	_ =	sdelay $0x3  }
0x92: {  	_ =	strace s17  }
0x93: {  	s2 =	sld [smem:$0x3FFC];
	_ =	sdelay $0x3  }
0x94: {  	_ =	strace s2  }
0x95: {  	s2 =	sld [smem:$0x3FFD];
	_ =	sdelay $0x3  }
0x96: {  	_ =	strace s2  }
0x97: {  	_ =	strace $0x8FFFFFFF  }
0x98: {  	s18 =	sld [smem:$0x3FDB];
	_ =	sdelay $0x1  }
0x99: {  	s19 =	simm.s32 $_scs_section_size  }
0x9a: {  	s4 =	simm.s32 $_size__tile_overlayer_lowered;
	s5 =	simm.s32 $_tile_overlayer_lowered  }
0x9b: {  	s22 =	simm.s32 $0x1BFF;
	s21 =	sshll.u32 s5, $0x1;
	s2 =	sadd.s32 s19, s18  }
0x9c: {  	s6 =	simm.s32 $0x0;
	s20 =	sshll.u32 s4, $0x1;
	s4 =	sadd.s32 s21, s2  }
0x9d: {  	[timem:s6], [sflag:s22] =	dma.local [hbm:s4], s20  }
0x9e: {  	_ =	swait.ge [sflag:s22], s20  }
0x9f: {  	s3 =	ssub.s32 $0x0, s20;
	[sflag:s22] =	ssyncset.done $0x0  }
0xa0: {  	[sflag:s22] =	ssyncadd.s32 s3;
	_ =	sdelay $0x1  }
0xa1: {  	s23 =	simm.s32 $0x1B8B  }
0xa2: {  	_ =	swait.ge [sflag:s23], $0x1  }
0xa3: {  	[sflag:s23] =	ssyncset.done $0x0  }
0xa4: {  	s25 =	simm.s32 $0x1B8E;
	s24 =	sld [smem:$0x3FFE];
	[sflag:s23] =	ssyncadd.s32 $0xFFFFFFFF  }
0xa5: {  	s26 =	simm.s32 $execute0_lowered;
	[smem:$0x3FD2] =	sst s25  }
0xa6: {  	s4 =	sshll.u32 s26, $0x1;
	_ =	strace $0x80000049;
	[dreg:$0x1] =	wrdreg $0xFFFFFFFF  }
0xa7: {  	s28 =	simm.s32 $_size_execute0_lowered;
	s2 =	sadd.s32 s2, s4;
	[dreg:$0x0] =	wrdreg $0x0  }
0xa8: {  	s4 =	sshll.u32 s28, $0x1;
	[dreg:$0x2] =	wrdreg s2  }
0xa9: {  	[dreg:$0x3] =	wrdreg s4  }
0xaa: {  	[dreg:$0x4] =	wrdreg $0xC0  }
0xab: {  	_ =	task [dreg:s6], $0x5FFFF  }
0xac: {  	[dreg:$0x1] =	wrdreg $0xFFFFFFFF  }
0xad: {  	[dreg:$0x0] =	wrdreg $0x60  }
0xae: {  	[dreg:$0x2] =	wrdreg s24  }
0xaf: {  	[dreg:$0x3] =	wrdreg $0x9B800  }
0xb0: {  	[dreg:$0x4] =	wrdreg $0x9  }
0xb1: {  	_ =	task.clear_ibuf [dreg:s6], $0x5FFFF;
	_ =	strace $0x90000049  }
0xb2: {  	s29 =	simm.s32 $0x9;
	_ =	strace $0x8000004B  }
0xb3: {  	_ =	swait.ge [sflag:s29], $0x1  }
0xb4: {  	[sflag:s29] =	ssyncadd.s32 $0xFFFFFFFF  }
0xb5: {  	_ =	strace $0x9000004B  }
0xb6: {  	_ =	sfence  }
0xb7: {  	s30 =	sld [smem:$0x0];
	_ =	sdelay $0x2  }
0xb8: {  	s31 =	sshll.u32 s1, $0xD;
	s1 =	sshrl.u32 s1, $0x2  }
0xb9: {  	s3 =	sand.u32 $0x4000, s31;
	s1 =	sadd.s32 s1, s30  }
0xba: {  	s0 =	sor.u32 s3, s0;
	s1 =	sshll.u32 s1, $0x11  }
0xbb: {  	s0 =	sor.u32 s1, s0  }
0xbc: {  	s0 =	sadd.s32 $0x8F2B, s0  }
0xbd: {  	[sflag:s0] =	ssyncadd.remote.s32 $0x1  }
0xbe: {  	_ =	sfence.sel $0xFFFF  }
0xbf: {  	[dreg:$0x0] =	wrdreg $0xFFFFFFFF;
	(pc) =	sbr.abs _section_cstart, $3  }
0xc0: {  	[dreg:$0x1] =	wrdreg $0xFFFFFFFF  }
0xc1: {  	_ =	task.clear_ibuf [dreg:s6], $0x2FFFF;
	_ =	strace $0x9FFFFFFF  }
0xc2: {  	(tm) =	ssettm $0x7FFFFFFF  }
0xc3: {  	_ =	shalt  }
tec
execute0_lowered:
.L_overlay_start_1:
0x0: {  	(tag) =	ssettag $0x1  }
0x1: {  	s1 =	srdreg.scid;
	s6 =	rddreg [dreg:$0x0]  }
0x2: {  	s0 =	stileid.u32;
	s2 =	rddreg [dreg:$0x1]  }
0x3: {  	s17 =	simm.s32 $0x1;
	s28 =	simm.s32 $0x8780;
	s30 =	simm.s32 $0x8  }
0x4: {  	s31 =	simm.s32 $0x2;
	s1 =	sand.u32 $0x1, s1;
	s19 =	smul.u32 $0x5000, s0  }
0x5: {  	s3 =	sshll.u32 s0, $0x1;
	s12 =	smul.u32 $0x1400, s0;
	s13 =	sor.u32 $0x10, s0  }
0x6: {  	s7 =	sor.u32 s1, s3;
	s9 =	ssub.s32 $0x2, s1;
	s1 =	smul.u32 $0x138800, s1  }
0x7: {  	s4 =	sadd.s32 $0x9B200, s6;
	s11 =	sadd.s32 $0xC2400, s6;
	s21 =	smul.u32 $0x5000, s13  }
0x8: {  	s29 =	sor.u32 $0x20, s0;
	s3 =	simm.s32 $0x0;
	s13 =	smul.u32 $0x1400, s13  }
0x9: {  	p0 =	sgt.u32 s0, $0x9;
	s5 =	smul.u32 $0x4E2, s7;
	[smem:$0x7FF] =	sst s3  }
0xa: {  	s7 =	smul.u32 $0xC800, s7;
	s18 =	sshrl.u32 s9, $0x1;
	_ =	strace $0x8000004A  }
0xb: {  	s9 =	ssub.s32 s9, s18;
	s12 =	sadd.s32 s1, s12;
	s23 =	sshrl.u32 s21, $0x2  }
0xc: {  	s1 =	sadd.s32 s1, s13;
	[dreg:$0xa] =	wrdreg s29;
	s21 =	simm.s32 $0x4B80  }
0xd: {  	s18 =	simm.s32 $0x4;
	s8 =	sadd.s32 s5, s6;
	s5 =	sadd.s32 $0x23800, s6  }
0xe: {  	s6 =	sadd.s32 $0x190000, s7;
	s7 =	sshrl.u32 s19, $0x2;
	s9 =	smax.u32 s9, $0x1  }
0xf: {  	s22 =	sshrl.u32 s12, $0x3;
	s1 =	sshrl.u32 s1, $0x3;
	s24 =	sadd.s32 $0x28000, s12  }
0x10: {  	s19 =	simm.s32 $0x28;
	s10 =	sshrl.u32 s6, $0x3;
	s8 =	sadd.s32 $0x87800, s8  }
0x11: {  	[dreg:$0x5] =	wrdreg s9;
	s1 =	sadd.s32 s11, s1;
	s26 =	sshrl.u32 s24, $0x3  }
0x12: {  	s24 =	simm.s32 $0x0;
	[dreg:$0x3] =	wrdreg s8;
	s20 =	sadd.s32 s5, s10  }
0x13: {  	s10 =	sadd.s32 s7, s2;
	s7 =	sadd.s32 s11, s22;
	[dreg:$0x8] =	wrdreg s1  }
0x14: {  	s13 =	sadd.s32 s26, s11;
	s1 =	simm.s32 $0x3;
	[dreg:$0x4] =	wrdreg s20  }
0x15: {  	s22 =	simm.s32 $0x5;
	[dreg:$0x6] =	wrdreg s7;
	s7 =	sadd.s32 s23, s2  }
0x16: {  	s25 =	sadd.s32 $0x28000, s10;
	s20 =	simm.s32 $0x3780;
	[dreg:$0x7] =	wrdreg s7  }
0x17: {  	v0 =	vimm.f32 $0.0e+00;
	s23 =	simm.s32 $0x5F80;
	[dreg:$0x9] =	wrdreg s25;
	s25 =	simm.s32 $0x7380  }
.LBB2_1:
0x18: {  	s7 =	rddreg [dreg:$0x3]  }
0x19: {  	[tilespmem:s3], [sflag:$0x1] =	stream.linear.gather [hbm4b:s7+s3], $0x2710, $0x38;
	[tilespmem:$0x1D400] =	vst v63  }
0x1a: {  	s8 =	simm.s32 $0x200;
	s7 =	simm.s32 $0x0  }
.LBB2_2:
0x1b: {  	p1 =	sne.s32 s8, $0x4E00;
	[tilespmem:s7+$0x37F0] =	vst v0  }
0x1c: {  	[tilespmem:s7+$0x3780] =	vst v0  }
0x1d: {  	[tilespmem:s7+$0x3790] =	vst v0  }
.Ltmp0:
0x1e: {  	[tilespmem:s7+$0x37A0] =	vst v0;
	(pc) =	sbr.rel @p1 .LBB2_2-.Ltmp0, $4  }
0x1f: {  	[tilespmem:s7+$0x37B0] =	vst v0  }
0x20: {  	[tilespmem:s7+$0x37C0] =	vst v0  }
0x21: {  	[tilespmem:s7+$0x37D0] =	vst v0  }
0x22: {  	[tilespmem:s7+$0x37E0] =	vst v0;
	s7 =	sshra.s32 s8, $0x2;
	s8 =	sadd.s32 $0x200, s8  }
0x23: {  	[tilespmem:s7+$0x37F0] =	vst v0  }
0x24: {  	[tilespmem:s7+$0x3780] =	vst v0  }
0x25: {  	[tilespmem:s7+$0x3790] =	vst v0  }
0x26: {  	[tilespmem:s7+$0x37A0] =	vst v0  }
0x27: {  	[tilespmem:s7+$0x37B0] =	vst v0  }
0x28: {  	[tilespmem:s7+$0x37C0] =	vst v0;
	s8 =	sadd.s32 $0x0, s0  }
0x29: {  	[tilespmem:s7+$0x37D0] =	vst v0;
	p1 =	sgt.u32 s8, $0xF9  }
0x2a: {  	[tilespmem:s7+$0x37E0] =	vst v0;
	s7 =	simm.s32 @!p1 $0x3780;
	s11 =	simm.s32 @!p1 $0x8  }
0x2b: {  	[spmem:s10] =	stream.linear.scatter @!p1 [tilespmem:s7], [sflag:$0x8], $0x1400, $0x38;
	[tilespmem:$0x1D400] =	vst v63  }
0x2c: {  	s9 =	simm.s32 $0x20;
	_ =	swait.ge @!p1 [sflag:s11], $0x1400  }
0x2d: {  	s8 =	simm.s32 $0x10;
	s7 =	sadd.s32 $0x14000, s10;
	[sflag:s11] =	ssyncset.done @!p1 $0x0  }
.LBB2_4:
0x2e: {  	s12 =	sadd.s32 s8, s0;
	s8 =	smov.u32 s9;
	s9 =	sadd.s32 $0x10, s9  }
0x2f: {  	[sflag:s11] =	ssyncadd.s32 @!p1 $0xFFFFEC00;
	p2 =	sne.s32 s9, $0x100  }
.Ltmp1:
0x30: {  	p1 =	sgt.u32 s12, $0xF9;
	(pc) =	sbr.rel @p2 .LBB2_4-.Ltmp1, $4  }
0x31: {  	s12 =	simm.s32 @!p1 $0x3780;
	s11 =	simm.s32 @!p1 $0x8  }
0x32: {  	[spmem:s7] =	stream.linear.scatter @!p1 [tilespmem:s12], [sflag:$0x8], $0x1400, $0x38;
	[tilespmem:$0x1D400] =	vst v63  }
0x33: {  	_ =	swait.ge @!p1 [sflag:s11], $0x1400  }
0x34: {  	s7 =	sadd.s32 $0x14000, s7;
	[sflag:s11] =	ssyncset.done @!p1 $0x0  }
0x35: {  	s8 =	sadd.s32 s8, s0  }
0x36: {  	p2 =	sgt.u32 s8, $0xF9  }
0x37: {  	[sflag:s11] =	ssyncadd.s32 @!p1 $0xFFFFEC00;
	s8 =	simm.s32 @!p2 $0x3780;
	s9 =	simm.s32 @!p2 $0x8  }
0x38: {  	[spmem:s7] =	stream.linear.scatter @!p2 [tilespmem:s8], [sflag:$0x8], $0x1400, $0x38;
	[tilespmem:$0x1D400] =	vst v63  }
0x39: {  	_ =	swait.ge @!p2 [sflag:s9], $0x1400  }
0x3a: {  	[sflag:s9] =	ssyncset.done @!p2 $0x0  }
0x3b: {  	[sflag:s9] =	ssyncadd.s32 @!p2 $0xFFFFEC00  }
0x3c: {  	_ =	swait.ge [sflag:s17], $0x2710  }
0x3d: {  	[sflag:s17] =	ssyncset.done $0x0  }
0x3e: {  	[sflag:s17] =	ssyncadd.s32 $0xFFFFD8F0  }
0x3f: {  	[bflag:$0x0] =	sbarrier.arrive $0xFFFF  }
0x40: {  	s14 =	simm.s32 $0x2780;
	s8 =	simm.s32 $0x0;
	s12 =	rddreg [dreg:$0x4]  }
0x41: {  	[tilespmem:s14], [sflag:$0x6] =	stream.linear.gather [hbm4b:s12+s8], $0x500, $0x38;
	[tilespmem:$0x1D400] =	vst v63  }
0x42: {  	_ = 	snop  }
0x43: {  	[tilespmem:s20], [sflag:$0x1] =	stream.indirect.gather [hbm4b:s4+s19], $0x80, s8, s19, $0xb8;
	[tilespmem:$0x1D400] =	vst v63  }
0x44: {  	_ = 	snop  }
0x45: {  	[tilespmem:s21], [sflag:$0x2] =	stream.indirect.gather [hbm4b:s4+s19], $0x80, s19, s19, $0xb8;
	[tilespmem:$0x1D400] =	vst v63  }
0x46: {  	s15 =	simm.s32 $0x50  }
0x47: {  	[tilespmem:s23], [sflag:$0x3] =	stream.indirect.gather [hbm4b:s4+s19], $0x80, s15, s19, $0xb8;
	[tilespmem:$0x1D400] =	vst v63  }
0x48: {  	s16 =	simm.s32 $0x78  }
0x49: {  	[tilespmem:s25], [sflag:$0x4] =	stream.indirect.gather [hbm4b:s4+s19], $0x80, s16, s19, $0xb8;
	[tilespmem:$0x1D400] =	vst v63  }
.Ltmp2:
0x4a: {  	s26 =	simm.s32 $0xA0;
	s29 =	simm.s32 $0x6;
	(pc) =	sbr.rel .LBB2_6-.Ltmp2, $4  }
0x4b: {  	[tilespmem:s28], [sflag:$0x5] =	stream.indirect.gather [hbm4b:s4+s19], $0x80, s26, s19, $0xb8;
	[tilespmem:$0x1D400] =	vst v63  }
0x4c: {  	_ =	swait.ge [sflag:s29], $0x500  }
0x4d: {  	[sflag:s29] =	ssyncset.done $0x0  }
0x4e: {  	[sflag:s29] =	ssyncadd.s32 $0xFFFFFB00  }
.LBB2_8:
0x4f: {  	s26 =	sadd.s32 @!p1 $0x1, s8  }
0x50: {  	s26 =	simm.s32 @p1 $0x1  }
0x51: {  	s9 =	sshll.u32 s26, $0xB  }
0x52: {  	s11 =	sxor.u32 $0x1, s7;
	s9 =	sadd.s32 s9, s6  }
0x53: {  	s12 =	sshll.u32 s11, $0xB;
	s11 =	sor.u32 $0x6, s11;
	s9 =	sshrl.u32 s9, $0x3  }
0x54: {  	p1 =	por $0x0, $0x0;
	s12 =	sor.u32 $0x2780, s12;
	s9 =	sadd.s32 s5, s9  }
0x55: {  	[tilespmem:s12], [sflag:s11] =	stream.linear.gather [hbm4b:s9+s3], $0x500, $0x38;
	[tilespmem:$0x1D400] =	vst v63  }
.LBB2_9:
0x56: {  	_ =	swait.ge [sflag:s17], $0x1400  }
0x57: {  	s7 =	sshll.u32 s7, $0xB;
	[sflag:s17] =	ssyncset.done $0x0  }
0x58: {  	s8 =	smul.u32 $0x640, s8;
	s9 =	sor.u32 $0x2780, s7;
	[sflag:s17] =	ssyncadd.s32 $0xFFFFEC00  }
0x59: {  	[spmem:s2] =	stream.indirect.scatter.add.f32 [tilespmem:s20], [sflag:$0x8], $0x80, s9, s19, $0xb8;
	[tilespmem:$0x1D400] =	vst v63  }
0x5a: {  	_ =	swait.ge [sflag:s30], $0x1400  }
0x5b: {  	s8 =	sshra.s32 s8, $0x2;
	[sflag:s30] =	ssyncset.done $0x0  }
0x5c: {  	s12 =	sadd.s32 $0xC8, s8;
	[sflag:s30] =	ssyncadd.s32 $0xFFFFEC00  }
0x5d: {  	[tilespmem:s20], [sflag:$0x1] =	stream.indirect.gather [hbm4b:s4+s19], $0x80, s12, s19, $0xb8;
	[tilespmem:$0x1D400] =	vst v63  }
0x5e: {  	_ =	swait.ge [sflag:s31], $0x1400  }
0x5f: {  	[sflag:s31] =	ssyncset.done $0x0  }
0x60: {  	s14 =	sadd.s32 $0x2800, s7;
	[sflag:s31] =	ssyncadd.s32 $0xFFFFEC00  }
0x61: {  	[spmem:s2] =	stream.indirect.scatter.add.f32 [tilespmem:s21], [sflag:$0x8], $0x80, s14, s19, $0xb8;
	[tilespmem:$0x1D400] =	vst v63  }
0x62: {  	_ =	swait.ge [sflag:s30], $0x1400  }
0x63: {  	[sflag:s30] =	ssyncset.done $0x0  }
0x64: {  	s15 =	sadd.s32 $0xF0, s8;
	[sflag:s30] =	ssyncadd.s32 $0xFFFFEC00  }
0x65: {  	[tilespmem:s21], [sflag:$0x2] =	stream.indirect.gather [hbm4b:s4+s19], $0x80, s15, s19, $0xb8;
	[tilespmem:$0x1D400] =	vst v63  }
0x66: {  	_ =	swait.ge [sflag:s1], $0x1400  }
0x67: {  	[sflag:s1] =	ssyncset.done $0x0  }
0x68: {  	s16 =	sadd.s32 $0x2880, s7;
	[sflag:s1] =	ssyncadd.s32 $0xFFFFEC00  }
0x69: {  	[spmem:s2] =	stream.indirect.scatter.add.f32 [tilespmem:s23], [sflag:$0x8], $0x80, s16, s19, $0xb8;
	[tilespmem:$0x1D400] =	vst v63  }
0x6a: {  	_ =	swait.ge [sflag:s30], $0x1400  }
0x6b: {  	[sflag:s30] =	ssyncset.done $0x0  }
0x6c: {  	s29 =	sadd.s32 $0x118, s8;
	[sflag:s30] =	ssyncadd.s32 $0xFFFFEC00  }
0x6d: {  	[tilespmem:s23], [sflag:$0x3] =	stream.indirect.gather [hbm4b:s4+s19], $0x80, s29, s19, $0xb8;
	[tilespmem:$0x1D400] =	vst v63  }
0x6e: {  	_ =	swait.ge [sflag:s18], $0x1400  }
0x6f: {  	[sflag:s18] =	ssyncset.done $0x0  }
0x70: {  	s11 =	sadd.s32 $0x2900, s7;
	[sflag:s18] =	ssyncadd.s32 $0xFFFFEC00  }
0x71: {  	[spmem:s2] =	stream.indirect.scatter.add.f32 [tilespmem:s25], [sflag:$0x8], $0x80, s11, s19, $0xb8;
	[tilespmem:$0x1D400] =	vst v63  }
0x72: {  	_ =	swait.ge [sflag:s30], $0x1400  }
0x73: {  	[sflag:s30] =	ssyncset.done $0x0  }
0x74: {  	s12 =	sadd.s32 $0x140, s8;
	[sflag:s30] =	ssyncadd.s32 $0xFFFFEC00  }
0x75: {  	[tilespmem:s25], [sflag:$0x4] =	stream.indirect.gather [hbm4b:s4+s19], $0x80, s12, s19, $0xb8;
	[tilespmem:$0x1D400] =	vst v63  }
0x76: {  	_ =	swait.ge [sflag:s22], $0x1400  }
0x77: {  	[sflag:s22] =	ssyncset.done $0x0  }
0x78: {  	s14 =	sadd.s32 $0x2980, s7;
	[sflag:s22] =	ssyncadd.s32 $0xFFFFEC00  }
0x79: {  	[spmem:s2] =	stream.indirect.scatter.add.f32 [tilespmem:s28], [sflag:$0x8], $0x80, s14, s19, $0xb8;
	[tilespmem:$0x1D400] =	vst v63  }
0x7a: {  	_ =	swait.ge [sflag:s30], $0x1400  }
0x7b: {  	[sflag:s30] =	ssyncset.done $0x0  }
0x7c: {  	s15 =	sadd.s32 $0x168, s8;
	[sflag:s30] =	ssyncadd.s32 $0xFFFFEC00  }
0x7d: {  	[tilespmem:s28], [sflag:$0x5] =	stream.indirect.gather [hbm4b:s4+s19], $0x80, s15, s19, $0xb8;
	[tilespmem:$0x1D400] =	vst v63  }
0x7e: {  	_ =	swait.ge [sflag:s17], $0x1400  }
0x7f: {  	[sflag:s17] =	ssyncset.done $0x0  }
0x80: {  	s16 =	sadd.s32 $0x2A00, s7;
	[sflag:s17] =	ssyncadd.s32 $0xFFFFEC00  }
0x81: {  	[spmem:s2] =	stream.indirect.scatter.add.f32 [tilespmem:s20], [sflag:$0x8], $0x80, s16, s19, $0xb8;
	[tilespmem:$0x1D400] =	vst v63  }
0x82: {  	_ =	swait.ge [sflag:s30], $0x1400  }
0x83: {  	[sflag:s30] =	ssyncset.done $0x0  }
0x84: {  	s9 =	simm.s32 @p1 $0x2;
	[sflag:s30] =	ssyncadd.s32 $0xFFFFEC00  }
0x85: {  	_ =	swait.ge @p1 [sflag:s9], $0x1400  }
0x86: {  	s11 =	simm.s32 @p1 $0x28;
	[sflag:s9] =	ssyncset.done @p1 $0x0  }
0x87: {  	s12 =	simm.s32 @p1 $0x4B80;
	[sflag:s9] =	ssyncadd.s32 @p1 $0xFFFFEC00;
	s9 =	sadd.s32 @p1 $0x2A80, s7  }
0x88: {  	[spmem:s2] =	stream.indirect.scatter.add.f32 @p1 [tilespmem:s12], [sflag:$0x8], $0x80, s9, s11, $0xb8;
	[tilespmem:$0x1D400] =	vst v63  }
0x89: {  	s9 =	simm.s32 @p1 $0x8  }
0x8a: {  	_ =	swait.ge @p1 [sflag:s9], $0x1400  }
0x8b: {  	s14 =	simm.s32 @!p1 $0x28;
	[sflag:s9] =	ssyncset.done @p1 $0x0  }
0x8c: {  	s15 =	simm.s32 @!p1 $0x3780;
	s12 =	sadd.s32 @!p1 $0x190, s8;
	[sflag:s9] =	ssyncadd.s32 @p1 $0xFFFFEC00  }
0x8d: {  	[tilespmem:s15], [sflag:$0x1] =	stream.indirect.gather @!p1 [hbm4b:s4+s14], $0x80, s12, s14, $0xb8;
	[tilespmem:$0x1D400] =	vst v63  }
0x8e: {  	s12 =	simm.s32 @!p1 $0x2  }
0x8f: {  	_ =	swait.ge @!p1 [sflag:s12], $0x1400  }
0x90: {  	[sflag:s12] =	ssyncset.done @!p1 $0x0  }
0x91: {  	s15 =	simm.s32 @!p1 $0x4B80;
	[sflag:s12] =	ssyncadd.s32 @!p1 $0xFFFFEC00;
	s12 =	sadd.s32 @!p1 $0x2A80, s7  }
0x92: {  	[spmem:s2] =	stream.indirect.scatter.add.f32 @!p1 [tilespmem:s15], [sflag:$0x8], $0x80, s12, s14, $0xb8;
	[tilespmem:$0x1D400] =	vst v63  }
0x93: {  	s12 =	simm.s32 @!p1 $0x8  }
0x94: {  	_ =	swait.ge @!p1 [sflag:s12], $0x1400  }
0x95: {  	[sflag:s12] =	ssyncset.done @!p1 $0x0  }
0x96: {  	s29 =	sadd.s32 @!p1 $0x1B8, s8;
	[sflag:s12] =	ssyncadd.s32 @!p1 $0xFFFFEC00  }
0x97: {  	[tilespmem:s15], [sflag:$0x2] =	stream.indirect.gather @!p1 [hbm4b:s4+s14], $0x80, s29, s14, $0xb8;
	[tilespmem:$0x1D400] =	vst v63  }
0x98: {  	_ =	swait.ge [sflag:s1], $0x1400  }
0x99: {  	[sflag:s1] =	ssyncset.done $0x0  }
0x9a: {  	s29 =	sadd.s32 $0x2B00, s7;
	[sflag:s1] =	ssyncadd.s32 $0xFFFFEC00  }
0x9b: {  	[spmem:s2] =	stream.indirect.scatter.add.f32 [tilespmem:s23], [sflag:$0x8], $0x80, s29, s19, $0xb8;
	[tilespmem:$0x1D400] =	vst v63  }
0x9c: {  	_ =	swait.ge [sflag:s30], $0x1400  }
0x9d: {  	[sflag:s30] =	ssyncset.done $0x0  }
0x9e: {  	s15 =	simm.s32 @p1 $0x4;
	[sflag:s30] =	ssyncadd.s32 $0xFFFFEC00  }
0x9f: {  	_ =	swait.ge @p1 [sflag:s15], $0x1400  }
0xa0: {  	[sflag:s15] =	ssyncset.done @p1 $0x0  }
0xa1: {  	s29 =	simm.s32 @p1 $0x7380;
	[sflag:s15] =	ssyncadd.s32 @p1 $0xFFFFEC00;
	s15 =	sadd.s32 @p1 $0x2B80, s7  }
0xa2: {  	[spmem:s2] =	stream.indirect.scatter.add.f32 @p1 [tilespmem:s29], [sflag:$0x8], $0x80, s15, s11, $0xb8;
	[tilespmem:$0x1D400] =	vst v63  }
0xa3: {  	_ =	swait.ge @p1 [sflag:s9], $0x1400  }
0xa4: {  	[sflag:s9] =	ssyncset.done @p1 $0x0  }
0xa5: {  	s11 =	simm.s32 @!p1 $0x5F80;
	[sflag:s9] =	ssyncadd.s32 @p1 $0xFFFFEC00;
	s9 =	sadd.s32 @!p1 $0x1E0, s8  }
0xa6: {  	[tilespmem:s11], [sflag:$0x3] =	stream.indirect.gather @!p1 [hbm4b:s4+s14], $0x80, s9, s14, $0xb8;
	[tilespmem:$0x1D400] =	vst v63  }
0xa7: {  	s9 =	simm.s32 @!p1 $0x4  }
0xa8: {  	_ =	swait.ge @!p1 [sflag:s9], $0x1400  }
0xa9: {  	[sflag:s9] =	ssyncset.done @!p1 $0x0  }
0xaa: {  	s11 =	simm.s32 @!p1 $0x7380;
	[sflag:s9] =	ssyncadd.s32 @!p1 $0xFFFFEC00;
	s9 =	sadd.s32 @!p1 $0x2B80, s7  }
0xab: {  	[spmem:s2] =	stream.indirect.scatter.add.f32 @!p1 [tilespmem:s11], [sflag:$0x8], $0x80, s9, s14, $0xb8;
	[tilespmem:$0x1D400] =	vst v63  }
0xac: {  	_ =	swait.ge @!p1 [sflag:s12], $0x1400  }
0xad: {  	[sflag:s12] =	ssyncset.done @!p1 $0x0  }
0xae: {  	s9 =	sadd.s32 @!p1 $0x208, s8;
	[sflag:s12] =	ssyncadd.s32 @!p1 $0xFFFFEC00  }
0xaf: {  	[tilespmem:s11], [sflag:$0x4] =	stream.indirect.gather @!p1 [hbm4b:s4+s14], $0x80, s9, s14, $0xb8;
	[tilespmem:$0x1D400] =	vst v63  }
0xb0: {  	_ =	swait.ge [sflag:s22], $0x1400  }
0xb1: {  	[sflag:s22] =	ssyncset.done $0x0  }
0xb2: {  	s7 =	sadd.s32 $0x2C00, s7;
	[sflag:s22] =	ssyncadd.s32 $0xFFFFEC00  }
0xb3: {  	[spmem:s2] =	stream.indirect.scatter.add.f32 [tilespmem:s28], [sflag:$0x8], $0x80, s7, s19, $0xb8;
	[tilespmem:$0x1D400] =	vst v63  }
0xb4: {  	_ =	swait.ge [sflag:s30], $0x1400  }
0xb5: {  	[sflag:s30] =	ssyncset.done $0x0  }
0xb6: {  	s7 =	sadd.s32 @!p1 $0x230, s8;
	s8 =	simm.s32 @!p1 $0x8780;
	[sflag:s30] =	ssyncadd.s32 $0xFFFFEC00  }
0xb7: {  	[tilespmem:s8], [sflag:$0x5] =	stream.indirect.gather @!p1 [hbm4b:s4+s14], $0x80, s7, s14, $0xb8;
	[tilespmem:$0x1D400] =	vst v63  }
0xb8: {  	p1 =	slt.u32 s26, $0x19  }
.Ltmp3:
0xb9: {  	_ = 	snop;
	(pc) =	sbr.rel @!p1 .LBB2_10-.Ltmp3, $2  }
0xba: {  	_ =	sdelay $0x2  }
0xbb: {  	s8 =	smov.u32 s26  }
.LBB2_6:
0xbc: {  	p1 =	seq.s32 s8, $0x0  }
0xbd: {  	p2 =	seq.s32 @!p1 s8, $0x18  }
0xbe: {  	p2 =	por p1, !p2  }
.Ltmp4:
0xbf: {  	s7 =	sand.u32 $0x1, s8;
	(pc) =	sbr.rel @p2 .LBB2_8-.Ltmp4, $4  }
0xc0: {  	s9 =	sor.u32 @!p1 $0x6, s7  }
0xc1: {  	_ =	swait.ge @!p1 [sflag:s9], $0x500  }
0xc2: {  	[sflag:s9] =	ssyncset.done @!p1 $0x0  }
0xc3: {  	[sflag:s9] =	ssyncadd.s32 @!p1 $0xFFFFFB00  }
.Ltmp5:
0xc4: {  	(pc) =	sbr.rel .LBB2_9-.Ltmp5, $2  }
0xc5: {  	_ =	sdelay $0x2  }
0xc6: {  	s26 =	simm.s32 @!p1 $0x19;
	p1 =	por @!p1 $0x1, $0x1  }
.LBB2_10:
0xc7: {  	[bflag:$0x0] =	sbarrier.arrive $0xFFFF  }
0xc8: {  	[tilespmem:s20], [sflag:$0x8] =	stream.linear.gather [spmem:s10], $0x1400, $0x38;
	[tilespmem:$0x1D400] =	vst v63  }
0xc9: {  	_ =	swait.ge [sflag:s30], $0x1400  }
0xca: {  	[sflag:s30] =	ssyncset.done $0x0  }
0xcb: {  	s7 =	rddreg [dreg:$0x6];
	[sflag:s30] =	ssyncadd.s32 $0xFFFFEC00  }
0xcc: {  	[hbm4b:s7+s3] =	stream.linear.scatter [tilespmem:s20], [sflag:$0x1], $0x1400, $0x38;
	[tilespmem:$0x1D400] =	vst v63  }
0xcd: {  	s16 =	rddreg [dreg:$0x7]  }
0xce: {  	[tilespmem:s21], [sflag:$0x8] =	stream.linear.gather [spmem:s16], $0x1400, $0x38;
	[tilespmem:$0x1D400] =	vst v63  }
0xcf: {  	_ =	swait.ge [sflag:s30], $0x1400  }
0xd0: {  	[sflag:s30] =	ssyncset.done $0x0;
	s8 =	rddreg [dreg:$0xa]  }
0xd1: {  	s26 =	rddreg [dreg:$0x8];
	[sflag:s30] =	ssyncadd.s32 $0xFFFFEC00;
	p1 =	sgt.u32 s8, $0xF9  }
0xd2: {  	[hbm4b:s26+s3] =	stream.linear.scatter [tilespmem:s21], [sflag:$0x2], $0x1400, $0x38;
	[tilespmem:$0x1D400] =	vst v63  }
0xd3: {  	s7 =	simm.s32 $0x2;
	p1 =	por p1, p1  }
0xd4: {  	s7 =	sand.u32 @!p1 $0x1, s7  }
0xd5: {  	s11 =	simm.s32 $0x4;
	s9 =	sadd.s32 @!p1 $0x1, s7;
	s7 =	smul.u32 @!p1 $0x5000, s7  }
0xd6: {  	s15 =	smov.u32 s13;
	s12 =	sadd.s32 $0x10, s8;
	_ =	swait.ge @!p1 [sflag:s9], $0x1400  }
0xd7: {  	s14 =	simm.s32 @!p1 $0x8;
	[sflag:s9] =	ssyncset.done @!p1 $0x0;
	s7 =	sshrl.u32 @!p1 s7, $0x2  }
0xd8: {  	[sflag:s9] =	ssyncadd.s32 @!p1 $0xFFFFEC00;
	s29 =	sadd.s32 @!p1 $0x3780, s7;
	s7 =	rddreg [dreg:$0x9]  }
0xd9: {  	[tilespmem:s29], [sflag:$0x8] =	stream.linear.gather @!p1 [spmem:s7], $0x1400, $0x38;
	[tilespmem:$0x1D400] =	vst v63  }
0xda: {  	s26 =	simm.s32 $0x3;
	p2 =	sgt.u32 s12, $0xF9;
	_ =	swait.ge @!p1 [sflag:s14], $0x1400  }
0xdb: {  	s12 =	sadd.s32 $0x10, s12;
	s8 =	sadd.s32 $0x14000, s7;
	[sflag:s14] =	ssyncset.done @!p1 $0x0  }
0xdc: {  	s7 =	sadd.s32 $0x2800, s13;
	[sflag:s14] =	ssyncadd.s32 @!p1 $0xFFFFEC00;
	s14 =	simm.s32 @!p1 $0x0  }
.LBB2_11:
0xdd: {  	[hbm4b:s15+s14] =	stream.linear.scatter @!p1 [tilespmem:s29], [sflag:s9], $0x1400, $0x38;
	[tilespmem:$0x1D400] =	vst v63  }
0xde: {  	s14 =	smov.u32 s11;
	s15 =	smov.u32 s7;
	p1 =	por p2, p2  }
0xdf: {  	p2 =	sgt.u32 s12, $0xF9;
	s11 =	sadd.s32 $0x1, s11;
	s26 =	sand.u32 @!p1 $0x1, s26  }
0xe0: {  	p3 =	sne.s32 s11, $0x10;
	s9 =	sadd.s32 @!p1 $0x1, s26;
	s29 =	smul.u32 @!p1 $0x5000, s26  }
0xe1: {  	s26 =	smov.u32 s14;
	_ =	swait.ge @!p1 [sflag:s9], $0x1400  }
0xe2: {  	s16 =	simm.s32 @!p1 $0x8;
	[sflag:s9] =	ssyncset.done @!p1 $0x0;
	s14 =	sshrl.u32 @!p1 s29, $0x2  }
.Ltmp6:
0xe3: {  	[sflag:s9] =	ssyncadd.s32 @!p1 $0xFFFFEC00;
	s29 =	sadd.s32 @!p1 $0x3780, s14;
	(pc) =	sbr.rel @p3 .LBB2_11-.Ltmp6, $4  }
0xe4: {  	[tilespmem:s29], [sflag:$0x8] =	stream.linear.gather @!p1 [spmem:s8], $0x1400, $0x38;
	[tilespmem:$0x1D400] =	vst v63  }
0xe5: {  	_ =	swait.ge @!p1 [sflag:s16], $0x1400  }
0xe6: {  	s7 =	sadd.s32 $0x2800, s7;
	s8 =	sadd.s32 $0x14000, s8;
	[sflag:s16] =	ssyncset.done @!p1 $0x0  }
0xe7: {  	s12 =	sadd.s32 $0x10, s12;
	s14 =	simm.s32 @!p1 $0x0;
	[sflag:s16] =	ssyncadd.s32 @!p1 $0xFFFFEC00  }
0xe8: {  	[hbm4b:s15+s14] =	stream.linear.scatter @!p1 [tilespmem:s29], [sflag:s9], $0x1400, $0x38;
	[tilespmem:$0x1D400] =	vst v63  }
0xe9: {  	p1 =	por p2, p2  }
0xea: {  	s9 =	sand.u32 @!p1 $0x1, s26  }
0xeb: {  	s11 =	sadd.s32 @!p1 $0x1, s9;
	s9 =	smul.u32 @!p1 $0x5000, s9  }
0xec: {  	_ =	swait.ge @!p1 [sflag:s11], $0x1400  }
0xed: {  	[sflag:s11] =	ssyncset.done @!p1 $0x0;
	s9 =	sshrl.u32 @!p1 s9, $0x2  }
0xee: {  	s12 =	simm.s32 @!p1 $0x8;
	[sflag:s11] =	ssyncadd.s32 @!p1 $0xFFFFEC00;
	s9 =	sadd.s32 @!p1 $0x3780, s9  }
0xef: {  	[tilespmem:s9], [sflag:$0x8] =	stream.linear.gather @!p1 [spmem:s8], $0x1400, $0x38;
	[tilespmem:$0x1D400] =	vst v63  }
0xf0: {  	_ =	swait.ge @!p1 [sflag:s12], $0x1400  }
0xf1: {  	[sflag:s12] =	ssyncset.done @!p1 $0x0  }
0xf2: {  	s8 =	simm.s32 @!p1 $0x0;
	[sflag:s12] =	ssyncadd.s32 @!p1 $0xFFFFEC00  }
0xf3: {  	[hbm4b:s7+s8] =	stream.linear.scatter @!p1 [tilespmem:s9], [sflag:s11], $0x1400, $0x38;
	[tilespmem:$0x1D400] =	vst v63  }
0xf4: {  	_ =	swait.ge [sflag:s17], $0x1400  }
0xf5: {  	[sflag:s17] =	ssyncset.done $0x0  }
0xf6: {  	s7 =	simm.s32 @!p0 $0x2;
	[sflag:s17] =	ssyncadd.s32 $0xFFFFEC00  }
0xf7: {  	_ =	swait.ge @!p0 [sflag:s7], $0x1400  }
0xf8: {  	s24 =	sadd.s32 $0x1, s24;
	s29 =	rddreg [dreg:$0x5]  }
0xf9: {  	p1 =	sne.s32 s24, s29  }
.Ltmp7:
0xfa: {  	_ = 	snop;
	(pc) =	sbr.rel @p1 .LBB2_1-.Ltmp7, $3  }
0xfb: {  	_ =	sdelay $0x1  }
0xfc: {  	[sflag:s7] =	ssyncset.done @!p0 $0x0  }
0xfd: {  	[sflag:s7] =	ssyncadd.s32 @!p0 $0xFFFFEC00  }
0xfe: {  	_ =	sfence.sel $0x180000  }
0xff: {  	[bflag:$0x0] =	sbarrier.arrive $0xFFFF  }
0x100: {  	_ =	strace $0x9000004A  }
0x101: {  	[bflag:$0x2] =	sbarrier.arrive $0xFFFF  }
0x102: {  	p0 =	sne.s32 s0, $0x0;
	s0 =	rddreg [dreg:$0x2]  }
0x103: {  	s0 =	sadd.s32 @!p0 $0x100000, s0  }
0x104: {  	[sflag:s0] =	ssyncadd.tile.s32 @!p0 $0x1;
	_ =	shalt  }
.Lfunc_end2:
_tile_overlayer_lowered:
.L_overlay_start_2:
0x105: {  	(tag) =	ssettag $0x2  }
0x106: {  	s0 =	rddreg [dreg:$0x0];
	s2 =	stileid.u32  }
0x107: {  	s1 =	rddreg [dreg:$0x1];
	p0 =	sne.s32 s2, $0x0  }
0x108: {  	s3 =	rddreg [dreg:$0x2];
	[bflag:$0x3] =	sbarrier.arrive $0xFFFF;
	s2 =	simm.s32 @!p0 $0x1C08  }
0x109: {  	[timem:s3], [sflag:s2] =	dma.local @!p0 [hbm:s0], s1  }
0x10a: {  	s0 =	simm.s32 @!p0 $0x8  }
0x10b: {  	_ =	swait.ge @!p0 [sflag:s0], s1  }
0x10c: {  	s1 =	ssub.s32 @!p0 $0x0, s1;
	[sflag:s0] =	ssyncset.done @!p0 $0x0  }
0x10d: {  	[sflag:s0] =	ssyncadd.s32 @!p0 s1  }
0x10e: {  	[bflag:$0x3] =	sbarrier.arrive $0xFFFF  }
0x10f: {  	_ =	shalt  }

// kernel: kernel.14.cloned.1.call-start
scs
__scs_entry_jumppad:
0x0: {  	(pc) =	sbr.rel $0x88, $3  }
0x1: {  	(tag) =	ssettag $0x0;
	lr =	simm.s32 $0x1  }
0x2: {  	[smem:$0x3F98] =	sst lr;
	_ =	strace $0xD0000000  }
0x3: {  	_ = 	snop  }
0x4: {  	_ = 	snop  }
0x5: {  	_ = 	snop  }
0x6: {  	_ = 	snop  }
0x7: {  	_ = 	snop  }
__scs_overlays_trampoline_lowered:
0x8: {  	[smem:$0x3FA7] =	sst s0  }
0x9: {  	[smem:$0x3FA8] =	sst s1  }
0xa: {  	[smem:$0x3FA9] =	sst s2  }
0xb: {  	[smem:$0x3FAA] =	sst s3  }
0xc: {  	[smem:$0x3FAB] =	sst s4  }
0xd: {  	[smem:$0x3FAC] =	sst s5  }
0xe: {  	[smem:$0x3FAD] =	sst s6  }
0xf: {  	[smem:$0x3FAE] =	sst s7  }
0x10: {  	[smem:$0x3FAF] =	sst s8  }
0x11: {  	[smem:$0x3FB0] =	sst s9;
	s0 =	simm.s32 @!p0 $0x0  }
0x12: {  	s1 =	sld [smem:$0x3F96];
	s0 =	simm.s32 @p0 $0x1  }
0x13: {  	[smem:$0x3FB1] =	sst s0;
	s0 =	simm.s32 @!p1 $0x0  }
0x14: {  	s2 =	sld [smem:$0x3F95];
	s0 =	simm.s32 @p1 $0x1  }
0x15: {  	[smem:$0x3FB2] =	sst s0;
	s0 =	simm.s32 @!p2 $0x0  }
0x16: {  	s3 =	sld [smem:$0x3FDB];
	s0 =	simm.s32 @p2 $0x1  }
0x17: {  	s4 =	simm.s32 $0x1BF5;
	[smem:$0x3FB4] =	sst s0  }
0x18: {  	s0 =	sld [smem:$0x3F97];
	_ =	swait.ge [sflag:s4], $0x0  }
0x19: {  	s7 =	sld [smem:$0x3F98]  }
0x1a: {  	s8 =	sadd.s32 $0xFFFFE003, lr  }
0x1b: {  	s9 =	sadd.s32 $0xFFFFFEF7, lr;
	s5 =	simm.s32 $0xFFFFFFFF;
	p2 =	slt.u32 s8, $0xFFFFF086  }
0x1c: {  	p1 =	slt.u32 s9, $0xF7A;
	s5 =	simm.s32 @!p2 $0x0  }
0x1d: {  	s5 =	simm.s32 @p1 $0x1;
	p0 =	seq.s32 s7, s2  }
0x1e: {  	s7 =	smul.u32 @!p0 $0xF7A, s2;
	p2 =	seq.s32 @!p0 s5, $0x0  }
0x1f: {  	s9 =	smul.u32 $0xF7A, s1;
	s8 =	simm.s32 @!p0 $0x1BF5;
	p2 =	por !p2, p0  }
0x20: {  	[sflag:s8] =	ssyncset.s32 @!p0 $0xFFFFF086;
	s6 =	sadd.s32 @!p0 s3, s7;
	s7 =	simm.s32 @!p0 $0x108  }
0x21: {  	s3 =	sadd.s32 s3, s9;
	s6 =	sadd.s32 @!p0 $0x88, s6;
	s7 =	simm.s32 @p2 $0x1082  }
0x22: {  	[simem:s7], [sflag:s8] =	dma.local @!p0 [hbm:s6], $0xF7A  }
0x23: {  	s9 =	sor.u32 $0xD0000000, s2;
	s6 =	simm.s32 $0x108;
	_ =	swait.ge @!p0 [sflag:s8], $0x0  }
0x24: {  	s3 =	sadd.s32 $0x88, s3;
	s6 =	simm.s32 @!p1 $0x1082;
	[sflag:s4] =	ssyncset.s32 $0xFFFFF086  }
0x25: {  	[simem:s6], [sflag:s4] =	dma.local [hbm:s3], $0xF7A  }
0x26: {  	[smem:$0x3F98] =	sst s1;
	(tag) =	ssettag s2;
	_ =	strace s9  }
0x27: {  	s1 =	sld [smem:$0x3FA8]  }
0x28: {  	s2 =	sld [smem:$0x3FA9]  }
0x29: {  	s4 =	sld [smem:$0x3FAB]  }
0x2a: {  	p0 =	seq.s32 s5, $0x0;
	s5 =	sld [smem:$0x3FAC]  }
0x2b: {  	s6 =	sld [smem:$0x3FAD]  }
0x2c: {  	s7 =	sld [smem:$0x3FAE]  }
0x2d: {  	s3 =	simm.s32 $0x108;
	s8 =	sld [smem:$0x3FAF]  }
0x2e: {  	s3 =	simm.s32 @!p0 $0x1082;
	s9 =	sld [smem:$0x3FB0]  }
0x2f: {  	lr =	sadd.s32 s0, s3;
	s0 =	sld [smem:$0x3FA7]  }
0x30: {  	s3 =	sld [smem:$0x3FAA]  }
0x31: {  	[smem:$0x3FB3] =	sst s10  }
0x32: {  	s10 =	sld [smem:$0x3FB1];
	_ =	sdelay $0x3  }
0x33: {  	p0 =	seq.s32 s10, $0x1;
	s10 =	sld [smem:$0x3FB3];
	_ =	sdelay $0x3  }
0x34: {  	[smem:$0x3FB3] =	sst s10  }
0x35: {  	s10 =	sld [smem:$0x3FB2];
	_ =	sdelay $0x3  }
0x36: {  	p1 =	seq.s32 s10, $0x1;
	s10 =	sld [smem:$0x3FB3];
	_ =	sdelay $0x3  }
0x37: {  	[smem:$0x3FB3] =	sst s10  }
0x38: {  	s10 =	sld [smem:$0x3FB4]  }
0x39: {  	_ = 	snop;
	(pc) =	sbr.ind lr, $3  }
0x3a: {  	_ = 	snop  }
0x3b: {  	_ = 	snop  }
0x3c: {  	p2 =	seq.s32 s10, $0x1;
	s10 =	sld [smem:$0x3FB3]  }
0x3d: {  	_ =	shalt  }
0x3e: {  	_ =	shalt  }
0x3f: {  	_ =	shalt  }
0x40: {  	_ =	shalt  }
0x41: {  	_ =	shalt  }
0x42: {  	_ =	shalt  }
0x43: {  	_ =	shalt  }
0x44: {  	_ =	shalt  }
0x45: {  	_ =	shalt  }
0x46: {  	_ =	shalt  }
0x47: {  	_ =	shalt  }
0x48: {  	_ =	shalt  }
0x49: {  	_ =	shalt  }
0x4a: {  	_ =	shalt  }
0x4b: {  	_ =	shalt  }
0x4c: {  	_ =	shalt  }
0x4d: {  	_ =	shalt  }
0x4e: {  	_ =	shalt  }
0x4f: {  	_ =	shalt  }
0x50: {  	_ =	shalt  }
0x51: {  	_ =	shalt  }
0x52: {  	_ =	shalt  }
0x53: {  	_ =	shalt  }
0x54: {  	_ =	shalt  }
0x55: {  	_ =	shalt  }
0x56: {  	_ =	shalt  }
0x57: {  	_ =	shalt  }
0x58: {  	_ =	shalt  }
0x59: {  	_ =	shalt  }
0x5a: {  	_ =	shalt  }
0x5b: {  	_ =	shalt  }
0x5c: {  	_ =	shalt  }
0x5d: {  	_ =	shalt  }
0x5e: {  	_ =	shalt  }
0x5f: {  	_ =	shalt  }
0x60: {  	_ =	shalt  }
0x61: {  	_ =	shalt  }
0x62: {  	_ =	shalt  }
0x63: {  	_ =	shalt  }
0x64: {  	_ =	shalt  }
0x65: {  	_ =	shalt  }
0x66: {  	_ =	shalt  }
0x67: {  	_ =	shalt  }
0x68: {  	_ =	shalt  }
0x69: {  	_ =	shalt  }
0x6a: {  	_ =	shalt  }
0x6b: {  	_ =	shalt  }
0x6c: {  	_ =	shalt  }
0x6d: {  	_ =	shalt  }
0x6e: {  	_ =	shalt  }
0x6f: {  	_ =	shalt  }
0x70: {  	_ =	shalt  }
0x71: {  	_ =	shalt  }
0x72: {  	_ =	shalt  }
0x73: {  	_ =	shalt  }
0x74: {  	_ =	shalt  }
0x75: {  	_ =	shalt  }
0x76: {  	_ =	shalt  }
0x77: {  	_ =	shalt  }
0x78: {  	_ =	shalt  }
0x79: {  	_ =	shalt  }
0x7a: {  	_ =	shalt  }
0x7b: {  	_ =	shalt  }
0x7c: {  	_ =	shalt  }
0x7d: {  	_ =	shalt  }
0x7e: {  	_ =	shalt  }
0x7f: {  	_ =	shalt  }
0x80: {  	_ =	shalt  }
0x81: {  	_ =	shalt  }
0x82: {  	_ =	shalt  }
0x83: {  	_ =	shalt  }
0x84: {  	_ =	shalt  }
0x85: {  	_ =	shalt  }
0x86: {  	_ =	shalt  }
0x87: {  	_ =	shalt  }
.Lfunc_end0:
.L_simem_size_0:
called_computation.2_lowered:
.L_overlay_start_0:
0x88: {  	s2 =	sld [smem:$0x3FD9]  }
0x89: {  	s3 =	sld [smem:$0x3FFE];
	_ =	sdelay $0x1  }
0x8a: {  	s1 =	srdreg.scid  }
0x8b: {  	s0 =	sand.u32 $0x1, s1  }
0x8c: {  	s16 =	sshll.u32 s0, $0xA;
	s2 =	sadd.s32 s3, s2  }
0x8d: {  	s2 =	sadd.s32 s2, s16  }
0x8e: {  	[smem:$0x3FBF] =	sst s2  }
0x8f: {  	_ = 	snop  }
0x90: {  	(tm) =	ssettm $0x1  }
0x91: {  	s17 =	sld [smem:$0x3FFB];
	_ =	sdelay $0x3  }
0x92: {  	_ =	strace s17  }
0x93: {  	s2 =	sld [smem:$0x3FFC];
	_ =	sdelay $0x3  }
0x94: {  	_ =	strace s2  }
0x95: {  	s2 =	sld [smem:$0x3FFD];
	_ =	sdelay $0x3  }
0x96: {  	_ =	strace s2  }
0x97: {  	_ =	strace $0x8FFFFFFF  }
0x98: {  	s18 =	sld [smem:$0x3FDB];
	_ =	sdelay $0x1  }
0x99: {  	s19 =	simm.s32 $_scs_section_size  }
0x9a: {  	s4 =	simm.s32 $_size__tile_overlayer_lowered;
	s5 =	simm.s32 $_tile_overlayer_lowered  }
0x9b: {  	s22 =	simm.s32 $0x1BFF;
	s21 =	sshll.u32 s5, $0x1;
	s2 =	sadd.s32 s19, s18  }
0x9c: {  	s6 =	simm.s32 $0x0;
	s20 =	sshll.u32 s4, $0x1;
	s4 =	sadd.s32 s21, s2  }
0x9d: {  	[timem:s6], [sflag:s22] =	dma.local [hbm:s4], s20  }
0x9e: {  	_ =	swait.ge [sflag:s22], s20  }
0x9f: {  	s3 =	ssub.s32 $0x0, s20;
	[sflag:s22] =	ssyncset.done $0x0  }
0xa0: {  	[sflag:s22] =	ssyncadd.s32 s3;
	_ =	sdelay $0x1  }
0xa1: {  	s23 =	simm.s32 $0x1B8B  }
0xa2: {  	_ =	swait.ge [sflag:s23], $0x1  }
0xa3: {  	[sflag:s23] =	ssyncset.done $0x0  }
0xa4: {  	s25 =	simm.s32 $0x1B8E;
	s24 =	sld [smem:$0x3FFE];
	[sflag:s23] =	ssyncadd.s32 $0xFFFFFFFF  }
0xa5: {  	s26 =	simm.s32 $execute0_lowered;
	[smem:$0x3FD2] =	sst s25  }
0xa6: {  	s4 =	sshll.u32 s26, $0x1;
	_ =	strace $0x8000004C;
	[dreg:$0x1] =	wrdreg $0xFFFFFFFF  }
0xa7: {  	s28 =	simm.s32 $_size_execute0_lowered;
	s2 =	sadd.s32 s2, s4;
	[dreg:$0x0] =	wrdreg $0x0  }
0xa8: {  	s4 =	sshll.u32 s28, $0x1;
	[dreg:$0x2] =	wrdreg s2  }
0xa9: {  	[dreg:$0x3] =	wrdreg s4  }
0xaa: {  	[dreg:$0x4] =	wrdreg $0xC0  }
0xab: {  	_ =	task [dreg:s6], $0x5FFFF  }
0xac: {  	[dreg:$0x1] =	wrdreg $0xFFFFFFFF  }
0xad: {  	[dreg:$0x0] =	wrdreg $0x60  }
0xae: {  	[dreg:$0x2] =	wrdreg s24  }
0xaf: {  	[dreg:$0x3] =	wrdreg $0x9B800  }
0xb0: {  	[dreg:$0x4] =	wrdreg $0x9  }
0xb1: {  	_ =	task.clear_ibuf [dreg:s6], $0x5FFFF;
	_ =	strace $0x9000004C  }
0xb2: {  	s29 =	simm.s32 $0x9;
	_ =	strace $0x8000004E  }
0xb3: {  	_ =	swait.ge [sflag:s29], $0x1  }
0xb4: {  	[sflag:s29] =	ssyncadd.s32 $0xFFFFFFFF  }
0xb5: {  	_ =	strace $0x9000004E  }
0xb6: {  	_ =	sfence  }
0xb7: {  	s30 =	sld [smem:$0x0];
	_ =	sdelay $0x2  }
0xb8: {  	s31 =	sshll.u32 s1, $0xD;
	s1 =	sshrl.u32 s1, $0x2  }
0xb9: {  	s3 =	sand.u32 $0x4000, s31;
	s1 =	sadd.s32 s1, s30  }
0xba: {  	s0 =	sor.u32 s3, s0;
	s1 =	sshll.u32 s1, $0x11  }
0xbb: {  	s0 =	sor.u32 s1, s0  }
0xbc: {  	s0 =	sadd.s32 $0x8F2B, s0  }
0xbd: {  	[sflag:s0] =	ssyncadd.remote.s32 $0x1  }
0xbe: {  	_ =	sfence.sel $0xFFFF  }
0xbf: {  	[dreg:$0x0] =	wrdreg $0xFFFFFFFF;
	(pc) =	sbr.abs _section_cstart, $3  }
0xc0: {  	[dreg:$0x1] =	wrdreg $0xFFFFFFFF  }
0xc1: {  	_ =	task.clear_ibuf [dreg:s6], $0x2FFFF;
	_ =	strace $0x9FFFFFFF  }
0xc2: {  	(tm) =	ssettm $0x7FFFFFFF  }
0xc3: {  	_ =	shalt  }
tec
execute0_lowered:
.L_overlay_start_1:
0x0: {  	(tag) =	ssettag $0x1  }
0x1: {  	s1 =	srdreg.scid;
	s6 =	rddreg [dreg:$0x0]  }
0x2: {  	s0 =	stileid.u32;
	s2 =	rddreg [dreg:$0x1]  }
0x3: {  	s17 =	simm.s32 $0x1;
	s28 =	simm.s32 $0x8780;
	s30 =	simm.s32 $0x8  }
0x4: {  	s31 =	simm.s32 $0x2;
	s1 =	sand.u32 $0x1, s1;
	s19 =	smul.u32 $0x5000, s0  }
0x5: {  	s3 =	sshll.u32 s0, $0x1;
	s12 =	smul.u32 $0x1400, s0;
	s13 =	sor.u32 $0x10, s0  }
0x6: {  	s7 =	sor.u32 s1, s3;
	s9 =	ssub.s32 $0x2, s1;
	s1 =	smul.u32 $0x138800, s1  }
0x7: {  	s4 =	sadd.s32 $0x9B200, s6;
	s11 =	sadd.s32 $0xC2400, s6;
	s21 =	smul.u32 $0x5000, s13  }
0x8: {  	s29 =	sor.u32 $0x20, s0;
	s3 =	simm.s32 $0x0;
	s13 =	smul.u32 $0x1400, s13  }
0x9: {  	p0 =	sgt.u32 s0, $0x9;
	s5 =	smul.u32 $0x4E2, s7;
	[smem:$0x7FF] =	sst s3  }
0xa: {  	s7 =	smul.u32 $0xC800, s7;
	s18 =	sshrl.u32 s9, $0x1;
	_ =	strace $0x8000004D  }
0xb: {  	s9 =	ssub.s32 s9, s18;
	s12 =	sadd.s32 s1, s12;
	s23 =	sshrl.u32 s21, $0x2  }
0xc: {  	s1 =	sadd.s32 s1, s13;
	[dreg:$0xa] =	wrdreg s29;
	s21 =	simm.s32 $0x4B80  }
0xd: {  	s18 =	simm.s32 $0x4;
	s8 =	sadd.s32 s5, s6;
	s5 =	sadd.s32 $0x23800, s6  }
0xe: {  	s6 =	sadd.s32 $0x190000, s7;
	s7 =	sshrl.u32 s19, $0x2;
	s9 =	smax.u32 s9, $0x1  }
0xf: {  	s22 =	sshrl.u32 s12, $0x3;
	s1 =	sshrl.u32 s1, $0x3;
	s24 =	sadd.s32 $0x28000, s12  }
0x10: {  	s19 =	simm.s32 $0x28;
	s10 =	sshrl.u32 s6, $0x3;
	s8 =	sadd.s32 $0x87800, s8  }
0x11: {  	[dreg:$0x5] =	wrdreg s9;
	s1 =	sadd.s32 s11, s1;
	s26 =	sshrl.u32 s24, $0x3  }
0x12: {  	s24 =	simm.s32 $0x0;
	[dreg:$0x3] =	wrdreg s8;
	s20 =	sadd.s32 s5, s10  }
0x13: {  	s10 =	sadd.s32 s7, s2;
	s7 =	sadd.s32 s11, s22;
	[dreg:$0x8] =	wrdreg s1  }
0x14: {  	s13 =	sadd.s32 s26, s11;
	s1 =	simm.s32 $0x3;
	[dreg:$0x4] =	wrdreg s20  }
0x15: {  	s22 =	simm.s32 $0x5;
	[dreg:$0x6] =	wrdreg s7;
	s7 =	sadd.s32 s23, s2  }
0x16: {  	s25 =	sadd.s32 $0x28000, s10;
	s20 =	simm.s32 $0x3780;
	[dreg:$0x7] =	wrdreg s7  }
0x17: {  	v0 =	vimm.f32 $0.0e+00;
	s23 =	simm.s32 $0x5F80;
	[dreg:$0x9] =	wrdreg s25;
	s25 =	simm.s32 $0x7380  }
.LBB2_1:
0x18: {  	s7 =	rddreg [dreg:$0x3]  }
0x19: {  	[tilespmem:s3], [sflag:$0x1] =	stream.linear.gather [hbm4b:s7+s3], $0x2710, $0x38;
	[tilespmem:$0x1D400] =	vst v63  }
0x1a: {  	s8 =	simm.s32 $0x200;
	s7 =	simm.s32 $0x0  }
.LBB2_2:
0x1b: {  	p1 =	sne.s32 s8, $0x4E00;
	[tilespmem:s7+$0x37F0] =	vst v0  }
0x1c: {  	[tilespmem:s7+$0x3780] =	vst v0  }
0x1d: {  	[tilespmem:s7+$0x3790] =	vst v0  }
.Ltmp0:
0x1e: {  	[tilespmem:s7+$0x37A0] =	vst v0;
	(pc) =	sbr.rel @p1 .LBB2_2-.Ltmp0, $4  }
0x1f: {  	[tilespmem:s7+$0x37B0] =	vst v0  }
0x20: {  	[tilespmem:s7+$0x37C0] =	vst v0  }
0x21: {  	[tilespmem:s7+$0x37D0] =	vst v0  }
0x22: {  	[tilespmem:s7+$0x37E0] =	vst v0;
	s7 =	sshra.s32 s8, $0x2;
	s8 =	sadd.s32 $0x200, s8  }
0x23: {  	[tilespmem:s7+$0x37F0] =	vst v0  }
0x24: {  	[tilespmem:s7+$0x3780] =	vst v0  }
0x25: {  	[tilespmem:s7+$0x3790] =	vst v0  }
0x26: {  	[tilespmem:s7+$0x37A0] =	vst v0  }
0x27: {  	[tilespmem:s7+$0x37B0] =	vst v0  }
0x28: {  	[tilespmem:s7+$0x37C0] =	vst v0;
	s8 =	sadd.s32 $0x0, s0  }
0x29: {  	[tilespmem:s7+$0x37D0] =	vst v0;
	p1 =	sgt.u32 s8, $0xF9  }
0x2a: {  	[tilespmem:s7+$0x37E0] =	vst v0;
	s7 =	simm.s32 @!p1 $0x3780;
	s11 =	simm.s32 @!p1 $0x8  }
0x2b: {  	[spmem:s10] =	stream.linear.scatter @!p1 [tilespmem:s7], [sflag:$0x8], $0x1400, $0x38;
	[tilespmem:$0x1D400] =	vst v63  }
0x2c: {  	s9 =	simm.s32 $0x20;
	_ =	swait.ge @!p1 [sflag:s11], $0x1400  }
0x2d: {  	s8 =	simm.s32 $0x10;
	s7 =	sadd.s32 $0x14000, s10;
	[sflag:s11] =	ssyncset.done @!p1 $0x0  }
.LBB2_4:
0x2e: {  	s12 =	sadd.s32 s8, s0;
	s8 =	smov.u32 s9;
	s9 =	sadd.s32 $0x10, s9  }
0x2f: {  	[sflag:s11] =	ssyncadd.s32 @!p1 $0xFFFFEC00;
	p2 =	sne.s32 s9, $0x100  }
.Ltmp1:
0x30: {  	p1 =	sgt.u32 s12, $0xF9;
	(pc) =	sbr.rel @p2 .LBB2_4-.Ltmp1, $4  }
0x31: {  	s12 =	simm.s32 @!p1 $0x3780;
	s11 =	simm.s32 @!p1 $0x8  }
0x32: {  	[spmem:s7] =	stream.linear.scatter @!p1 [tilespmem:s12], [sflag:$0x8], $0x1400, $0x38;
	[tilespmem:$0x1D400] =	vst v63  }
0x33: {  	_ =	swait.ge @!p1 [sflag:s11], $0x1400  }
0x34: {  	s7 =	sadd.s32 $0x14000, s7;
	[sflag:s11] =	ssyncset.done @!p1 $0x0  }
0x35: {  	s8 =	sadd.s32 s8, s0  }
0x36: {  	p2 =	sgt.u32 s8, $0xF9  }
0x37: {  	[sflag:s11] =	ssyncadd.s32 @!p1 $0xFFFFEC00;
	s8 =	simm.s32 @!p2 $0x3780;
	s9 =	simm.s32 @!p2 $0x8  }
0x38: {  	[spmem:s7] =	stream.linear.scatter @!p2 [tilespmem:s8], [sflag:$0x8], $0x1400, $0x38;
	[tilespmem:$0x1D400] =	vst v63  }
0x39: {  	_ =	swait.ge @!p2 [sflag:s9], $0x1400  }
0x3a: {  	[sflag:s9] =	ssyncset.done @!p2 $0x0  }
0x3b: {  	[sflag:s9] =	ssyncadd.s32 @!p2 $0xFFFFEC00  }
0x3c: {  	_ =	swait.ge [sflag:s17], $0x2710  }
0x3d: {  	[sflag:s17] =	ssyncset.done $0x0  }
0x3e: {  	[sflag:s17] =	ssyncadd.s32 $0xFFFFD8F0  }
0x3f: {  	[bflag:$0x0] =	sbarrier.arrive $0xFFFF  }
0x40: {  	s14 =	simm.s32 $0x2780;
	s8 =	simm.s32 $0x0;
	s12 =	rddreg [dreg:$0x4]  }
0x41: {  	[tilespmem:s14], [sflag:$0x6] =	stream.linear.gather [hbm4b:s12+s8], $0x500, $0x38;
	[tilespmem:$0x1D400] =	vst v63  }
0x42: {  	_ = 	snop  }
0x43: {  	[tilespmem:s20], [sflag:$0x1] =	stream.indirect.gather [hbm4b:s4+s19], $0x80, s8, s19, $0xb8;
	[tilespmem:$0x1D400] =	vst v63  }
0x44: {  	_ = 	snop  }
0x45: {  	[tilespmem:s21], [sflag:$0x2] =	stream.indirect.gather [hbm4b:s4+s19], $0x80, s19, s19, $0xb8;
	[tilespmem:$0x1D400] =	vst v63  }
0x46: {  	s15 =	simm.s32 $0x50  }
0x47: {  	[tilespmem:s23], [sflag:$0x3] =	stream.indirect.gather [hbm4b:s4+s19], $0x80, s15, s19, $0xb8;
	[tilespmem:$0x1D400] =	vst v63  }
0x48: {  	s16 =	simm.s32 $0x78  }
0x49: {  	[tilespmem:s25], [sflag:$0x4] =	stream.indirect.gather [hbm4b:s4+s19], $0x80, s16, s19, $0xb8;
	[tilespmem:$0x1D400] =	vst v63  }
.Ltmp2:
0x4a: {  	s26 =	simm.s32 $0xA0;
	s29 =	simm.s32 $0x6;
	(pc) =	sbr.rel .LBB2_6-.Ltmp2, $4  }
0x4b: {  	[tilespmem:s28], [sflag:$0x5] =	stream.indirect.gather [hbm4b:s4+s19], $0x80, s26, s19, $0xb8;
	[tilespmem:$0x1D400] =	vst v63  }
0x4c: {  	_ =	swait.ge [sflag:s29], $0x500  }
0x4d: {  	[sflag:s29] =	ssyncset.done $0x0  }
0x4e: {  	[sflag:s29] =	ssyncadd.s32 $0xFFFFFB00  }
.LBB2_8:
0x4f: {  	s26 =	sadd.s32 @!p1 $0x1, s8  }
0x50: {  	s26 =	simm.s32 @p1 $0x1  }
0x51: {  	s9 =	sshll.u32 s26, $0xB  }
0x52: {  	s11 =	sxor.u32 $0x1, s7;
	s9 =	sadd.s32 s9, s6  }
0x53: {  	s12 =	sshll.u32 s11, $0xB;
	s11 =	sor.u32 $0x6, s11;
	s9 =	sshrl.u32 s9, $0x3  }
0x54: {  	p1 =	por $0x0, $0x0;
	s12 =	sor.u32 $0x2780, s12;
	s9 =	sadd.s32 s5, s9  }
0x55: {  	[tilespmem:s12], [sflag:s11] =	stream.linear.gather [hbm4b:s9+s3], $0x500, $0x38;
	[tilespmem:$0x1D400] =	vst v63  }
.LBB2_9:
0x56: {  	_ =	swait.ge [sflag:s17], $0x1400  }
0x57: {  	s7 =	sshll.u32 s7, $0xB;
	[sflag:s17] =	ssyncset.done $0x0  }
0x58: {  	s8 =	smul.u32 $0x640, s8;
	s9 =	sor.u32 $0x2780, s7;
	[sflag:s17] =	ssyncadd.s32 $0xFFFFEC00  }
0x59: {  	[spmem:s2] =	stream.indirect.scatter.add.f32 [tilespmem:s20], [sflag:$0x8], $0x80, s9, s19, $0xb8;
	[tilespmem:$0x1D400] =	vst v63  }
0x5a: {  	_ =	swait.ge [sflag:s30], $0x1400  }
0x5b: {  	s8 =	sshra.s32 s8, $0x2;
	[sflag:s30] =	ssyncset.done $0x0  }
0x5c: {  	s12 =	sadd.s32 $0xC8, s8;
	[sflag:s30] =	ssyncadd.s32 $0xFFFFEC00  }
0x5d: {  	[tilespmem:s20], [sflag:$0x1] =	stream.indirect.gather [hbm4b:s4+s19], $0x80, s12, s19, $0xb8;
	[tilespmem:$0x1D400] =	vst v63  }
0x5e: {  	_ =	swait.ge [sflag:s31], $0x1400  }
0x5f: {  	[sflag:s31] =	ssyncset.done $0x0  }
0x60: {  	s14 =	sadd.s32 $0x2800, s7;
	[sflag:s31] =	ssyncadd.s32 $0xFFFFEC00  }
0x61: {  	[spmem:s2] =	stream.indirect.scatter.add.f32 [tilespmem:s21], [sflag:$0x8], $0x80, s14, s19, $0xb8;
	[tilespmem:$0x1D400] =	vst v63  }
0x62: {  	_ =	swait.ge [sflag:s30], $0x1400  }
0x63: {  	[sflag:s30] =	ssyncset.done $0x0  }
0x64: {  	s15 =	sadd.s32 $0xF0, s8;
	[sflag:s30] =	ssyncadd.s32 $0xFFFFEC00  }
0x65: {  	[tilespmem:s21], [sflag:$0x2] =	stream.indirect.gather [hbm4b:s4+s19], $0x80, s15, s19, $0xb8;
	[tilespmem:$0x1D400] =	vst v63  }
0x66: {  	_ =	swait.ge [sflag:s1], $0x1400  }
0x67: {  	[sflag:s1] =	ssyncset.done $0x0  }
0x68: {  	s16 =	sadd.s32 $0x2880, s7;
	[sflag:s1] =	ssyncadd.s32 $0xFFFFEC00  }
0x69: {  	[spmem:s2] =	stream.indirect.scatter.add.f32 [tilespmem:s23], [sflag:$0x8], $0x80, s16, s19, $0xb8;
	[tilespmem:$0x1D400] =	vst v63  }
0x6a: {  	_ =	swait.ge [sflag:s30], $0x1400  }
0x6b: {  	[sflag:s30] =	ssyncset.done $0x0  }
0x6c: {  	s29 =	sadd.s32 $0x118, s8;
	[sflag:s30] =	ssyncadd.s32 $0xFFFFEC00  }
0x6d: {  	[tilespmem:s23], [sflag:$0x3] =	stream.indirect.gather [hbm4b:s4+s19], $0x80, s29, s19, $0xb8;
	[tilespmem:$0x1D400] =	vst v63  }
0x6e: {  	_ =	swait.ge [sflag:s18], $0x1400  }
0x6f: {  	[sflag:s18] =	ssyncset.done $0x0  }
0x70: {  	s11 =	sadd.s32 $0x2900, s7;
	[sflag:s18] =	ssyncadd.s32 $0xFFFFEC00  }
0x71: {  	[spmem:s2] =	stream.indirect.scatter.add.f32 [tilespmem:s25], [sflag:$0x8], $0x80, s11, s19, $0xb8;
	[tilespmem:$0x1D400] =	vst v63  }
0x72: {  	_ =	swait.ge [sflag:s30], $0x1400  }
0x73: {  	[sflag:s30] =	ssyncset.done $0x0  }
0x74: {  	s12 =	sadd.s32 $0x140, s8;
	[sflag:s30] =	ssyncadd.s32 $0xFFFFEC00  }
0x75: {  	[tilespmem:s25], [sflag:$0x4] =	stream.indirect.gather [hbm4b:s4+s19], $0x80, s12, s19, $0xb8;
	[tilespmem:$0x1D400] =	vst v63  }
0x76: {  	_ =	swait.ge [sflag:s22], $0x1400  }
0x77: {  	[sflag:s22] =	ssyncset.done $0x0  }
0x78: {  	s14 =	sadd.s32 $0x2980, s7;
	[sflag:s22] =	ssyncadd.s32 $0xFFFFEC00  }
0x79: {  	[spmem:s2] =	stream.indirect.scatter.add.f32 [tilespmem:s28], [sflag:$0x8], $0x80, s14, s19, $0xb8;
	[tilespmem:$0x1D400] =	vst v63  }
0x7a: {  	_ =	swait.ge [sflag:s30], $0x1400  }
0x7b: {  	[sflag:s30] =	ssyncset.done $0x0  }
0x7c: {  	s15 =	sadd.s32 $0x168, s8;
	[sflag:s30] =	ssyncadd.s32 $0xFFFFEC00  }
0x7d: {  	[tilespmem:s28], [sflag:$0x5] =	stream.indirect.gather [hbm4b:s4+s19], $0x80, s15, s19, $0xb8;
	[tilespmem:$0x1D400] =	vst v63  }
0x7e: {  	_ =	swait.ge [sflag:s17], $0x1400  }
0x7f: {  	[sflag:s17] =	ssyncset.done $0x0  }
0x80: {  	s16 =	sadd.s32 $0x2A00, s7;
	[sflag:s17] =	ssyncadd.s32 $0xFFFFEC00  }
0x81: {  	[spmem:s2] =	stream.indirect.scatter.add.f32 [tilespmem:s20], [sflag:$0x8], $0x80, s16, s19, $0xb8;
	[tilespmem:$0x1D400] =	vst v63  }
0x82: {  	_ =	swait.ge [sflag:s30], $0x1400  }
0x83: {  	[sflag:s30] =	ssyncset.done $0x0  }
0x84: {  	s9 =	simm.s32 @p1 $0x2;
	[sflag:s30] =	ssyncadd.s32 $0xFFFFEC00  }
0x85: {  	_ =	swait.ge @p1 [sflag:s9], $0x1400  }
0x86: {  	s11 =	simm.s32 @p1 $0x28;
	[sflag:s9] =	ssyncset.done @p1 $0x0  }
0x87: {  	s12 =	simm.s32 @p1 $0x4B80;
	[sflag:s9] =	ssyncadd.s32 @p1 $0xFFFFEC00;
	s9 =	sadd.s32 @p1 $0x2A80, s7  }
0x88: {  	[spmem:s2] =	stream.indirect.scatter.add.f32 @p1 [tilespmem:s12], [sflag:$0x8], $0x80, s9, s11, $0xb8;
	[tilespmem:$0x1D400] =	vst v63  }
0x89: {  	s9 =	simm.s32 @p1 $0x8  }
0x8a: {  	_ =	swait.ge @p1 [sflag:s9], $0x1400  }
0x8b: {  	s14 =	simm.s32 @!p1 $0x28;
	[sflag:s9] =	ssyncset.done @p1 $0x0  }
0x8c: {  	s15 =	simm.s32 @!p1 $0x3780;
	s12 =	sadd.s32 @!p1 $0x190, s8;
	[sflag:s9] =	ssyncadd.s32 @p1 $0xFFFFEC00  }
0x8d: {  	[tilespmem:s15], [sflag:$0x1] =	stream.indirect.gather @!p1 [hbm4b:s4+s14], $0x80, s12, s14, $0xb8;
	[tilespmem:$0x1D400] =	vst v63  }
0x8e: {  	s12 =	simm.s32 @!p1 $0x2  }
0x8f: {  	_ =	swait.ge @!p1 [sflag:s12], $0x1400  }
0x90: {  	[sflag:s12] =	ssyncset.done @!p1 $0x0  }
0x91: {  	s15 =	simm.s32 @!p1 $0x4B80;
	[sflag:s12] =	ssyncadd.s32 @!p1 $0xFFFFEC00;
	s12 =	sadd.s32 @!p1 $0x2A80, s7  }
0x92: {  	[spmem:s2] =	stream.indirect.scatter.add.f32 @!p1 [tilespmem:s15], [sflag:$0x8], $0x80, s12, s14, $0xb8;
	[tilespmem:$0x1D400] =	vst v63  }
0x93: {  	s12 =	simm.s32 @!p1 $0x8  }
0x94: {  	_ =	swait.ge @!p1 [sflag:s12], $0x1400  }
0x95: {  	[sflag:s12] =	ssyncset.done @!p1 $0x0  }
0x96: {  	s29 =	sadd.s32 @!p1 $0x1B8, s8;
	[sflag:s12] =	ssyncadd.s32 @!p1 $0xFFFFEC00  }
0x97: {  	[tilespmem:s15], [sflag:$0x2] =	stream.indirect.gather @!p1 [hbm4b:s4+s14], $0x80, s29, s14, $0xb8;
	[tilespmem:$0x1D400] =	vst v63  }
0x98: {  	_ =	swait.ge [sflag:s1], $0x1400  }
0x99: {  	[sflag:s1] =	ssyncset.done $0x0  }
0x9a: {  	s29 =	sadd.s32 $0x2B00, s7;
	[sflag:s1] =	ssyncadd.s32 $0xFFFFEC00  }
0x9b: {  	[spmem:s2] =	stream.indirect.scatter.add.f32 [tilespmem:s23], [sflag:$0x8], $0x80, s29, s19, $0xb8;
	[tilespmem:$0x1D400] =	vst v63  }
0x9c: {  	_ =	swait.ge [sflag:s30], $0x1400  }
0x9d: {  	[sflag:s30] =	ssyncset.done $0x0  }
0x9e: {  	s15 =	simm.s32 @p1 $0x4;
	[sflag:s30] =	ssyncadd.s32 $0xFFFFEC00  }
0x9f: {  	_ =	swait.ge @p1 [sflag:s15], $0x1400  }
0xa0: {  	[sflag:s15] =	ssyncset.done @p1 $0x0  }
0xa1: {  	s29 =	simm.s32 @p1 $0x7380;
	[sflag:s15] =	ssyncadd.s32 @p1 $0xFFFFEC00;
	s15 =	sadd.s32 @p1 $0x2B80, s7  }
0xa2: {  	[spmem:s2] =	stream.indirect.scatter.add.f32 @p1 [tilespmem:s29], [sflag:$0x8], $0x80, s15, s11, $0xb8;
	[tilespmem:$0x1D400] =	vst v63  }
0xa3: {  	_ =	swait.ge @p1 [sflag:s9], $0x1400  }
0xa4: {  	[sflag:s9] =	ssyncset.done @p1 $0x0  }
0xa5: {  	s11 =	simm.s32 @!p1 $0x5F80;
	[sflag:s9] =	ssyncadd.s32 @p1 $0xFFFFEC00;
	s9 =	sadd.s32 @!p1 $0x1E0, s8  }
0xa6: {  	[tilespmem:s11], [sflag:$0x3] =	stream.indirect.gather @!p1 [hbm4b:s4+s14], $0x80, s9, s14, $0xb8;
	[tilespmem:$0x1D400] =	vst v63  }
0xa7: {  	s9 =	simm.s32 @!p1 $0x4  }
0xa8: {  	_ =	swait.ge @!p1 [sflag:s9], $0x1400  }
0xa9: {  	[sflag:s9] =	ssyncset.done @!p1 $0x0  }
0xaa: {  	s11 =	simm.s32 @!p1 $0x7380;
	[sflag:s9] =	ssyncadd.s32 @!p1 $0xFFFFEC00;
	s9 =	sadd.s32 @!p1 $0x2B80, s7  }
0xab: {  	[spmem:s2] =	stream.indirect.scatter.add.f32 @!p1 [tilespmem:s11], [sflag:$0x8], $0x80, s9, s14, $0xb8;
	[tilespmem:$0x1D400] =	vst v63  }
0xac: {  	_ =	swait.ge @!p1 [sflag:s12], $0x1400  }
0xad: {  	[sflag:s12] =	ssyncset.done @!p1 $0x0  }
0xae: {  	s9 =	sadd.s32 @!p1 $0x208, s8;
	[sflag:s12] =	ssyncadd.s32 @!p1 $0xFFFFEC00  }
0xaf: {  	[tilespmem:s11], [sflag:$0x4] =	stream.indirect.gather @!p1 [hbm4b:s4+s14], $0x80, s9, s14, $0xb8;
	[tilespmem:$0x1D400] =	vst v63  }
0xb0: {  	_ =	swait.ge [sflag:s22], $0x1400  }
0xb1: {  	[sflag:s22] =	ssyncset.done $0x0  }
0xb2: {  	s7 =	sadd.s32 $0x2C00, s7;
	[sflag:s22] =	ssyncadd.s32 $0xFFFFEC00  }
0xb3: {  	[spmem:s2] =	stream.indirect.scatter.add.f32 [tilespmem:s28], [sflag:$0x8], $0x80, s7, s19, $0xb8;
	[tilespmem:$0x1D400] =	vst v63  }
0xb4: {  	_ =	swait.ge [sflag:s30], $0x1400  }
0xb5: {  	[sflag:s30] =	ssyncset.done $0x0  }
0xb6: {  	s7 =	sadd.s32 @!p1 $0x230, s8;
	s8 =	simm.s32 @!p1 $0x8780;
	[sflag:s30] =	ssyncadd.s32 $0xFFFFEC00  }
0xb7: {  	[tilespmem:s8], [sflag:$0x5] =	stream.indirect.gather @!p1 [hbm4b:s4+s14], $0x80, s7, s14, $0xb8;
	[tilespmem:$0x1D400] =	vst v63  }
0xb8: {  	p1 =	slt.u32 s26, $0x19  }
.Ltmp3:
0xb9: {  	_ = 	snop;
	(pc) =	sbr.rel @!p1 .LBB2_10-.Ltmp3, $2  }
0xba: {  	_ =	sdelay $0x2  }
0xbb: {  	s8 =	smov.u32 s26  }
.LBB2_6:
0xbc: {  	p1 =	seq.s32 s8, $0x0  }
0xbd: {  	p2 =	seq.s32 @!p1 s8, $0x18  }
0xbe: {  	p2 =	por p1, !p2  }
.Ltmp4:
0xbf: {  	s7 =	sand.u32 $0x1, s8;
	(pc) =	sbr.rel @p2 .LBB2_8-.Ltmp4, $4  }
0xc0: {  	s9 =	sor.u32 @!p1 $0x6, s7  }
0xc1: {  	_ =	swait.ge @!p1 [sflag:s9], $0x500  }
0xc2: {  	[sflag:s9] =	ssyncset.done @!p1 $0x0  }
0xc3: {  	[sflag:s9] =	ssyncadd.s32 @!p1 $0xFFFFFB00  }
.Ltmp5:
0xc4: {  	(pc) =	sbr.rel .LBB2_9-.Ltmp5, $2  }
0xc5: {  	_ =	sdelay $0x2  }
0xc6: {  	s26 =	simm.s32 @!p1 $0x19;
	p1 =	por @!p1 $0x1, $0x1  }
.LBB2_10:
0xc7: {  	[bflag:$0x0] =	sbarrier.arrive $0xFFFF  }
0xc8: {  	[tilespmem:s20], [sflag:$0x8] =	stream.linear.gather [spmem:s10], $0x1400, $0x38;
	[tilespmem:$0x1D400] =	vst v63  }
0xc9: {  	_ =	swait.ge [sflag:s30], $0x1400  }
0xca: {  	[sflag:s30] =	ssyncset.done $0x0  }
0xcb: {  	s7 =	rddreg [dreg:$0x6];
	[sflag:s30] =	ssyncadd.s32 $0xFFFFEC00  }
0xcc: {  	[hbm4b:s7+s3] =	stream.linear.scatter [tilespmem:s20], [sflag:$0x1], $0x1400, $0x38;
	[tilespmem:$0x1D400] =	vst v63  }
0xcd: {  	s16 =	rddreg [dreg:$0x7]  }
0xce: {  	[tilespmem:s21], [sflag:$0x8] =	stream.linear.gather [spmem:s16], $0x1400, $0x38;
	[tilespmem:$0x1D400] =	vst v63  }
0xcf: {  	_ =	swait.ge [sflag:s30], $0x1400  }
0xd0: {  	[sflag:s30] =	ssyncset.done $0x0;
	s8 =	rddreg [dreg:$0xa]  }
0xd1: {  	s26 =	rddreg [dreg:$0x8];
	[sflag:s30] =	ssyncadd.s32 $0xFFFFEC00;
	p1 =	sgt.u32 s8, $0xF9  }
0xd2: {  	[hbm4b:s26+s3] =	stream.linear.scatter [tilespmem:s21], [sflag:$0x2], $0x1400, $0x38;
	[tilespmem:$0x1D400] =	vst v63  }
0xd3: {  	s7 =	simm.s32 $0x2;
	p1 =	por p1, p1  }
0xd4: {  	s7 =	sand.u32 @!p1 $0x1, s7  }
0xd5: {  	s11 =	simm.s32 $0x4;
	s9 =	sadd.s32 @!p1 $0x1, s7;
	s7 =	smul.u32 @!p1 $0x5000, s7  }
0xd6: {  	s15 =	smov.u32 s13;
	s12 =	sadd.s32 $0x10, s8;
	_ =	swait.ge @!p1 [sflag:s9], $0x1400  }
0xd7: {  	s14 =	simm.s32 @!p1 $0x8;
	[sflag:s9] =	ssyncset.done @!p1 $0x0;
	s7 =	sshrl.u32 @!p1 s7, $0x2  }
0xd8: {  	[sflag:s9] =	ssyncadd.s32 @!p1 $0xFFFFEC00;
	s29 =	sadd.s32 @!p1 $0x3780, s7;
	s7 =	rddreg [dreg:$0x9]  }
0xd9: {  	[tilespmem:s29], [sflag:$0x8] =	stream.linear.gather @!p1 [spmem:s7], $0x1400, $0x38;
	[tilespmem:$0x1D400] =	vst v63  }
0xda: {  	s26 =	simm.s32 $0x3;
	p2 =	sgt.u32 s12, $0xF9;
	_ =	swait.ge @!p1 [sflag:s14], $0x1400  }
0xdb: {  	s12 =	sadd.s32 $0x10, s12;
	s8 =	sadd.s32 $0x14000, s7;
	[sflag:s14] =	ssyncset.done @!p1 $0x0  }
0xdc: {  	s7 =	sadd.s32 $0x2800, s13;
	[sflag:s14] =	ssyncadd.s32 @!p1 $0xFFFFEC00;
	s14 =	simm.s32 @!p1 $0x0  }
.LBB2_11:
0xdd: {  	[hbm4b:s15+s14] =	stream.linear.scatter @!p1 [tilespmem:s29], [sflag:s9], $0x1400, $0x38;
	[tilespmem:$0x1D400] =	vst v63  }
0xde: {  	s14 =	smov.u32 s11;
	s15 =	smov.u32 s7;
	p1 =	por p2, p2  }
0xdf: {  	p2 =	sgt.u32 s12, $0xF9;
	s11 =	sadd.s32 $0x1, s11;
	s26 =	sand.u32 @!p1 $0x1, s26  }
0xe0: {  	p3 =	sne.s32 s11, $0x10;
	s9 =	sadd.s32 @!p1 $0x1, s26;
	s29 =	smul.u32 @!p1 $0x5000, s26  }
0xe1: {  	s26 =	smov.u32 s14;
	_ =	swait.ge @!p1 [sflag:s9], $0x1400  }
0xe2: {  	s16 =	simm.s32 @!p1 $0x8;
	[sflag:s9] =	ssyncset.done @!p1 $0x0;
	s14 =	sshrl.u32 @!p1 s29, $0x2  }
.Ltmp6:
0xe3: {  	[sflag:s9] =	ssyncadd.s32 @!p1 $0xFFFFEC00;
	s29 =	sadd.s32 @!p1 $0x3780, s14;
	(pc) =	sbr.rel @p3 .LBB2_11-.Ltmp6, $4  }
0xe4: {  	[tilespmem:s29], [sflag:$0x8] =	stream.linear.gather @!p1 [spmem:s8], $0x1400, $0x38;
	[tilespmem:$0x1D400] =	vst v63  }
0xe5: {  	_ =	swait.ge @!p1 [sflag:s16], $0x1400  }
0xe6: {  	s7 =	sadd.s32 $0x2800, s7;
	s8 =	sadd.s32 $0x14000, s8;
	[sflag:s16] =	ssyncset.done @!p1 $0x0  }
0xe7: {  	s12 =	sadd.s32 $0x10, s12;
	s14 =	simm.s32 @!p1 $0x0;
	[sflag:s16] =	ssyncadd.s32 @!p1 $0xFFFFEC00  }
0xe8: {  	[hbm4b:s15+s14] =	stream.linear.scatter @!p1 [tilespmem:s29], [sflag:s9], $0x1400, $0x38;
	[tilespmem:$0x1D400] =	vst v63  }
0xe9: {  	p1 =	por p2, p2  }
0xea: {  	s9 =	sand.u32 @!p1 $0x1, s26  }
0xeb: {  	s11 =	sadd.s32 @!p1 $0x1, s9;
	s9 =	smul.u32 @!p1 $0x5000, s9  }
0xec: {  	_ =	swait.ge @!p1 [sflag:s11], $0x1400  }
0xed: {  	[sflag:s11] =	ssyncset.done @!p1 $0x0;
	s9 =	sshrl.u32 @!p1 s9, $0x2  }
0xee: {  	s12 =	simm.s32 @!p1 $0x8;
	[sflag:s11] =	ssyncadd.s32 @!p1 $0xFFFFEC00;
	s9 =	sadd.s32 @!p1 $0x3780, s9  }
0xef: {  	[tilespmem:s9], [sflag:$0x8] =	stream.linear.gather @!p1 [spmem:s8], $0x1400, $0x38;
	[tilespmem:$0x1D400] =	vst v63  }
0xf0: {  	_ =	swait.ge @!p1 [sflag:s12], $0x1400  }
0xf1: {  	[sflag:s12] =	ssyncset.done @!p1 $0x0  }
0xf2: {  	s8 =	simm.s32 @!p1 $0x0;
	[sflag:s12] =	ssyncadd.s32 @!p1 $0xFFFFEC00  }
0xf3: {  	[hbm4b:s7+s8] =	stream.linear.scatter @!p1 [tilespmem:s9], [sflag:s11], $0x1400, $0x38;
	[tilespmem:$0x1D400] =	vst v63  }
0xf4: {  	_ =	swait.ge [sflag:s17], $0x1400  }
0xf5: {  	[sflag:s17] =	ssyncset.done $0x0  }
0xf6: {  	s7 =	simm.s32 @!p0 $0x2;
	[sflag:s17] =	ssyncadd.s32 $0xFFFFEC00  }
0xf7: {  	_ =	swait.ge @!p0 [sflag:s7], $0x1400  }
0xf8: {  	s24 =	sadd.s32 $0x1, s24;
	s29 =	rddreg [dreg:$0x5]  }
0xf9: {  	p1 =	sne.s32 s24, s29  }
.Ltmp7:
0xfa: {  	_ = 	snop;
	(pc) =	sbr.rel @p1 .LBB2_1-.Ltmp7, $3  }
0xfb: {  	_ =	sdelay $0x1  }
0xfc: {  	[sflag:s7] =	ssyncset.done @!p0 $0x0  }
0xfd: {  	[sflag:s7] =	ssyncadd.s32 @!p0 $0xFFFFEC00  }
0xfe: {  	_ =	sfence.sel $0x180000  }
0xff: {  	[bflag:$0x0] =	sbarrier.arrive $0xFFFF  }
0x100: {  	_ =	strace $0x9000004D  }
0x101: {  	[bflag:$0x2] =	sbarrier.arrive $0xFFFF  }
0x102: {  	p0 =	sne.s32 s0, $0x0;
	s0 =	rddreg [dreg:$0x2]  }
0x103: {  	s0 =	sadd.s32 @!p0 $0x100000, s0  }
0x104: {  	[sflag:s0] =	ssyncadd.tile.s32 @!p0 $0x1;
	_ =	shalt  }
.Lfunc_end2:
_tile_overlayer_lowered:
.L_overlay_start_2:
0x105: {  	(tag) =	ssettag $0x2  }
0x106: {  	s0 =	rddreg [dreg:$0x0];
	s2 =	stileid.u32  }
0x107: {  	s1 =	rddreg [dreg:$0x1];
	p0 =	sne.s32 s2, $0x0  }
0x108: {  	s3 =	rddreg [dreg:$0x2];
	[bflag:$0x3] =	sbarrier.arrive $0xFFFF;
	s2 =	simm.s32 @!p0 $0x1C08  }
0x109: {  	[timem:s3], [sflag:s2] =	dma.local @!p0 [hbm:s0], s1  }
0x10a: {  	s0 =	simm.s32 @!p0 $0x8  }
0x10b: {  	_ =	swait.ge @!p0 [sflag:s0], s1  }
0x10c: {  	s1 =	ssub.s32 @!p0 $0x0, s1;
	[sflag:s0] =	ssyncset.done @!p0 $0x0  }
0x10d: {  	[sflag:s0] =	ssyncadd.s32 @!p0 s1  }
0x10e: {  	[bflag:$0x3] =	sbarrier.arrive $0xFFFF  }
0x10f: {  	_ =	shalt  }

// kernel: kernel.8.cloned.1.call-start
scs
__scs_entry_jumppad:
0x0: {  	(pc) =	sbr.rel $0x88, $3  }
0x1: {  	(tag) =	ssettag $0x0;
	lr =	simm.s32 $0x1  }
0x2: {  	[smem:$0x3F98] =	sst lr;
	_ =	strace $0xD0000000  }
0x3: {  	_ = 	snop  }
0x4: {  	_ = 	snop  }
0x5: {  	_ = 	snop  }
0x6: {  	_ = 	snop  }
0x7: {  	_ = 	snop  }
__scs_overlays_trampoline_lowered:
0x8: {  	[smem:$0x3FA7] =	sst s0  }
0x9: {  	[smem:$0x3FA8] =	sst s1  }
0xa: {  	[smem:$0x3FA9] =	sst s2  }
0xb: {  	[smem:$0x3FAA] =	sst s3  }
0xc: {  	[smem:$0x3FAB] =	sst s4  }
0xd: {  	[smem:$0x3FAC] =	sst s5  }
0xe: {  	[smem:$0x3FAD] =	sst s6  }
0xf: {  	[smem:$0x3FAE] =	sst s7  }
0x10: {  	[smem:$0x3FAF] =	sst s8  }
0x11: {  	[smem:$0x3FB0] =	sst s9;
	s0 =	simm.s32 @!p0 $0x0  }
0x12: {  	s1 =	sld [smem:$0x3F96];
	s0 =	simm.s32 @p0 $0x1  }
0x13: {  	[smem:$0x3FB1] =	sst s0;
	s0 =	simm.s32 @!p1 $0x0  }
0x14: {  	s2 =	sld [smem:$0x3F95];
	s0 =	simm.s32 @p1 $0x1  }
0x15: {  	[smem:$0x3FB2] =	sst s0;
	s0 =	simm.s32 @!p2 $0x0  }
0x16: {  	s3 =	sld [smem:$0x3FDB];
	s0 =	simm.s32 @p2 $0x1  }
0x17: {  	s4 =	simm.s32 $0x1BF5;
	[smem:$0x3FB4] =	sst s0  }
0x18: {  	s0 =	sld [smem:$0x3F97];
	_ =	swait.ge [sflag:s4], $0x0  }
0x19: {  	s7 =	sld [smem:$0x3F98]  }
0x1a: {  	s8 =	sadd.s32 $0xFFFFE003, lr  }
0x1b: {  	s9 =	sadd.s32 $0xFFFFFEF7, lr;
	s5 =	simm.s32 $0xFFFFFFFF;
	p2 =	slt.u32 s8, $0xFFFFF086  }
0x1c: {  	p1 =	slt.u32 s9, $0xF7A;
	s5 =	simm.s32 @!p2 $0x0  }
0x1d: {  	s5 =	simm.s32 @p1 $0x1;
	p0 =	seq.s32 s7, s2  }
0x1e: {  	s7 =	smul.u32 @!p0 $0xF7A, s2;
	p2 =	seq.s32 @!p0 s5, $0x0  }
0x1f: {  	s9 =	smul.u32 $0xF7A, s1;
	s8 =	simm.s32 @!p0 $0x1BF5;
	p2 =	por !p2, p0  }
0x20: {  	[sflag:s8] =	ssyncset.s32 @!p0 $0xFFFFF086;
	s6 =	sadd.s32 @!p0 s3, s7;
	s7 =	simm.s32 @!p0 $0x108  }
0x21: {  	s3 =	sadd.s32 s3, s9;
	s6 =	sadd.s32 @!p0 $0x88, s6;
	s7 =	simm.s32 @p2 $0x1082  }
0x22: {  	[simem:s7], [sflag:s8] =	dma.local @!p0 [hbm:s6], $0xF7A  }
0x23: {  	s9 =	sor.u32 $0xD0000000, s2;
	s6 =	simm.s32 $0x108;
	_ =	swait.ge @!p0 [sflag:s8], $0x0  }
0x24: {  	s3 =	sadd.s32 $0x88, s3;
	s6 =	simm.s32 @!p1 $0x1082;
	[sflag:s4] =	ssyncset.s32 $0xFFFFF086  }
0x25: {  	[simem:s6], [sflag:s4] =	dma.local [hbm:s3], $0xF7A  }
0x26: {  	[smem:$0x3F98] =	sst s1;
	(tag) =	ssettag s2;
	_ =	strace s9  }
0x27: {  	s1 =	sld [smem:$0x3FA8]  }
0x28: {  	s2 =	sld [smem:$0x3FA9]  }
0x29: {  	s4 =	sld [smem:$0x3FAB]  }
0x2a: {  	p0 =	seq.s32 s5, $0x0;
	s5 =	sld [smem:$0x3FAC]  }
0x2b: {  	s6 =	sld [smem:$0x3FAD]  }
0x2c: {  	s7 =	sld [smem:$0x3FAE]  }
0x2d: {  	s3 =	simm.s32 $0x108;
	s8 =	sld [smem:$0x3FAF]  }
0x2e: {  	s3 =	simm.s32 @!p0 $0x1082;
	s9 =	sld [smem:$0x3FB0]  }
0x2f: {  	lr =	sadd.s32 s0, s3;
	s0 =	sld [smem:$0x3FA7]  }
0x30: {  	s3 =	sld [smem:$0x3FAA]  }
0x31: {  	[smem:$0x3FB3] =	sst s10  }
0x32: {  	s10 =	sld [smem:$0x3FB1];
	_ =	sdelay $0x3  }
0x33: {  	p0 =	seq.s32 s10, $0x1;
	s10 =	sld [smem:$0x3FB3];
	_ =	sdelay $0x3  }
0x34: {  	[smem:$0x3FB3] =	sst s10  }
0x35: {  	s10 =	sld [smem:$0x3FB2];
	_ =	sdelay $0x3  }
0x36: {  	p1 =	seq.s32 s10, $0x1;
	s10 =	sld [smem:$0x3FB3];
	_ =	sdelay $0x3  }
0x37: {  	[smem:$0x3FB3] =	sst s10  }
0x38: {  	s10 =	sld [smem:$0x3FB4]  }
0x39: {  	_ = 	snop;
	(pc) =	sbr.ind lr, $3  }
0x3a: {  	_ = 	snop  }
0x3b: {  	_ = 	snop  }
0x3c: {  	p2 =	seq.s32 s10, $0x1;
	s10 =	sld [smem:$0x3FB3]  }
0x3d: {  	_ =	shalt  }
0x3e: {  	_ =	shalt  }
0x3f: {  	_ =	shalt  }
0x40: {  	_ =	shalt  }
0x41: {  	_ =	shalt  }
0x42: {  	_ =	shalt  }
0x43: {  	_ =	shalt  }
0x44: {  	_ =	shalt  }
0x45: {  	_ =	shalt  }
0x46: {  	_ =	shalt  }
0x47: {  	_ =	shalt  }
0x48: {  	_ =	shalt  }
0x49: {  	_ =	shalt  }
0x4a: {  	_ =	shalt  }
0x4b: {  	_ =	shalt  }
0x4c: {  	_ =	shalt  }
0x4d: {  	_ =	shalt  }
0x4e: {  	_ =	shalt  }
0x4f: {  	_ =	shalt  }
0x50: {  	_ =	shalt  }
0x51: {  	_ =	shalt  }
0x52: {  	_ =	shalt  }
0x53: {  	_ =	shalt  }
0x54: {  	_ =	shalt  }
0x55: {  	_ =	shalt  }
0x56: {  	_ =	shalt  }
0x57: {  	_ =	shalt  }
0x58: {  	_ =	shalt  }
0x59: {  	_ =	shalt  }
0x5a: {  	_ =	shalt  }
0x5b: {  	_ =	shalt  }
0x5c: {  	_ =	shalt  }
0x5d: {  	_ =	shalt  }
0x5e: {  	_ =	shalt  }
0x5f: {  	_ =	shalt  }
0x60: {  	_ =	shalt  }
0x61: {  	_ =	shalt  }
0x62: {  	_ =	shalt  }
0x63: {  	_ =	shalt  }
0x64: {  	_ =	shalt  }
0x65: {  	_ =	shalt  }
0x66: {  	_ =	shalt  }
0x67: {  	_ =	shalt  }
0x68: {  	_ =	shalt  }
0x69: {  	_ =	shalt  }
0x6a: {  	_ =	shalt  }
0x6b: {  	_ =	shalt  }
0x6c: {  	_ =	shalt  }
0x6d: {  	_ =	shalt  }
0x6e: {  	_ =	shalt  }
0x6f: {  	_ =	shalt  }
0x70: {  	_ =	shalt  }
0x71: {  	_ =	shalt  }
0x72: {  	_ =	shalt  }
0x73: {  	_ =	shalt  }
0x74: {  	_ =	shalt  }
0x75: {  	_ =	shalt  }
0x76: {  	_ =	shalt  }
0x77: {  	_ =	shalt  }
0x78: {  	_ =	shalt  }
0x79: {  	_ =	shalt  }
0x7a: {  	_ =	shalt  }
0x7b: {  	_ =	shalt  }
0x7c: {  	_ =	shalt  }
0x7d: {  	_ =	shalt  }
0x7e: {  	_ =	shalt  }
0x7f: {  	_ =	shalt  }
0x80: {  	_ =	shalt  }
0x81: {  	_ =	shalt  }
0x82: {  	_ =	shalt  }
0x83: {  	_ =	shalt  }
0x84: {  	_ =	shalt  }
0x85: {  	_ =	shalt  }
0x86: {  	_ =	shalt  }
0x87: {  	_ =	shalt  }
.Lfunc_end0:
.L_simem_size_0:
called_computation_lowered:
.L_overlay_start_0:
0x88: {  	s2 =	sld [smem:$0x3FD9]  }
0x89: {  	s3 =	sld [smem:$0x3FFE];
	_ =	sdelay $0x1  }
0x8a: {  	s1 =	srdreg.scid  }
0x8b: {  	s0 =	sand.u32 $0x1, s1  }
0x8c: {  	s16 =	sshll.u32 s0, $0xA;
	s2 =	sadd.s32 s3, s2  }
0x8d: {  	s2 =	sadd.s32 s2, s16  }
0x8e: {  	[smem:$0x3FBF] =	sst s2  }
0x8f: {  	_ = 	snop  }
0x90: {  	(tm) =	ssettm $0x1  }
0x91: {  	s17 =	sld [smem:$0x3FFB];
	_ =	sdelay $0x3  }
0x92: {  	_ =	strace s17  }
0x93: {  	s2 =	sld [smem:$0x3FFC];
	_ =	sdelay $0x3  }
0x94: {  	_ =	strace s2  }
0x95: {  	s2 =	sld [smem:$0x3FFD];
	_ =	sdelay $0x3  }
0x96: {  	_ =	strace s2  }
0x97: {  	_ =	strace $0x8FFFFFFF  }
0x98: {  	s18 =	sld [smem:$0x3FDB];
	_ =	sdelay $0x1  }
0x99: {  	s19 =	simm.s32 $_scs_section_size  }
0x9a: {  	s4 =	simm.s32 $_size__tile_overlayer_lowered;
	s5 =	simm.s32 $_tile_overlayer_lowered  }
0x9b: {  	s22 =	simm.s32 $0x1BFF;
	s21 =	sshll.u32 s5, $0x1;
	s2 =	sadd.s32 s19, s18  }
0x9c: {  	s6 =	simm.s32 $0x0;
	s20 =	sshll.u32 s4, $0x1;
	s4 =	sadd.s32 s21, s2  }
0x9d: {  	[timem:s6], [sflag:s22] =	dma.local [hbm:s4], s20  }
0x9e: {  	_ =	swait.ge [sflag:s22], s20  }
0x9f: {  	s3 =	ssub.s32 $0x0, s20;
	[sflag:s22] =	ssyncset.done $0x0  }
0xa0: {  	[sflag:s22] =	ssyncadd.s32 s3;
	_ =	sdelay $0x1  }
0xa1: {  	s23 =	simm.s32 $0x1B8B  }
0xa2: {  	_ =	swait.ge [sflag:s23], $0x1  }
0xa3: {  	[sflag:s23] =	ssyncset.done $0x0  }
0xa4: {  	s25 =	simm.s32 $0x1B8E;
	s24 =	sld [smem:$0x3FFE];
	[sflag:s23] =	ssyncadd.s32 $0xFFFFFFFF  }
0xa5: {  	s26 =	simm.s32 $execute0_lowered;
	[smem:$0x3FD2] =	sst s25  }
0xa6: {  	s4 =	sshll.u32 s26, $0x1;
	_ =	strace $0x80000046;
	[dreg:$0x1] =	wrdreg $0xFFFFFFFF  }
0xa7: {  	s28 =	simm.s32 $_size_execute0_lowered;
	s2 =	sadd.s32 s2, s4;
	[dreg:$0x0] =	wrdreg $0x0  }
0xa8: {  	s4 =	sshll.u32 s28, $0x1;
	[dreg:$0x2] =	wrdreg s2  }
0xa9: {  	[dreg:$0x3] =	wrdreg s4  }
0xaa: {  	[dreg:$0x4] =	wrdreg $0xC0  }
0xab: {  	_ =	task [dreg:s6], $0x5FFFF  }
0xac: {  	[dreg:$0x1] =	wrdreg $0xFFFFFFFF  }
0xad: {  	[dreg:$0x0] =	wrdreg $0x60  }
0xae: {  	[dreg:$0x2] =	wrdreg s24  }
0xaf: {  	[dreg:$0x3] =	wrdreg $0x48800  }
0xb0: {  	[dreg:$0x4] =	wrdreg $0x9  }
0xb1: {  	_ =	task.clear_ibuf [dreg:s6], $0x5FFFF;
	_ =	strace $0x90000046  }
0xb2: {  	s29 =	simm.s32 $0x9;
	_ =	strace $0x80000048  }
0xb3: {  	_ =	swait.ge [sflag:s29], $0x1  }
0xb4: {  	[sflag:s29] =	ssyncadd.s32 $0xFFFFFFFF  }
0xb5: {  	_ =	strace $0x90000048  }
0xb6: {  	_ =	sfence  }
0xb7: {  	s30 =	sld [smem:$0x0];
	_ =	sdelay $0x2  }
0xb8: {  	s31 =	sshll.u32 s1, $0xD;
	s1 =	sshrl.u32 s1, $0x2  }
0xb9: {  	s3 =	sand.u32 $0x4000, s31;
	s1 =	sadd.s32 s1, s30  }
0xba: {  	s0 =	sor.u32 s3, s0;
	s1 =	sshll.u32 s1, $0x11  }
0xbb: {  	s0 =	sor.u32 s1, s0  }
0xbc: {  	s0 =	sadd.s32 $0x8F2B, s0  }
0xbd: {  	[sflag:s0] =	ssyncadd.remote.s32 $0x1  }
0xbe: {  	_ =	sfence.sel $0xFFFF  }
0xbf: {  	[dreg:$0x0] =	wrdreg $0xFFFFFFFF;
	(pc) =	sbr.abs _section_cstart, $3  }
0xc0: {  	[dreg:$0x1] =	wrdreg $0xFFFFFFFF  }
0xc1: {  	_ =	task.clear_ibuf [dreg:s6], $0x2FFFF;
	_ =	strace $0x9FFFFFFF  }
0xc2: {  	(tm) =	ssettm $0x7FFFFFFF  }
0xc3: {  	_ =	shalt  }
tec
execute0_lowered:
.L_overlay_start_1:
0x0: {  	(tag) =	ssettag $0x1  }
0x1: {  	s4 =	rddreg [dreg:$0x0];
	s1 =	srdreg.scid  }
0x2: {  	s0 =	stileid.u32;
	s2 =	rddreg [dreg:$0x1]  }
0x3: {  	s3 =	simm.s32 $0x0;
	s11 =	simm.s32 $0x4000;
	s12 =	simm.s32 $0x6  }
0x4: {  	s13 =	simm.s32 $0x7;
	s14 =	simm.s32 $0x8;
	s15 =	simm.s32 $0x2  }
0x5: {  	s16 =	simm.s32 $0x3;
	s17 =	simm.s32 $0x4;
	s18 =	simm.s32 $0x5  }
0x6: {  	s5 =	sand.u32 $0x1, s1;
	s6 =	smul.u32 $0x7D0, s0;
	s1 =	rddreg [dreg:$0x2]  }
0x7: {  	s19 =	simm.s32 $0x0;
	[smem:$0x7FF] =	sst s3;
	s9 =	smul.u32 $0x1F40, s0  }
0x8: {  	s29 =	sshll.u32 s0, $0xC;
	p0 =	sgt.u32 s0, $0x4;
	s7 =	smul.u32 $0x2710, s5  }
0x9: {  	_ =	strace $0x80000047;
	s8 =	sshll.u32 s5, $0xB;
	s28 =	ssub.s32 $0x2, s5  }
0xa: {  	s8 =	sadd.s32 s8, s4;
	s10 =	sshrl.u32 s28, $0x1;
	s30 =	sshrl.u32 s9, $0x2  }
0xb: {  	s9 =	simm.s32 $0x1;
	s7 =	sadd.s32 s6, s7;
	s5 =	sadd.s32 s29, s8  }
0xc: {  	s31 =	ssub.s32 s28, s10;
	s6 =	sadd.s32 s6, s2;
	s7 =	sshrl.u32 s7, $0x3  }
0xd: {  	s10 =	simm.s32 $0x50;
	s8 =	smax.u32 s31, $0x1;
	s7 =	sadd.s32 s7, s4  }
0xe: {  	v0 =	vimm.f32 $1.000000000e+00;
	v1 =	vimm.f32 $0.0e+00;
	s4 =	sadd.s32 $0x12E00, s5;
	s5 =	sadd.s32 s30, s2;
	s7 =	sadd.s32 $0x22E00, s7  }
.LBB2_1:
0xf: {  	[tilespmem:s3], [sflag:$0x1] =	stream.linear.gather [hbm4b:s4+s3], $0x3E80, $0x38;
	[tilespmem:$0x4AF8] =	vst v63  }
0x10: {  	[tilespmem:$0x4000] =	vst v0  }
0x11: {  	[tilespmem:$0x4010] =	vst v0  }
0x12: {  	[tilespmem:$0x4020] =	vst v0  }
0x13: {  	[tilespmem:$0x4030] =	vst v0  }
0x14: {  	s20 =	simm.s32 $0x40;
	s21 =	simm.s32 $0x0;
	[tilespmem:$0x4040] =	vst v0  }
.LBB2_2:
0x15: {  	p1 =	sne.s32 s20, $0x1F00;
	[tilespmem:s21+$0x4080] =	vst v1;
	s21 =	smov.u32 s20;
	s20 =	sadd.s32 $0x40, s20  }
.Ltmp0:
0x16: {  	(pc) =	sbr.rel @p1 .LBB2_2-.Ltmp0, $2  }
0x17: {  	_ =	sdelay $0x2  }
0x18: {  	s21 =	sshra.s32 s21, $0x2  }
0x19: {  	[tilespmem:s21+$0x4080] =	vst v1;
	s20 =	simm.s32 @!p0 $0x4080  }
0x1a: {  	[spmem:s5] =	stream.linear.scatter @!p0 [tilespmem:s20], [sflag:$0x9], $0x7D0, $0x38;
	[tilespmem:$0x4AF8] =	vst v63  }
0x1b: {  	s20 =	simm.s32 @!p0 $0x9  }
0x1c: {  	_ =	swait.ge @!p0 [sflag:s20], $0x7D0  }
0x1d: {  	[sflag:s20] =	ssyncset.done @!p0 $0x0  }
0x1e: {  	[sflag:s20] =	ssyncadd.s32 @!p0 $0xFFFFF830  }
0x1f: {  	_ =	swait.ge [sflag:s9], $0x3E80  }
0x20: {  	s20 =	simm.s32 $0x0;
	[sflag:s9] =	ssyncset.done $0x0  }
0x21: {  	p1 =	por $0x1, $0x1;
	s22 =	sand.u32 $0x7, s20;
	[sflag:s9] =	ssyncadd.s32 $0xFFFFC180  }
0x22: {  	s23 =	sadd.s32 @!p1 $0x1, s22;
	[bflag:$0x0] =	sbarrier.arrive $0xFFFF  }
0x23: {  	_ =	swait.ge @!p1 [sflag:s23], $0x50  }
0x24: {  	s21 =	simm.s32 $0x1;
	[sflag:s23] =	ssyncset.done @!p1 $0x0  }
0x25: {  	[sflag:s23] =	ssyncadd.s32 @!p1 $0xFFFFFFB0;
	s23 =	sadd.s32 $0x1, s22;
	s22 =	simm.s32 $0x80  }
.LBB2_4:
0x26: {  	[spmem:s2] =	stream.indirect.scatter.add.f32 [tilespmem:s11], [sflag:s23], $0x1, s20, s10, $0xb8;
	[tilespmem:$0x4AF8] =	vst v63  }
0x27: {  	s23 =	sand.u32 $0x7, s21;
	p1 =	slt.u32 s21, $0x8;
	s21 =	sadd.s32 $0x1, s21  }
0x28: {  	p2 =	sne.s32 s21, $0x7D  }
.Ltmp1:
0x29: {  	(pc) =	sbr.rel @p2 .LBB2_4-.Ltmp1, $4  }
0x2a: {  	s20 =	smov.u32 s22;
	s24 =	sadd.s32 @!p1 $0x1, s23  }
0x2b: {  	_ =	swait.ge @!p1 [sflag:s24], $0x50  }
0x2c: {  	[sflag:s24] =	ssyncset.done @!p1 $0x0  }
0x2d: {  	s22 =	sadd.s32 $0x80, s22;
	s23 =	sadd.s32 $0x1, s23;
	[sflag:s24] =	ssyncadd.s32 @!p1 $0xFFFFFFB0  }
0x2e: {  	[spmem:s2] =	stream.indirect.scatter.add.f32 [tilespmem:s11], [sflag:s23], $0x1, s20, s10, $0xb8;
	[tilespmem:$0x4AF8] =	vst v63  }
0x2f: {  	_ =	swait.ge [sflag:s12], $0x50  }
0x30: {  	[sflag:s12] =	ssyncset.done $0x0  }
0x31: {  	[sflag:s12] =	ssyncadd.s32 $0xFFFFFFB0  }
0x32: {  	_ =	swait.ge [sflag:s13], $0x50  }
0x33: {  	[sflag:s13] =	ssyncset.done $0x0  }
0x34: {  	[sflag:s13] =	ssyncadd.s32 $0xFFFFFFB0  }
0x35: {  	_ =	swait.ge [sflag:s14], $0x50  }
0x36: {  	[sflag:s14] =	ssyncset.done $0x0  }
0x37: {  	[sflag:s14] =	ssyncadd.s32 $0xFFFFFFB0  }
0x38: {  	_ =	swait.ge [sflag:s9], $0x50  }
0x39: {  	[sflag:s9] =	ssyncset.done $0x0  }
0x3a: {  	[sflag:s9] =	ssyncadd.s32 $0xFFFFFFB0  }
0x3b: {  	_ =	swait.ge [sflag:s15], $0x50  }
0x3c: {  	[sflag:s15] =	ssyncset.done $0x0  }
0x3d: {  	[sflag:s15] =	ssyncadd.s32 $0xFFFFFFB0  }
0x3e: {  	_ =	swait.ge [sflag:s16], $0x50  }
0x3f: {  	[sflag:s16] =	ssyncset.done $0x0  }
0x40: {  	[sflag:s16] =	ssyncadd.s32 $0xFFFFFFB0  }
0x41: {  	_ =	swait.ge [sflag:s17], $0x50  }
0x42: {  	[sflag:s17] =	ssyncset.done $0x0  }
0x43: {  	[sflag:s17] =	ssyncadd.s32 $0xFFFFFFB0  }
0x44: {  	_ =	swait.ge [sflag:s18], $0x50  }
0x45: {  	[sflag:s18] =	ssyncset.done $0x0  }
0x46: {  	[sflag:s18] =	ssyncadd.s32 $0xFFFFFFB0  }
0x47: {  	s20 =	simm.s32 @!p0 $0x4080;
	s21 =	simm.s32 @!p0 $0x9;
	[bflag:$0x0] =	sbarrier.arrive $0xFFFF  }
0x48: {  	[tilespmem:s20], [sflag:$0x9] =	stream.linear.gather @!p0 [spmem:s6], $0x7D0, $0x38;
	[tilespmem:$0x4AF8] =	vst v63  }
0x49: {  	s19 =	sadd.s32 $0x1, s19;
	_ =	swait.ge @!p0 [sflag:s21], $0x7D0  }
0x4a: {  	p1 =	sne.s32 s19, s8;
	[sflag:s21] =	ssyncset.done @!p0 $0x0  }
.Ltmp2:
0x4b: {  	s22 =	simm.s32 @!p0 $0x0;
	[sflag:s21] =	ssyncadd.s32 @!p0 $0xFFFFF830;
	(pc) =	sbr.rel @p1 .LBB2_1-.Ltmp2, $4  }
0x4c: {  	[hbm4b:s7+s22] =	stream.linear.scatter @!p0 [tilespmem:s20], [sflag:$0x9], $0x7D0, $0x38;
	[tilespmem:$0x4AF8] =	vst v63  }
0x4d: {  	_ =	swait.ge @!p0 [sflag:s21], $0x7D0  }
0x4e: {  	[sflag:s21] =	ssyncset.done @!p0 $0x0  }
0x4f: {  	[sflag:s21] =	ssyncadd.s32 @!p0 $0xFFFFF830  }
0x50: {  	_ =	sfence.sel $0x180000  }
0x51: {  	[bflag:$0x0] =	sbarrier.arrive $0xFFFF  }
0x52: {  	p0 =	sne.s32 s0, $0x0;
	_ =	strace $0x90000047  }
0x53: {  	s0 =	sadd.s32 @!p0 $0x100000, s1;
	[bflag:$0x2] =	sbarrier.arrive $0xFFFF  }
0x54: {  	[sflag:s0] =	ssyncadd.tile.s32 @!p0 $0x1;
	_ =	shalt  }
.Lfunc_end2:
_tile_overlayer_lowered:
.L_overlay_start_2:
0x55: {  	(tag) =	ssettag $0x2  }
0x56: {  	s0 =	rddreg [dreg:$0x0];
	s2 =	stileid.u32  }
0x57: {  	s1 =	rddreg [dreg:$0x1];
	p0 =	sne.s32 s2, $0x0  }
0x58: {  	s3 =	rddreg [dreg:$0x2];
	[bflag:$0x3] =	sbarrier.arrive $0xFFFF;
	s2 =	simm.s32 @!p0 $0x1C09  }
0x59: {  	[timem:s3], [sflag:s2] =	dma.local @!p0 [hbm:s0], s1  }
0x5a: {  	s0 =	simm.s32 @!p0 $0x9  }
0x5b: {  	_ =	swait.ge @!p0 [sflag:s0], s1  }
0x5c: {  	s1 =	ssub.s32 @!p0 $0x0, s1;
	[sflag:s0] =	ssyncset.done @!p0 $0x0  }
0x5d: {  	[sflag:s0] =	ssyncadd.s32 @!p0 s1  }
0x5e: {  	[bflag:$0x3] =	sbarrier.arrive $0xFFFF  }
0x5f: {  	_ =	shalt  }

</sc_bundles>
